<compile_context>
chip_gen: v7x
topology: tpu7x:2x2x1
jax: 0.10.2.dev20260603
libtpu: 0.0.44.dev20260713+nightly
codegen_flags: <defaults>
</compile_context>

<pallas_src>
import functools

import jax
import jax.numpy as jnp
from jax import lax
from jax.experimental import pallas as pl
from jax.experimental.pallas import tpu as pltpu
from jax.experimental.pallas import tpu_sc as plsc

N = 10000
D = 256
H = 32
C = 16

NC = 2
NS = 16
NW = NC * NS
CHUNK = 128
NP = 10240
RPS = NP // NS
K = 4
KD = 8

_mesh = plsc.VectorSubcoreMesh(core_axis_name="c", subcore_axis_name="s")
_sc_params = pltpu.CompilerParams(use_tc_tiling_on_sc=False)


def _sc_degree(dst3, ones_c, zeros_1):
    chpw = dst3.shape[1]

    @functools.partial(
        pl.kernel,
        mesh=_mesh,
        out_type=jax.ShapeDtypeStruct((NC, NP), jnp.float32),
        scratch_types=[
            pltpu.VMEM((chpw, CHUNK), jnp.int32),
            pltpu.VMEM((CHUNK,), jnp.float32),
            pltpu.VMEM_SHARED((NP,), jnp.float32),
            pltpu.SemaphoreType.DMA,
        ],
        compiler_params=_sc_params,
    )
    def k(dst_hbm, ones_hbm, z_hbm, out_hbm, dstv, onesv, acc, sem):
        c = lax.axis_index("c")
        s = lax.axis_index("s")
        w = c * NS + s
        pltpu.sync_copy(dst_hbm.at[w], dstv)
        pltpu.sync_copy(ones_hbm, onesv)

        @pl.when(s == 0)
        def _():
            pltpu.sync_copy(z_hbm, acc)

        plsc.subcore_barrier()

        @pl.loop(0, chpw, step=KD)
        def _(j):
            ds = [pltpu.async_copy(onesv, acc.at[dstv.at[j + b]], sem, add=True)
                  for b in range(KD)]
            for d in ds:
                d.wait()

        plsc.subcore_barrier()
        pltpu.sync_copy(acc.at[pl.ds(s * RPS, RPS)],
                        out_hbm.at[c, pl.ds(s * RPS, RPS)])

    return k(dst3, ones_c, zeros_1)


def _sc_spmm(h, src3, dst3, zeros_h):
    chpw = src3.shape[1]
    nsup = chpw // K

    @functools.partial(
        pl.kernel,
        mesh=_mesh,
        out_type=jax.ShapeDtypeStruct((NC, NP, H), jnp.float32),
        scratch_types=[
            pltpu.VMEM((chpw, CHUNK), jnp.int32),
            pltpu.VMEM((chpw, CHUNK), jnp.int32),
            pltpu.VMEM((2, K, CHUNK, H), jnp.float32),
            pltpu.VMEM_SHARED((NP, H), jnp.float32),
            pltpu.SemaphoreType.DMA((2,)),
            pltpu.SemaphoreType.DMA((2,)),
        ],
        compiler_params=_sc_params,
    )
    def k(h_hbm, src_hbm, dst_hbm, z_hbm, out_hbm,
          srcv, dstv, rows, acc, gsem, ssem):
        c = lax.axis_index("c")
        s = lax.axis_index("s")
        w = c * NS + s
        pltpu.sync_copy(src_hbm.at[w], srcv)
        pltpu.sync_copy(dst_hbm.at[w], dstv)

        def fire_g(sup, half):
            for b in range(K):
                pltpu.async_copy(h_hbm.at[srcv.at[sup * K + b]],
                                 rows.at[half, b], gsem.at[half])

        def drain_g(half):
            for b in range(K):
                pltpu.make_async_copy(h_hbm.at[srcv.at[0]],
                                      rows.at[half, b], gsem.at[half]).wait()

        def fire_s(sup, half):
            for b in range(K):
                pltpu.async_copy(rows.at[half, b],
                                 acc.at[dstv.at[sup * K + b]],
                                 ssem.at[half], add=True)

        def drain_s(half):
            for b in range(K):
                pltpu.make_async_copy(rows.at[half, b],
                                      acc.at[dstv.at[0]],
                                      ssem.at[half]).wait()

        fire_g(0, 0)

        @pl.when(s == 0)
        def _():
            pltpu.sync_copy(z_hbm, acc)

        plsc.subcore_barrier()

        @pl.loop(0, nsup, step=2)
        def _(sp):
            for half in (0, 1):
                sup = sp + half
                other = 1 - half
                drain_g(half)

                @pl.when(sup >= 1)
                def _(other=other):
                    drain_s(other)

                @pl.when(sup + 1 < nsup)
                def _(sup=sup, other=other):
                    fire_g(sup + 1, other)

                fire_s(sup, half)

        drain_s((nsup - 1) % 2)
        plsc.subcore_barrier()
        pltpu.sync_copy(acc.at[pl.ds(s * RPS, RPS)],
                        out_hbm.at[c, pl.ds(s * RPS, RPS)])

    return k(h, src3, dst3, zeros_h)


def _tc_xw(x, W_hidden):
    BM = 400

    def body(x_ref, w_ref, xw_ref):
        xw_ref[...] = jnp.dot(x_ref[...], w_ref[...],
                              preferred_element_type=jnp.float32)

    return pl.pallas_call(
        body,
        grid=(N // BM,),
        in_specs=[
            pl.BlockSpec((BM, D), lambda i: (i, 0)),
            pl.BlockSpec((D, H), lambda i: (0, 0)),
        ],
        out_specs=pl.BlockSpec((BM, H), lambda i: (i, 0)),
        out_shape=jax.ShapeDtypeStruct((N, H), jnp.float32),
    )(x, W_hidden)


def _tc_scale(xw, d0, d1):
    BM = 400

    def body(xw_ref, d0_ref, d1_ref, h1_ref, dinv_ref):
        dinv = lax.rsqrt(d0_ref[...] + d1_ref[...] + 1.0)
        h1_ref[...] = xw_ref[...] * dinv
        dinv_ref[...] = dinv

    return pl.pallas_call(
        body,
        grid=(N // BM,),
        in_specs=[
            pl.BlockSpec((BM, H), lambda i: (i, 0)),
            pl.BlockSpec((BM, 1), lambda i: (i, 0)),
            pl.BlockSpec((BM, 1), lambda i: (i, 0)),
        ],
        out_specs=[
            pl.BlockSpec((BM, H), lambda i: (i, 0)),
            pl.BlockSpec((BM, 1), lambda i: (i, 0)),
        ],
        out_shape=[
            jax.ShapeDtypeStruct((N, H), jnp.float32),
            jax.ShapeDtypeStruct((N, 1), jnp.float32),
        ],
    )(xw, d0, d1)


def _tc_midlayer(s10, s11, h1, dinv, Wcat):
    BM = 400

    def body(s0_ref, s1_ref, h1_ref, dinv_ref, w_ref, h2_ref):
        hidden = (s0_ref[...] + s1_ref[...] + h1_ref[...]) * dinv_ref[...]
        hidden = jnp.maximum(hidden, 0.0)
        hw = jnp.dot(hidden, w_ref[...], preferred_element_type=jnp.float32)
        h2_ref[...] = hw * dinv_ref[...]

    return pl.pallas_call(
        body,
        grid=(N // BM,),
        in_specs=[
            pl.BlockSpec((BM, H), lambda i: (i, 0)),
            pl.BlockSpec((BM, H), lambda i: (i, 0)),
            pl.BlockSpec((BM, H), lambda i: (i, 0)),
            pl.BlockSpec((BM, 1), lambda i: (i, 0)),
            pl.BlockSpec((H, H), lambda i: (0, 0)),
        ],
        out_specs=pl.BlockSpec((BM, H), lambda i: (i, 0)),
        out_shape=jax.ShapeDtypeStruct((N, H), jnp.float32),
    )(s10, s11, h1, dinv, Wcat)


def _tc_encode(s20, s21, h2, dinv, eps):
    BM = 400

    def body(s0_ref, s1_ref, h2_ref, dinv_ref, eps_ref, enc_ref):
        mls = (s0_ref[...] + s1_ref[...] + h2_ref[...]) * dinv_ref[...]
        means = mls[:, :C]
        std2 = jnp.exp(mls[:, C:])
        enc_ref[...] = means + std2 * (means + eps_ref[...])

    return pl.pallas_call(
        body,
        grid=(N // BM,),
        in_specs=[
            pl.BlockSpec((BM, H), lambda i: (i, 0)),
            pl.BlockSpec((BM, H), lambda i: (i, 0)),
            pl.BlockSpec((BM, H), lambda i: (i, 0)),
            pl.BlockSpec((BM, 1), lambda i: (i, 0)),
            pl.BlockSpec((BM, C), lambda i: (i, 0)),
        ],
        out_specs=pl.BlockSpec((BM, C), lambda i: (i, 0)),
        out_shape=jax.ShapeDtypeStruct((N, C), jnp.float32),
    )(s20, s21, h2, dinv, eps)


def _tc_decoder(enc):
    BM = 400

    def body(a_ref, b_ref, o_ref):
        prod = lax.dot_general(a_ref[...], b_ref[...],
                               (((1,), (1,)), ((), ())),
                               preferred_element_type=jnp.float32)
        o_ref[...] = jax.nn.sigmoid(prod)

    return pl.pallas_call(
        body,
        grid=(N // BM,),
        in_specs=[
            pl.BlockSpec((BM, C), lambda i: (i, 0)),
            pl.BlockSpec((N, C), lambda i: (0, 0)),
        ],
        out_specs=pl.BlockSpec((BM, N), lambda i: (i, 0)),
        out_shape=jax.ShapeDtypeStruct((N, N), jnp.float32),
    )(enc, enc)


def kernel(x, edge_index, W_hidden, W_means, W_logstd2):
    src = edge_index[0]
    dst = edge_index[1]
    e = src.shape[0]
    epw = pl.cdiv(e, NW * CHUNK) * CHUNK
    ep = epw * NW
    pad = ep - e
    chpw = epw // CHUNK
    src3 = jnp.concatenate([src, jnp.zeros((pad,), jnp.int32)])
    dst3 = jnp.concatenate([dst, jnp.full((pad,), N, jnp.int32)])
    src3 = src3.reshape(NW, chpw, CHUNK)
    dst3 = dst3.reshape(NW, chpw, CHUNK)

    ones_c = jnp.ones((CHUNK,), jnp.float32)
    zeros_1 = jnp.zeros((NP,), jnp.float32)
    zeros_h = jnp.zeros((NP, H), jnp.float32)

    degp = _sc_degree(dst3, ones_c, zeros_1)
    xw = _tc_xw(x, W_hidden)
    d0 = degp[0, :N, None]
    d1 = degp[1, :N, None]
    h1, dinv = _tc_scale(xw, d0, d1)

    s1 = _sc_spmm(h1, src3, dst3, zeros_h)
    Wcat = jnp.concatenate([W_means, W_logstd2], axis=1)
    h2 = _tc_midlayer(s1[0, :N], s1[1, :N], h1, dinv, Wcat)

    s2 = _sc_spmm(h2, src3, dst3, zeros_h)
    eps = jax.random.normal(jax.random.key(42), (N, C), jnp.float32)
    enc = _tc_encode(s2[0, :N], s2[1, :N], h2, dinv, eps)

    return _tc_decoder(enc)

# --- scband reference (transcript-rebuilt; emitter-appended) ---
"""Pipeline reference for scband-gcn-vae-32040456028320 (READ-ONLY COPY).

The authoritative reference and input builder live on the scoring server;
editing this copy changes nothing except your own understanding.
"""

import jax, jax.numpy as jnp
import numpy as np

N = 10000
E = 160000
D = 256
H = 32
C = 16


def _glorot(key, shape):
    fan_in, fan_out = shape
    scale = jnp.sqrt(2.0 / (fan_in + fan_out))
    return jax.random.normal(key, shape, dtype=jnp.float32) * scale


def setup_inputs(seed: int = 0) -> dict:
    key = jax.random.key(seed)
    k1, k2, k3, k4, k5 = jax.random.split(key, 5)
    x = jax.random.normal(k1, (N, D), dtype=jnp.float32)
    edge_index = jax.random.randint(k2, (2, E), 0, N, dtype=jnp.int32)
    W_hidden = _glorot(k3, (D, H))
    W_means = _glorot(k4, (H, C))
    W_logstd2 = _glorot(k5, (H, C))
    return {"x": x, "edge_index": edge_index, "W_hidden": W_hidden,
            "W_means": W_means, "W_logstd2": W_logstd2}


def _make_transform(edge_index, n):
    # Kipf & Welling normalized adjacency with self loops:
    # T = D^{-1/2} (A + I) D^{-1/2}, kept in COO (src, dst, norm) form.
    self_loop = jnp.arange(n, dtype=edge_index.dtype)
    src = jnp.concatenate([edge_index[0], self_loop])
    dst = jnp.concatenate([edge_index[1], self_loop])
    ones = jnp.ones(src.shape[0], dtype=jnp.float32)
    deg = jax.ops.segment_sum(ones, dst, num_segments=n)
    dinv = jax.lax.rsqrt(jnp.maximum(deg, 1e-12))
    norm = dinv[src] * dinv[dst]
    return src, dst, norm


def _spmm(src, dst, norm, h, n):
    # scatter-add message passing: out[dst] += norm * h[src]
    msgs = norm[:, None] * jnp.take(h, src, axis=0)
    return jax.ops.segment_sum(msgs, dst, num_segments=n)


def reference(x, edge_index, W_hidden, W_means, W_logstd2):
    n = x.shape[0]
    src, dst, norm = _make_transform(edge_index, n)
    # hidden GCN layer: transform @ (x @ W)
    hidden = _spmm(src, dst, norm, x @ W_hidden, n)
    hidden = jax.nn.relu(hidden)
    # dropout omitted (eval mode / training=False)
    means = _spmm(src, dst, norm, hidden @ W_means, n)
    log_std2 = _spmm(src, dst, norm, hidden @ W_logstd2, n)
    std2 = jnp.exp(log_std2)
    # torch.normal(mean=means) == means + eps, eps ~ N(0, 1) (reparameterized)
    eps = jax.random.normal(jax.random.key(42), means.shape, dtype=jnp.float32)
    encoded = means + std2 * (means + eps)
    # inner-product decoder: sigmoid(Z Z^T)
    prediction = jax.nn.sigmoid(encoded @ encoded.T)
    return prediction

if __name__ == "__main__":
    import jax
    _d = setup_inputs()
    print(jax.jit(kernel)(*tuple(_d.values())))

</pallas_src>

<mosaic_0001>
#map = affine_map<(d0, d1) -> (0, 0, 0)>
#map1 = affine_map<(d0, d1) -> (0)>
#map2 = affine_map<(d0, d1) -> (0, 0)>
module attributes {stable_mosaic.version = 14 : i64} {
  func.func @k(%arg0: i32, %arg1: i32, %arg2: memref<32x40x128xi32, #tpu.memory_space<hbm>>, %arg3: memref<128xf32, #tpu.memory_space<hbm>>, %arg4: memref<10240xf32, #tpu.memory_space<hbm>>, %arg5: memref<2x10240xf32, #tpu.memory_space<hbm>>, %arg6: memref<40x128xi32, #tpu.memory_space<vmem>>, %arg7: memref<128xf32, #tpu.memory_space<vmem>>, %arg8: memref<10240xf32, #tpu.memory_space<vmem_shared>>, %arg9: memref<!tpu.dma_semaphore, #tpu.memory_space<semaphore_mem>>) attributes {dimension_semantics = [#tpu.dimension_semantics<core_parallel>, #tpu.dimension_semantics<subcore_parallel>], iteration_bounds = array<i64: 2, 16>, scalar_prefetch = 0 : i64, scratch_operands = 4 : i64, tpu.core_type = #tpu.core_type<sc_vector_subcore>, window_params = [{transform_indices = #map}, {transform_indices = #map1}, {transform_indices = #map1}, {transform_indices = #map2}]} {
    %mul3A = arith.constant 16 : i32
    %mul3A_0 = arith.muli %arg0, %mul3A : i32
    %add3A = arith.addi %mul3A_0, %arg1 : i32
    "tpu.region"() ({
      %run_scoped3A = tpu.sem_alloc : memref<!tpu.dma_semaphore, #tpu.memory_space<semaphore_mem>>
      %dma_start3A = arith.constant 0 : i32
      %dma_start3A_12 = arith.constant 0 : i32
      %dma_start3A_13 = tpu.memref_slice %arg2[%add3A, %dma_start3A, %dma_start3A_12] : memref<32x40x128xi32, #tpu.memory_space<hbm>> -> memref<1x40x128xi32, #tpu.memory_space<hbm>>
      %dma_start3A_14 = tpu.memref_squeeze %dma_start3A_13 : memref<1x40x128xi32, #tpu.memory_space<hbm>> -> memref<40x128xi32, #tpu.memory_space<hbm>>
      %dma_start3A_15 = arith.constant 0 : i32
      %dma_start3A_16 = arith.constant 0 : i32
      %dma_start3A_17 = tpu.memref_slice %arg2[%add3A, %dma_start3A_15, %dma_start3A_16] : memref<32x40x128xi32, #tpu.memory_space<hbm>> -> memref<1x40x128xi32, #tpu.memory_space<hbm>>
      %dma_start3A_18 = tpu.memref_squeeze %dma_start3A_17 : memref<1x40x128xi32, #tpu.memory_space<hbm>> -> memref<40x128xi32, #tpu.memory_space<hbm>>
      tpu.enqueue_dma source(%dma_start3A_18 : memref<40x128xi32, #tpu.memory_space<hbm>>) target(%arg6 : memref<40x128xi32, #tpu.memory_space<vmem>>) target_semaphore(%run_scoped3A : memref<!tpu.dma_semaphore, #tpu.memory_space<semaphore_mem>>)
      %dma_wait3A = arith.constant 0 : i32
      %dma_wait3A_19 = arith.constant 0 : i32
      %dma_wait3A_20 = tpu.memref_slice %arg2[%add3A, %dma_wait3A, %dma_wait3A_19] : memref<32x40x128xi32, #tpu.memory_space<hbm>> -> memref<1x40x128xi32, #tpu.memory_space<hbm>>
      %dma_wait3A_21 = tpu.memref_squeeze %dma_wait3A_20 : memref<1x40x128xi32, #tpu.memory_space<hbm>> -> memref<40x128xi32, #tpu.memory_space<hbm>>
      %dma_wait3A_22 = arith.constant 0 : i32
      %dma_wait3A_23 = arith.constant 0 : i32
      %dma_wait3A_24 = tpu.memref_slice %arg2[%add3A, %dma_wait3A_22, %dma_wait3A_23] : memref<32x40x128xi32, #tpu.memory_space<hbm>> -> memref<1x40x128xi32, #tpu.memory_space<hbm>>
      %dma_wait3A_25 = tpu.memref_squeeze %dma_wait3A_24 : memref<1x40x128xi32, #tpu.memory_space<hbm>> -> memref<40x128xi32, #tpu.memory_space<hbm>>
      tpu.wait_dma2 semaphore(%run_scoped3A : memref<!tpu.dma_semaphore, #tpu.memory_space<semaphore_mem>>) src(%dma_wait3A_25 : memref<40x128xi32, #tpu.memory_space<hbm>>) dst(%arg6 : memref<40x128xi32, #tpu.memory_space<vmem>>)
      tpu.yield
    }) : () -> ()
    "tpu.region"() ({
      %run_scoped3A = tpu.sem_alloc : memref<!tpu.dma_semaphore, #tpu.memory_space<semaphore_mem>>
      tpu.enqueue_dma source(%arg3 : memref<128xf32, #tpu.memory_space<hbm>>) target(%arg7 : memref<128xf32, #tpu.memory_space<vmem>>) target_semaphore(%run_scoped3A : memref<!tpu.dma_semaphore, #tpu.memory_space<semaphore_mem>>)
      tpu.wait_dma2 semaphore(%run_scoped3A : memref<!tpu.dma_semaphore, #tpu.memory_space<semaphore_mem>>) src(%arg3 : memref<128xf32, #tpu.memory_space<hbm>>) dst(%arg7 : memref<128xf32, #tpu.memory_space<vmem>>)
      tpu.yield
    }) : () -> ()
    %eq3A = arith.constant 0 : i32
    %eq3A_1 = arith.cmpi eq, %arg1, %eq3A : i32
    %convert_element_type3A = arith.extui %eq3A_1 : i1 to i32
    %cond3A = arith.constant 0 : i32
    %cond3A_2 = arith.cmpi ne, %convert_element_type3A, %cond3A : i32
    scf.if %cond3A_2 {
      "tpu.region"() ({
        %run_scoped3A = tpu.sem_alloc : memref<!tpu.dma_semaphore, #tpu.memory_space<semaphore_mem>>
        tpu.enqueue_dma source(%arg4 : memref<10240xf32, #tpu.memory_space<hbm>>) target(%arg8 : memref<10240xf32, #tpu.memory_space<vmem_shared>>) target_semaphore(%run_scoped3A : memref<!tpu.dma_semaphore, #tpu.memory_space<semaphore_mem>>)
        tpu.wait_dma2 semaphore(%run_scoped3A : memref<!tpu.dma_semaphore, #tpu.memory_space<semaphore_mem>>) src(%arg4 : memref<10240xf32, #tpu.memory_space<hbm>>) dst(%arg8 : memref<10240xf32, #tpu.memory_space<vmem_shared>>)
        tpu.yield
      }) : () -> ()
    } else {
    }
    %barrier3A = arith.constant 0 : index
    tpu.barrier barrier_id(%barrier3A)
    %scan3A = arith.constant 0 : i32
    %scan3A_3 = arith.constant 5 : i32
    %scan3A_4 = arith.addi %scan3A, %scan3A_3 : i32
    %scan3A_5 = arith.constant 1 : i32
    scf.for %scan3A_12 = %scan3A to %scan3A_4 step %scan3A_5  : i32 {
      %mul3A_13 = arith.constant 8 : i32
      %mul3A_14 = arith.muli %scan3A_12, %mul3A_13 : i32
      %add3A_15 = arith.constant 0 : i32
      %add3A_16 = arith.addi %add3A_15, %mul3A_14 : i32
      %add3A_17 = arith.constant 0 : i32
      %add3A_18 = arith.addi %add3A_16, %add3A_17 : i32
      %dma_start3A = arith.constant 0 : i32
      %dma_start3A_19 = tpu.memref_slice %arg6[%add3A_18, %dma_start3A] : memref<40x128xi32, #tpu.memory_space<vmem>> -> memref<1x128xi32, #tpu.memory_space<vmem>>
      %dma_start3A_20 = tpu.memref_squeeze %dma_start3A_19 : memref<1x128xi32, #tpu.memory_space<vmem>> -> memref<128xi32, #tpu.memory_space<vmem>>
      %dma_start3A_21 = arith.constant 0 : i32
      %dma_start3A_22 = tpu.memref_slice %arg8[%dma_start3A_21] : memref<10240xf32, #tpu.memory_space<vmem_shared>> -> memref<10240xf32, #tpu.memory_space<vmem_shared>>
      tpu.enqueue_indirect_dma source(%arg7 : memref<128xf32, #tpu.memory_space<vmem>>) target(%dma_start3A_22 : memref<10240xf32, #tpu.memory_space<vmem_shared>>) offsets(%dma_start3A_20 : memref<128xi32, #tpu.memory_space<vmem>>) semaphore(%arg9 : memref<!tpu.dma_semaphore, #tpu.memory_space<semaphore_mem>>) {add = true}
      %add3A_23 = arith.constant 1 : i32
      %add3A_24 = arith.addi %add3A_16, %add3A_23 : i32
      %dma_start3A_25 = arith.constant 0 : i32
      %dma_start3A_26 = tpu.memref_slice %arg6[%add3A_24, %dma_start3A_25] : memref<40x128xi32, #tpu.memory_space<vmem>> -> memref<1x128xi32, #tpu.memory_space<vmem>>
      %dma_start3A_27 = tpu.memref_squeeze %dma_start3A_26 : memref<1x128xi32, #tpu.memory_space<vmem>> -> memref<128xi32, #tpu.memory_space<vmem>>
      %dma_start3A_28 = arith.constant 0 : i32
      %dma_start3A_29 = tpu.memref_slice %arg8[%dma_start3A_28] : memref<10240xf32, #tpu.memory_space<vmem_shared>> -> memref<10240xf32, #tpu.memory_space<vmem_shared>>
      tpu.enqueue_indirect_dma source(%arg7 : memref<128xf32, #tpu.memory_space<vmem>>) target(%dma_start3A_29 : memref<10240xf32, #tpu.memory_space<vmem_shared>>) offsets(%dma_start3A_27 : memref<128xi32, #tpu.memory_space<vmem>>) semaphore(%arg9 : memref<!tpu.dma_semaphore, #tpu.memory_space<semaphore_mem>>) {add = true}
      %add3A_30 = arith.constant 2 : i32
      %add3A_31 = arith.addi %add3A_16, %add3A_30 : i32
      %dma_start3A_32 = arith.constant 0 : i32
      %dma_start3A_33 = tpu.memref_slice %arg6[%add3A_31, %dma_start3A_32] : memref<40x128xi32, #tpu.memory_space<vmem>> -> memref<1x128xi32, #tpu.memory_space<vmem>>
      %dma_start3A_34 = tpu.memref_squeeze %dma_start3A_33 : memref<1x128xi32, #tpu.memory_space<vmem>> -> memref<128xi32, #tpu.memory_space<vmem>>
      %dma_start3A_35 = arith.constant 0 : i32
      %dma_start3A_36 = tpu.memref_slice %arg8[%dma_start3A_35] : memref<10240xf32, #tpu.memory_space<vmem_shared>> -> memref<10240xf32, #tpu.memory_space<vmem_shared>>
      tpu.enqueue_indirect_dma source(%arg7 : memref<128xf32, #tpu.memory_space<vmem>>) target(%dma_start3A_36 : memref<10240xf32, #tpu.memory_space<vmem_shared>>) offsets(%dma_start3A_34 : memref<128xi32, #tpu.memory_space<vmem>>) semaphore(%arg9 : memref<!tpu.dma_semaphore, #tpu.memory_space<semaphore_mem>>) {add = true}
      %add3A_37 = arith.constant 3 : i32
      %add3A_38 = arith.addi %add3A_16, %add3A_37 : i32
      %dma_start3A_39 = arith.constant 0 : i32
      %dma_start3A_40 = tpu.memref_slice %arg6[%add3A_38, %dma_start3A_39] : memref<40x128xi32, #tpu.memory_space<vmem>> -> memref<1x128xi32, #tpu.memory_space<vmem>>
      %dma_start3A_41 = tpu.memref_squeeze %dma_start3A_40 : memref<1x128xi32, #tpu.memory_space<vmem>> -> memref<128xi32, #tpu.memory_space<vmem>>
      %dma_start3A_42 = arith.constant 0 : i32
      %dma_start3A_43 = tpu.memref_slice %arg8[%dma_start3A_42] : memref<10240xf32, #tpu.memory_space<vmem_shared>> -> memref<10240xf32, #tpu.memory_space<vmem_shared>>
      tpu.enqueue_indirect_dma source(%arg7 : memref<128xf32, #tpu.memory_space<vmem>>) target(%dma_start3A_43 : memref<10240xf32, #tpu.memory_space<vmem_shared>>) offsets(%dma_start3A_41 : memref<128xi32, #tpu.memory_space<vmem>>) semaphore(%arg9 : memref<!tpu.dma_semaphore, #tpu.memory_space<semaphore_mem>>) {add = true}
      %add3A_44 = arith.constant 4 : i32
      %add3A_45 = arith.addi %add3A_16, %add3A_44 : i32
      %dma_start3A_46 = arith.constant 0 : i32
      %dma_start3A_47 = tpu.memref_slice %arg6[%add3A_45, %dma_start3A_46] : memref<40x128xi32, #tpu.memory_space<vmem>> -> memref<1x128xi32, #tpu.memory_space<vmem>>
      %dma_start3A_48 = tpu.memref_squeeze %dma_start3A_47 : memref<1x128xi32, #tpu.memory_space<vmem>> -> memref<128xi32, #tpu.memory_space<vmem>>
      %dma_start3A_49 = arith.constant 0 : i32
      %dma_start3A_50 = tpu.memref_slice %arg8[%dma_start3A_49] : memref<10240xf32, #tpu.memory_space<vmem_shared>> -> memref<10240xf32, #tpu.memory_space<vmem_shared>>
      tpu.enqueue_indirect_dma source(%arg7 : memref<128xf32, #tpu.memory_space<vmem>>) target(%dma_start3A_50 : memref<10240xf32, #tpu.memory_space<vmem_shared>>) offsets(%dma_start3A_48 : memref<128xi32, #tpu.memory_space<vmem>>) semaphore(%arg9 : memref<!tpu.dma_semaphore, #tpu.memory_space<semaphore_mem>>) {add = true}
      %add3A_51 = arith.constant 5 : i32
      %add3A_52 = arith.addi %add3A_16, %add3A_51 : i32
      %dma_start3A_53 = arith.constant 0 : i32
      %dma_start3A_54 = tpu.memref_slice %arg6[%add3A_52, %dma_start3A_53] : memref<40x128xi32, #tpu.memory_space<vmem>> -> memref<1x128xi32, #tpu.memory_space<vmem>>
      %dma_start3A_55 = tpu.memref_squeeze %dma_start3A_54 : memref<1x128xi32, #tpu.memory_space<vmem>> -> memref<128xi32, #tpu.memory_space<vmem>>
      %dma_start3A_56 = arith.constant 0 : i32
      %dma_start3A_57 = tpu.memref_slice %arg8[%dma_start3A_56] : memref<10240xf32, #tpu.memory_space<vmem_shared>> -> memref<10240xf32, #tpu.memory_space<vmem_shared>>
      tpu.enqueue_indirect_dma source(%arg7 : memref<128xf32, #tpu.memory_space<vmem>>) target(%dma_start3A_57 : memref<10240xf32, #tpu.memory_space<vmem_shared>>) offsets(%dma_start3A_55 : memref<128xi32, #tpu.memory_space<vmem>>) semaphore(%arg9 : memref<!tpu.dma_semaphore, #tpu.memory_space<semaphore_mem>>) {add = true}
      %add3A_58 = arith.constant 6 : i32
      %add3A_59 = arith.addi %add3A_16, %add3A_58 : i32
      %dma_start3A_60 = arith.constant 0 : i32
      %dma_start3A_61 = tpu.memref_slice %arg6[%add3A_59, %dma_start3A_60] : memref<40x128xi32, #tpu.memory_space<vmem>> -> memref<1x128xi32, #tpu.memory_space<vmem>>
      %dma_start3A_62 = tpu.memref_squeeze %dma_start3A_61 : memref<1x128xi32, #tpu.memory_space<vmem>> -> memref<128xi32, #tpu.memory_space<vmem>>
      %dma_start3A_63 = arith.constant 0 : i32
      %dma_start3A_64 = tpu.memref_slice %arg8[%dma_start3A_63] : memref<10240xf32, #tpu.memory_space<vmem_shared>> -> memref<10240xf32, #tpu.memory_space<vmem_shared>>
      tpu.enqueue_indirect_dma source(%arg7 : memref<128xf32, #tpu.memory_space<vmem>>) target(%dma_start3A_64 : memref<10240xf32, #tpu.memory_space<vmem_shared>>) offsets(%dma_start3A_62 : memref<128xi32, #tpu.memory_space<vmem>>) semaphore(%arg9 : memref<!tpu.dma_semaphore, #tpu.memory_space<semaphore_mem>>) {add = true}
      %add3A_65 = arith.constant 7 : i32
      %add3A_66 = arith.addi %add3A_16, %add3A_65 : i32
      %dma_start3A_67 = arith.constant 0 : i32
      %dma_start3A_68 = tpu.memref_slice %arg6[%add3A_66, %dma_start3A_67] : memref<40x128xi32, #tpu.memory_space<vmem>> -> memref<1x128xi32, #tpu.memory_space<vmem>>
      %dma_start3A_69 = tpu.memref_squeeze %dma_start3A_68 : memref<1x128xi32, #tpu.memory_space<vmem>> -> memref<128xi32, #tpu.memory_space<vmem>>
      %dma_start3A_70 = arith.constant 0 : i32
      %dma_start3A_71 = tpu.memref_slice %arg8[%dma_start3A_70] : memref<10240xf32, #tpu.memory_space<vmem_shared>> -> memref<10240xf32, #tpu.memory_space<vmem_shared>>
      tpu.enqueue_indirect_dma source(%arg7 : memref<128xf32, #tpu.memory_space<vmem>>) target(%dma_start3A_71 : memref<10240xf32, #tpu.memory_space<vmem_shared>>) offsets(%dma_start3A_69 : memref<128xi32, #tpu.memory_space<vmem>>) semaphore(%arg9 : memref<!tpu.dma_semaphore, #tpu.memory_space<semaphore_mem>>) {add = true}
      %dma_wait3A = arith.constant 0 : i32
      %dma_wait3A_72 = tpu.memref_slice %arg6[%add3A_18, %dma_wait3A] : memref<40x128xi32, #tpu.memory_space<vmem>> -> memref<1x128xi32, #tpu.memory_space<vmem>>
      %dma_wait3A_73 = tpu.memref_squeeze %dma_wait3A_72 : memref<1x128xi32, #tpu.memory_space<vmem>> -> memref<128xi32, #tpu.memory_space<vmem>>
      %dma_wait3A_74 = arith.constant 0 : i32
      %dma_wait3A_75 = tpu.memref_slice %arg8[%dma_wait3A_74] : memref<10240xf32, #tpu.memory_space<vmem_shared>> -> memref<10240xf32, #tpu.memory_space<vmem_shared>>
      tpu.wait_indirect_dma semaphore(%arg9 : memref<!tpu.dma_semaphore, #tpu.memory_space<semaphore_mem>>) src(%arg7 : memref<128xf32, #tpu.memory_space<vmem>>) dst(%dma_wait3A_75 : memref<10240xf32, #tpu.memory_space<vmem_shared>>)
      %dma_wait3A_76 = arith.constant 0 : i32
      %dma_wait3A_77 = tpu.memref_slice %arg6[%add3A_24, %dma_wait3A_76] : memref<40x128xi32, #tpu.memory_space<vmem>> -> memref<1x128xi32, #tpu.memory_space<vmem>>
      %dma_wait3A_78 = tpu.memref_squeeze %dma_wait3A_77 : memref<1x128xi32, #tpu.memory_space<vmem>> -> memref<128xi32, #tpu.memory_space<vmem>>
      %dma_wait3A_79 = arith.constant 0 : i32
      %dma_wait3A_80 = tpu.memref_slice %arg8[%dma_wait3A_79] : memref<10240xf32, #tpu.memory_space<vmem_shared>> -> memref<10240xf32, #tpu.memory_space<vmem_shared>>
      tpu.wait_indirect_dma semaphore(%arg9 : memref<!tpu.dma_semaphore, #tpu.memory_space<semaphore_mem>>) src(%arg7 : memref<128xf32, #tpu.memory_space<vmem>>) dst(%dma_wait3A_80 : memref<10240xf32, #tpu.memory_space<vmem_shared>>)
      %dma_wait3A_81 = arith.constant 0 : i32
      %dma_wait3A_82 = tpu.memref_slice %arg6[%add3A_31, %dma_wait3A_81] : memref<40x128xi32, #tpu.memory_space<vmem>> -> memref<1x128xi32, #tpu.memory_space<vmem>>
      %dma_wait3A_83 = tpu.memref_squeeze %dma_wait3A_82 : memref<1x128xi32, #tpu.memory_space<vmem>> -> memref<128xi32, #tpu.memory_space<vmem>>
      %dma_wait3A_84 = arith.constant 0 : i32
      %dma_wait3A_85 = tpu.memref_slice %arg8[%dma_wait3A_84] : memref<10240xf32, #tpu.memory_space<vmem_shared>> -> memref<10240xf32, #tpu.memory_space<vmem_shared>>
      tpu.wait_indirect_dma semaphore(%arg9 : memref<!tpu.dma_semaphore, #tpu.memory_space<semaphore_mem>>) src(%arg7 : memref<128xf32, #tpu.memory_space<vmem>>) dst(%dma_wait3A_85 : memref<10240xf32, #tpu.memory_space<vmem_shared>>)
      %dma_wait3A_86 = arith.constant 0 : i32
      %dma_wait3A_87 = tpu.memref_slice %arg6[%add3A_38, %dma_wait3A_86] : memref<40x128xi32, #tpu.memory_space<vmem>> -> memref<1x128xi32, #tpu.memory_space<vmem>>
      %dma_wait3A_88 = tpu.memref_squeeze %dma_wait3A_87 : memref<1x128xi32, #tpu.memory_space<vmem>> -> memref<128xi32, #tpu.memory_space<vmem>>
      %dma_wait3A_89 = arith.constant 0 : i32
      %dma_wait3A_90 = tpu.memref_slice %arg8[%dma_wait3A_89] : memref<10240xf32, #tpu.memory_space<vmem_shared>> -> memref<10240xf32, #tpu.memory_space<vmem_shared>>
      tpu.wait_indirect_dma semaphore(%arg9 : memref<!tpu.dma_semaphore, #tpu.memory_space<semaphore_mem>>) src(%arg7 : memref<128xf32, #tpu.memory_space<vmem>>) dst(%dma_wait3A_90 : memref<10240xf32, #tpu.memory_space<vmem_shared>>)
      %dma_wait3A_91 = arith.constant 0 : i32
      %dma_wait3A_92 = tpu.memref_slice %arg6[%add3A_45, %dma_wait3A_91] : memref<40x128xi32, #tpu.memory_space<vmem>> -> memref<1x128xi32, #tpu.memory_space<vmem>>
      %dma_wait3A_93 = tpu.memref_squeeze %dma_wait3A_92 : memref<1x128xi32, #tpu.memory_space<vmem>> -> memref<128xi32, #tpu.memory_space<vmem>>
      %dma_wait3A_94 = arith.constant 0 : i32
      %dma_wait3A_95 = tpu.memref_slice %arg8[%dma_wait3A_94] : memref<10240xf32, #tpu.memory_space<vmem_shared>> -> memref<10240xf32, #tpu.memory_space<vmem_shared>>
      tpu.wait_indirect_dma semaphore(%arg9 : memref<!tpu.dma_semaphore, #tpu.memory_space<semaphore_mem>>) src(%arg7 : memref<128xf32, #tpu.memory_space<vmem>>) dst(%dma_wait3A_95 : memref<10240xf32, #tpu.memory_space<vmem_shared>>)
      %dma_wait3A_96 = arith.constant 0 : i32
      %dma_wait3A_97 = tpu.memref_slice %arg6[%add3A_52, %dma_wait3A_96] : memref<40x128xi32, #tpu.memory_space<vmem>> -> memref<1x128xi32, #tpu.memory_space<vmem>>
      %dma_wait3A_98 = tpu.memref_squeeze %dma_wait3A_97 : memref<1x128xi32, #tpu.memory_space<vmem>> -> memref<128xi32, #tpu.memory_space<vmem>>
      %dma_wait3A_99 = arith.constant 0 : i32
      %dma_wait3A_100 = tpu.memref_slice %arg8[%dma_wait3A_99] : memref<10240xf32, #tpu.memory_space<vmem_shared>> -> memref<10240xf32, #tpu.memory_space<vmem_shared>>
      tpu.wait_indirect_dma semaphore(%arg9 : memref<!tpu.dma_semaphore, #tpu.memory_space<semaphore_mem>>) src(%arg7 : memref<128xf32, #tpu.memory_space<vmem>>) dst(%dma_wait3A_100 : memref<10240xf32, #tpu.memory_space<vmem_shared>>)
      %dma_wait3A_101 = arith.constant 0 : i32
      %dma_wait3A_102 = tpu.memref_slice %arg6[%add3A_59, %dma_wait3A_101] : memref<40x128xi32, #tpu.memory_space<vmem>> -> memref<1x128xi32, #tpu.memory_space<vmem>>
      %dma_wait3A_103 = tpu.memref_squeeze %dma_wait3A_102 : memref<1x128xi32, #tpu.memory_space<vmem>> -> memref<128xi32, #tpu.memory_space<vmem>>
      %dma_wait3A_104 = arith.constant 0 : i32
      %dma_wait3A_105 = tpu.memref_slice %arg8[%dma_wait3A_104] : memref<10240xf32, #tpu.memory_space<vmem_shared>> -> memref<10240xf32, #tpu.memory_space<vmem_shared>>
      tpu.wait_indirect_dma semaphore(%arg9 : memref<!tpu.dma_semaphore, #tpu.memory_space<semaphore_mem>>) src(%arg7 : memref<128xf32, #tpu.memory_space<vmem>>) dst(%dma_wait3A_105 : memref<10240xf32, #tpu.memory_space<vmem_shared>>)
      %dma_wait3A_106 = arith.constant 0 : i32
      %dma_wait3A_107 = tpu.memref_slice %arg6[%add3A_66, %dma_wait3A_106] : memref<40x128xi32, #tpu.memory_space<vmem>> -> memref<1x128xi32, #tpu.memory_space<vmem>>
      %dma_wait3A_108 = tpu.memref_squeeze %dma_wait3A_107 : memref<1x128xi32, #tpu.memory_space<vmem>> -> memref<128xi32, #tpu.memory_space<vmem>>
      %dma_wait3A_109 = arith.constant 0 : i32
      %dma_wait3A_110 = tpu.memref_slice %arg8[%dma_wait3A_109] : memref<10240xf32, #tpu.memory_space<vmem_shared>> -> memref<10240xf32, #tpu.memory_space<vmem_shared>>
      tpu.wait_indirect_dma semaphore(%arg9 : memref<!tpu.dma_semaphore, #tpu.memory_space<semaphore_mem>>) src(%arg7 : memref<128xf32, #tpu.memory_space<vmem>>) dst(%dma_wait3A_110 : memref<10240xf32, #tpu.memory_space<vmem_shared>>)
    }
    %scan3A_6 = arith.constant 5 : i32
    %barrier3A_7 = arith.constant 0 : index
    tpu.barrier barrier_id(%barrier3A_7)
    %mul3A_8 = arith.constant 640 : i32
    %mul3A_9 = arith.muli %arg1, %mul3A_8 : i32
    %mul3A_10 = arith.constant 640 : i32
    %mul3A_11 = arith.muli %arg1, %mul3A_10 : i32
    "tpu.region"() ({
      %run_scoped3A = tpu.sem_alloc : memref<!tpu.dma_semaphore, #tpu.memory_space<semaphore_mem>>
      %dma_start3A = tpu.memref_slice %arg5[%arg0, %mul3A_11] : memref<2x10240xf32, #tpu.memory_space<hbm>> -> memref<1x640xf32, #tpu.memory_space<hbm>>
      %dma_start3A_12 = tpu.memref_squeeze %dma_start3A : memref<1x640xf32, #tpu.memory_space<hbm>> -> memref<640xf32, #tpu.memory_space<hbm>>
      %dma_start3A_13 = tpu.memref_slice %arg8[%mul3A_9] : memref<10240xf32, #tpu.memory_space<vmem_shared>> -> memref<640xf32, #tpu.memory_space<vmem_shared>>
      tpu.enqueue_dma source(%dma_start3A_13 : memref<640xf32, #tpu.memory_space<vmem_shared>>) target(%dma_start3A_12 : memref<640xf32, #tpu.memory_space<hbm>>) target_semaphore(%run_scoped3A : memref<!tpu.dma_semaphore, #tpu.memory_space<semaphore_mem>>)
      %dma_wait3A = tpu.memref_slice %arg5[%arg0, %mul3A_11] : memref<2x10240xf32, #tpu.memory_space<hbm>> -> memref<1x640xf32, #tpu.memory_space<hbm>>
      %dma_wait3A_14 = tpu.memref_squeeze %dma_wait3A : memref<1x640xf32, #tpu.memory_space<hbm>> -> memref<640xf32, #tpu.memory_space<hbm>>
      %dma_wait3A_15 = tpu.memref_slice %arg8[%mul3A_9] : memref<10240xf32, #tpu.memory_space<vmem_shared>> -> memref<640xf32, #tpu.memory_space<vmem_shared>>
      tpu.wait_dma2 semaphore(%run_scoped3A : memref<!tpu.dma_semaphore, #tpu.memory_space<semaphore_mem>>) src(%dma_wait3A_15 : memref<640xf32, #tpu.memory_space<vmem_shared>>) dst(%dma_wait3A_14 : memref<640xf32, #tpu.memory_space<hbm>>)
      tpu.yield
    }) : () -> ()
    return
  }
}

#map = affine_map<(d0, d1) -> (0, 0)>
#map1 = affine_map<(d0, d1) -> (0, 0, 0)>
module attributes {stable_mosaic.version = 14 : i64} {
  func.func @k(%arg0: i32, %arg1: i32, %arg2: memref<10000x32xf32, #tpu.memory_space<hbm>>, %arg3: memref<32x40x128xi32, #tpu.memory_space<hbm>>, %arg4: memref<32x40x128xi32, #tpu.memory_space<hbm>>, %arg5: memref<10240x32xf32, #tpu.memory_space<hbm>>, %arg6: memref<2x10240x32xf32, #tpu.memory_space<hbm>>, %arg7: memref<40x128xi32, #tpu.memory_space<vmem>>, %arg8: memref<40x128xi32, #tpu.memory_space<vmem>>, %arg9: memref<2x4x128x32xf32, #tpu.memory_space<vmem>>, %arg10: memref<10240x32xf32, #tpu.memory_space<vmem_shared>>, %arg11: memref<2x!tpu.dma_semaphore, #tpu.memory_space<semaphore_mem>>, %arg12: memref<2x!tpu.dma_semaphore, #tpu.memory_space<semaphore_mem>>) attributes {dimension_semantics = [#tpu.dimension_semantics<core_parallel>, #tpu.dimension_semantics<subcore_parallel>], iteration_bounds = array<i64: 2, 16>, scalar_prefetch = 0 : i64, scratch_operands = 6 : i64, tpu.core_type = #tpu.core_type<sc_vector_subcore>, window_params = [{transform_indices = #map}, {transform_indices = #map1}, {transform_indices = #map1}, {transform_indices = #map}, {transform_indices = #map1}]} {
    %mul3A = arith.constant 16 : i32
    %mul3A_0 = arith.muli %arg0, %mul3A : i32
    %add3A = arith.addi %mul3A_0, %arg1 : i32
    "tpu.region"() ({
      %run_scoped3A = tpu.sem_alloc : memref<!tpu.dma_semaphore, #tpu.memory_space<semaphore_mem>>
      %dma_start3A_138 = arith.constant 0 : i32
      %dma_start3A_139 = arith.constant 0 : i32
      %dma_start3A_140 = tpu.memref_slice %arg3[%add3A, %dma_start3A_138, %dma_start3A_139] : memref<32x40x128xi32, #tpu.memory_space<hbm>> -> memref<1x40x128xi32, #tpu.memory_space<hbm>>
      %dma_start3A_141 = tpu.memref_squeeze %dma_start3A_140 : memref<1x40x128xi32, #tpu.memory_space<hbm>> -> memref<40x128xi32, #tpu.memory_space<hbm>>
      %dma_start3A_142 = arith.constant 0 : i32
      %dma_start3A_143 = arith.constant 0 : i32
      %dma_start3A_144 = tpu.memref_slice %arg3[%add3A, %dma_start3A_142, %dma_start3A_143] : memref<32x40x128xi32, #tpu.memory_space<hbm>> -> memref<1x40x128xi32, #tpu.memory_space<hbm>>
      %dma_start3A_145 = tpu.memref_squeeze %dma_start3A_144 : memref<1x40x128xi32, #tpu.memory_space<hbm>> -> memref<40x128xi32, #tpu.memory_space<hbm>>
      tpu.enqueue_dma source(%dma_start3A_145 : memref<40x128xi32, #tpu.memory_space<hbm>>) target(%arg7 : memref<40x128xi32, #tpu.memory_space<vmem>>) target_semaphore(%run_scoped3A : memref<!tpu.dma_semaphore, #tpu.memory_space<semaphore_mem>>)
      %dma_wait3A_146 = arith.constant 0 : i32
      %dma_wait3A_147 = arith.constant 0 : i32
      %dma_wait3A_148 = tpu.memref_slice %arg3[%add3A, %dma_wait3A_146, %dma_wait3A_147] : memref<32x40x128xi32, #tpu.memory_space<hbm>> -> memref<1x40x128xi32, #tpu.memory_space<hbm>>
      %dma_wait3A_149 = tpu.memref_squeeze %dma_wait3A_148 : memref<1x40x128xi32, #tpu.memory_space<hbm>> -> memref<40x128xi32, #tpu.memory_space<hbm>>
      %dma_wait3A_150 = arith.constant 0 : i32
      %dma_wait3A_151 = arith.constant 0 : i32
      %dma_wait3A_152 = tpu.memref_slice %arg3[%add3A, %dma_wait3A_150, %dma_wait3A_151] : memref<32x40x128xi32, #tpu.memory_space<hbm>> -> memref<1x40x128xi32, #tpu.memory_space<hbm>>
      %dma_wait3A_153 = tpu.memref_squeeze %dma_wait3A_152 : memref<1x40x128xi32, #tpu.memory_space<hbm>> -> memref<40x128xi32, #tpu.memory_space<hbm>>
      tpu.wait_dma2 semaphore(%run_scoped3A : memref<!tpu.dma_semaphore, #tpu.memory_space<semaphore_mem>>) src(%dma_wait3A_153 : memref<40x128xi32, #tpu.memory_space<hbm>>) dst(%arg7 : memref<40x128xi32, #tpu.memory_space<vmem>>)
      tpu.yield
    }) : () -> ()
    "tpu.region"() ({
      %run_scoped3A = tpu.sem_alloc : memref<!tpu.dma_semaphore, #tpu.memory_space<semaphore_mem>>
      %dma_start3A_138 = arith.constant 0 : i32
      %dma_start3A_139 = arith.constant 0 : i32
      %dma_start3A_140 = tpu.memref_slice %arg4[%add3A, %dma_start3A_138, %dma_start3A_139] : memref<32x40x128xi32, #tpu.memory_space<hbm>> -> memref<1x40x128xi32, #tpu.memory_space<hbm>>
      %dma_start3A_141 = tpu.memref_squeeze %dma_start3A_140 : memref<1x40x128xi32, #tpu.memory_space<hbm>> -> memref<40x128xi32, #tpu.memory_space<hbm>>
      %dma_start3A_142 = arith.constant 0 : i32
      %dma_start3A_143 = arith.constant 0 : i32
      %dma_start3A_144 = tpu.memref_slice %arg4[%add3A, %dma_start3A_142, %dma_start3A_143] : memref<32x40x128xi32, #tpu.memory_space<hbm>> -> memref<1x40x128xi32, #tpu.memory_space<hbm>>
      %dma_start3A_145 = tpu.memref_squeeze %dma_start3A_144 : memref<1x40x128xi32, #tpu.memory_space<hbm>> -> memref<40x128xi32, #tpu.memory_space<hbm>>
      tpu.enqueue_dma source(%dma_start3A_145 : memref<40x128xi32, #tpu.memory_space<hbm>>) target(%arg8 : memref<40x128xi32, #tpu.memory_space<vmem>>) target_semaphore(%run_scoped3A : memref<!tpu.dma_semaphore, #tpu.memory_space<semaphore_mem>>)
      %dma_wait3A_146 = arith.constant 0 : i32
      %dma_wait3A_147 = arith.constant 0 : i32
      %dma_wait3A_148 = tpu.memref_slice %arg4[%add3A, %dma_wait3A_146, %dma_wait3A_147] : memref<32x40x128xi32, #tpu.memory_space<hbm>> -> memref<1x40x128xi32, #tpu.memory_space<hbm>>
      %dma_wait3A_149 = tpu.memref_squeeze %dma_wait3A_148 : memref<1x40x128xi32, #tpu.memory_space<hbm>> -> memref<40x128xi32, #tpu.memory_space<hbm>>
      %dma_wait3A_150 = arith.constant 0 : i32
      %dma_wait3A_151 = arith.constant 0 : i32
      %dma_wait3A_152 = tpu.memref_slice %arg4[%add3A, %dma_wait3A_150, %dma_wait3A_151] : memref<32x40x128xi32, #tpu.memory_space<hbm>> -> memref<1x40x128xi32, #tpu.memory_space<hbm>>
      %dma_wait3A_153 = tpu.memref_squeeze %dma_wait3A_152 : memref<1x40x128xi32, #tpu.memory_space<hbm>> -> memref<40x128xi32, #tpu.memory_space<hbm>>
      tpu.wait_dma2 semaphore(%run_scoped3A : memref<!tpu.dma_semaphore, #tpu.memory_space<semaphore_mem>>) src(%dma_wait3A_153 : memref<40x128xi32, #tpu.memory_space<hbm>>) dst(%arg8 : memref<40x128xi32, #tpu.memory_space<vmem>>)
      tpu.yield
    }) : () -> ()
    %dma_start3A = arith.constant 0 : i32
    %dma_start3A_1 = arith.constant 0 : i32
    %dma_start3A_2 = arith.constant 0 : i32
    %dma_start3A_3 = arith.constant 0 : i32
    %dma_start3A_4 = arith.constant 0 : i32
    %dma_start3A_5 = arith.constant 0 : i32
    %dma_start3A_6 = tpu.memref_slice %arg9[%dma_start3A_1, %dma_start3A_2, %dma_start3A_4, %dma_start3A_5] : memref<2x4x128x32xf32, #tpu.memory_space<vmem>> -> memref<1x1x128x32xf32, #tpu.memory_space<vmem>>
    %dma_start3A_7 = tpu.memref_squeeze %dma_start3A_6 : memref<1x1x128x32xf32, #tpu.memory_space<vmem>> -> memref<128x32xf32, #tpu.memory_space<vmem>>
    %dma_start3A_8 = arith.constant 0 : i32
    %dma_start3A_9 = tpu.memref_slice %arg7[%dma_start3A, %dma_start3A_8] : memref<40x128xi32, #tpu.memory_space<vmem>> -> memref<1x128xi32, #tpu.memory_space<vmem>>
    %dma_start3A_10 = tpu.memref_squeeze %dma_start3A_9 : memref<1x128xi32, #tpu.memory_space<vmem>> -> memref<128xi32, #tpu.memory_space<vmem>>
    %dma_start3A_11 = arith.constant 0 : i32
    %dma_start3A_12 = arith.constant 0 : i32
    %dma_start3A_13 = tpu.memref_slice %arg2[%dma_start3A_11, %dma_start3A_12] : memref<10000x32xf32, #tpu.memory_space<hbm>> -> memref<10000x32xf32, #tpu.memory_space<hbm>>
    %dma_start3A_14 = tpu.memref_slice %arg11[%dma_start3A_3] : memref<2x!tpu.dma_semaphore, #tpu.memory_space<semaphore_mem>> -> memref<1x!tpu.dma_semaphore, #tpu.memory_space<semaphore_mem>>
    %dma_start3A_15 = tpu.memref_squeeze %dma_start3A_14 : memref<1x!tpu.dma_semaphore, #tpu.memory_space<semaphore_mem>> -> memref<!tpu.dma_semaphore, #tpu.memory_space<semaphore_mem>>
    tpu.enqueue_indirect_dma source(%dma_start3A_13 : memref<10000x32xf32, #tpu.memory_space<hbm>>) target(%dma_start3A_7 : memref<128x32xf32, #tpu.memory_space<vmem>>) offsets(%dma_start3A_10 : memref<128xi32, #tpu.memory_space<vmem>>) semaphore(%dma_start3A_15 : memref<!tpu.dma_semaphore, #tpu.memory_space<semaphore_mem>>)
    %dma_start3A_16 = arith.constant 1 : i32
    %dma_start3A_17 = arith.constant 0 : i32
    %dma_start3A_18 = arith.constant 1 : i32
    %dma_start3A_19 = arith.constant 0 : i32
    %dma_start3A_20 = arith.constant 0 : i32
    %dma_start3A_21 = arith.constant 0 : i32
    %dma_start3A_22 = tpu.memref_slice %arg9[%dma_start3A_17, %dma_start3A_18, %dma_start3A_20, %dma_start3A_21] : memref<2x4x128x32xf32, #tpu.memory_space<vmem>> -> memref<1x1x128x32xf32, #tpu.memory_space<vmem>>
    %dma_start3A_23 = tpu.memref_squeeze %dma_start3A_22 : memref<1x1x128x32xf32, #tpu.memory_space<vmem>> -> memref<128x32xf32, #tpu.memory_space<vmem>>
    %dma_start3A_24 = arith.constant 0 : i32
    %dma_start3A_25 = tpu.memref_slice %arg7[%dma_start3A_16, %dma_start3A_24] : memref<40x128xi32, #tpu.memory_space<vmem>> -> memref<1x128xi32, #tpu.memory_space<vmem>>
    %dma_start3A_26 = tpu.memref_squeeze %dma_start3A_25 : memref<1x128xi32, #tpu.memory_space<vmem>> -> memref<128xi32, #tpu.memory_space<vmem>>
    %dma_start3A_27 = arith.constant 0 : i32
    %dma_start3A_28 = arith.constant 0 : i32
    %dma_start3A_29 = tpu.memref_slice %arg2[%dma_start3A_27, %dma_start3A_28] : memref<10000x32xf32, #tpu.memory_space<hbm>> -> memref<10000x32xf32, #tpu.memory_space<hbm>>
    %dma_start3A_30 = tpu.memref_slice %arg11[%dma_start3A_19] : memref<2x!tpu.dma_semaphore, #tpu.memory_space<semaphore_mem>> -> memref<1x!tpu.dma_semaphore, #tpu.memory_space<semaphore_mem>>
    %dma_start3A_31 = tpu.memref_squeeze %dma_start3A_30 : memref<1x!tpu.dma_semaphore, #tpu.memory_space<semaphore_mem>> -> memref<!tpu.dma_semaphore, #tpu.memory_space<semaphore_mem>>
    tpu.enqueue_indirect_dma source(%dma_start3A_29 : memref<10000x32xf32, #tpu.memory_space<hbm>>) target(%dma_start3A_23 : memref<128x32xf32, #tpu.memory_space<vmem>>) offsets(%dma_start3A_26 : memref<128xi32, #tpu.memory_space<vmem>>) semaphore(%dma_start3A_31 : memref<!tpu.dma_semaphore, #tpu.memory_space<semaphore_mem>>)
    %dma_start3A_32 = arith.constant 2 : i32
    %dma_start3A_33 = arith.constant 0 : i32
    %dma_start3A_34 = arith.constant 2 : i32
    %dma_start3A_35 = arith.constant 0 : i32
    %dma_start3A_36 = arith.constant 0 : i32
    %dma_start3A_37 = arith.constant 0 : i32
    %dma_start3A_38 = tpu.memref_slice %arg9[%dma_start3A_33, %dma_start3A_34, %dma_start3A_36, %dma_start3A_37] : memref<2x4x128x32xf32, #tpu.memory_space<vmem>> -> memref<1x1x128x32xf32, #tpu.memory_space<vmem>>
    %dma_start3A_39 = tpu.memref_squeeze %dma_start3A_38 : memref<1x1x128x32xf32, #tpu.memory_space<vmem>> -> memref<128x32xf32, #tpu.memory_space<vmem>>
    %dma_start3A_40 = arith.constant 0 : i32
    %dma_start3A_41 = tpu.memref_slice %arg7[%dma_start3A_32, %dma_start3A_40] : memref<40x128xi32, #tpu.memory_space<vmem>> -> memref<1x128xi32, #tpu.memory_space<vmem>>
    %dma_start3A_42 = tpu.memref_squeeze %dma_start3A_41 : memref<1x128xi32, #tpu.memory_space<vmem>> -> memref<128xi32, #tpu.memory_space<vmem>>
    %dma_start3A_43 = arith.constant 0 : i32
    %dma_start3A_44 = arith.constant 0 : i32
    %dma_start3A_45 = tpu.memref_slice %arg2[%dma_start3A_43, %dma_start3A_44] : memref<10000x32xf32, #tpu.memory_space<hbm>> -> memref<10000x32xf32, #tpu.memory_space<hbm>>
    %dma_start3A_46 = tpu.memref_slice %arg11[%dma_start3A_35] : memref<2x!tpu.dma_semaphore, #tpu.memory_space<semaphore_mem>> -> memref<1x!tpu.dma_semaphore, #tpu.memory_space<semaphore_mem>>
    %dma_start3A_47 = tpu.memref_squeeze %dma_start3A_46 : memref<1x!tpu.dma_semaphore, #tpu.memory_space<semaphore_mem>> -> memref<!tpu.dma_semaphore, #tpu.memory_space<semaphore_mem>>
    tpu.enqueue_indirect_dma source(%dma_start3A_45 : memref<10000x32xf32, #tpu.memory_space<hbm>>) target(%dma_start3A_39 : memref<128x32xf32, #tpu.memory_space<vmem>>) offsets(%dma_start3A_42 : memref<128xi32, #tpu.memory_space<vmem>>) semaphore(%dma_start3A_47 : memref<!tpu.dma_semaphore, #tpu.memory_space<semaphore_mem>>)
    %dma_start3A_48 = arith.constant 3 : i32
    %dma_start3A_49 = arith.constant 0 : i32
    %dma_start3A_50 = arith.constant 3 : i32
    %dma_start3A_51 = arith.constant 0 : i32
    %dma_start3A_52 = arith.constant 0 : i32
    %dma_start3A_53 = arith.constant 0 : i32
    %dma_start3A_54 = tpu.memref_slice %arg9[%dma_start3A_49, %dma_start3A_50, %dma_start3A_52, %dma_start3A_53] : memref<2x4x128x32xf32, #tpu.memory_space<vmem>> -> memref<1x1x128x32xf32, #tpu.memory_space<vmem>>
    %dma_start3A_55 = tpu.memref_squeeze %dma_start3A_54 : memref<1x1x128x32xf32, #tpu.memory_space<vmem>> -> memref<128x32xf32, #tpu.memory_space<vmem>>
    %dma_start3A_56 = arith.constant 0 : i32
    %dma_start3A_57 = tpu.memref_slice %arg7[%dma_start3A_48, %dma_start3A_56] : memref<40x128xi32, #tpu.memory_space<vmem>> -> memref<1x128xi32, #tpu.memory_space<vmem>>
    %dma_start3A_58 = tpu.memref_squeeze %dma_start3A_57 : memref<1x128xi32, #tpu.memory_space<vmem>> -> memref<128xi32, #tpu.memory_space<vmem>>
    %dma_start3A_59 = arith.constant 0 : i32
    %dma_start3A_60 = arith.constant 0 : i32
    %dma_start3A_61 = tpu.memref_slice %arg2[%dma_start3A_59, %dma_start3A_60] : memref<10000x32xf32, #tpu.memory_space<hbm>> -> memref<10000x32xf32, #tpu.memory_space<hbm>>
    %dma_start3A_62 = tpu.memref_slice %arg11[%dma_start3A_51] : memref<2x!tpu.dma_semaphore, #tpu.memory_space<semaphore_mem>> -> memref<1x!tpu.dma_semaphore, #tpu.memory_space<semaphore_mem>>
    %dma_start3A_63 = tpu.memref_squeeze %dma_start3A_62 : memref<1x!tpu.dma_semaphore, #tpu.memory_space<semaphore_mem>> -> memref<!tpu.dma_semaphore, #tpu.memory_space<semaphore_mem>>
    tpu.enqueue_indirect_dma source(%dma_start3A_61 : memref<10000x32xf32, #tpu.memory_space<hbm>>) target(%dma_start3A_55 : memref<128x32xf32, #tpu.memory_space<vmem>>) offsets(%dma_start3A_58 : memref<128xi32, #tpu.memory_space<vmem>>) semaphore(%dma_start3A_63 : memref<!tpu.dma_semaphore, #tpu.memory_space<semaphore_mem>>)
    %eq3A = arith.constant 0 : i32
    %eq3A_64 = arith.cmpi eq, %arg1, %eq3A : i32
    %convert_element_type3A = arith.extui %eq3A_64 : i1 to i32
    %cond3A = arith.constant 0 : i32
    %cond3A_65 = arith.cmpi ne, %convert_element_type3A, %cond3A : i32
    scf.if %cond3A_65 {
      "tpu.region"() ({
        %run_scoped3A = tpu.sem_alloc : memref<!tpu.dma_semaphore, #tpu.memory_space<semaphore_mem>>
        tpu.enqueue_dma source(%arg5 : memref<10240x32xf32, #tpu.memory_space<hbm>>) target(%arg10 : memref<10240x32xf32, #tpu.memory_space<vmem_shared>>) target_semaphore(%run_scoped3A : memref<!tpu.dma_semaphore, #tpu.memory_space<semaphore_mem>>)
        tpu.wait_dma2 semaphore(%run_scoped3A : memref<!tpu.dma_semaphore, #tpu.memory_space<semaphore_mem>>) src(%arg5 : memref<10240x32xf32, #tpu.memory_space<hbm>>) dst(%arg10 : memref<10240x32xf32, #tpu.memory_space<vmem_shared>>)
        tpu.yield
      }) : () -> ()
    } else {
    }
    %barrier3A = arith.constant 0 : index
    tpu.barrier barrier_id(%barrier3A)
    %scan3A = arith.constant 0 : i32
    %scan3A_66 = arith.constant 5 : i32
    %scan3A_67 = arith.addi %scan3A, %scan3A_66 : i32
    %scan3A_68 = arith.constant 1 : i32
    scf.for %scan3A_138 = %scan3A to %scan3A_67 step %scan3A_68  : i32 {
      %mul3A_139 = arith.constant 2 : i32
      %mul3A_140 = arith.muli %scan3A_138, %mul3A_139 : i32
      %add3A_141 = arith.constant 0 : i32
      %add3A_142 = arith.addi %add3A_141, %mul3A_140 : i32
      %add3A_143 = arith.constant 0 : i32
      %add3A_144 = arith.addi %add3A_142, %add3A_143 : i32
      %dma_wait3A_145 = arith.constant 0 : i32
      %dma_wait3A_146 = arith.constant 0 : i32
      %dma_wait3A_147 = arith.constant 0 : i32
      %dma_wait3A_148 = arith.constant 0 : i32
      %dma_wait3A_149 = arith.constant 0 : i32
      %dma_wait3A_150 = arith.constant 0 : i32
      %dma_wait3A_151 = tpu.memref_slice %arg9[%dma_wait3A_146, %dma_wait3A_147, %dma_wait3A_149, %dma_wait3A_150] : memref<2x4x128x32xf32, #tpu.memory_space<vmem>> -> memref<1x1x128x32xf32, #tpu.memory_space<vmem>>
      %dma_wait3A_152 = tpu.memref_squeeze %dma_wait3A_151 : memref<1x1x128x32xf32, #tpu.memory_space<vmem>> -> memref<128x32xf32, #tpu.memory_space<vmem>>
      %dma_wait3A_153 = arith.constant 0 : i32
      %dma_wait3A_154 = tpu.memref_slice %arg7[%dma_wait3A_145, %dma_wait3A_153] : memref<40x128xi32, #tpu.memory_space<vmem>> -> memref<1x128xi32, #tpu.memory_space<vmem>>
      %dma_wait3A_155 = tpu.memref_squeeze %dma_wait3A_154 : memref<1x128xi32, #tpu.memory_space<vmem>> -> memref<128xi32, #tpu.memory_space<vmem>>
      %dma_wait3A_156 = arith.constant 0 : i32
      %dma_wait3A_157 = arith.constant 0 : i32
      %dma_wait3A_158 = tpu.memref_slice %arg2[%dma_wait3A_156, %dma_wait3A_157] : memref<10000x32xf32, #tpu.memory_space<hbm>> -> memref<10000x32xf32, #tpu.memory_space<hbm>>
      %dma_wait3A_159 = tpu.memref_slice %arg11[%dma_wait3A_148] : memref<2x!tpu.dma_semaphore, #tpu.memory_space<semaphore_mem>> -> memref<1x!tpu.dma_semaphore, #tpu.memory_space<semaphore_mem>>
      %dma_wait3A_160 = tpu.memref_squeeze %dma_wait3A_159 : memref<1x!tpu.dma_semaphore, #tpu.memory_space<semaphore_mem>> -> memref<!tpu.dma_semaphore, #tpu.memory_space<semaphore_mem>>
      tpu.wait_indirect_dma semaphore(%dma_wait3A_160 : memref<!tpu.dma_semaphore, #tpu.memory_space<semaphore_mem>>) src(%dma_wait3A_158 : memref<10000x32xf32, #tpu.memory_space<hbm>>) dst(%dma_wait3A_152 : memref<128x32xf32, #tpu.memory_space<vmem>>)
      %dma_wait3A_161 = arith.constant 0 : i32
      %dma_wait3A_162 = arith.constant 0 : i32
      %dma_wait3A_163 = arith.constant 1 : i32
      %dma_wait3A_164 = arith.constant 0 : i32
      %dma_wait3A_165 = arith.constant 0 : i32
      %dma_wait3A_166 = arith.constant 0 : i32
      %dma_wait3A_167 = tpu.memref_slice %arg9[%dma_wait3A_162, %dma_wait3A_163, %dma_wait3A_165, %dma_wait3A_166] : memref<2x4x128x32xf32, #tpu.memory_space<vmem>> -> memref<1x1x128x32xf32, #tpu.memory_space<vmem>>
      %dma_wait3A_168 = tpu.memref_squeeze %dma_wait3A_167 : memref<1x1x128x32xf32, #tpu.memory_space<vmem>> -> memref<128x32xf32, #tpu.memory_space<vmem>>
      %dma_wait3A_169 = arith.constant 0 : i32
      %dma_wait3A_170 = tpu.memref_slice %arg7[%dma_wait3A_161, %dma_wait3A_169] : memref<40x128xi32, #tpu.memory_space<vmem>> -> memref<1x128xi32, #tpu.memory_space<vmem>>
      %dma_wait3A_171 = tpu.memref_squeeze %dma_wait3A_170 : memref<1x128xi32, #tpu.memory_space<vmem>> -> memref<128xi32, #tpu.memory_space<vmem>>
      %dma_wait3A_172 = arith.constant 0 : i32
      %dma_wait3A_173 = arith.constant 0 : i32
      %dma_wait3A_174 = tpu.memref_slice %arg2[%dma_wait3A_172, %dma_wait3A_173] : memref<10000x32xf32, #tpu.memory_space<hbm>> -> memref<10000x32xf32, #tpu.memory_space<hbm>>
      %dma_wait3A_175 = tpu.memref_slice %arg11[%dma_wait3A_164] : memref<2x!tpu.dma_semaphore, #tpu.memory_space<semaphore_mem>> -> memref<1x!tpu.dma_semaphore, #tpu.memory_space<semaphore_mem>>
      %dma_wait3A_176 = tpu.memref_squeeze %dma_wait3A_175 : memref<1x!tpu.dma_semaphore, #tpu.memory_space<semaphore_mem>> -> memref<!tpu.dma_semaphore, #tpu.memory_space<semaphore_mem>>
      tpu.wait_indirect_dma semaphore(%dma_wait3A_176 : memref<!tpu.dma_semaphore, #tpu.memory_space<semaphore_mem>>) src(%dma_wait3A_174 : memref<10000x32xf32, #tpu.memory_space<hbm>>) dst(%dma_wait3A_168 : memref<128x32xf32, #tpu.memory_space<vmem>>)
      %dma_wait3A_177 = arith.constant 0 : i32
      %dma_wait3A_178 = arith.constant 0 : i32
      %dma_wait3A_179 = arith.constant 2 : i32
      %dma_wait3A_180 = arith.constant 0 : i32
      %dma_wait3A_181 = arith.constant 0 : i32
      %dma_wait3A_182 = arith.constant 0 : i32
      %dma_wait3A_183 = tpu.memref_slice %arg9[%dma_wait3A_178, %dma_wait3A_179, %dma_wait3A_181, %dma_wait3A_182] : memref<2x4x128x32xf32, #tpu.memory_space<vmem>> -> memref<1x1x128x32xf32, #tpu.memory_space<vmem>>
      %dma_wait3A_184 = tpu.memref_squeeze %dma_wait3A_183 : memref<1x1x128x32xf32, #tpu.memory_space<vmem>> -> memref<128x32xf32, #tpu.memory_space<vmem>>
      %dma_wait3A_185 = arith.constant 0 : i32
      %dma_wait3A_186 = tpu.memref_slice %arg7[%dma_wait3A_177, %dma_wait3A_185] : memref<40x128xi32, #tpu.memory_space<vmem>> -> memref<1x128xi32, #tpu.memory_space<vmem>>
      %dma_wait3A_187 = tpu.memref_squeeze %dma_wait3A_186 : memref<1x128xi32, #tpu.memory_space<vmem>> -> memref<128xi32, #tpu.memory_space<vmem>>
      %dma_wait3A_188 = arith.constant 0 : i32
      %dma_wait3A_189 = arith.constant 0 : i32
      %dma_wait3A_190 = tpu.memref_slice %arg2[%dma_wait3A_188, %dma_wait3A_189] : memref<10000x32xf32, #tpu.memory_space<hbm>> -> memref<10000x32xf32, #tpu.memory_space<hbm>>
      %dma_wait3A_191 = tpu.memref_slice %arg11[%dma_wait3A_180] : memref<2x!tpu.dma_semaphore, #tpu.memory_space<semaphore_mem>> -> memref<1x!tpu.dma_semaphore, #tpu.memory_space<semaphore_mem>>
      %dma_wait3A_192 = tpu.memref_squeeze %dma_wait3A_191 : memref<1x!tpu.dma_semaphore, #tpu.memory_space<semaphore_mem>> -> memref<!tpu.dma_semaphore, #tpu.memory_space<semaphore_mem>>
      tpu.wait_indirect_dma semaphore(%dma_wait3A_192 : memref<!tpu.dma_semaphore, #tpu.memory_space<semaphore_mem>>) src(%dma_wait3A_190 : memref<10000x32xf32, #tpu.memory_space<hbm>>) dst(%dma_wait3A_184 : memref<128x32xf32, #tpu.memory_space<vmem>>)
      %dma_wait3A_193 = arith.constant 0 : i32
      %dma_wait3A_194 = arith.constant 0 : i32
      %dma_wait3A_195 = arith.constant 3 : i32
      %dma_wait3A_196 = arith.constant 0 : i32
      %dma_wait3A_197 = arith.constant 0 : i32
      %dma_wait3A_198 = arith.constant 0 : i32
      %dma_wait3A_199 = tpu.memref_slice %arg9[%dma_wait3A_194, %dma_wait3A_195, %dma_wait3A_197, %dma_wait3A_198] : memref<2x4x128x32xf32, #tpu.memory_space<vmem>> -> memref<1x1x128x32xf32, #tpu.memory_space<vmem>>
      %dma_wait3A_200 = tpu.memref_squeeze %dma_wait3A_199 : memref<1x1x128x32xf32, #tpu.memory_space<vmem>> -> memref<128x32xf32, #tpu.memory_space<vmem>>
      %dma_wait3A_201 = arith.constant 0 : i32
      %dma_wait3A_202 = tpu.memref_slice %arg7[%dma_wait3A_193, %dma_wait3A_201] : memref<40x128xi32, #tpu.memory_space<vmem>> -> memref<1x128xi32, #tpu.memory_space<vmem>>
      %dma_wait3A_203 = tpu.memref_squeeze %dma_wait3A_202 : memref<1x128xi32, #tpu.memory_space<vmem>> -> memref<128xi32, #tpu.memory_space<vmem>>
      %dma_wait3A_204 = arith.constant 0 : i32
      %dma_wait3A_205 = arith.constant 0 : i32
      %dma_wait3A_206 = tpu.memref_slice %arg2[%dma_wait3A_204, %dma_wait3A_205] : memref<10000x32xf32, #tpu.memory_space<hbm>> -> memref<10000x32xf32, #tpu.memory_space<hbm>>
      %dma_wait3A_207 = tpu.memref_slice %arg11[%dma_wait3A_196] : memref<2x!tpu.dma_semaphore, #tpu.memory_space<semaphore_mem>> -> memref<1x!tpu.dma_semaphore, #tpu.memory_space<semaphore_mem>>
      %dma_wait3A_208 = tpu.memref_squeeze %dma_wait3A_207 : memref<1x!tpu.dma_semaphore, #tpu.memory_space<semaphore_mem>> -> memref<!tpu.dma_semaphore, #tpu.memory_space<semaphore_mem>>
      tpu.wait_indirect_dma semaphore(%dma_wait3A_208 : memref<!tpu.dma_semaphore, #tpu.memory_space<semaphore_mem>>) src(%dma_wait3A_206 : memref<10000x32xf32, #tpu.memory_space<hbm>>) dst(%dma_wait3A_200 : memref<128x32xf32, #tpu.memory_space<vmem>>)
      %ge3A = arith.constant 1 : i32
      %ge3A_209 = arith.cmpi sge, %add3A_144, %ge3A : i32
      %convert_element_type3A_210 = arith.extui %ge3A_209 : i1 to i32
      %cond3A_211 = arith.constant 0 : i32
      %cond3A_212 = arith.cmpi ne, %convert_element_type3A_210, %cond3A_211 : i32
      scf.if %cond3A_212 {
        %dma_wait3A_449 = arith.constant 1 : i32
        %dma_wait3A_450 = arith.constant 0 : i32
        %dma_wait3A_451 = arith.constant 0 : i32
        %dma_wait3A_452 = arith.constant 1 : i32
        %dma_wait3A_453 = arith.constant 0 : i32
        %dma_wait3A_454 = arith.constant 0 : i32
        %dma_wait3A_455 = tpu.memref_slice %arg9[%dma_wait3A_449, %dma_wait3A_450, %dma_wait3A_453, %dma_wait3A_454] : memref<2x4x128x32xf32, #tpu.memory_space<vmem>> -> memref<1x1x128x32xf32, #tpu.memory_space<vmem>>
        %dma_wait3A_456 = tpu.memref_squeeze %dma_wait3A_455 : memref<1x1x128x32xf32, #tpu.memory_space<vmem>> -> memref<128x32xf32, #tpu.memory_space<vmem>>
        %dma_wait3A_457 = arith.constant 0 : i32
        %dma_wait3A_458 = tpu.memref_slice %arg8[%dma_wait3A_451, %dma_wait3A_457] : memref<40x128xi32, #tpu.memory_space<vmem>> -> memref<1x128xi32, #tpu.memory_space<vmem>>
        %dma_wait3A_459 = tpu.memref_squeeze %dma_wait3A_458 : memref<1x128xi32, #tpu.memory_space<vmem>> -> memref<128xi32, #tpu.memory_space<vmem>>
        %dma_wait3A_460 = arith.constant 0 : i32
        %dma_wait3A_461 = arith.constant 0 : i32
        %dma_wait3A_462 = tpu.memref_slice %arg10[%dma_wait3A_460, %dma_wait3A_461] : memref<10240x32xf32, #tpu.memory_space<vmem_shared>> -> memref<10240x32xf32, #tpu.memory_space<vmem_shared>>
        %dma_wait3A_463 = tpu.memref_slice %arg12[%dma_wait3A_452] : memref<2x!tpu.dma_semaphore, #tpu.memory_space<semaphore_mem>> -> memref<1x!tpu.dma_semaphore, #tpu.memory_space<semaphore_mem>>
        %dma_wait3A_464 = tpu.memref_squeeze %dma_wait3A_463 : memref<1x!tpu.dma_semaphore, #tpu.memory_space<semaphore_mem>> -> memref<!tpu.dma_semaphore, #tpu.memory_space<semaphore_mem>>
        tpu.wait_indirect_dma semaphore(%dma_wait3A_464 : memref<!tpu.dma_semaphore, #tpu.memory_space<semaphore_mem>>) src(%dma_wait3A_456 : memref<128x32xf32, #tpu.memory_space<vmem>>) dst(%dma_wait3A_462 : memref<10240x32xf32, #tpu.memory_space<vmem_shared>>)
        %dma_wait3A_465 = arith.constant 1 : i32
        %dma_wait3A_466 = arith.constant 1 : i32
        %dma_wait3A_467 = arith.constant 0 : i32
        %dma_wait3A_468 = arith.constant 1 : i32
        %dma_wait3A_469 = arith.constant 0 : i32
        %dma_wait3A_470 = arith.constant 0 : i32
        %dma_wait3A_471 = tpu.memref_slice %arg9[%dma_wait3A_465, %dma_wait3A_466, %dma_wait3A_469, %dma_wait3A_470] : memref<2x4x128x32xf32, #tpu.memory_space<vmem>> -> memref<1x1x128x32xf32, #tpu.memory_space<vmem>>
        %dma_wait3A_472 = tpu.memref_squeeze %dma_wait3A_471 : memref<1x1x128x32xf32, #tpu.memory_space<vmem>> -> memref<128x32xf32, #tpu.memory_space<vmem>>
        %dma_wait3A_473 = arith.constant 0 : i32
        %dma_wait3A_474 = tpu.memref_slice %arg8[%dma_wait3A_467, %dma_wait3A_473] : memref<40x128xi32, #tpu.memory_space<vmem>> -> memref<1x128xi32, #tpu.memory_space<vmem>>
        %dma_wait3A_475 = tpu.memref_squeeze %dma_wait3A_474 : memref<1x128xi32, #tpu.memory_space<vmem>> -> memref<128xi32, #tpu.memory_space<vmem>>
        %dma_wait3A_476 = arith.constant 0 : i32
        %dma_wait3A_477 = arith.constant 0 : i32
        %dma_wait3A_478 = tpu.memref_slice %arg10[%dma_wait3A_476, %dma_wait3A_477] : memref<10240x32xf32, #tpu.memory_space<vmem_shared>> -> memref<10240x32xf32, #tpu.memory_space<vmem_shared>>
        %dma_wait3A_479 = tpu.memref_slice %arg12[%dma_wait3A_468] : memref<2x!tpu.dma_semaphore, #tpu.memory_space<semaphore_mem>> -> memref<1x!tpu.dma_semaphore, #tpu.memory_space<semaphore_mem>>
        %dma_wait3A_480 = tpu.memref_squeeze %dma_wait3A_479 : memref<1x!tpu.dma_semaphore, #tpu.memory_space<semaphore_mem>> -> memref<!tpu.dma_semaphore, #tpu.memory_space<semaphore_mem>>
        tpu.wait_indirect_dma semaphore(%dma_wait3A_480 : memref<!tpu.dma_semaphore, #tpu.memory_space<semaphore_mem>>) src(%dma_wait3A_472 : memref<128x32xf32, #tpu.memory_space<vmem>>) dst(%dma_wait3A_478 : memref<10240x32xf32, #tpu.memory_space<vmem_shared>>)
        %dma_wait3A_481 = arith.constant 1 : i32
        %dma_wait3A_482 = arith.constant 2 : i32
        %dma_wait3A_483 = arith.constant 0 : i32
        %dma_wait3A_484 = arith.constant 1 : i32
        %dma_wait3A_485 = arith.constant 0 : i32
        %dma_wait3A_486 = arith.constant 0 : i32
        %dma_wait3A_487 = tpu.memref_slice %arg9[%dma_wait3A_481, %dma_wait3A_482, %dma_wait3A_485, %dma_wait3A_486] : memref<2x4x128x32xf32, #tpu.memory_space<vmem>> -> memref<1x1x128x32xf32, #tpu.memory_space<vmem>>
        %dma_wait3A_488 = tpu.memref_squeeze %dma_wait3A_487 : memref<1x1x128x32xf32, #tpu.memory_space<vmem>> -> memref<128x32xf32, #tpu.memory_space<vmem>>
        %dma_wait3A_489 = arith.constant 0 : i32
        %dma_wait3A_490 = tpu.memref_slice %arg8[%dma_wait3A_483, %dma_wait3A_489] : memref<40x128xi32, #tpu.memory_space<vmem>> -> memref<1x128xi32, #tpu.memory_space<vmem>>
        %dma_wait3A_491 = tpu.memref_squeeze %dma_wait3A_490 : memref<1x128xi32, #tpu.memory_space<vmem>> -> memref<128xi32, #tpu.memory_space<vmem>>
        %dma_wait3A_492 = arith.constant 0 : i32
        %dma_wait3A_493 = arith.constant 0 : i32
        %dma_wait3A_494 = tpu.memref_slice %arg10[%dma_wait3A_492, %dma_wait3A_493] : memref<10240x32xf32, #tpu.memory_space<vmem_shared>> -> memref<10240x32xf32, #tpu.memory_space<vmem_shared>>
        %dma_wait3A_495 = tpu.memref_slice %arg12[%dma_wait3A_484] : memref<2x!tpu.dma_semaphore, #tpu.memory_space<semaphore_mem>> -> memref<1x!tpu.dma_semaphore, #tpu.memory_space<semaphore_mem>>
        %dma_wait3A_496 = tpu.memref_squeeze %dma_wait3A_495 : memref<1x!tpu.dma_semaphore, #tpu.memory_space<semaphore_mem>> -> memref<!tpu.dma_semaphore, #tpu.memory_space<semaphore_mem>>
        tpu.wait_indirect_dma semaphore(%dma_wait3A_496 : memref<!tpu.dma_semaphore, #tpu.memory_space<semaphore_mem>>) src(%dma_wait3A_488 : memref<128x32xf32, #tpu.memory_space<vmem>>) dst(%dma_wait3A_494 : memref<10240x32xf32, #tpu.memory_space<vmem_shared>>)
        %dma_wait3A_497 = arith.constant 1 : i32
        %dma_wait3A_498 = arith.constant 3 : i32
        %dma_wait3A_499 = arith.constant 0 : i32
        %dma_wait3A_500 = arith.constant 1 : i32
        %dma_wait3A_501 = arith.constant 0 : i32
        %dma_wait3A_502 = arith.constant 0 : i32
        %dma_wait3A_503 = tpu.memref_slice %arg9[%dma_wait3A_497, %dma_wait3A_498, %dma_wait3A_501, %dma_wait3A_502] : memref<2x4x128x32xf32, #tpu.memory_space<vmem>> -> memref<1x1x128x32xf32, #tpu.memory_space<vmem>>
        %dma_wait3A_504 = tpu.memref_squeeze %dma_wait3A_503 : memref<1x1x128x32xf32, #tpu.memory_space<vmem>> -> memref<128x32xf32, #tpu.memory_space<vmem>>
        %dma_wait3A_505 = arith.constant 0 : i32
        %dma_wait3A_506 = tpu.memref_slice %arg8[%dma_wait3A_499, %dma_wait3A_505] : memref<40x128xi32, #tpu.memory_space<vmem>> -> memref<1x128xi32, #tpu.memory_space<vmem>>
        %dma_wait3A_507 = tpu.memref_squeeze %dma_wait3A_506 : memref<1x128xi32, #tpu.memory_space<vmem>> -> memref<128xi32, #tpu.memory_space<vmem>>
        %dma_wait3A_508 = arith.constant 0 : i32
        %dma_wait3A_509 = arith.constant 0 : i32
        %dma_wait3A_510 = tpu.memref_slice %arg10[%dma_wait3A_508, %dma_wait3A_509] : memref<10240x32xf32, #tpu.memory_space<vmem_shared>> -> memref<10240x32xf32, #tpu.memory_space<vmem_shared>>
        %dma_wait3A_511 = tpu.memref_slice %arg12[%dma_wait3A_500] : memref<2x!tpu.dma_semaphore, #tpu.memory_space<semaphore_mem>> -> memref<1x!tpu.dma_semaphore, #tpu.memory_space<semaphore_mem>>
        %dma_wait3A_512 = tpu.memref_squeeze %dma_wait3A_511 : memref<1x!tpu.dma_semaphore, #tpu.memory_space<semaphore_mem>> -> memref<!tpu.dma_semaphore, #tpu.memory_space<semaphore_mem>>
        tpu.wait_indirect_dma semaphore(%dma_wait3A_512 : memref<!tpu.dma_semaphore, #tpu.memory_space<semaphore_mem>>) src(%dma_wait3A_504 : memref<128x32xf32, #tpu.memory_space<vmem>>) dst(%dma_wait3A_510 : memref<10240x32xf32, #tpu.memory_space<vmem_shared>>)
      } else {
      }
      %add3A_213 = arith.constant 1 : i32
      %add3A_214 = arith.addi %add3A_144, %add3A_213 : i32
      %lt3A = arith.constant 10 : i32
      %lt3A_215 = arith.cmpi slt, %add3A_214, %lt3A : i32
      %convert_element_type3A_216 = arith.extui %lt3A_215 : i1 to i32
      %cond3A_217 = arith.constant 0 : i32
      %cond3A_218 = arith.cmpi ne, %convert_element_type3A_216, %cond3A_217 : i32
      scf.if %cond3A_218 {
        %add3A_449 = arith.constant 1 : i32
        %add3A_450 = arith.addi %add3A_144, %add3A_449 : i32
        %mul3A_451 = arith.constant 4 : i32
        %mul3A_452 = arith.muli %add3A_450, %mul3A_451 : i32
        %add3A_453 = arith.constant 0 : i32
        %add3A_454 = arith.addi %mul3A_452, %add3A_453 : i32
        %dma_start3A_455 = arith.constant 1 : i32
        %dma_start3A_456 = arith.constant 0 : i32
        %dma_start3A_457 = arith.constant 1 : i32
        %dma_start3A_458 = arith.constant 0 : i32
        %dma_start3A_459 = arith.constant 0 : i32
        %dma_start3A_460 = tpu.memref_slice %arg9[%dma_start3A_455, %dma_start3A_456, %dma_start3A_458, %dma_start3A_459] : memref<2x4x128x32xf32, #tpu.memory_space<vmem>> -> memref<1x1x128x32xf32, #tpu.memory_space<vmem>>
        %dma_start3A_461 = tpu.memref_squeeze %dma_start3A_460 : memref<1x1x128x32xf32, #tpu.memory_space<vmem>> -> memref<128x32xf32, #tpu.memory_space<vmem>>
        %dma_start3A_462 = arith.constant 0 : i32
        %dma_start3A_463 = tpu.memref_slice %arg7[%add3A_454, %dma_start3A_462] : memref<40x128xi32, #tpu.memory_space<vmem>> -> memref<1x128xi32, #tpu.memory_space<vmem>>
        %dma_start3A_464 = tpu.memref_squeeze %dma_start3A_463 : memref<1x128xi32, #tpu.memory_space<vmem>> -> memref<128xi32, #tpu.memory_space<vmem>>
        %dma_start3A_465 = arith.constant 0 : i32
        %dma_start3A_466 = arith.constant 0 : i32
        %dma_start3A_467 = tpu.memref_slice %arg2[%dma_start3A_465, %dma_start3A_466] : memref<10000x32xf32, #tpu.memory_space<hbm>> -> memref<10000x32xf32, #tpu.memory_space<hbm>>
        %dma_start3A_468 = tpu.memref_slice %arg11[%dma_start3A_457] : memref<2x!tpu.dma_semaphore, #tpu.memory_space<semaphore_mem>> -> memref<1x!tpu.dma_semaphore, #tpu.memory_space<semaphore_mem>>
        %dma_start3A_469 = tpu.memref_squeeze %dma_start3A_468 : memref<1x!tpu.dma_semaphore, #tpu.memory_space<semaphore_mem>> -> memref<!tpu.dma_semaphore, #tpu.memory_space<semaphore_mem>>
        tpu.enqueue_indirect_dma source(%dma_start3A_467 : memref<10000x32xf32, #tpu.memory_space<hbm>>) target(%dma_start3A_461 : memref<128x32xf32, #tpu.memory_space<vmem>>) offsets(%dma_start3A_464 : memref<128xi32, #tpu.memory_space<vmem>>) semaphore(%dma_start3A_469 : memref<!tpu.dma_semaphore, #tpu.memory_space<semaphore_mem>>)
        %mul3A_470 = arith.constant 4 : i32
        %mul3A_471 = arith.muli %add3A_450, %mul3A_470 : i32
        %add3A_472 = arith.constant 1 : i32
        %add3A_473 = arith.addi %mul3A_471, %add3A_472 : i32
        %dma_start3A_474 = arith.constant 1 : i32
        %dma_start3A_475 = arith.constant 1 : i32
        %dma_start3A_476 = arith.constant 1 : i32
        %dma_start3A_477 = arith.constant 0 : i32
        %dma_start3A_478 = arith.constant 0 : i32
        %dma_start3A_479 = tpu.memref_slice %arg9[%dma_start3A_474, %dma_start3A_475, %dma_start3A_477, %dma_start3A_478] : memref<2x4x128x32xf32, #tpu.memory_space<vmem>> -> memref<1x1x128x32xf32, #tpu.memory_space<vmem>>
        %dma_start3A_480 = tpu.memref_squeeze %dma_start3A_479 : memref<1x1x128x32xf32, #tpu.memory_space<vmem>> -> memref<128x32xf32, #tpu.memory_space<vmem>>
        %dma_start3A_481 = arith.constant 0 : i32
        %dma_start3A_482 = tpu.memref_slice %arg7[%add3A_473, %dma_start3A_481] : memref<40x128xi32, #tpu.memory_space<vmem>> -> memref<1x128xi32, #tpu.memory_space<vmem>>
        %dma_start3A_483 = tpu.memref_squeeze %dma_start3A_482 : memref<1x128xi32, #tpu.memory_space<vmem>> -> memref<128xi32, #tpu.memory_space<vmem>>
        %dma_start3A_484 = arith.constant 0 : i32
        %dma_start3A_485 = arith.constant 0 : i32
        %dma_start3A_486 = tpu.memref_slice %arg2[%dma_start3A_484, %dma_start3A_485] : memref<10000x32xf32, #tpu.memory_space<hbm>> -> memref<10000x32xf32, #tpu.memory_space<hbm>>
        %dma_start3A_487 = tpu.memref_slice %arg11[%dma_start3A_476] : memref<2x!tpu.dma_semaphore, #tpu.memory_space<semaphore_mem>> -> memref<1x!tpu.dma_semaphore, #tpu.memory_space<semaphore_mem>>
        %dma_start3A_488 = tpu.memref_squeeze %dma_start3A_487 : memref<1x!tpu.dma_semaphore, #tpu.memory_space<semaphore_mem>> -> memref<!tpu.dma_semaphore, #tpu.memory_space<semaphore_mem>>
        tpu.enqueue_indirect_dma source(%dma_start3A_486 : memref<10000x32xf32, #tpu.memory_space<hbm>>) target(%dma_start3A_480 : memref<128x32xf32, #tpu.memory_space<vmem>>) offsets(%dma_start3A_483 : memref<128xi32, #tpu.memory_space<vmem>>) semaphore(%dma_start3A_488 : memref<!tpu.dma_semaphore, #tpu.memory_space<semaphore_mem>>)
        %mul3A_489 = arith.constant 4 : i32
        %mul3A_490 = arith.muli %add3A_450, %mul3A_489 : i32
        %add3A_491 = arith.constant 2 : i32
        %add3A_492 = arith.addi %mul3A_490, %add3A_491 : i32
        %dma_start3A_493 = arith.constant 1 : i32
        %dma_start3A_494 = arith.constant 2 : i32
        %dma_start3A_495 = arith.constant 1 : i32
        %dma_start3A_496 = arith.constant 0 : i32
        %dma_start3A_497 = arith.constant 0 : i32
        %dma_start3A_498 = tpu.memref_slice %arg9[%dma_start3A_493, %dma_start3A_494, %dma_start3A_496, %dma_start3A_497] : memref<2x4x128x32xf32, #tpu.memory_space<vmem>> -> memref<1x1x128x32xf32, #tpu.memory_space<vmem>>
        %dma_start3A_499 = tpu.memref_squeeze %dma_start3A_498 : memref<1x1x128x32xf32, #tpu.memory_space<vmem>> -> memref<128x32xf32, #tpu.memory_space<vmem>>
        %dma_start3A_500 = arith.constant 0 : i32
        %dma_start3A_501 = tpu.memref_slice %arg7[%add3A_492, %dma_start3A_500] : memref<40x128xi32, #tpu.memory_space<vmem>> -> memref<1x128xi32, #tpu.memory_space<vmem>>
        %dma_start3A_502 = tpu.memref_squeeze %dma_start3A_501 : memref<1x128xi32, #tpu.memory_space<vmem>> -> memref<128xi32, #tpu.memory_space<vmem>>
        %dma_start3A_503 = arith.constant 0 : i32
        %dma_start3A_504 = arith.constant 0 : i32
        %dma_start3A_505 = tpu.memref_slice %arg2[%dma_start3A_503, %dma_start3A_504] : memref<10000x32xf32, #tpu.memory_space<hbm>> -> memref<10000x32xf32, #tpu.memory_space<hbm>>
        %dma_start3A_506 = tpu.memref_slice %arg11[%dma_start3A_495] : memref<2x!tpu.dma_semaphore, #tpu.memory_space<semaphore_mem>> -> memref<1x!tpu.dma_semaphore, #tpu.memory_space<semaphore_mem>>
        %dma_start3A_507 = tpu.memref_squeeze %dma_start3A_506 : memref<1x!tpu.dma_semaphore, #tpu.memory_space<semaphore_mem>> -> memref<!tpu.dma_semaphore, #tpu.memory_space<semaphore_mem>>
        tpu.enqueue_indirect_dma source(%dma_start3A_505 : memref<10000x32xf32, #tpu.memory_space<hbm>>) target(%dma_start3A_499 : memref<128x32xf32, #tpu.memory_space<vmem>>) offsets(%dma_start3A_502 : memref<128xi32, #tpu.memory_space<vmem>>) semaphore(%dma_start3A_507 : memref<!tpu.dma_semaphore, #tpu.memory_space<semaphore_mem>>)
        %mul3A_508 = arith.constant 4 : i32
        %mul3A_509 = arith.muli %add3A_450, %mul3A_508 : i32
        %add3A_510 = arith.constant 3 : i32
        %add3A_511 = arith.addi %mul3A_509, %add3A_510 : i32
        %dma_start3A_512 = arith.constant 1 : i32
        %dma_start3A_513 = arith.constant 3 : i32
        %dma_start3A_514 = arith.constant 1 : i32
        %dma_start3A_515 = arith.constant 0 : i32
        %dma_start3A_516 = arith.constant 0 : i32
        %dma_start3A_517 = tpu.memref_slice %arg9[%dma_start3A_512, %dma_start3A_513, %dma_start3A_515, %dma_start3A_516] : memref<2x4x128x32xf32, #tpu.memory_space<vmem>> -> memref<1x1x128x32xf32, #tpu.memory_space<vmem>>
        %dma_start3A_518 = tpu.memref_squeeze %dma_start3A_517 : memref<1x1x128x32xf32, #tpu.memory_space<vmem>> -> memref<128x32xf32, #tpu.memory_space<vmem>>
        %dma_start3A_519 = arith.constant 0 : i32
        %dma_start3A_520 = tpu.memref_slice %arg7[%add3A_511, %dma_start3A_519] : memref<40x128xi32, #tpu.memory_space<vmem>> -> memref<1x128xi32, #tpu.memory_space<vmem>>
        %dma_start3A_521 = tpu.memref_squeeze %dma_start3A_520 : memref<1x128xi32, #tpu.memory_space<vmem>> -> memref<128xi32, #tpu.memory_space<vmem>>
        %dma_start3A_522 = arith.constant 0 : i32
        %dma_start3A_523 = arith.constant 0 : i32
        %dma_start3A_524 = tpu.memref_slice %arg2[%dma_start3A_522, %dma_start3A_523] : memref<10000x32xf32, #tpu.memory_space<hbm>> -> memref<10000x32xf32, #tpu.memory_space<hbm>>
        %dma_start3A_525 = tpu.memref_slice %arg11[%dma_start3A_514] : memref<2x!tpu.dma_semaphore, #tpu.memory_space<semaphore_mem>> -> memref<1x!tpu.dma_semaphore, #tpu.memory_space<semaphore_mem>>
        %dma_start3A_526 = tpu.memref_squeeze %dma_start3A_525 : memref<1x!tpu.dma_semaphore, #tpu.memory_space<semaphore_mem>> -> memref<!tpu.dma_semaphore, #tpu.memory_space<semaphore_mem>>
        tpu.enqueue_indirect_dma source(%dma_start3A_524 : memref<10000x32xf32, #tpu.memory_space<hbm>>) target(%dma_start3A_518 : memref<128x32xf32, #tpu.memory_space<vmem>>) offsets(%dma_start3A_521 : memref<128xi32, #tpu.memory_space<vmem>>) semaphore(%dma_start3A_526 : memref<!tpu.dma_semaphore, #tpu.memory_space<semaphore_mem>>)
      } else {
      }
      %mul3A_219 = arith.constant 4 : i32
      %mul3A_220 = arith.muli %add3A_144, %mul3A_219 : i32
      %add3A_221 = arith.constant 0 : i32
      %add3A_222 = arith.addi %mul3A_220, %add3A_221 : i32
      %dma_start3A_223 = arith.constant 0 : i32
      %dma_start3A_224 = arith.constant 0 : i32
      %dma_start3A_225 = arith.constant 0 : i32
      %dma_start3A_226 = arith.constant 0 : i32
      %dma_start3A_227 = arith.constant 0 : i32
      %dma_start3A_228 = tpu.memref_slice %arg9[%dma_start3A_223, %dma_start3A_224, %dma_start3A_226, %dma_start3A_227] : memref<2x4x128x32xf32, #tpu.memory_space<vmem>> -> memref<1x1x128x32xf32, #tpu.memory_space<vmem>>
      %dma_start3A_229 = tpu.memref_squeeze %dma_start3A_228 : memref<1x1x128x32xf32, #tpu.memory_space<vmem>> -> memref<128x32xf32, #tpu.memory_space<vmem>>
      %dma_start3A_230 = arith.constant 0 : i32
      %dma_start3A_231 = tpu.memref_slice %arg8[%add3A_222, %dma_start3A_230] : memref<40x128xi32, #tpu.memory_space<vmem>> -> memref<1x128xi32, #tpu.memory_space<vmem>>
      %dma_start3A_232 = tpu.memref_squeeze %dma_start3A_231 : memref<1x128xi32, #tpu.memory_space<vmem>> -> memref<128xi32, #tpu.memory_space<vmem>>
      %dma_start3A_233 = arith.constant 0 : i32
      %dma_start3A_234 = arith.constant 0 : i32
      %dma_start3A_235 = tpu.memref_slice %arg10[%dma_start3A_233, %dma_start3A_234] : memref<10240x32xf32, #tpu.memory_space<vmem_shared>> -> memref<10240x32xf32, #tpu.memory_space<vmem_shared>>
      %dma_start3A_236 = tpu.memref_slice %arg12[%dma_start3A_225] : memref<2x!tpu.dma_semaphore, #tpu.memory_space<semaphore_mem>> -> memref<1x!tpu.dma_semaphore, #tpu.memory_space<semaphore_mem>>
      %dma_start3A_237 = tpu.memref_squeeze %dma_start3A_236 : memref<1x!tpu.dma_semaphore, #tpu.memory_space<semaphore_mem>> -> memref<!tpu.dma_semaphore, #tpu.memory_space<semaphore_mem>>
      tpu.enqueue_indirect_dma source(%dma_start3A_229 : memref<128x32xf32, #tpu.memory_space<vmem>>) target(%dma_start3A_235 : memref<10240x32xf32, #tpu.memory_space<vmem_shared>>) offsets(%dma_start3A_232 : memref<128xi32, #tpu.memory_space<vmem>>) semaphore(%dma_start3A_237 : memref<!tpu.dma_semaphore, #tpu.memory_space<semaphore_mem>>) {add = true}
      %mul3A_238 = arith.constant 4 : i32
      %mul3A_239 = arith.muli %add3A_144, %mul3A_238 : i32
      %add3A_240 = arith.constant 1 : i32
      %add3A_241 = arith.addi %mul3A_239, %add3A_240 : i32
      %dma_start3A_242 = arith.constant 0 : i32
      %dma_start3A_243 = arith.constant 1 : i32
      %dma_start3A_244 = arith.constant 0 : i32
      %dma_start3A_245 = arith.constant 0 : i32
      %dma_start3A_246 = arith.constant 0 : i32
      %dma_start3A_247 = tpu.memref_slice %arg9[%dma_start3A_242, %dma_start3A_243, %dma_start3A_245, %dma_start3A_246] : memref<2x4x128x32xf32, #tpu.memory_space<vmem>> -> memref<1x1x128x32xf32, #tpu.memory_space<vmem>>
      %dma_start3A_248 = tpu.memref_squeeze %dma_start3A_247 : memref<1x1x128x32xf32, #tpu.memory_space<vmem>> -> memref<128x32xf32, #tpu.memory_space<vmem>>
      %dma_start3A_249 = arith.constant 0 : i32
      %dma_start3A_250 = tpu.memref_slice %arg8[%add3A_241, %dma_start3A_249] : memref<40x128xi32, #tpu.memory_space<vmem>> -> memref<1x128xi32, #tpu.memory_space<vmem>>
      %dma_start3A_251 = tpu.memref_squeeze %dma_start3A_250 : memref<1x128xi32, #tpu.memory_space<vmem>> -> memref<128xi32, #tpu.memory_space<vmem>>
      %dma_start3A_252 = arith.constant 0 : i32
      %dma_start3A_253 = arith.constant 0 : i32
      %dma_start3A_254 = tpu.memref_slice %arg10[%dma_start3A_252, %dma_start3A_253] : memref<10240x32xf32, #tpu.memory_space<vmem_shared>> -> memref<10240x32xf32, #tpu.memory_space<vmem_shared>>
      %dma_start3A_255 = tpu.memref_slice %arg12[%dma_start3A_244] : memref<2x!tpu.dma_semaphore, #tpu.memory_space<semaphore_mem>> -> memref<1x!tpu.dma_semaphore, #tpu.memory_space<semaphore_mem>>
      %dma_start3A_256 = tpu.memref_squeeze %dma_start3A_255 : memref<1x!tpu.dma_semaphore, #tpu.memory_space<semaphore_mem>> -> memref<!tpu.dma_semaphore, #tpu.memory_space<semaphore_mem>>
      tpu.enqueue_indirect_dma source(%dma_start3A_248 : memref<128x32xf32, #tpu.memory_space<vmem>>) target(%dma_start3A_254 : memref<10240x32xf32, #tpu.memory_space<vmem_shared>>) offsets(%dma_start3A_251 : memref<128xi32, #tpu.memory_space<vmem>>) semaphore(%dma_start3A_256 : memref<!tpu.dma_semaphore, #tpu.memory_space<semaphore_mem>>) {add = true}
      %mul3A_257 = arith.constant 4 : i32
      %mul3A_258 = arith.muli %add3A_144, %mul3A_257 : i32
      %add3A_259 = arith.constant 2 : i32
      %add3A_260 = arith.addi %mul3A_258, %add3A_259 : i32
      %dma_start3A_261 = arith.constant 0 : i32
      %dma_start3A_262 = arith.constant 2 : i32
      %dma_start3A_263 = arith.constant 0 : i32
      %dma_start3A_264 = arith.constant 0 : i32
      %dma_start3A_265 = arith.constant 0 : i32
      %dma_start3A_266 = tpu.memref_slice %arg9[%dma_start3A_261, %dma_start3A_262, %dma_start3A_264, %dma_start3A_265] : memref<2x4x128x32xf32, #tpu.memory_space<vmem>> -> memref<1x1x128x32xf32, #tpu.memory_space<vmem>>
      %dma_start3A_267 = tpu.memref_squeeze %dma_start3A_266 : memref<1x1x128x32xf32, #tpu.memory_space<vmem>> -> memref<128x32xf32, #tpu.memory_space<vmem>>
      %dma_start3A_268 = arith.constant 0 : i32
      %dma_start3A_269 = tpu.memref_slice %arg8[%add3A_260, %dma_start3A_268] : memref<40x128xi32, #tpu.memory_space<vmem>> -> memref<1x128xi32, #tpu.memory_space<vmem>>
      %dma_start3A_270 = tpu.memref_squeeze %dma_start3A_269 : memref<1x128xi32, #tpu.memory_space<vmem>> -> memref<128xi32, #tpu.memory_space<vmem>>
      %dma_start3A_271 = arith.constant 0 : i32
      %dma_start3A_272 = arith.constant 0 : i32
      %dma_start3A_273 = tpu.memref_slice %arg10[%dma_start3A_271, %dma_start3A_272] : memref<10240x32xf32, #tpu.memory_space<vmem_shared>> -> memref<10240x32xf32, #tpu.memory_space<vmem_shared>>
      %dma_start3A_274 = tpu.memref_slice %arg12[%dma_start3A_263] : memref<2x!tpu.dma_semaphore, #tpu.memory_space<semaphore_mem>> -> memref<1x!tpu.dma_semaphore, #tpu.memory_space<semaphore_mem>>
      %dma_start3A_275 = tpu.memref_squeeze %dma_start3A_274 : memref<1x!tpu.dma_semaphore, #tpu.memory_space<semaphore_mem>> -> memref<!tpu.dma_semaphore, #tpu.memory_space<semaphore_mem>>
      tpu.enqueue_indirect_dma source(%dma_start3A_267 : memref<128x32xf32, #tpu.memory_space<vmem>>) target(%dma_start3A_273 : memref<10240x32xf32, #tpu.memory_space<vmem_shared>>) offsets(%dma_start3A_270 : memref<128xi32, #tpu.memory_space<vmem>>) semaphore(%dma_start3A_275 : memref<!tpu.dma_semaphore, #tpu.memory_space<semaphore_mem>>) {add = true}
      %mul3A_276 = arith.constant 4 : i32
      %mul3A_277 = arith.muli %add3A_144, %mul3A_276 : i32
      %add3A_278 = arith.constant 3 : i32
      %add3A_279 = arith.addi %mul3A_277, %add3A_278 : i32
      %dma_start3A_280 = arith.constant 0 : i32
      %dma_start3A_281 = arith.constant 3 : i32
      %dma_start3A_282 = arith.constant 0 : i32
      %dma_start3A_283 = arith.constant 0 : i32
      %dma_start3A_284 = arith.constant 0 : i32
      %dma_start3A_285 = tpu.memref_slice %arg9[%dma_start3A_280, %dma_start3A_281, %dma_start3A_283, %dma_start3A_284] : memref<2x4x128x32xf32, #tpu.memory_space<vmem>> -> memref<1x1x128x32xf32, #tpu.memory_space<vmem>>
      %dma_start3A_286 = tpu.memref_squeeze %dma_start3A_285 : memref<1x1x128x32xf32, #tpu.memory_space<vmem>> -> memref<128x32xf32, #tpu.memory_space<vmem>>
      %dma_start3A_287 = arith.constant 0 : i32
      %dma_start3A_288 = tpu.memref_slice %arg8[%add3A_279, %dma_start3A_287] : memref<40x128xi32, #tpu.memory_space<vmem>> -> memref<1x128xi32, #tpu.memory_space<vmem>>
      %dma_start3A_289 = tpu.memref_squeeze %dma_start3A_288 : memref<1x128xi32, #tpu.memory_space<vmem>> -> memref<128xi32, #tpu.memory_space<vmem>>
      %dma_start3A_290 = arith.constant 0 : i32
      %dma_start3A_291 = arith.constant 0 : i32
      %dma_start3A_292 = tpu.memref_slice %arg10[%dma_start3A_290, %dma_start3A_291] : memref<10240x32xf32, #tpu.memory_space<vmem_shared>> -> memref<10240x32xf32, #tpu.memory_space<vmem_shared>>
      %dma_start3A_293 = tpu.memref_slice %arg12[%dma_start3A_282] : memref<2x!tpu.dma_semaphore, #tpu.memory_space<semaphore_mem>> -> memref<1x!tpu.dma_semaphore, #tpu.memory_space<semaphore_mem>>
      %dma_start3A_294 = tpu.memref_squeeze %dma_start3A_293 : memref<1x!tpu.dma_semaphore, #tpu.memory_space<semaphore_mem>> -> memref<!tpu.dma_semaphore, #tpu.memory_space<semaphore_mem>>
      tpu.enqueue_indirect_dma source(%dma_start3A_286 : memref<128x32xf32, #tpu.memory_space<vmem>>) target(%dma_start3A_292 : memref<10240x32xf32, #tpu.memory_space<vmem_shared>>) offsets(%dma_start3A_289 : memref<128xi32, #tpu.memory_space<vmem>>) semaphore(%dma_start3A_294 : memref<!tpu.dma_semaphore, #tpu.memory_space<semaphore_mem>>) {add = true}
      %add3A_295 = arith.constant 1 : i32
      %add3A_296 = arith.addi %add3A_142, %add3A_295 : i32
      %dma_wait3A_297 = arith.constant 0 : i32
      %dma_wait3A_298 = arith.constant 1 : i32
      %dma_wait3A_299 = arith.constant 0 : i32
      %dma_wait3A_300 = arith.constant 1 : i32
      %dma_wait3A_301 = arith.constant 0 : i32
      %dma_wait3A_302 = arith.constant 0 : i32
      %dma_wait3A_303 = tpu.memref_slice %arg9[%dma_wait3A_298, %dma_wait3A_299, %dma_wait3A_301, %dma_wait3A_302] : memref<2x4x128x32xf32, #tpu.memory_space<vmem>> -> memref<1x1x128x32xf32, #tpu.memory_space<vmem>>
      %dma_wait3A_304 = tpu.memref_squeeze %dma_wait3A_303 : memref<1x1x128x32xf32, #tpu.memory_space<vmem>> -> memref<128x32xf32, #tpu.memory_space<vmem>>
      %dma_wait3A_305 = arith.constant 0 : i32
      %dma_wait3A_306 = tpu.memref_slice %arg7[%dma_wait3A_297, %dma_wait3A_305] : memref<40x128xi32, #tpu.memory_space<vmem>> -> memref<1x128xi32, #tpu.memory_space<vmem>>
      %dma_wait3A_307 = tpu.memref_squeeze %dma_wait3A_306 : memref<1x128xi32, #tpu.memory_space<vmem>> -> memref<128xi32, #tpu.memory_space<vmem>>
      %dma_wait3A_308 = arith.constant 0 : i32
      %dma_wait3A_309 = arith.constant 0 : i32
      %dma_wait3A_310 = tpu.memref_slice %arg2[%dma_wait3A_308, %dma_wait3A_309] : memref<10000x32xf32, #tpu.memory_space<hbm>> -> memref<10000x32xf32, #tpu.memory_space<hbm>>
      %dma_wait3A_311 = tpu.memref_slice %arg11[%dma_wait3A_300] : memref<2x!tpu.dma_semaphore, #tpu.memory_space<semaphore_mem>> -> memref<1x!tpu.dma_semaphore, #tpu.memory_space<semaphore_mem>>
      %dma_wait3A_312 = tpu.memref_squeeze %dma_wait3A_311 : memref<1x!tpu.dma_semaphore, #tpu.memory_space<semaphore_mem>> -> memref<!tpu.dma_semaphore, #tpu.memory_space<semaphore_mem>>
      tpu.wait_indirect_dma semaphore(%dma_wait3A_312 : memref<!tpu.dma_semaphore, #tpu.memory_space<semaphore_mem>>) src(%dma_wait3A_310 : memref<10000x32xf32, #tpu.memory_space<hbm>>) dst(%dma_wait3A_304 : memref<128x32xf32, #tpu.memory_space<vmem>>)
      %dma_wait3A_313 = arith.constant 0 : i32
      %dma_wait3A_314 = arith.constant 1 : i32
      %dma_wait3A_315 = arith.constant 1 : i32
      %dma_wait3A_316 = arith.constant 1 : i32
      %dma_wait3A_317 = arith.constant 0 : i32
      %dma_wait3A_318 = arith.constant 0 : i32
      %dma_wait3A_319 = tpu.memref_slice %arg9[%dma_wait3A_314, %dma_wait3A_315, %dma_wait3A_317, %dma_wait3A_318] : memref<2x4x128x32xf32, #tpu.memory_space<vmem>> -> memref<1x1x128x32xf32, #tpu.memory_space<vmem>>
      %dma_wait3A_320 = tpu.memref_squeeze %dma_wait3A_319 : memref<1x1x128x32xf32, #tpu.memory_space<vmem>> -> memref<128x32xf32, #tpu.memory_space<vmem>>
      %dma_wait3A_321 = arith.constant 0 : i32
      %dma_wait3A_322 = tpu.memref_slice %arg7[%dma_wait3A_313, %dma_wait3A_321] : memref<40x128xi32, #tpu.memory_space<vmem>> -> memref<1x128xi32, #tpu.memory_space<vmem>>
      %dma_wait3A_323 = tpu.memref_squeeze %dma_wait3A_322 : memref<1x128xi32, #tpu.memory_space<vmem>> -> memref<128xi32, #tpu.memory_space<vmem>>
      %dma_wait3A_324 = arith.constant 0 : i32
      %dma_wait3A_325 = arith.constant 0 : i32
      %dma_wait3A_326 = tpu.memref_slice %arg2[%dma_wait3A_324, %dma_wait3A_325] : memref<10000x32xf32, #tpu.memory_space<hbm>> -> memref<10000x32xf32, #tpu.memory_space<hbm>>
      %dma_wait3A_327 = tpu.memref_slice %arg11[%dma_wait3A_316] : memref<2x!tpu.dma_semaphore, #tpu.memory_space<semaphore_mem>> -> memref<1x!tpu.dma_semaphore, #tpu.memory_space<semaphore_mem>>
      %dma_wait3A_328 = tpu.memref_squeeze %dma_wait3A_327 : memref<1x!tpu.dma_semaphore, #tpu.memory_space<semaphore_mem>> -> memref<!tpu.dma_semaphore, #tpu.memory_space<semaphore_mem>>
      tpu.wait_indirect_dma semaphore(%dma_wait3A_328 : memref<!tpu.dma_semaphore, #tpu.memory_space<semaphore_mem>>) src(%dma_wait3A_326 : memref<10000x32xf32, #tpu.memory_space<hbm>>) dst(%dma_wait3A_320 : memref<128x32xf32, #tpu.memory_space<vmem>>)
      %dma_wait3A_329 = arith.constant 0 : i32
      %dma_wait3A_330 = arith.constant 1 : i32
      %dma_wait3A_331 = arith.constant 2 : i32
      %dma_wait3A_332 = arith.constant 1 : i32
      %dma_wait3A_333 = arith.constant 0 : i32
      %dma_wait3A_334 = arith.constant 0 : i32
      %dma_wait3A_335 = tpu.memref_slice %arg9[%dma_wait3A_330, %dma_wait3A_331, %dma_wait3A_333, %dma_wait3A_334] : memref<2x4x128x32xf32, #tpu.memory_space<vmem>> -> memref<1x1x128x32xf32, #tpu.memory_space<vmem>>
      %dma_wait3A_336 = tpu.memref_squeeze %dma_wait3A_335 : memref<1x1x128x32xf32, #tpu.memory_space<vmem>> -> memref<128x32xf32, #tpu.memory_space<vmem>>
      %dma_wait3A_337 = arith.constant 0 : i32
      %dma_wait3A_338 = tpu.memref_slice %arg7[%dma_wait3A_329, %dma_wait3A_337] : memref<40x128xi32, #tpu.memory_space<vmem>> -> memref<1x128xi32, #tpu.memory_space<vmem>>
      %dma_wait3A_339 = tpu.memref_squeeze %dma_wait3A_338 : memref<1x128xi32, #tpu.memory_space<vmem>> -> memref<128xi32, #tpu.memory_space<vmem>>
      %dma_wait3A_340 = arith.constant 0 : i32
      %dma_wait3A_341 = arith.constant 0 : i32
      %dma_wait3A_342 = tpu.memref_slice %arg2[%dma_wait3A_340, %dma_wait3A_341] : memref<10000x32xf32, #tpu.memory_space<hbm>> -> memref<10000x32xf32, #tpu.memory_space<hbm>>
      %dma_wait3A_343 = tpu.memref_slice %arg11[%dma_wait3A_332] : memref<2x!tpu.dma_semaphore, #tpu.memory_space<semaphore_mem>> -> memref<1x!tpu.dma_semaphore, #tpu.memory_space<semaphore_mem>>
      %dma_wait3A_344 = tpu.memref_squeeze %dma_wait3A_343 : memref<1x!tpu.dma_semaphore, #tpu.memory_space<semaphore_mem>> -> memref<!tpu.dma_semaphore, #tpu.memory_space<semaphore_mem>>
      tpu.wait_indirect_dma semaphore(%dma_wait3A_344 : memref<!tpu.dma_semaphore, #tpu.memory_space<semaphore_mem>>) src(%dma_wait3A_342 : memref<10000x32xf32, #tpu.memory_space<hbm>>) dst(%dma_wait3A_336 : memref<128x32xf32, #tpu.memory_space<vmem>>)
      %dma_wait3A_345 = arith.constant 0 : i32
      %dma_wait3A_346 = arith.constant 1 : i32
      %dma_wait3A_347 = arith.constant 3 : i32
      %dma_wait3A_348 = arith.constant 1 : i32
      %dma_wait3A_349 = arith.constant 0 : i32
      %dma_wait3A_350 = arith.constant 0 : i32
      %dma_wait3A_351 = tpu.memref_slice %arg9[%dma_wait3A_346, %dma_wait3A_347, %dma_wait3A_349, %dma_wait3A_350] : memref<2x4x128x32xf32, #tpu.memory_space<vmem>> -> memref<1x1x128x32xf32, #tpu.memory_space<vmem>>
      %dma_wait3A_352 = tpu.memref_squeeze %dma_wait3A_351 : memref<1x1x128x32xf32, #tpu.memory_space<vmem>> -> memref<128x32xf32, #tpu.memory_space<vmem>>
      %dma_wait3A_353 = arith.constant 0 : i32
      %dma_wait3A_354 = tpu.memref_slice %arg7[%dma_wait3A_345, %dma_wait3A_353] : memref<40x128xi32, #tpu.memory_space<vmem>> -> memref<1x128xi32, #tpu.memory_space<vmem>>
      %dma_wait3A_355 = tpu.memref_squeeze %dma_wait3A_354 : memref<1x128xi32, #tpu.memory_space<vmem>> -> memref<128xi32, #tpu.memory_space<vmem>>
      %dma_wait3A_356 = arith.constant 0 : i32
      %dma_wait3A_357 = arith.constant 0 : i32
      %dma_wait3A_358 = tpu.memref_slice %arg2[%dma_wait3A_356, %dma_wait3A_357] : memref<10000x32xf32, #tpu.memory_space<hbm>> -> memref<10000x32xf32, #tpu.memory_space<hbm>>
      %dma_wait3A_359 = tpu.memref_slice %arg11[%dma_wait3A_348] : memref<2x!tpu.dma_semaphore, #tpu.memory_space<semaphore_mem>> -> memref<1x!tpu.dma_semaphore, #tpu.memory_space<semaphore_mem>>
      %dma_wait3A_360 = tpu.memref_squeeze %dma_wait3A_359 : memref<1x!tpu.dma_semaphore, #tpu.memory_space<semaphore_mem>> -> memref<!tpu.dma_semaphore, #tpu.memory_space<semaphore_mem>>
      tpu.wait_indirect_dma semaphore(%dma_wait3A_360 : memref<!tpu.dma_semaphore, #tpu.memory_space<semaphore_mem>>) src(%dma_wait3A_358 : memref<10000x32xf32, #tpu.memory_space<hbm>>) dst(%dma_wait3A_352 : memref<128x32xf32, #tpu.memory_space<vmem>>)
      %ge3A_361 = arith.constant 1 : i32
      %ge3A_362 = arith.cmpi sge, %add3A_296, %ge3A_361 : i32
      %convert_element_type3A_363 = arith.extui %ge3A_362 : i1 to i32
      %cond3A_364 = arith.constant 0 : i32
      %cond3A_365 = arith.cmpi ne, %convert_element_type3A_363, %cond3A_364 : i32
      scf.if %cond3A_365 {
        %dma_wait3A_449 = arith.constant 0 : i32
        %dma_wait3A_450 = arith.constant 0 : i32
        %dma_wait3A_451 = arith.constant 0 : i32
        %dma_wait3A_452 = arith.constant 0 : i32
        %dma_wait3A_453 = arith.constant 0 : i32
        %dma_wait3A_454 = arith.constant 0 : i32
        %dma_wait3A_455 = tpu.memref_slice %arg9[%dma_wait3A_449, %dma_wait3A_450, %dma_wait3A_453, %dma_wait3A_454] : memref<2x4x128x32xf32, #tpu.memory_space<vmem>> -> memref<1x1x128x32xf32, #tpu.memory_space<vmem>>
        %dma_wait3A_456 = tpu.memref_squeeze %dma_wait3A_455 : memref<1x1x128x32xf32, #tpu.memory_space<vmem>> -> memref<128x32xf32, #tpu.memory_space<vmem>>
        %dma_wait3A_457 = arith.constant 0 : i32
        %dma_wait3A_458 = tpu.memref_slice %arg8[%dma_wait3A_451, %dma_wait3A_457] : memref<40x128xi32, #tpu.memory_space<vmem>> -> memref<1x128xi32, #tpu.memory_space<vmem>>
        %dma_wait3A_459 = tpu.memref_squeeze %dma_wait3A_458 : memref<1x128xi32, #tpu.memory_space<vmem>> -> memref<128xi32, #tpu.memory_space<vmem>>
        %dma_wait3A_460 = arith.constant 0 : i32
        %dma_wait3A_461 = arith.constant 0 : i32
        %dma_wait3A_462 = tpu.memref_slice %arg10[%dma_wait3A_460, %dma_wait3A_461] : memref<10240x32xf32, #tpu.memory_space<vmem_shared>> -> memref<10240x32xf32, #tpu.memory_space<vmem_shared>>
        %dma_wait3A_463 = tpu.memref_slice %arg12[%dma_wait3A_452] : memref<2x!tpu.dma_semaphore, #tpu.memory_space<semaphore_mem>> -> memref<1x!tpu.dma_semaphore, #tpu.memory_space<semaphore_mem>>
        %dma_wait3A_464 = tpu.memref_squeeze %dma_wait3A_463 : memref<1x!tpu.dma_semaphore, #tpu.memory_space<semaphore_mem>> -> memref<!tpu.dma_semaphore, #tpu.memory_space<semaphore_mem>>
        tpu.wait_indirect_dma semaphore(%dma_wait3A_464 : memref<!tpu.dma_semaphore, #tpu.memory_space<semaphore_mem>>) src(%dma_wait3A_456 : memref<128x32xf32, #tpu.memory_space<vmem>>) dst(%dma_wait3A_462 : memref<10240x32xf32, #tpu.memory_space<vmem_shared>>)
        %dma_wait3A_465 = arith.constant 0 : i32
        %dma_wait3A_466 = arith.constant 1 : i32
        %dma_wait3A_467 = arith.constant 0 : i32
        %dma_wait3A_468 = arith.constant 0 : i32
        %dma_wait3A_469 = arith.constant 0 : i32
        %dma_wait3A_470 = arith.constant 0 : i32
        %dma_wait3A_471 = tpu.memref_slice %arg9[%dma_wait3A_465, %dma_wait3A_466, %dma_wait3A_469, %dma_wait3A_470] : memref<2x4x128x32xf32, #tpu.memory_space<vmem>> -> memref<1x1x128x32xf32, #tpu.memory_space<vmem>>
        %dma_wait3A_472 = tpu.memref_squeeze %dma_wait3A_471 : memref<1x1x128x32xf32, #tpu.memory_space<vmem>> -> memref<128x32xf32, #tpu.memory_space<vmem>>
        %dma_wait3A_473 = arith.constant 0 : i32
        %dma_wait3A_474 = tpu.memref_slice %arg8[%dma_wait3A_467, %dma_wait3A_473] : memref<40x128xi32, #tpu.memory_space<vmem>> -> memref<1x128xi32, #tpu.memory_space<vmem>>
        %dma_wait3A_475 = tpu.memref_squeeze %dma_wait3A_474 : memref<1x128xi32, #tpu.memory_space<vmem>> -> memref<128xi32, #tpu.memory_space<vmem>>
        %dma_wait3A_476 = arith.constant 0 : i32
        %dma_wait3A_477 = arith.constant 0 : i32
        %dma_wait3A_478 = tpu.memref_slice %arg10[%dma_wait3A_476, %dma_wait3A_477] : memref<10240x32xf32, #tpu.memory_space<vmem_shared>> -> memref<10240x32xf32, #tpu.memory_space<vmem_shared>>
        %dma_wait3A_479 = tpu.memref_slice %arg12[%dma_wait3A_468] : memref<2x!tpu.dma_semaphore, #tpu.memory_space<semaphore_mem>> -> memref<1x!tpu.dma_semaphore, #tpu.memory_space<semaphore_mem>>
        %dma_wait3A_480 = tpu.memref_squeeze %dma_wait3A_479 : memref<1x!tpu.dma_semaphore, #tpu.memory_space<semaphore_mem>> -> memref<!tpu.dma_semaphore, #tpu.memory_space<semaphore_mem>>
        tpu.wait_indirect_dma semaphore(%dma_wait3A_480 : memref<!tpu.dma_semaphore, #tpu.memory_space<semaphore_mem>>) src(%dma_wait3A_472 : memref<128x32xf32, #tpu.memory_space<vmem>>) dst(%dma_wait3A_478 : memref<10240x32xf32, #tpu.memory_space<vmem_shared>>)
        %dma_wait3A_481 = arith.constant 0 : i32
        %dma_wait3A_482 = arith.constant 2 : i32
        %dma_wait3A_483 = arith.constant 0 : i32
        %dma_wait3A_484 = arith.constant 0 : i32
        %dma_wait3A_485 = arith.constant 0 : i32
        %dma_wait3A_486 = arith.constant 0 : i32
        %dma_wait3A_487 = tpu.memref_slice %arg9[%dma_wait3A_481, %dma_wait3A_482, %dma_wait3A_485, %dma_wait3A_486] : memref<2x4x128x32xf32, #tpu.memory_space<vmem>> -> memref<1x1x128x32xf32, #tpu.memory_space<vmem>>
        %dma_wait3A_488 = tpu.memref_squeeze %dma_wait3A_487 : memref<1x1x128x32xf32, #tpu.memory_space<vmem>> -> memref<128x32xf32, #tpu.memory_space<vmem>>
        %dma_wait3A_489 = arith.constant 0 : i32
        %dma_wait3A_490 = tpu.memref_slice %arg8[%dma_wait3A_483, %dma_wait3A_489] : memref<40x128xi32, #tpu.memory_space<vmem>> -> memref<1x128xi32, #tpu.memory_space<vmem>>
        %dma_wait3A_491 = tpu.memref_squeeze %dma_wait3A_490 : memref<1x128xi32, #tpu.memory_space<vmem>> -> memref<128xi32, #tpu.memory_space<vmem>>
        %dma_wait3A_492 = arith.constant 0 : i32
        %dma_wait3A_493 = arith.constant 0 : i32
        %dma_wait3A_494 = tpu.memref_slice %arg10[%dma_wait3A_492, %dma_wait3A_493] : memref<10240x32xf32, #tpu.memory_space<vmem_shared>> -> memref<10240x32xf32, #tpu.memory_space<vmem_shared>>
        %dma_wait3A_495 = tpu.memref_slice %arg12[%dma_wait3A_484] : memref<2x!tpu.dma_semaphore, #tpu.memory_space<semaphore_mem>> -> memref<1x!tpu.dma_semaphore, #tpu.memory_space<semaphore_mem>>
        %dma_wait3A_496 = tpu.memref_squeeze %dma_wait3A_495 : memref<1x!tpu.dma_semaphore, #tpu.memory_space<semaphore_mem>> -> memref<!tpu.dma_semaphore, #tpu.memory_space<semaphore_mem>>
        tpu.wait_indirect_dma semaphore(%dma_wait3A_496 : memref<!tpu.dma_semaphore, #tpu.memory_space<semaphore_mem>>) src(%dma_wait3A_488 : memref<128x32xf32, #tpu.memory_space<vmem>>) dst(%dma_wait3A_494 : memref<10240x32xf32, #tpu.memory_space<vmem_shared>>)
        %dma_wait3A_497 = arith.constant 0 : i32
        %dma_wait3A_498 = arith.constant 3 : i32
        %dma_wait3A_499 = arith.constant 0 : i32
        %dma_wait3A_500 = arith.constant 0 : i32
        %dma_wait3A_501 = arith.constant 0 : i32
        %dma_wait3A_502 = arith.constant 0 : i32
        %dma_wait3A_503 = tpu.memref_slice %arg9[%dma_wait3A_497, %dma_wait3A_498, %dma_wait3A_501, %dma_wait3A_502] : memref<2x4x128x32xf32, #tpu.memory_space<vmem>> -> memref<1x1x128x32xf32, #tpu.memory_space<vmem>>
        %dma_wait3A_504 = tpu.memref_squeeze %dma_wait3A_503 : memref<1x1x128x32xf32, #tpu.memory_space<vmem>> -> memref<128x32xf32, #tpu.memory_space<vmem>>
        %dma_wait3A_505 = arith.constant 0 : i32
        %dma_wait3A_506 = tpu.memref_slice %arg8[%dma_wait3A_499, %dma_wait3A_505] : memref<40x128xi32, #tpu.memory_space<vmem>> -> memref<1x128xi32, #tpu.memory_space<vmem>>
        %dma_wait3A_507 = tpu.memref_squeeze %dma_wait3A_506 : memref<1x128xi32, #tpu.memory_space<vmem>> -> memref<128xi32, #tpu.memory_space<vmem>>
        %dma_wait3A_508 = arith.constant 0 : i32
        %dma_wait3A_509 = arith.constant 0 : i32
        %dma_wait3A_510 = tpu.memref_slice %arg10[%dma_wait3A_508, %dma_wait3A_509] : memref<10240x32xf32, #tpu.memory_space<vmem_shared>> -> memref<10240x32xf32, #tpu.memory_space<vmem_shared>>
        %dma_wait3A_511 = tpu.memref_slice %arg12[%dma_wait3A_500] : memref<2x!tpu.dma_semaphore, #tpu.memory_space<semaphore_mem>> -> memref<1x!tpu.dma_semaphore, #tpu.memory_space<semaphore_mem>>
        %dma_wait3A_512 = tpu.memref_squeeze %dma_wait3A_511 : memref<1x!tpu.dma_semaphore, #tpu.memory_space<semaphore_mem>> -> memref<!tpu.dma_semaphore, #tpu.memory_space<semaphore_mem>>
        tpu.wait_indirect_dma semaphore(%dma_wait3A_512 : memref<!tpu.dma_semaphore, #tpu.memory_space<semaphore_mem>>) src(%dma_wait3A_504 : memref<128x32xf32, #tpu.memory_space<vmem>>) dst(%dma_wait3A_510 : memref<10240x32xf32, #tpu.memory_space<vmem_shared>>)
      } else {
      }
      %add3A_366 = arith.constant 1 : i32
      %add3A_367 = arith.addi %add3A_296, %add3A_366 : i32
      %lt3A_368 = arith.constant 10 : i32
      %lt3A_369 = arith.cmpi slt, %add3A_367, %lt3A_368 : i32
      %convert_element_type3A_370 = arith.extui %lt3A_369 : i1 to i32
      %cond3A_371 = arith.constant 0 : i32
      %cond3A_372 = arith.cmpi ne, %convert_element_type3A_370, %cond3A_371 : i32
      scf.if %cond3A_372 {
        %add3A_449 = arith.constant 1 : i32
        %add3A_450 = arith.addi %add3A_296, %add3A_449 : i32
        %mul3A_451 = arith.constant 4 : i32
        %mul3A_452 = arith.muli %add3A_450, %mul3A_451 : i32
        %add3A_453 = arith.constant 0 : i32
        %add3A_454 = arith.addi %mul3A_452, %add3A_453 : i32
        %dma_start3A_455 = arith.constant 0 : i32
        %dma_start3A_456 = arith.constant 0 : i32
        %dma_start3A_457 = arith.constant 0 : i32
        %dma_start3A_458 = arith.constant 0 : i32
        %dma_start3A_459 = arith.constant 0 : i32
        %dma_start3A_460 = tpu.memref_slice %arg9[%dma_start3A_455, %dma_start3A_456, %dma_start3A_458, %dma_start3A_459] : memref<2x4x128x32xf32, #tpu.memory_space<vmem>> -> memref<1x1x128x32xf32, #tpu.memory_space<vmem>>
        %dma_start3A_461 = tpu.memref_squeeze %dma_start3A_460 : memref<1x1x128x32xf32, #tpu.memory_space<vmem>> -> memref<128x32xf32, #tpu.memory_space<vmem>>
        %dma_start3A_462 = arith.constant 0 : i32
        %dma_start3A_463 = tpu.memref_slice %arg7[%add3A_454, %dma_start3A_462] : memref<40x128xi32, #tpu.memory_space<vmem>> -> memref<1x128xi32, #tpu.memory_space<vmem>>
        %dma_start3A_464 = tpu.memref_squeeze %dma_start3A_463 : memref<1x128xi32, #tpu.memory_space<vmem>> -> memref<128xi32, #tpu.memory_space<vmem>>
        %dma_start3A_465 = arith.constant 0 : i32
        %dma_start3A_466 = arith.constant 0 : i32
        %dma_start3A_467 = tpu.memref_slice %arg2[%dma_start3A_465, %dma_start3A_466] : memref<10000x32xf32, #tpu.memory_space<hbm>> -> memref<10000x32xf32, #tpu.memory_space<hbm>>
        %dma_start3A_468 = tpu.memref_slice %arg11[%dma_start3A_457] : memref<2x!tpu.dma_semaphore, #tpu.memory_space<semaphore_mem>> -> memref<1x!tpu.dma_semaphore, #tpu.memory_space<semaphore_mem>>
        %dma_start3A_469 = tpu.memref_squeeze %dma_start3A_468 : memref<1x!tpu.dma_semaphore, #tpu.memory_space<semaphore_mem>> -> memref<!tpu.dma_semaphore, #tpu.memory_space<semaphore_mem>>
        tpu.enqueue_indirect_dma source(%dma_start3A_467 : memref<10000x32xf32, #tpu.memory_space<hbm>>) target(%dma_start3A_461 : memref<128x32xf32, #tpu.memory_space<vmem>>) offsets(%dma_start3A_464 : memref<128xi32, #tpu.memory_space<vmem>>) semaphore(%dma_start3A_469 : memref<!tpu.dma_semaphore, #tpu.memory_space<semaphore_mem>>)
        %mul3A_470 = arith.constant 4 : i32
        %mul3A_471 = arith.muli %add3A_450, %mul3A_470 : i32
        %add3A_472 = arith.constant 1 : i32
        %add3A_473 = arith.addi %mul3A_471, %add3A_472 : i32
        %dma_start3A_474 = arith.constant 0 : i32
        %dma_start3A_475 = arith.constant 1 : i32
        %dma_start3A_476 = arith.constant 0 : i32
        %dma_start3A_477 = arith.constant 0 : i32
        %dma_start3A_478 = arith.constant 0 : i32
        %dma_start3A_479 = tpu.memref_slice %arg9[%dma_start3A_474, %dma_start3A_475, %dma_start3A_477, %dma_start3A_478] : memref<2x4x128x32xf32, #tpu.memory_space<vmem>> -> memref<1x1x128x32xf32, #tpu.memory_space<vmem>>
        %dma_start3A_480 = tpu.memref_squeeze %dma_start3A_479 : memref<1x1x128x32xf32, #tpu.memory_space<vmem>> -> memref<128x32xf32, #tpu.memory_space<vmem>>
        %dma_start3A_481 = arith.constant 0 : i32
        %dma_start3A_482 = tpu.memref_slice %arg7[%add3A_473, %dma_start3A_481] : memref<40x128xi32, #tpu.memory_space<vmem>> -> memref<1x128xi32, #tpu.memory_space<vmem>>
        %dma_start3A_483 = tpu.memref_squeeze %dma_start3A_482 : memref<1x128xi32, #tpu.memory_space<vmem>> -> memref<128xi32, #tpu.memory_space<vmem>>
        %dma_start3A_484 = arith.constant 0 : i32
        %dma_start3A_485 = arith.constant 0 : i32
        %dma_start3A_486 = tpu.memref_slice %arg2[%dma_start3A_484, %dma_start3A_485] : memref<10000x32xf32, #tpu.memory_space<hbm>> -> memref<10000x32xf32, #tpu.memory_space<hbm>>
        %dma_start3A_487 = tpu.memref_slice %arg11[%dma_start3A_476] : memref<2x!tpu.dma_semaphore, #tpu.memory_space<semaphore_mem>> -> memref<1x!tpu.dma_semaphore, #tpu.memory_space<semaphore_mem>>
        %dma_start3A_488 = tpu.memref_squeeze %dma_start3A_487 : memref<1x!tpu.dma_semaphore, #tpu.memory_space<semaphore_mem>> -> memref<!tpu.dma_semaphore, #tpu.memory_space<semaphore_mem>>
        tpu.enqueue_indirect_dma source(%dma_start3A_486 : memref<10000x32xf32, #tpu.memory_space<hbm>>) target(%dma_start3A_480 : memref<128x32xf32, #tpu.memory_space<vmem>>) offsets(%dma_start3A_483 : memref<128xi32, #tpu.memory_space<vmem>>) semaphore(%dma_start3A_488 : memref<!tpu.dma_semaphore, #tpu.memory_space<semaphore_mem>>)
        %mul3A_489 = arith.constant 4 : i32
        %mul3A_490 = arith.muli %add3A_450, %mul3A_489 : i32
        %add3A_491 = arith.constant 2 : i32
        %add3A_492 = arith.addi %mul3A_490, %add3A_491 : i32
        %dma_start3A_493 = arith.constant 0 : i32
        %dma_start3A_494 = arith.constant 2 : i32
        %dma_start3A_495 = arith.constant 0 : i32
        %dma_start3A_496 = arith.constant 0 : i32
        %dma_start3A_497 = arith.constant 0 : i32
        %dma_start3A_498 = tpu.memref_slice %arg9[%dma_start3A_493, %dma_start3A_494, %dma_start3A_496, %dma_start3A_497] : memref<2x4x128x32xf32, #tpu.memory_space<vmem>> -> memref<1x1x128x32xf32, #tpu.memory_space<vmem>>
        %dma_start3A_499 = tpu.memref_squeeze %dma_start3A_498 : memref<1x1x128x32xf32, #tpu.memory_space<vmem>> -> memref<128x32xf32, #tpu.memory_space<vmem>>
        %dma_start3A_500 = arith.constant 0 : i32
        %dma_start3A_501 = tpu.memref_slice %arg7[%add3A_492, %dma_start3A_500] : memref<40x128xi32, #tpu.memory_space<vmem>> -> memref<1x128xi32, #tpu.memory_space<vmem>>
        %dma_start3A_502 = tpu.memref_squeeze %dma_start3A_501 : memref<1x128xi32, #tpu.memory_space<vmem>> -> memref<128xi32, #tpu.memory_space<vmem>>
        %dma_start3A_503 = arith.constant 0 : i32
        %dma_start3A_504 = arith.constant 0 : i32
        %dma_start3A_505 = tpu.memref_slice %arg2[%dma_start3A_503, %dma_start3A_504] : memref<10000x32xf32, #tpu.memory_space<hbm>> -> memref<10000x32xf32, #tpu.memory_space<hbm>>
        %dma_start3A_506 = tpu.memref_slice %arg11[%dma_start3A_495] : memref<2x!tpu.dma_semaphore, #tpu.memory_space<semaphore_mem>> -> memref<1x!tpu.dma_semaphore, #tpu.memory_space<semaphore_mem>>
        %dma_start3A_507 = tpu.memref_squeeze %dma_start3A_506 : memref<1x!tpu.dma_semaphore, #tpu.memory_space<semaphore_mem>> -> memref<!tpu.dma_semaphore, #tpu.memory_space<semaphore_mem>>
        tpu.enqueue_indirect_dma source(%dma_start3A_505 : memref<10000x32xf32, #tpu.memory_space<hbm>>) target(%dma_start3A_499 : memref<128x32xf32, #tpu.memory_space<vmem>>) offsets(%dma_start3A_502 : memref<128xi32, #tpu.memory_space<vmem>>) semaphore(%dma_start3A_507 : memref<!tpu.dma_semaphore, #tpu.memory_space<semaphore_mem>>)
        %mul3A_508 = arith.constant 4 : i32
        %mul3A_509 = arith.muli %add3A_450, %mul3A_508 : i32
        %add3A_510 = arith.constant 3 : i32
        %add3A_511 = arith.addi %mul3A_509, %add3A_510 : i32
        %dma_start3A_512 = arith.constant 0 : i32
        %dma_start3A_513 = arith.constant 3 : i32
        %dma_start3A_514 = arith.constant 0 : i32
        %dma_start3A_515 = arith.constant 0 : i32
        %dma_start3A_516 = arith.constant 0 : i32
        %dma_start3A_517 = tpu.memref_slice %arg9[%dma_start3A_512, %dma_start3A_513, %dma_start3A_515, %dma_start3A_516] : memref<2x4x128x32xf32, #tpu.memory_space<vmem>> -> memref<1x1x128x32xf32, #tpu.memory_space<vmem>>
        %dma_start3A_518 = tpu.memref_squeeze %dma_start3A_517 : memref<1x1x128x32xf32, #tpu.memory_space<vmem>> -> memref<128x32xf32, #tpu.memory_space<vmem>>
        %dma_start3A_519 = arith.constant 0 : i32
        %dma_start3A_520 = tpu.memref_slice %arg7[%add3A_511, %dma_start3A_519] : memref<40x128xi32, #tpu.memory_space<vmem>> -> memref<1x128xi32, #tpu.memory_space<vmem>>
        %dma_start3A_521 = tpu.memref_squeeze %dma_start3A_520 : memref<1x128xi32, #tpu.memory_space<vmem>> -> memref<128xi32, #tpu.memory_space<vmem>>
        %dma_start3A_522 = arith.constant 0 : i32
        %dma_start3A_523 = arith.constant 0 : i32
        %dma_start3A_524 = tpu.memref_slice %arg2[%dma_start3A_522, %dma_start3A_523] : memref<10000x32xf32, #tpu.memory_space<hbm>> -> memref<10000x32xf32, #tpu.memory_space<hbm>>
        %dma_start3A_525 = tpu.memref_slice %arg11[%dma_start3A_514] : memref<2x!tpu.dma_semaphore, #tpu.memory_space<semaphore_mem>> -> memref<1x!tpu.dma_semaphore, #tpu.memory_space<semaphore_mem>>
        %dma_start3A_526 = tpu.memref_squeeze %dma_start3A_525 : memref<1x!tpu.dma_semaphore, #tpu.memory_space<semaphore_mem>> -> memref<!tpu.dma_semaphore, #tpu.memory_space<semaphore_mem>>
        tpu.enqueue_indirect_dma source(%dma_start3A_524 : memref<10000x32xf32, #tpu.memory_space<hbm>>) target(%dma_start3A_518 : memref<128x32xf32, #tpu.memory_space<vmem>>) offsets(%dma_start3A_521 : memref<128xi32, #tpu.memory_space<vmem>>) semaphore(%dma_start3A_526 : memref<!tpu.dma_semaphore, #tpu.memory_space<semaphore_mem>>)
      } else {
      }
      %mul3A_373 = arith.constant 4 : i32
      %mul3A_374 = arith.muli %add3A_296, %mul3A_373 : i32
      %add3A_375 = arith.constant 0 : i32
      %add3A_376 = arith.addi %mul3A_374, %add3A_375 : i32
      %dma_start3A_377 = arith.constant 1 : i32
      %dma_start3A_378 = arith.constant 0 : i32
      %dma_start3A_379 = arith.constant 1 : i32
      %dma_start3A_380 = arith.constant 0 : i32
      %dma_start3A_381 = arith.constant 0 : i32
      %dma_start3A_382 = tpu.memref_slice %arg9[%dma_start3A_377, %dma_start3A_378, %dma_start3A_380, %dma_start3A_381] : memref<2x4x128x32xf32, #tpu.memory_space<vmem>> -> memref<1x1x128x32xf32, #tpu.memory_space<vmem>>
      %dma_start3A_383 = tpu.memref_squeeze %dma_start3A_382 : memref<1x1x128x32xf32, #tpu.memory_space<vmem>> -> memref<128x32xf32, #tpu.memory_space<vmem>>
      %dma_start3A_384 = arith.constant 0 : i32
      %dma_start3A_385 = tpu.memref_slice %arg8[%add3A_376, %dma_start3A_384] : memref<40x128xi32, #tpu.memory_space<vmem>> -> memref<1x128xi32, #tpu.memory_space<vmem>>
      %dma_start3A_386 = tpu.memref_squeeze %dma_start3A_385 : memref<1x128xi32, #tpu.memory_space<vmem>> -> memref<128xi32, #tpu.memory_space<vmem>>
      %dma_start3A_387 = arith.constant 0 : i32
      %dma_start3A_388 = arith.constant 0 : i32
      %dma_start3A_389 = tpu.memref_slice %arg10[%dma_start3A_387, %dma_start3A_388] : memref<10240x32xf32, #tpu.memory_space<vmem_shared>> -> memref<10240x32xf32, #tpu.memory_space<vmem_shared>>
      %dma_start3A_390 = tpu.memref_slice %arg12[%dma_start3A_379] : memref<2x!tpu.dma_semaphore, #tpu.memory_space<semaphore_mem>> -> memref<1x!tpu.dma_semaphore, #tpu.memory_space<semaphore_mem>>
      %dma_start3A_391 = tpu.memref_squeeze %dma_start3A_390 : memref<1x!tpu.dma_semaphore, #tpu.memory_space<semaphore_mem>> -> memref<!tpu.dma_semaphore, #tpu.memory_space<semaphore_mem>>
      tpu.enqueue_indirect_dma source(%dma_start3A_383 : memref<128x32xf32, #tpu.memory_space<vmem>>) target(%dma_start3A_389 : memref<10240x32xf32, #tpu.memory_space<vmem_shared>>) offsets(%dma_start3A_386 : memref<128xi32, #tpu.memory_space<vmem>>) semaphore(%dma_start3A_391 : memref<!tpu.dma_semaphore, #tpu.memory_space<semaphore_mem>>) {add = true}
      %mul3A_392 = arith.constant 4 : i32
      %mul3A_393 = arith.muli %add3A_296, %mul3A_392 : i32
      %add3A_394 = arith.constant 1 : i32
      %add3A_395 = arith.addi %mul3A_393, %add3A_394 : i32
      %dma_start3A_396 = arith.constant 1 : i32
      %dma_start3A_397 = arith.constant 1 : i32
      %dma_start3A_398 = arith.constant 1 : i32
      %dma_start3A_399 = arith.constant 0 : i32
      %dma_start3A_400 = arith.constant 0 : i32
      %dma_start3A_401 = tpu.memref_slice %arg9[%dma_start3A_396, %dma_start3A_397, %dma_start3A_399, %dma_start3A_400] : memref<2x4x128x32xf32, #tpu.memory_space<vmem>> -> memref<1x1x128x32xf32, #tpu.memory_space<vmem>>
      %dma_start3A_402 = tpu.memref_squeeze %dma_start3A_401 : memref<1x1x128x32xf32, #tpu.memory_space<vmem>> -> memref<128x32xf32, #tpu.memory_space<vmem>>
      %dma_start3A_403 = arith.constant 0 : i32
      %dma_start3A_404 = tpu.memref_slice %arg8[%add3A_395, %dma_start3A_403] : memref<40x128xi32, #tpu.memory_space<vmem>> -> memref<1x128xi32, #tpu.memory_space<vmem>>
      %dma_start3A_405 = tpu.memref_squeeze %dma_start3A_404 : memref<1x128xi32, #tpu.memory_space<vmem>> -> memref<128xi32, #tpu.memory_space<vmem>>
      %dma_start3A_406 = arith.constant 0 : i32
      %dma_start3A_407 = arith.constant 0 : i32
      %dma_start3A_408 = tpu.memref_slice %arg10[%dma_start3A_406, %dma_start3A_407] : memref<10240x32xf32, #tpu.memory_space<vmem_shared>> -> memref<10240x32xf32, #tpu.memory_space<vmem_shared>>
      %dma_start3A_409 = tpu.memref_slice %arg12[%dma_start3A_398] : memref<2x!tpu.dma_semaphore, #tpu.memory_space<semaphore_mem>> -> memref<1x!tpu.dma_semaphore, #tpu.memory_space<semaphore_mem>>
      %dma_start3A_410 = tpu.memref_squeeze %dma_start3A_409 : memref<1x!tpu.dma_semaphore, #tpu.memory_space<semaphore_mem>> -> memref<!tpu.dma_semaphore, #tpu.memory_space<semaphore_mem>>
      tpu.enqueue_indirect_dma source(%dma_start3A_402 : memref<128x32xf32, #tpu.memory_space<vmem>>) target(%dma_start3A_408 : memref<10240x32xf32, #tpu.memory_space<vmem_shared>>) offsets(%dma_start3A_405 : memref<128xi32, #tpu.memory_space<vmem>>) semaphore(%dma_start3A_410 : memref<!tpu.dma_semaphore, #tpu.memory_space<semaphore_mem>>) {add = true}
      %mul3A_411 = arith.constant 4 : i32
      %mul3A_412 = arith.muli %add3A_296, %mul3A_411 : i32
      %add3A_413 = arith.constant 2 : i32
      %add3A_414 = arith.addi %mul3A_412, %add3A_413 : i32
      %dma_start3A_415 = arith.constant 1 : i32
      %dma_start3A_416 = arith.constant 2 : i32
      %dma_start3A_417 = arith.constant 1 : i32
      %dma_start3A_418 = arith.constant 0 : i32
      %dma_start3A_419 = arith.constant 0 : i32
      %dma_start3A_420 = tpu.memref_slice %arg9[%dma_start3A_415, %dma_start3A_416, %dma_start3A_418, %dma_start3A_419] : memref<2x4x128x32xf32, #tpu.memory_space<vmem>> -> memref<1x1x128x32xf32, #tpu.memory_space<vmem>>
      %dma_start3A_421 = tpu.memref_squeeze %dma_start3A_420 : memref<1x1x128x32xf32, #tpu.memory_space<vmem>> -> memref<128x32xf32, #tpu.memory_space<vmem>>
      %dma_start3A_422 = arith.constant 0 : i32
      %dma_start3A_423 = tpu.memref_slice %arg8[%add3A_414, %dma_start3A_422] : memref<40x128xi32, #tpu.memory_space<vmem>> -> memref<1x128xi32, #tpu.memory_space<vmem>>
      %dma_start3A_424 = tpu.memref_squeeze %dma_start3A_423 : memref<1x128xi32, #tpu.memory_space<vmem>> -> memref<128xi32, #tpu.memory_space<vmem>>
      %dma_start3A_425 = arith.constant 0 : i32
      %dma_start3A_426 = arith.constant 0 : i32
      %dma_start3A_427 = tpu.memref_slice %arg10[%dma_start3A_425, %dma_start3A_426] : memref<10240x32xf32, #tpu.memory_space<vmem_shared>> -> memref<10240x32xf32, #tpu.memory_space<vmem_shared>>
      %dma_start3A_428 = tpu.memref_slice %arg12[%dma_start3A_417] : memref<2x!tpu.dma_semaphore, #tpu.memory_space<semaphore_mem>> -> memref<1x!tpu.dma_semaphore, #tpu.memory_space<semaphore_mem>>
      %dma_start3A_429 = tpu.memref_squeeze %dma_start3A_428 : memref<1x!tpu.dma_semaphore, #tpu.memory_space<semaphore_mem>> -> memref<!tpu.dma_semaphore, #tpu.memory_space<semaphore_mem>>
      tpu.enqueue_indirect_dma source(%dma_start3A_421 : memref<128x32xf32, #tpu.memory_space<vmem>>) target(%dma_start3A_427 : memref<10240x32xf32, #tpu.memory_space<vmem_shared>>) offsets(%dma_start3A_424 : memref<128xi32, #tpu.memory_space<vmem>>) semaphore(%dma_start3A_429 : memref<!tpu.dma_semaphore, #tpu.memory_space<semaphore_mem>>) {add = true}
      %mul3A_430 = arith.constant 4 : i32
      %mul3A_431 = arith.muli %add3A_296, %mul3A_430 : i32
      %add3A_432 = arith.constant 3 : i32
      %add3A_433 = arith.addi %mul3A_431, %add3A_432 : i32
      %dma_start3A_434 = arith.constant 1 : i32
      %dma_start3A_435 = arith.constant 3 : i32
      %dma_start3A_436 = arith.constant 1 : i32
      %dma_start3A_437 = arith.constant 0 : i32
      %dma_start3A_438 = arith.constant 0 : i32
      %dma_start3A_439 = tpu.memref_slice %arg9[%dma_start3A_434, %dma_start3A_435, %dma_start3A_437, %dma_start3A_438] : memref<2x4x128x32xf32, #tpu.memory_space<vmem>> -> memref<1x1x128x32xf32, #tpu.memory_space<vmem>>
      %dma_start3A_440 = tpu.memref_squeeze %dma_start3A_439 : memref<1x1x128x32xf32, #tpu.memory_space<vmem>> -> memref<128x32xf32, #tpu.memory_space<vmem>>
      %dma_start3A_441 = arith.constant 0 : i32
      %dma_start3A_442 = tpu.memref_slice %arg8[%add3A_433, %dma_start3A_441] : memref<40x128xi32, #tpu.memory_space<vmem>> -> memref<1x128xi32, #tpu.memory_space<vmem>>
      %dma_start3A_443 = tpu.memref_squeeze %dma_start3A_442 : memref<1x128xi32, #tpu.memory_space<vmem>> -> memref<128xi32, #tpu.memory_space<vmem>>
      %dma_start3A_444 = arith.constant 0 : i32
      %dma_start3A_445 = arith.constant 0 : i32
      %dma_start3A_446 = tpu.memref_slice %arg10[%dma_start3A_444, %dma_start3A_445] : memref<10240x32xf32, #tpu.memory_space<vmem_shared>> -> memref<10240x32xf32, #tpu.memory_space<vmem_shared>>
      %dma_start3A_447 = tpu.memref_slice %arg12[%dma_start3A_436] : memref<2x!tpu.dma_semaphore, #tpu.memory_space<semaphore_mem>> -> memref<1x!tpu.dma_semaphore, #tpu.memory_space<semaphore_mem>>
      %dma_start3A_448 = tpu.memref_squeeze %dma_start3A_447 : memref<1x!tpu.dma_semaphore, #tpu.memory_space<semaphore_mem>> -> memref<!tpu.dma_semaphore, #tpu.memory_space<semaphore_mem>>
      tpu.enqueue_indirect_dma source(%dma_start3A_440 : memref<128x32xf32, #tpu.memory_space<vmem>>) target(%dma_start3A_446 : memref<10240x32xf32, #tpu.memory_space<vmem_shared>>) offsets(%dma_start3A_443 : memref<128xi32, #tpu.memory_space<vmem>>) semaphore(%dma_start3A_448 : memref<!tpu.dma_semaphore, #tpu.memory_space<semaphore_mem>>) {add = true}
    }
    %scan3A_69 = arith.constant 5 : i32
    %dma_wait3A = arith.constant 1 : i32
    %dma_wait3A_70 = arith.constant 0 : i32
    %dma_wait3A_71 = arith.constant 0 : i32
    %dma_wait3A_72 = arith.constant 1 : i32
    %dma_wait3A_73 = arith.constant 0 : i32
    %dma_wait3A_74 = arith.constant 0 : i32
    %dma_wait3A_75 = tpu.memref_slice %arg9[%dma_wait3A, %dma_wait3A_70, %dma_wait3A_73, %dma_wait3A_74] : memref<2x4x128x32xf32, #tpu.memory_space<vmem>> -> memref<1x1x128x32xf32, #tpu.memory_space<vmem>>
    %dma_wait3A_76 = tpu.memref_squeeze %dma_wait3A_75 : memref<1x1x128x32xf32, #tpu.memory_space<vmem>> -> memref<128x32xf32, #tpu.memory_space<vmem>>
    %dma_wait3A_77 = arith.constant 0 : i32
    %dma_wait3A_78 = tpu.memref_slice %arg8[%dma_wait3A_71, %dma_wait3A_77] : memref<40x128xi32, #tpu.memory_space<vmem>> -> memref<1x128xi32, #tpu.memory_space<vmem>>
    %dma_wait3A_79 = tpu.memref_squeeze %dma_wait3A_78 : memref<1x128xi32, #tpu.memory_space<vmem>> -> memref<128xi32, #tpu.memory_space<vmem>>
    %dma_wait3A_80 = arith.constant 0 : i32
    %dma_wait3A_81 = arith.constant 0 : i32
    %dma_wait3A_82 = tpu.memref_slice %arg10[%dma_wait3A_80, %dma_wait3A_81] : memref<10240x32xf32, #tpu.memory_space<vmem_shared>> -> memref<10240x32xf32, #tpu.memory_space<vmem_shared>>
    %dma_wait3A_83 = tpu.memref_slice %arg12[%dma_wait3A_72] : memref<2x!tpu.dma_semaphore, #tpu.memory_space<semaphore_mem>> -> memref<1x!tpu.dma_semaphore, #tpu.memory_space<semaphore_mem>>
    %dma_wait3A_84 = tpu.memref_squeeze %dma_wait3A_83 : memref<1x!tpu.dma_semaphore, #tpu.memory_space<semaphore_mem>> -> memref<!tpu.dma_semaphore, #tpu.memory_space<semaphore_mem>>
    tpu.wait_indirect_dma semaphore(%dma_wait3A_84 : memref<!tpu.dma_semaphore, #tpu.memory_space<semaphore_mem>>) src(%dma_wait3A_76 : memref<128x32xf32, #tpu.memory_space<vmem>>) dst(%dma_wait3A_82 : memref<10240x32xf32, #tpu.memory_space<vmem_shared>>)
    %dma_wait3A_85 = arith.constant 1 : i32
    %dma_wait3A_86 = arith.constant 1 : i32
    %dma_wait3A_87 = arith.constant 0 : i32
    %dma_wait3A_88 = arith.constant 1 : i32
    %dma_wait3A_89 = arith.constant 0 : i32
    %dma_wait3A_90 = arith.constant 0 : i32
    %dma_wait3A_91 = tpu.memref_slice %arg9[%dma_wait3A_85, %dma_wait3A_86, %dma_wait3A_89, %dma_wait3A_90] : memref<2x4x128x32xf32, #tpu.memory_space<vmem>> -> memref<1x1x128x32xf32, #tpu.memory_space<vmem>>
    %dma_wait3A_92 = tpu.memref_squeeze %dma_wait3A_91 : memref<1x1x128x32xf32, #tpu.memory_space<vmem>> -> memref<128x32xf32, #tpu.memory_space<vmem>>
    %dma_wait3A_93 = arith.constant 0 : i32
    %dma_wait3A_94 = tpu.memref_slice %arg8[%dma_wait3A_87, %dma_wait3A_93] : memref<40x128xi32, #tpu.memory_space<vmem>> -> memref<1x128xi32, #tpu.memory_space<vmem>>
    %dma_wait3A_95 = tpu.memref_squeeze %dma_wait3A_94 : memref<1x128xi32, #tpu.memory_space<vmem>> -> memref<128xi32, #tpu.memory_space<vmem>>
    %dma_wait3A_96 = arith.constant 0 : i32
    %dma_wait3A_97 = arith.constant 0 : i32
    %dma_wait3A_98 = tpu.memref_slice %arg10[%dma_wait3A_96, %dma_wait3A_97] : memref<10240x32xf32, #tpu.memory_space<vmem_shared>> -> memref<10240x32xf32, #tpu.memory_space<vmem_shared>>
    %dma_wait3A_99 = tpu.memref_slice %arg12[%dma_wait3A_88] : memref<2x!tpu.dma_semaphore, #tpu.memory_space<semaphore_mem>> -> memref<1x!tpu.dma_semaphore, #tpu.memory_space<semaphore_mem>>
    %dma_wait3A_100 = tpu.memref_squeeze %dma_wait3A_99 : memref<1x!tpu.dma_semaphore, #tpu.memory_space<semaphore_mem>> -> memref<!tpu.dma_semaphore, #tpu.memory_space<semaphore_mem>>
    tpu.wait_indirect_dma semaphore(%dma_wait3A_100 : memref<!tpu.dma_semaphore, #tpu.memory_space<semaphore_mem>>) src(%dma_wait3A_92 : memref<128x32xf32, #tpu.memory_space<vmem>>) dst(%dma_wait3A_98 : memref<10240x32xf32, #tpu.memory_space<vmem_shared>>)
    %dma_wait3A_101 = arith.constant 1 : i32
    %dma_wait3A_102 = arith.constant 2 : i32
    %dma_wait3A_103 = arith.constant 0 : i32
    %dma_wait3A_104 = arith.constant 1 : i32
    %dma_wait3A_105 = arith.constant 0 : i32
    %dma_wait3A_106 = arith.constant 0 : i32
    %dma_wait3A_107 = tpu.memref_slice %arg9[%dma_wait3A_101, %dma_wait3A_102, %dma_wait3A_105, %dma_wait3A_106] : memref<2x4x128x32xf32, #tpu.memory_space<vmem>> -> memref<1x1x128x32xf32, #tpu.memory_space<vmem>>
    %dma_wait3A_108 = tpu.memref_squeeze %dma_wait3A_107 : memref<1x1x128x32xf32, #tpu.memory_space<vmem>> -> memref<128x32xf32, #tpu.memory_space<vmem>>
    %dma_wait3A_109 = arith.constant 0 : i32
    %dma_wait3A_110 = tpu.memref_slice %arg8[%dma_wait3A_103, %dma_wait3A_109] : memref<40x128xi32, #tpu.memory_space<vmem>> -> memref<1x128xi32, #tpu.memory_space<vmem>>
    %dma_wait3A_111 = tpu.memref_squeeze %dma_wait3A_110 : memref<1x128xi32, #tpu.memory_space<vmem>> -> memref<128xi32, #tpu.memory_space<vmem>>
    %dma_wait3A_112 = arith.constant 0 : i32
    %dma_wait3A_113 = arith.constant 0 : i32
    %dma_wait3A_114 = tpu.memref_slice %arg10[%dma_wait3A_112, %dma_wait3A_113] : memref<10240x32xf32, #tpu.memory_space<vmem_shared>> -> memref<10240x32xf32, #tpu.memory_space<vmem_shared>>
    %dma_wait3A_115 = tpu.memref_slice %arg12[%dma_wait3A_104] : memref<2x!tpu.dma_semaphore, #tpu.memory_space<semaphore_mem>> -> memref<1x!tpu.dma_semaphore, #tpu.memory_space<semaphore_mem>>
    %dma_wait3A_116 = tpu.memref_squeeze %dma_wait3A_115 : memref<1x!tpu.dma_semaphore, #tpu.memory_space<semaphore_mem>> -> memref<!tpu.dma_semaphore, #tpu.memory_space<semaphore_mem>>
    tpu.wait_indirect_dma semaphore(%dma_wait3A_116 : memref<!tpu.dma_semaphore, #tpu.memory_space<semaphore_mem>>) src(%dma_wait3A_108 : memref<128x32xf32, #tpu.memory_space<vmem>>) dst(%dma_wait3A_114 : memref<10240x32xf32, #tpu.memory_space<vmem_shared>>)
    %dma_wait3A_117 = arith.constant 1 : i32
    %dma_wait3A_118 = arith.constant 3 : i32
    %dma_wait3A_119 = arith.constant 0 : i32
    %dma_wait3A_120 = arith.constant 1 : i32
    %dma_wait3A_121 = arith.constant 0 : i32
    %dma_wait3A_122 = arith.constant 0 : i32
    %dma_wait3A_123 = tpu.memref_slice %arg9[%dma_wait3A_117, %dma_wait3A_118, %dma_wait3A_121, %dma_wait3A_122] : memref<2x4x128x32xf32, #tpu.memory_space<vmem>> -> memref<1x1x128x32xf32, #tpu.memory_space<vmem>>
    %dma_wait3A_124 = tpu.memref_squeeze %dma_wait3A_123 : memref<1x1x128x32xf32, #tpu.memory_space<vmem>> -> memref<128x32xf32, #tpu.memory_space<vmem>>
    %dma_wait3A_125 = arith.constant 0 : i32
    %dma_wait3A_126 = tpu.memref_slice %arg8[%dma_wait3A_119, %dma_wait3A_125] : memref<40x128xi32, #tpu.memory_space<vmem>> -> memref<1x128xi32, #tpu.memory_space<vmem>>
    %dma_wait3A_127 = tpu.memref_squeeze %dma_wait3A_126 : memref<1x128xi32, #tpu.memory_space<vmem>> -> memref<128xi32, #tpu.memory_space<vmem>>
    %dma_wait3A_128 = arith.constant 0 : i32
    %dma_wait3A_129 = arith.constant 0 : i32
    %dma_wait3A_130 = tpu.memref_slice %arg10[%dma_wait3A_128, %dma_wait3A_129] : memref<10240x32xf32, #tpu.memory_space<vmem_shared>> -> memref<10240x32xf32, #tpu.memory_space<vmem_shared>>
    %dma_wait3A_131 = tpu.memref_slice %arg12[%dma_wait3A_120] : memref<2x!tpu.dma_semaphore, #tpu.memory_space<semaphore_mem>> -> memref<1x!tpu.dma_semaphore, #tpu.memory_space<semaphore_mem>>
    %dma_wait3A_132 = tpu.memref_squeeze %dma_wait3A_131 : memref<1x!tpu.dma_semaphore, #tpu.memory_space<semaphore_mem>> -> memref<!tpu.dma_semaphore, #tpu.memory_space<semaphore_mem>>
    tpu.wait_indirect_dma semaphore(%dma_wait3A_132 : memref<!tpu.dma_semaphore, #tpu.memory_space<semaphore_mem>>) src(%dma_wait3A_124 : memref<128x32xf32, #tpu.memory_space<vmem>>) dst(%dma_wait3A_130 : memref<10240x32xf32, #tpu.memory_space<vmem_shared>>)
    %barrier3A_133 = arith.constant 0 : index
    tpu.barrier barrier_id(%barrier3A_133)
    %mul3A_134 = arith.constant 640 : i32
    %mul3A_135 = arith.muli %arg1, %mul3A_134 : i32
    %mul3A_136 = arith.constant 640 : i32
    %mul3A_137 = arith.muli %arg1, %mul3A_136 : i32
    "tpu.region"() ({
      %run_scoped3A = tpu.sem_alloc : memref<!tpu.dma_semaphore, #tpu.memory_space<semaphore_mem>>
      %dma_start3A_138 = arith.constant 0 : i32
      %dma_start3A_139 = tpu.memref_slice %arg6[%arg0, %mul3A_137, %dma_start3A_138] : memref<2x10240x32xf32, #tpu.memory_space<hbm>> -> memref<1x640x32xf32, #tpu.memory_space<hbm>>
      %dma_start3A_140 = tpu.memref_squeeze %dma_start3A_139 : memref<1x640x32xf32, #tpu.memory_space<hbm>> -> memref<640x32xf32, #tpu.memory_space<hbm>>
      %dma_start3A_141 = arith.constant 0 : i32
      %dma_start3A_142 = tpu.memref_slice %arg10[%mul3A_135, %dma_start3A_141] : memref<10240x32xf32, #tpu.memory_space<vmem_shared>> -> memref<640x32xf32, #tpu.memory_space<vmem_shared>>
      tpu.enqueue_dma source(%dma_start3A_142 : memref<640x32xf32, #tpu.memory_space<vmem_shared>>) target(%dma_start3A_140 : memref<640x32xf32, #tpu.memory_space<hbm>>) target_semaphore(%run_scoped3A : memref<!tpu.dma_semaphore, #tpu.memory_space<semaphore_mem>>)
      %dma_wait3A_143 = arith.constant 0 : i32
      %dma_wait3A_144 = tpu.memref_slice %arg6[%arg0, %mul3A_137, %dma_wait3A_143] : memref<2x10240x32xf32, #tpu.memory_space<hbm>> -> memref<1x640x32xf32, #tpu.memory_space<hbm>>
      %dma_wait3A_145 = tpu.memref_squeeze %dma_wait3A_144 : memref<1x640x32xf32, #tpu.memory_space<hbm>> -> memref<640x32xf32, #tpu.memory_space<hbm>>
      %dma_wait3A_146 = arith.constant 0 : i32
      %dma_wait3A_147 = tpu.memref_slice %arg10[%mul3A_135, %dma_wait3A_146] : memref<10240x32xf32, #tpu.memory_space<vmem_shared>> -> memref<640x32xf32, #tpu.memory_space<vmem_shared>>
      tpu.wait_dma2 semaphore(%run_scoped3A : memref<!tpu.dma_semaphore, #tpu.memory_space<semaphore_mem>>) src(%dma_wait3A_147 : memref<640x32xf32, #tpu.memory_space<vmem_shared>>) dst(%dma_wait3A_145 : memref<640x32xf32, #tpu.memory_space<hbm>>)
      tpu.yield
    }) : () -> ()
    return
  }
}

#map = affine_map<(d0, d1) -> (0, 0)>
#map1 = affine_map<(d0, d1) -> (0, 0, 0)>
module attributes {stable_mosaic.version = 14 : i64} {
  func.func @k(%arg0: i32, %arg1: i32, %arg2: memref<10000x32xf32, #tpu.memory_space<hbm>>, %arg3: memref<32x40x128xi32, #tpu.memory_space<hbm>>, %arg4: memref<32x40x128xi32, #tpu.memory_space<hbm>>, %arg5: memref<10240x32xf32, #tpu.memory_space<hbm>>, %arg6: memref<2x10240x32xf32, #tpu.memory_space<hbm>>, %arg7: memref<40x128xi32, #tpu.memory_space<vmem>>, %arg8: memref<40x128xi32, #tpu.memory_space<vmem>>, %arg9: memref<2x4x128x32xf32, #tpu.memory_space<vmem>>, %arg10: memref<10240x32xf32, #tpu.memory_space<vmem_shared>>, %arg11: memref<2x!tpu.dma_semaphore, #tpu.memory_space<semaphore_mem>>, %arg12: memref<2x!tpu.dma_semaphore, #tpu.memory_space<semaphore_mem>>) attributes {dimension_semantics = [#tpu.dimension_semantics<core_parallel>, #tpu.dimension_semantics<subcore_parallel>], iteration_bounds = array<i64: 2, 16>, scalar_prefetch = 0 : i64, scratch_operands = 6 : i64, tpu.core_type = #tpu.core_type<sc_vector_subcore>, window_params = [{transform_indices = #map}, {transform_indices = #map1}, {transform_indices = #map1}, {transform_indices = #map}, {transform_indices = #map1}]} {
    %mul3A = arith.constant 16 : i32
    %mul3A_0 = arith.muli %arg0, %mul3A : i32
    %add3A = arith.addi %mul3A_0, %arg1 : i32
    "tpu.region"() ({
      %run_scoped3A = tpu.sem_alloc : memref<!tpu.dma_semaphore, #tpu.memory_space<semaphore_mem>>
      %dma_start3A_138 = arith.constant 0 : i32
      %dma_start3A_139 = arith.constant 0 : i32
      %dma_start3A_140 = tpu.memref_slice %arg3[%add3A, %dma_start3A_138, %dma_start3A_139] : memref<32x40x128xi32, #tpu.memory_space<hbm>> -> memref<1x40x128xi32, #tpu.memory_space<hbm>>
      %dma_start3A_141 = tpu.memref_squeeze %dma_start3A_140 : memref<1x40x128xi32, #tpu.memory_space<hbm>> -> memref<40x128xi32, #tpu.memory_space<hbm>>
      %dma_start3A_142 = arith.constant 0 : i32
      %dma_start3A_143 = arith.constant 0 : i32
      %dma_start3A_144 = tpu.memref_slice %arg3[%add3A, %dma_start3A_142, %dma_start3A_143] : memref<32x40x128xi32, #tpu.memory_space<hbm>> -> memref<1x40x128xi32, #tpu.memory_space<hbm>>
      %dma_start3A_145 = tpu.memref_squeeze %dma_start3A_144 : memref<1x40x128xi32, #tpu.memory_space<hbm>> -> memref<40x128xi32, #tpu.memory_space<hbm>>
      tpu.enqueue_dma source(%dma_start3A_145 : memref<40x128xi32, #tpu.memory_space<hbm>>) target(%arg7 : memref<40x128xi32, #tpu.memory_space<vmem>>) target_semaphore(%run_scoped3A : memref<!tpu.dma_semaphore, #tpu.memory_space<semaphore_mem>>)
      %dma_wait3A_146 = arith.constant 0 : i32
      %dma_wait3A_147 = arith.constant 0 : i32
      %dma_wait3A_148 = tpu.memref_slice %arg3[%add3A, %dma_wait3A_146, %dma_wait3A_147] : memref<32x40x128xi32, #tpu.memory_space<hbm>> -> memref<1x40x128xi32, #tpu.memory_space<hbm>>
      %dma_wait3A_149 = tpu.memref_squeeze %dma_wait3A_148 : memref<1x40x128xi32, #tpu.memory_space<hbm>> -> memref<40x128xi32, #tpu.memory_space<hbm>>
      %dma_wait3A_150 = arith.constant 0 : i32
      %dma_wait3A_151 = arith.constant 0 : i32
      %dma_wait3A_152 = tpu.memref_slice %arg3[%add3A, %dma_wait3A_150, %dma_wait3A_151] : memref<32x40x128xi32, #tpu.memory_space<hbm>> -> memref<1x40x128xi32, #tpu.memory_space<hbm>>
      %dma_wait3A_153 = tpu.memref_squeeze %dma_wait3A_152 : memref<1x40x128xi32, #tpu.memory_space<hbm>> -> memref<40x128xi32, #tpu.memory_space<hbm>>
      tpu.wait_dma2 semaphore(%run_scoped3A : memref<!tpu.dma_semaphore, #tpu.memory_space<semaphore_mem>>) src(%dma_wait3A_153 : memref<40x128xi32, #tpu.memory_space<hbm>>) dst(%arg7 : memref<40x128xi32, #tpu.memory_space<vmem>>)
      tpu.yield
    }) : () -> ()
    "tpu.region"() ({
      %run_scoped3A = tpu.sem_alloc : memref<!tpu.dma_semaphore, #tpu.memory_space<semaphore_mem>>
      %dma_start3A_138 = arith.constant 0 : i32
      %dma_start3A_139 = arith.constant 0 : i32
      %dma_start3A_140 = tpu.memref_slice %arg4[%add3A, %dma_start3A_138, %dma_start3A_139] : memref<32x40x128xi32, #tpu.memory_space<hbm>> -> memref<1x40x128xi32, #tpu.memory_space<hbm>>
      %dma_start3A_141 = tpu.memref_squeeze %dma_start3A_140 : memref<1x40x128xi32, #tpu.memory_space<hbm>> -> memref<40x128xi32, #tpu.memory_space<hbm>>
      %dma_start3A_142 = arith.constant 0 : i32
      %dma_start3A_143 = arith.constant 0 : i32
      %dma_start3A_144 = tpu.memref_slice %arg4[%add3A, %dma_start3A_142, %dma_start3A_143] : memref<32x40x128xi32, #tpu.memory_space<hbm>> -> memref<1x40x128xi32, #tpu.memory_space<hbm>>
      %dma_start3A_145 = tpu.memref_squeeze %dma_start3A_144 : memref<1x40x128xi32, #tpu.memory_space<hbm>> -> memref<40x128xi32, #tpu.memory_space<hbm>>
      tpu.enqueue_dma source(%dma_start3A_145 : memref<40x128xi32, #tpu.memory_space<hbm>>) target(%arg8 : memref<40x128xi32, #tpu.memory_space<vmem>>) target_semaphore(%run_scoped3A : memref<!tpu.dma_semaphore, #tpu.memory_space<semaphore_mem>>)
      %dma_wait3A_146 = arith.constant 0 : i32
      %dma_wait3A_147 = arith.constant 0 : i32
      %dma_wait3A_148 = tpu.memref_slice %arg4[%add3A, %dma_wait3A_146, %dma_wait3A_147] : memref<32x40x128xi32, #tpu.memory_space<hbm>> -> memref<1x40x128xi32, #tpu.memory_space<hbm>>
      %dma_wait3A_149 = tpu.memref_squeeze %dma_wait3A_148 : memref<1x40x128xi32, #tpu.memory_space<hbm>> -> memref<40x128xi32, #tpu.memory_space<hbm>>
      %dma_wait3A_150 = arith.constant 0 : i32
      %dma_wait3A_151 = arith.constant 0 : i32
      %dma_wait3A_152 = tpu.memref_slice %arg4[%add3A, %dma_wait3A_150, %dma_wait3A_151] : memref<32x40x128xi32, #tpu.memory_space<hbm>> -> memref<1x40x128xi32, #tpu.memory_space<hbm>>
      %dma_wait3A_153 = tpu.memref_squeeze %dma_wait3A_152 : memref<1x40x128xi32, #tpu.memory_space<hbm>> -> memref<40x128xi32, #tpu.memory_space<hbm>>
      tpu.wait_dma2 semaphore(%run_scoped3A : memref<!tpu.dma_semaphore, #tpu.memory_space<semaphore_mem>>) src(%dma_wait3A_153 : memref<40x128xi32, #tpu.memory_space<hbm>>) dst(%arg8 : memref<40x128xi32, #tpu.memory_space<vmem>>)
      tpu.yield
    }) : () -> ()
    %dma_start3A = arith.constant 0 : i32
    %dma_start3A_1 = arith.constant 0 : i32
    %dma_start3A_2 = arith.constant 0 : i32
    %dma_start3A_3 = arith.constant 0 : i32
    %dma_start3A_4 = arith.constant 0 : i32
    %dma_start3A_5 = arith.constant 0 : i32
    %dma_start3A_6 = tpu.memref_slice %arg9[%dma_start3A_1, %dma_start3A_2, %dma_start3A_4, %dma_start3A_5] : memref<2x4x128x32xf32, #tpu.memory_space<vmem>> -> memref<1x1x128x32xf32, #tpu.memory_space<vmem>>
    %dma_start3A_7 = tpu.memref_squeeze %dma_start3A_6 : memref<1x1x128x32xf32, #tpu.memory_space<vmem>> -> memref<128x32xf32, #tpu.memory_space<vmem>>
    %dma_start3A_8 = arith.constant 0 : i32
    %dma_start3A_9 = tpu.memref_slice %arg7[%dma_start3A, %dma_start3A_8] : memref<40x128xi32, #tpu.memory_space<vmem>> -> memref<1x128xi32, #tpu.memory_space<vmem>>
    %dma_start3A_10 = tpu.memref_squeeze %dma_start3A_9 : memref<1x128xi32, #tpu.memory_space<vmem>> -> memref<128xi32, #tpu.memory_space<vmem>>
    %dma_start3A_11 = arith.constant 0 : i32
    %dma_start3A_12 = arith.constant 0 : i32
    %dma_start3A_13 = tpu.memref_slice %arg2[%dma_start3A_11, %dma_start3A_12] : memref<10000x32xf32, #tpu.memory_space<hbm>> -> memref<10000x32xf32, #tpu.memory_space<hbm>>
    %dma_start3A_14 = tpu.memref_slice %arg11[%dma_start3A_3] : memref<2x!tpu.dma_semaphore, #tpu.memory_space<semaphore_mem>> -> memref<1x!tpu.dma_semaphore, #tpu.memory_space<semaphore_mem>>
    %dma_start3A_15 = tpu.memref_squeeze %dma_start3A_14 : memref<1x!tpu.dma_semaphore, #tpu.memory_space<semaphore_mem>> -> memref<!tpu.dma_semaphore, #tpu.memory_space<semaphore_mem>>
    tpu.enqueue_indirect_dma source(%dma_start3A_13 : memref<10000x32xf32, #tpu.memory_space<hbm>>) target(%dma_start3A_7 : memref<128x32xf32, #tpu.memory_space<vmem>>) offsets(%dma_start3A_10 : memref<128xi32, #tpu.memory_space<vmem>>) semaphore(%dma_start3A_15 : memref<!tpu.dma_semaphore, #tpu.memory_space<semaphore_mem>>)
    %dma_start3A_16 = arith.constant 1 : i32
    %dma_start3A_17 = arith.constant 0 : i32
    %dma_start3A_18 = arith.constant 1 : i32
    %dma_start3A_19 = arith.constant 0 : i32
    %dma_start3A_20 = arith.constant 0 : i32
    %dma_start3A_21 = arith.constant 0 : i32
    %dma_start3A_22 = tpu.memref_slice %arg9[%dma_start3A_17, %dma_start3A_18, %dma_start3A_20, %dma_start3A_21] : memref<2x4x128x32xf32, #tpu.memory_space<vmem>> -> memref<1x1x128x32xf32, #tpu.memory_space<vmem>>
    %dma_start3A_23 = tpu.memref_squeeze %dma_start3A_22 : memref<1x1x128x32xf32, #tpu.memory_space<vmem>> -> memref<128x32xf32, #tpu.memory_space<vmem>>
    %dma_start3A_24 = arith.constant 0 : i32
    %dma_start3A_25 = tpu.memref_slice %arg7[%dma_start3A_16, %dma_start3A_24] : memref<40x128xi32, #tpu.memory_space<vmem>> -> memref<1x128xi32, #tpu.memory_space<vmem>>
    %dma_start3A_26 = tpu.memref_squeeze %dma_start3A_25 : memref<1x128xi32, #tpu.memory_space<vmem>> -> memref<128xi32, #tpu.memory_space<vmem>>
    %dma_start3A_27 = arith.constant 0 : i32
    %dma_start3A_28 = arith.constant 0 : i32
    %dma_start3A_29 = tpu.memref_slice %arg2[%dma_start3A_27, %dma_start3A_28] : memref<10000x32xf32, #tpu.memory_space<hbm>> -> memref<10000x32xf32, #tpu.memory_space<hbm>>
    %dma_start3A_30 = tpu.memref_slice %arg11[%dma_start3A_19] : memref<2x!tpu.dma_semaphore, #tpu.memory_space<semaphore_mem>> -> memref<1x!tpu.dma_semaphore, #tpu.memory_space<semaphore_mem>>
    %dma_start3A_31 = tpu.memref_squeeze %dma_start3A_30 : memref<1x!tpu.dma_semaphore, #tpu.memory_space<semaphore_mem>> -> memref<!tpu.dma_semaphore, #tpu.memory_space<semaphore_mem>>
    tpu.enqueue_indirect_dma source(%dma_start3A_29 : memref<10000x32xf32, #tpu.memory_space<hbm>>) target(%dma_start3A_23 : memref<128x32xf32, #tpu.memory_space<vmem>>) offsets(%dma_start3A_26 : memref<128xi32, #tpu.memory_space<vmem>>) semaphore(%dma_start3A_31 : memref<!tpu.dma_semaphore, #tpu.memory_space<semaphore_mem>>)
    %dma_start3A_32 = arith.constant 2 : i32
    %dma_start3A_33 = arith.constant 0 : i32
    %dma_start3A_34 = arith.constant 2 : i32
    %dma_start3A_35 = arith.constant 0 : i32
    %dma_start3A_36 = arith.constant 0 : i32
    %dma_start3A_37 = arith.constant 0 : i32
    %dma_start3A_38 = tpu.memref_slice %arg9[%dma_start3A_33, %dma_start3A_34, %dma_start3A_36, %dma_start3A_37] : memref<2x4x128x32xf32, #tpu.memory_space<vmem>> -> memref<1x1x128x32xf32, #tpu.memory_space<vmem>>
    %dma_start3A_39 = tpu.memref_squeeze %dma_start3A_38 : memref<1x1x128x32xf32, #tpu.memory_space<vmem>> -> memref<128x32xf32, #tpu.memory_space<vmem>>
    %dma_start3A_40 = arith.constant 0 : i32
    %dma_start3A_41 = tpu.memref_slice %arg7[%dma_start3A_32, %dma_start3A_40] : memref<40x128xi32, #tpu.memory_space<vmem>> -> memref<1x128xi32, #tpu.memory_space<vmem>>
    %dma_start3A_42 = tpu.memref_squeeze %dma_start3A_41 : memref<1x128xi32, #tpu.memory_space<vmem>> -> memref<128xi32, #tpu.memory_space<vmem>>
    %dma_start3A_43 = arith.constant 0 : i32
    %dma_start3A_44 = arith.constant 0 : i32
    %dma_start3A_45 = tpu.memref_slice %arg2[%dma_start3A_43, %dma_start3A_44] : memref<10000x32xf32, #tpu.memory_space<hbm>> -> memref<10000x32xf32, #tpu.memory_space<hbm>>
    %dma_start3A_46 = tpu.memref_slice %arg11[%dma_start3A_35] : memref<2x!tpu.dma_semaphore, #tpu.memory_space<semaphore_mem>> -> memref<1x!tpu.dma_semaphore, #tpu.memory_space<semaphore_mem>>
    %dma_start3A_47 = tpu.memref_squeeze %dma_start3A_46 : memref<1x!tpu.dma_semaphore, #tpu.memory_space<semaphore_mem>> -> memref<!tpu.dma_semaphore, #tpu.memory_space<semaphore_mem>>
    tpu.enqueue_indirect_dma source(%dma_start3A_45 : memref<10000x32xf32, #tpu.memory_space<hbm>>) target(%dma_start3A_39 : memref<128x32xf32, #tpu.memory_space<vmem>>) offsets(%dma_start3A_42 : memref<128xi32, #tpu.memory_space<vmem>>) semaphore(%dma_start3A_47 : memref<!tpu.dma_semaphore, #tpu.memory_space<semaphore_mem>>)
    %dma_start3A_48 = arith.constant 3 : i32
    %dma_start3A_49 = arith.constant 0 : i32
    %dma_start3A_50 = arith.constant 3 : i32
    %dma_start3A_51 = arith.constant 0 : i32
    %dma_start3A_52 = arith.constant 0 : i32
    %dma_start3A_53 = arith.constant 0 : i32
    %dma_start3A_54 = tpu.memref_slice %arg9[%dma_start3A_49, %dma_start3A_50, %dma_start3A_52, %dma_start3A_53] : memref<2x4x128x32xf32, #tpu.memory_space<vmem>> -> memref<1x1x128x32xf32, #tpu.memory_space<vmem>>
    %dma_start3A_55 = tpu.memref_squeeze %dma_start3A_54 : memref<1x1x128x32xf32, #tpu.memory_space<vmem>> -> memref<128x32xf32, #tpu.memory_space<vmem>>
    %dma_start3A_56 = arith.constant 0 : i32
    %dma_start3A_57 = tpu.memref_slice %arg7[%dma_start3A_48, %dma_start3A_56] : memref<40x128xi32, #tpu.memory_space<vmem>> -> memref<1x128xi32, #tpu.memory_space<vmem>>
    %dma_start3A_58 = tpu.memref_squeeze %dma_start3A_57 : memref<1x128xi32, #tpu.memory_space<vmem>> -> memref<128xi32, #tpu.memory_space<vmem>>
    %dma_start3A_59 = arith.constant 0 : i32
    %dma_start3A_60 = arith.constant 0 : i32
    %dma_start3A_61 = tpu.memref_slice %arg2[%dma_start3A_59, %dma_start3A_60] : memref<10000x32xf32, #tpu.memory_space<hbm>> -> memref<10000x32xf32, #tpu.memory_space<hbm>>
    %dma_start3A_62 = tpu.memref_slice %arg11[%dma_start3A_51] : memref<2x!tpu.dma_semaphore, #tpu.memory_space<semaphore_mem>> -> memref<1x!tpu.dma_semaphore, #tpu.memory_space<semaphore_mem>>
    %dma_start3A_63 = tpu.memref_squeeze %dma_start3A_62 : memref<1x!tpu.dma_semaphore, #tpu.memory_space<semaphore_mem>> -> memref<!tpu.dma_semaphore, #tpu.memory_space<semaphore_mem>>
    tpu.enqueue_indirect_dma source(%dma_start3A_61 : memref<10000x32xf32, #tpu.memory_space<hbm>>) target(%dma_start3A_55 : memref<128x32xf32, #tpu.memory_space<vmem>>) offsets(%dma_start3A_58 : memref<128xi32, #tpu.memory_space<vmem>>) semaphore(%dma_start3A_63 : memref<!tpu.dma_semaphore, #tpu.memory_space<semaphore_mem>>)
    %eq3A = arith.constant 0 : i32
    %eq3A_64 = arith.cmpi eq, %arg1, %eq3A : i32
    %convert_element_type3A = arith.extui %eq3A_64 : i1 to i32
    %cond3A = arith.constant 0 : i32
    %cond3A_65 = arith.cmpi ne, %convert_element_type3A, %cond3A : i32
    scf.if %cond3A_65 {
      "tpu.region"() ({
        %run_scoped3A = tpu.sem_alloc : memref<!tpu.dma_semaphore, #tpu.memory_space<semaphore_mem>>
        tpu.enqueue_dma source(%arg5 : memref<10240x32xf32, #tpu.memory_space<hbm>>) target(%arg10 : memref<10240x32xf32, #tpu.memory_space<vmem_shared>>) target_semaphore(%run_scoped3A : memref<!tpu.dma_semaphore, #tpu.memory_space<semaphore_mem>>)
        tpu.wait_dma2 semaphore(%run_scoped3A : memref<!tpu.dma_semaphore, #tpu.memory_space<semaphore_mem>>) src(%arg5 : memref<10240x32xf32, #tpu.memory_space<hbm>>) dst(%arg10 : memref<10240x32xf32, #tpu.memory_space<vmem_shared>>)
        tpu.yield
      }) : () -> ()
    } else {
    }
    %barrier3A = arith.constant 0 : index
    tpu.barrier barrier_id(%barrier3A)
    %scan3A = arith.constant 0 : i32
    %scan3A_66 = arith.constant 5 : i32
    %scan3A_67 = arith.addi %scan3A, %scan3A_66 : i32
    %scan3A_68 = arith.constant 1 : i32
    scf.for %scan3A_138 = %scan3A to %scan3A_67 step %scan3A_68  : i32 {
      %mul3A_139 = arith.constant 2 : i32
      %mul3A_140 = arith.muli %scan3A_138, %mul3A_139 : i32
      %add3A_141 = arith.constant 0 : i32
      %add3A_142 = arith.addi %add3A_141, %mul3A_140 : i32
      %add3A_143 = arith.constant 0 : i32
      %add3A_144 = arith.addi %add3A_142, %add3A_143 : i32
      %dma_wait3A_145 = arith.constant 0 : i32
      %dma_wait3A_146 = arith.constant 0 : i32
      %dma_wait3A_147 = arith.constant 0 : i32
      %dma_wait3A_148 = arith.constant 0 : i32
      %dma_wait3A_149 = arith.constant 0 : i32
      %dma_wait3A_150 = arith.constant 0 : i32
      %dma_wait3A_151 = tpu.memref_slice %arg9[%dma_wait3A_146, %dma_wait3A_147, %dma_wait3A_149, %dma_wait3A_150] : memref<2x4x128x32xf32, #tpu.memory_space<vmem>> -> memref<1x1x128x32xf32, #tpu.memory_space<vmem>>
      %dma_wait3A_152 = tpu.memref_squeeze %dma_wait3A_151 : memref<1x1x128x32xf32, #tpu.memory_space<vmem>> -> memref<128x32xf32, #tpu.memory_space<vmem>>
      %dma_wait3A_153 = arith.constant 0 : i32
      %dma_wait3A_154 = tpu.memref_slice %arg7[%dma_wait3A_145, %dma_wait3A_153] : memref<40x128xi32, #tpu.memory_space<vmem>> -> memref<1x128xi32, #tpu.memory_space<vmem>>
      %dma_wait3A_155 = tpu.memref_squeeze %dma_wait3A_154 : memref<1x128xi32, #tpu.memory_space<vmem>> -> memref<128xi32, #tpu.memory_space<vmem>>
      %dma_wait3A_156 = arith.constant 0 : i32
      %dma_wait3A_157 = arith.constant 0 : i32
      %dma_wait3A_158 = tpu.memref_slice %arg2[%dma_wait3A_156, %dma_wait3A_157] : memref<10000x32xf32, #tpu.memory_space<hbm>> -> memref<10000x32xf32, #tpu.memory_space<hbm>>
      %dma_wait3A_159 = tpu.memref_slice %arg11[%dma_wait3A_148] : memref<2x!tpu.dma_semaphore, #tpu.memory_space<semaphore_mem>> -> memref<1x!tpu.dma_semaphore, #tpu.memory_space<semaphore_mem>>
      %dma_wait3A_160 = tpu.memref_squeeze %dma_wait3A_159 : memref<1x!tpu.dma_semaphore, #tpu.memory_space<semaphore_mem>> -> memref<!tpu.dma_semaphore, #tpu.memory_space<semaphore_mem>>
      tpu.wait_indirect_dma semaphore(%dma_wait3A_160 : memref<!tpu.dma_semaphore, #tpu.memory_space<semaphore_mem>>) src(%dma_wait3A_158 : memref<10000x32xf32, #tpu.memory_space<hbm>>) dst(%dma_wait3A_152 : memref<128x32xf32, #tpu.memory_space<vmem>>)
      %dma_wait3A_161 = arith.constant 0 : i32
      %dma_wait3A_162 = arith.constant 0 : i32
      %dma_wait3A_163 = arith.constant 1 : i32
      %dma_wait3A_164 = arith.constant 0 : i32
      %dma_wait3A_165 = arith.constant 0 : i32
      %dma_wait3A_166 = arith.constant 0 : i32
      %dma_wait3A_167 = tpu.memref_slice %arg9[%dma_wait3A_162, %dma_wait3A_163, %dma_wait3A_165, %dma_wait3A_166] : memref<2x4x128x32xf32, #tpu.memory_space<vmem>> -> memref<1x1x128x32xf32, #tpu.memory_space<vmem>>
      %dma_wait3A_168 = tpu.memref_squeeze %dma_wait3A_167 : memref<1x1x128x32xf32, #tpu.memory_space<vmem>> -> memref<128x32xf32, #tpu.memory_space<vmem>>
      %dma_wait3A_169 = arith.constant 0 : i32
      %dma_wait3A_170 = tpu.memref_slice %arg7[%dma_wait3A_161, %dma_wait3A_169] : memref<40x128xi32, #tpu.memory_space<vmem>> -> memref<1x128xi32, #tpu.memory_space<vmem>>
      %dma_wait3A_171 = tpu.memref_squeeze %dma_wait3A_170 : memref<1x128xi32, #tpu.memory_space<vmem>> -> memref<128xi32, #tpu.memory_space<vmem>>
      %dma_wait3A_172 = arith.constant 0 : i32
      %dma_wait3A_173 = arith.constant 0 : i32
      %dma_wait3A_174 = tpu.memref_slice %arg2[%dma_wait3A_172, %dma_wait3A_173] : memref<10000x32xf32, #tpu.memory_space<hbm>> -> memref<10000x32xf32, #tpu.memory_space<hbm>>
      %dma_wait3A_175 = tpu.memref_slice %arg11[%dma_wait3A_164] : memref<2x!tpu.dma_semaphore, #tpu.memory_space<semaphore_mem>> -> memref<1x!tpu.dma_semaphore, #tpu.memory_space<semaphore_mem>>
      %dma_wait3A_176 = tpu.memref_squeeze %dma_wait3A_175 : memref<1x!tpu.dma_semaphore, #tpu.memory_space<semaphore_mem>> -> memref<!tpu.dma_semaphore, #tpu.memory_space<semaphore_mem>>
      tpu.wait_indirect_dma semaphore(%dma_wait3A_176 : memref<!tpu.dma_semaphore, #tpu.memory_space<semaphore_mem>>) src(%dma_wait3A_174 : memref<10000x32xf32, #tpu.memory_space<hbm>>) dst(%dma_wait3A_168 : memref<128x32xf32, #tpu.memory_space<vmem>>)
      %dma_wait3A_177 = arith.constant 0 : i32
      %dma_wait3A_178 = arith.constant 0 : i32
      %dma_wait3A_179 = arith.constant 2 : i32
      %dma_wait3A_180 = arith.constant 0 : i32
      %dma_wait3A_181 = arith.constant 0 : i32
      %dma_wait3A_182 = arith.constant 0 : i32
      %dma_wait3A_183 = tpu.memref_slice %arg9[%dma_wait3A_178, %dma_wait3A_179, %dma_wait3A_181, %dma_wait3A_182] : memref<2x4x128x32xf32, #tpu.memory_space<vmem>> -> memref<1x1x128x32xf32, #tpu.memory_space<vmem>>
      %dma_wait3A_184 = tpu.memref_squeeze %dma_wait3A_183 : memref<1x1x128x32xf32, #tpu.memory_space<vmem>> -> memref<128x32xf32, #tpu.memory_space<vmem>>
      %dma_wait3A_185 = arith.constant 0 : i32
      %dma_wait3A_186 = tpu.memref_slice %arg7[%dma_wait3A_177, %dma_wait3A_185] : memref<40x128xi32, #tpu.memory_space<vmem>> -> memref<1x128xi32, #tpu.memory_space<vmem>>
      %dma_wait3A_187 = tpu.memref_squeeze %dma_wait3A_186 : memref<1x128xi32, #tpu.memory_space<vmem>> -> memref<128xi32, #tpu.memory_space<vmem>>
      %dma_wait3A_188 = arith.constant 0 : i32
      %dma_wait3A_189 = arith.constant 0 : i32
      %dma_wait3A_190 = tpu.memref_slice %arg2[%dma_wait3A_188, %dma_wait3A_189] : memref<10000x32xf32, #tpu.memory_space<hbm>> -> memref<10000x32xf32, #tpu.memory_space<hbm>>
      %dma_wait3A_191 = tpu.memref_slice %arg11[%dma_wait3A_180] : memref<2x!tpu.dma_semaphore, #tpu.memory_space<semaphore_mem>> -> memref<1x!tpu.dma_semaphore, #tpu.memory_space<semaphore_mem>>
      %dma_wait3A_192 = tpu.memref_squeeze %dma_wait3A_191 : memref<1x!tpu.dma_semaphore, #tpu.memory_space<semaphore_mem>> -> memref<!tpu.dma_semaphore, #tpu.memory_space<semaphore_mem>>
      tpu.wait_indirect_dma semaphore(%dma_wait3A_192 : memref<!tpu.dma_semaphore, #tpu.memory_space<semaphore_mem>>) src(%dma_wait3A_190 : memref<10000x32xf32, #tpu.memory_space<hbm>>) dst(%dma_wait3A_184 : memref<128x32xf32, #tpu.memory_space<vmem>>)
      %dma_wait3A_193 = arith.constant 0 : i32
      %dma_wait3A_194 = arith.constant 0 : i32
      %dma_wait3A_195 = arith.constant 3 : i32
      %dma_wait3A_196 = arith.constant 0 : i32
      %dma_wait3A_197 = arith.constant 0 : i32
      %dma_wait3A_198 = arith.constant 0 : i32
      %dma_wait3A_199 = tpu.memref_slice %arg9[%dma_wait3A_194, %dma_wait3A_195, %dma_wait3A_197, %dma_wait3A_198] : memref<2x4x128x32xf32, #tpu.memory_space<vmem>> -> memref<1x1x128x32xf32, #tpu.memory_space<vmem>>
      %dma_wait3A_200 = tpu.memref_squeeze %dma_wait3A_199 : memref<1x1x128x32xf32, #tpu.memory_space<vmem>> -> memref<128x32xf32, #tpu.memory_space<vmem>>
      %dma_wait3A_201 = arith.constant 0 : i32
      %dma_wait3A_202 = tpu.memref_slice %arg7[%dma_wait3A_193, %dma_wait3A_201] : memref<40x128xi32, #tpu.memory_space<vmem>> -> memref<1x128xi32, #tpu.memory_space<vmem>>
      %dma_wait3A_203 = tpu.memref_squeeze %dma_wait3A_202 : memref<1x128xi32, #tpu.memory_space<vmem>> -> memref<128xi32, #tpu.memory_space<vmem>>
      %dma_wait3A_204 = arith.constant 0 : i32
      %dma_wait3A_205 = arith.constant 0 : i32
      %dma_wait3A_206 = tpu.memref_slice %arg2[%dma_wait3A_204, %dma_wait3A_205] : memref<10000x32xf32, #tpu.memory_space<hbm>> -> memref<10000x32xf32, #tpu.memory_space<hbm>>
      %dma_wait3A_207 = tpu.memref_slice %arg11[%dma_wait3A_196] : memref<2x!tpu.dma_semaphore, #tpu.memory_space<semaphore_mem>> -> memref<1x!tpu.dma_semaphore, #tpu.memory_space<semaphore_mem>>
      %dma_wait3A_208 = tpu.memref_squeeze %dma_wait3A_207 : memref<1x!tpu.dma_semaphore, #tpu.memory_space<semaphore_mem>> -> memref<!tpu.dma_semaphore, #tpu.memory_space<semaphore_mem>>
      tpu.wait_indirect_dma semaphore(%dma_wait3A_208 : memref<!tpu.dma_semaphore, #tpu.memory_space<semaphore_mem>>) src(%dma_wait3A_206 : memref<10000x32xf32, #tpu.memory_space<hbm>>) dst(%dma_wait3A_200 : memref<128x32xf32, #tpu.memory_space<vmem>>)
      %ge3A = arith.constant 1 : i32
      %ge3A_209 = arith.cmpi sge, %add3A_144, %ge3A : i32
      %convert_element_type3A_210 = arith.extui %ge3A_209 : i1 to i32
      %cond3A_211 = arith.constant 0 : i32
      %cond3A_212 = arith.cmpi ne, %convert_element_type3A_210, %cond3A_211 : i32
      scf.if %cond3A_212 {
        %dma_wait3A_449 = arith.constant 1 : i32
        %dma_wait3A_450 = arith.constant 0 : i32
        %dma_wait3A_451 = arith.constant 0 : i32
        %dma_wait3A_452 = arith.constant 1 : i32
        %dma_wait3A_453 = arith.constant 0 : i32
        %dma_wait3A_454 = arith.constant 0 : i32
        %dma_wait3A_455 = tpu.memref_slice %arg9[%dma_wait3A_449, %dma_wait3A_450, %dma_wait3A_453, %dma_wait3A_454] : memref<2x4x128x32xf32, #tpu.memory_space<vmem>> -> memref<1x1x128x32xf32, #tpu.memory_space<vmem>>
        %dma_wait3A_456 = tpu.memref_squeeze %dma_wait3A_455 : memref<1x1x128x32xf32, #tpu.memory_space<vmem>> -> memref<128x32xf32, #tpu.memory_space<vmem>>
        %dma_wait3A_457 = arith.constant 0 : i32
        %dma_wait3A_458 = tpu.memref_slice %arg8[%dma_wait3A_451, %dma_wait3A_457] : memref<40x128xi32, #tpu.memory_space<vmem>> -> memref<1x128xi32, #tpu.memory_space<vmem>>
        %dma_wait3A_459 = tpu.memref_squeeze %dma_wait3A_458 : memref<1x128xi32, #tpu.memory_space<vmem>> -> memref<128xi32, #tpu.memory_space<vmem>>
        %dma_wait3A_460 = arith.constant 0 : i32
        %dma_wait3A_461 = arith.constant 0 : i32
        %dma_wait3A_462 = tpu.memref_slice %arg10[%dma_wait3A_460, %dma_wait3A_461] : memref<10240x32xf32, #tpu.memory_space<vmem_shared>> -> memref<10240x32xf32, #tpu.memory_space<vmem_shared>>
        %dma_wait3A_463 = tpu.memref_slice %arg12[%dma_wait3A_452] : memref<2x!tpu.dma_semaphore, #tpu.memory_space<semaphore_mem>> -> memref<1x!tpu.dma_semaphore, #tpu.memory_space<semaphore_mem>>
        %dma_wait3A_464 = tpu.memref_squeeze %dma_wait3A_463 : memref<1x!tpu.dma_semaphore, #tpu.memory_space<semaphore_mem>> -> memref<!tpu.dma_semaphore, #tpu.memory_space<semaphore_mem>>
        tpu.wait_indirect_dma semaphore(%dma_wait3A_464 : memref<!tpu.dma_semaphore, #tpu.memory_space<semaphore_mem>>) src(%dma_wait3A_456 : memref<128x32xf32, #tpu.memory_space<vmem>>) dst(%dma_wait3A_462 : memref<10240x32xf32, #tpu.memory_space<vmem_shared>>)
        %dma_wait3A_465 = arith.constant 1 : i32
        %dma_wait3A_466 = arith.constant 1 : i32
        %dma_wait3A_467 = arith.constant 0 : i32
        %dma_wait3A_468 = arith.constant 1 : i32
        %dma_wait3A_469 = arith.constant 0 : i32
        %dma_wait3A_470 = arith.constant 0 : i32
        %dma_wait3A_471 = tpu.memref_slice %arg9[%dma_wait3A_465, %dma_wait3A_466, %dma_wait3A_469, %dma_wait3A_470] : memref<2x4x128x32xf32, #tpu.memory_space<vmem>> -> memref<1x1x128x32xf32, #tpu.memory_space<vmem>>
        %dma_wait3A_472 = tpu.memref_squeeze %dma_wait3A_471 : memref<1x1x128x32xf32, #tpu.memory_space<vmem>> -> memref<128x32xf32, #tpu.memory_space<vmem>>
        %dma_wait3A_473 = arith.constant 0 : i32
        %dma_wait3A_474 = tpu.memref_slice %arg8[%dma_wait3A_467, %dma_wait3A_473] : memref<40x128xi32, #tpu.memory_space<vmem>> -> memref<1x128xi32, #tpu.memory_space<vmem>>
        %dma_wait3A_475 = tpu.memref_squeeze %dma_wait3A_474 : memref<1x128xi32, #tpu.memory_space<vmem>> -> memref<128xi32, #tpu.memory_space<vmem>>
        %dma_wait3A_476 = arith.constant 0 : i32
        %dma_wait3A_477 = arith.constant 0 : i32
        %dma_wait3A_478 = tpu.memref_slice %arg10[%dma_wait3A_476, %dma_wait3A_477] : memref<10240x32xf32, #tpu.memory_space<vmem_shared>> -> memref<10240x32xf32, #tpu.memory_space<vmem_shared>>
        %dma_wait3A_479 = tpu.memref_slice %arg12[%dma_wait3A_468] : memref<2x!tpu.dma_semaphore, #tpu.memory_space<semaphore_mem>> -> memref<1x!tpu.dma_semaphore, #tpu.memory_space<semaphore_mem>>
        %dma_wait3A_480 = tpu.memref_squeeze %dma_wait3A_479 : memref<1x!tpu.dma_semaphore, #tpu.memory_space<semaphore_mem>> -> memref<!tpu.dma_semaphore, #tpu.memory_space<semaphore_mem>>
        tpu.wait_indirect_dma semaphore(%dma_wait3A_480 : memref<!tpu.dma_semaphore, #tpu.memory_space<semaphore_mem>>) src(%dma_wait3A_472 : memref<128x32xf32, #tpu.memory_space<vmem>>) dst(%dma_wait3A_478 : memref<10240x32xf32, #tpu.memory_space<vmem_shared>>)
        %dma_wait3A_481 = arith.constant 1 : i32
        %dma_wait3A_482 = arith.constant 2 : i32
        %dma_wait3A_483 = arith.constant 0 : i32
        %dma_wait3A_484 = arith.constant 1 : i32
        %dma_wait3A_485 = arith.constant 0 : i32
        %dma_wait3A_486 = arith.constant 0 : i32
        %dma_wait3A_487 = tpu.memref_slice %arg9[%dma_wait3A_481, %dma_wait3A_482, %dma_wait3A_485, %dma_wait3A_486] : memref<2x4x128x32xf32, #tpu.memory_space<vmem>> -> memref<1x1x128x32xf32, #tpu.memory_space<vmem>>
        %dma_wait3A_488 = tpu.memref_squeeze %dma_wait3A_487 : memref<1x1x128x32xf32, #tpu.memory_space<vmem>> -> memref<128x32xf32, #tpu.memory_space<vmem>>
        %dma_wait3A_489 = arith.constant 0 : i32
        %dma_wait3A_490 = tpu.memref_slice %arg8[%dma_wait3A_483, %dma_wait3A_489] : memref<40x128xi32, #tpu.memory_space<vmem>> -> memref<1x128xi32, #tpu.memory_space<vmem>>
        %dma_wait3A_491 = tpu.memref_squeeze %dma_wait3A_490 : memref<1x128xi32, #tpu.memory_space<vmem>> -> memref<128xi32, #tpu.memory_space<vmem>>
        %dma_wait3A_492 = arith.constant 0 : i32
        %dma_wait3A_493 = arith.constant 0 : i32
        %dma_wait3A_494 = tpu.memref_slice %arg10[%dma_wait3A_492, %dma_wait3A_493] : memref<10240x32xf32, #tpu.memory_space<vmem_shared>> -> memref<10240x32xf32, #tpu.memory_space<vmem_shared>>
        %dma_wait3A_495 = tpu.memref_slice %arg12[%dma_wait3A_484] : memref<2x!tpu.dma_semaphore, #tpu.memory_space<semaphore_mem>> -> memref<1x!tpu.dma_semaphore, #tpu.memory_space<semaphore_mem>>
        %dma_wait3A_496 = tpu.memref_squeeze %dma_wait3A_495 : memref<1x!tpu.dma_semaphore, #tpu.memory_space<semaphore_mem>> -> memref<!tpu.dma_semaphore, #tpu.memory_space<semaphore_mem>>
        tpu.wait_indirect_dma semaphore(%dma_wait3A_496 : memref<!tpu.dma_semaphore, #tpu.memory_space<semaphore_mem>>) src(%dma_wait3A_488 : memref<128x32xf32, #tpu.memory_space<vmem>>) dst(%dma_wait3A_494 : memref<10240x32xf32, #tpu.memory_space<vmem_shared>>)
        %dma_wait3A_497 = arith.constant 1 : i32
        %dma_wait3A_498 = arith.constant 3 : i32
        %dma_wait3A_499 = arith.constant 0 : i32
        %dma_wait3A_500 = arith.constant 1 : i32
        %dma_wait3A_501 = arith.constant 0 : i32
        %dma_wait3A_502 = arith.constant 0 : i32
        %dma_wait3A_503 = tpu.memref_slice %arg9[%dma_wait3A_497, %dma_wait3A_498, %dma_wait3A_501, %dma_wait3A_502] : memref<2x4x128x32xf32, #tpu.memory_space<vmem>> -> memref<1x1x128x32xf32, #tpu.memory_space<vmem>>
        %dma_wait3A_504 = tpu.memref_squeeze %dma_wait3A_503 : memref<1x1x128x32xf32, #tpu.memory_space<vmem>> -> memref<128x32xf32, #tpu.memory_space<vmem>>
        %dma_wait3A_505 = arith.constant 0 : i32
        %dma_wait3A_506 = tpu.memref_slice %arg8[%dma_wait3A_499, %dma_wait3A_505] : memref<40x128xi32, #tpu.memory_space<vmem>> -> memref<1x128xi32, #tpu.memory_space<vmem>>
        %dma_wait3A_507 = tpu.memref_squeeze %dma_wait3A_506 : memref<1x128xi32, #tpu.memory_space<vmem>> -> memref<128xi32, #tpu.memory_space<vmem>>
        %dma_wait3A_508 = arith.constant 0 : i32
        %dma_wait3A_509 = arith.constant 0 : i32
        %dma_wait3A_510 = tpu.memref_slice %arg10[%dma_wait3A_508, %dma_wait3A_509] : memref<10240x32xf32, #tpu.memory_space<vmem_shared>> -> memref<10240x32xf32, #tpu.memory_space<vmem_shared>>
        %dma_wait3A_511 = tpu.memref_slice %arg12[%dma_wait3A_500] : memref<2x!tpu.dma_semaphore, #tpu.memory_space<semaphore_mem>> -> memref<1x!tpu.dma_semaphore, #tpu.memory_space<semaphore_mem>>
        %dma_wait3A_512 = tpu.memref_squeeze %dma_wait3A_511 : memref<1x!tpu.dma_semaphore, #tpu.memory_space<semaphore_mem>> -> memref<!tpu.dma_semaphore, #tpu.memory_space<semaphore_mem>>
        tpu.wait_indirect_dma semaphore(%dma_wait3A_512 : memref<!tpu.dma_semaphore, #tpu.memory_space<semaphore_mem>>) src(%dma_wait3A_504 : memref<128x32xf32, #tpu.memory_space<vmem>>) dst(%dma_wait3A_510 : memref<10240x32xf32, #tpu.memory_space<vmem_shared>>)
      } else {
      }
      %add3A_213 = arith.constant 1 : i32
      %add3A_214 = arith.addi %add3A_144, %add3A_213 : i32
      %lt3A = arith.constant 10 : i32
      %lt3A_215 = arith.cmpi slt, %add3A_214, %lt3A : i32
      %convert_element_type3A_216 = arith.extui %lt3A_215 : i1 to i32
      %cond3A_217 = arith.constant 0 : i32
      %cond3A_218 = arith.cmpi ne, %convert_element_type3A_216, %cond3A_217 : i32
      scf.if %cond3A_218 {
        %add3A_449 = arith.constant 1 : i32
        %add3A_450 = arith.addi %add3A_144, %add3A_449 : i32
        %mul3A_451 = arith.constant 4 : i32
        %mul3A_452 = arith.muli %add3A_450, %mul3A_451 : i32
        %add3A_453 = arith.constant 0 : i32
        %add3A_454 = arith.addi %mul3A_452, %add3A_453 : i32
        %dma_start3A_455 = arith.constant 1 : i32
        %dma_start3A_456 = arith.constant 0 : i32
        %dma_start3A_457 = arith.constant 1 : i32
        %dma_start3A_458 = arith.constant 0 : i32
        %dma_start3A_459 = arith.constant 0 : i32
        %dma_start3A_460 = tpu.memref_slice %arg9[%dma_start3A_455, %dma_start3A_456, %dma_start3A_458, %dma_start3A_459] : memref<2x4x128x32xf32, #tpu.memory_space<vmem>> -> memref<1x1x128x32xf32, #tpu.memory_space<vmem>>
        %dma_start3A_461 = tpu.memref_squeeze %dma_start3A_460 : memref<1x1x128x32xf32, #tpu.memory_space<vmem>> -> memref<128x32xf32, #tpu.memory_space<vmem>>
        %dma_start3A_462 = arith.constant 0 : i32
        %dma_start3A_463 = tpu.memref_slice %arg7[%add3A_454, %dma_start3A_462] : memref<40x128xi32, #tpu.memory_space<vmem>> -> memref<1x128xi32, #tpu.memory_space<vmem>>
        %dma_start3A_464 = tpu.memref_squeeze %dma_start3A_463 : memref<1x128xi32, #tpu.memory_space<vmem>> -> memref<128xi32, #tpu.memory_space<vmem>>
        %dma_start3A_465 = arith.constant 0 : i32
        %dma_start3A_466 = arith.constant 0 : i32
        %dma_start3A_467 = tpu.memref_slice %arg2[%dma_start3A_465, %dma_start3A_466] : memref<10000x32xf32, #tpu.memory_space<hbm>> -> memref<10000x32xf32, #tpu.memory_space<hbm>>
        %dma_start3A_468 = tpu.memref_slice %arg11[%dma_start3A_457] : memref<2x!tpu.dma_semaphore, #tpu.memory_space<semaphore_mem>> -> memref<1x!tpu.dma_semaphore, #tpu.memory_space<semaphore_mem>>
        %dma_start3A_469 = tpu.memref_squeeze %dma_start3A_468 : memref<1x!tpu.dma_semaphore, #tpu.memory_space<semaphore_mem>> -> memref<!tpu.dma_semaphore, #tpu.memory_space<semaphore_mem>>
        tpu.enqueue_indirect_dma source(%dma_start3A_467 : memref<10000x32xf32, #tpu.memory_space<hbm>>) target(%dma_start3A_461 : memref<128x32xf32, #tpu.memory_space<vmem>>) offsets(%dma_start3A_464 : memref<128xi32, #tpu.memory_space<vmem>>) semaphore(%dma_start3A_469 : memref<!tpu.dma_semaphore, #tpu.memory_space<semaphore_mem>>)
        %mul3A_470 = arith.constant 4 : i32
        %mul3A_471 = arith.muli %add3A_450, %mul3A_470 : i32
        %add3A_472 = arith.constant 1 : i32
        %add3A_473 = arith.addi %mul3A_471, %add3A_472 : i32
        %dma_start3A_474 = arith.constant 1 : i32
        %dma_start3A_475 = arith.constant 1 : i32
        %dma_start3A_476 = arith.constant 1 : i32
        %dma_start3A_477 = arith.constant 0 : i32
        %dma_start3A_478 = arith.constant 0 : i32
        %dma_start3A_479 = tpu.memref_slice %arg9[%dma_start3A_474, %dma_start3A_475, %dma_start3A_477, %dma_start3A_478] : memref<2x4x128x32xf32, #tpu.memory_space<vmem>> -> memref<1x1x128x32xf32, #tpu.memory_space<vmem>>
        %dma_start3A_480 = tpu.memref_squeeze %dma_start3A_479 : memref<1x1x128x32xf32, #tpu.memory_space<vmem>> -> memref<128x32xf32, #tpu.memory_space<vmem>>
        %dma_start3A_481 = arith.constant 0 : i32
        %dma_start3A_482 = tpu.memref_slice %arg7[%add3A_473, %dma_start3A_481] : memref<40x128xi32, #tpu.memory_space<vmem>> -> memref<1x128xi32, #tpu.memory_space<vmem>>
        %dma_start3A_483 = tpu.memref_squeeze %dma_start3A_482 : memref<1x128xi32, #tpu.memory_space<vmem>> -> memref<128xi32, #tpu.memory_space<vmem>>
        %dma_start3A_484 = arith.constant 0 : i32
        %dma_start3A_485 = arith.constant 0 : i32
        %dma_start3A_486 = tpu.memref_slice %arg2[%dma_start3A_484, %dma_start3A_485] : memref<10000x32xf32, #tpu.memory_space<hbm>> -> memref<10000x32xf32, #tpu.memory_space<hbm>>
        %dma_start3A_487 = tpu.memref_slice %arg11[%dma_start3A_476] : memref<2x!tpu.dma_semaphore, #tpu.memory_space<semaphore_mem>> -> memref<1x!tpu.dma_semaphore, #tpu.memory_space<semaphore_mem>>
        %dma_start3A_488 = tpu.memref_squeeze %dma_start3A_487 : memref<1x!tpu.dma_semaphore, #tpu.memory_space<semaphore_mem>> -> memref<!tpu.dma_semaphore, #tpu.memory_space<semaphore_mem>>
        tpu.enqueue_indirect_dma source(%dma_start3A_486 : memref<10000x32xf32, #tpu.memory_space<hbm>>) target(%dma_start3A_480 : memref<128x32xf32, #tpu.memory_space<vmem>>) offsets(%dma_start3A_483 : memref<128xi32, #tpu.memory_space<vmem>>) semaphore(%dma_start3A_488 : memref<!tpu.dma_semaphore, #tpu.memory_space<semaphore_mem>>)
        %mul3A_489 = arith.constant 4 : i32
        %mul3A_490 = arith.muli %add3A_450, %mul3A_489 : i32
        %add3A_491 = arith.constant 2 : i32
        %add3A_492 = arith.addi %mul3A_490, %add3A_491 : i32
        %dma_start3A_493 = arith.constant 1 : i32
        %dma_start3A_494 = arith.constant 2 : i32
        %dma_start3A_495 = arith.constant 1 : i32
        %dma_start3A_496 = arith.constant 0 : i32
        %dma_start3A_497 = arith.constant 0 : i32
        %dma_start3A_498 = tpu.memref_slice %arg9[%dma_start3A_493, %dma_start3A_494, %dma_start3A_496, %dma_start3A_497] : memref<2x4x128x32xf32, #tpu.memory_space<vmem>> -> memref<1x1x128x32xf32, #tpu.memory_space<vmem>>
        %dma_start3A_499 = tpu.memref_squeeze %dma_start3A_498 : memref<1x1x128x32xf32, #tpu.memory_space<vmem>> -> memref<128x32xf32, #tpu.memory_space<vmem>>
        %dma_start3A_500 = arith.constant 0 : i32
        %dma_start3A_501 = tpu.memref_slice %arg7[%add3A_492, %dma_start3A_500] : memref<40x128xi32, #tpu.memory_space<vmem>> -> memref<1x128xi32, #tpu.memory_space<vmem>>
        %dma_start3A_502 = tpu.memref_squeeze %dma_start3A_501 : memref<1x128xi32, #tpu.memory_space<vmem>> -> memref<128xi32, #tpu.memory_space<vmem>>
        %dma_start3A_503 = arith.constant 0 : i32
        %dma_start3A_504 = arith.constant 0 : i32
        %dma_start3A_505 = tpu.memref_slice %arg2[%dma_start3A_503, %dma_start3A_504] : memref<10000x32xf32, #tpu.memory_space<hbm>> -> memref<10000x32xf32, #tpu.memory_space<hbm>>
        %dma_start3A_506 = tpu.memref_slice %arg11[%dma_start3A_495] : memref<2x!tpu.dma_semaphore, #tpu.memory_space<semaphore_mem>> -> memref<1x!tpu.dma_semaphore, #tpu.memory_space<semaphore_mem>>
        %dma_start3A_507 = tpu.memref_squeeze %dma_start3A_506 : memref<1x!tpu.dma_semaphore, #tpu.memory_space<semaphore_mem>> -> memref<!tpu.dma_semaphore, #tpu.memory_space<semaphore_mem>>
        tpu.enqueue_indirect_dma source(%dma_start3A_505 : memref<10000x32xf32, #tpu.memory_space<hbm>>) target(%dma_start3A_499 : memref<128x32xf32, #tpu.memory_space<vmem>>) offsets(%dma_start3A_502 : memref<128xi32, #tpu.memory_space<vmem>>) semaphore(%dma_start3A_507 : memref<!tpu.dma_semaphore, #tpu.memory_space<semaphore_mem>>)
        %mul3A_508 = arith.constant 4 : i32
        %mul3A_509 = arith.muli %add3A_450, %mul3A_508 : i32
        %add3A_510 = arith.constant 3 : i32
        %add3A_511 = arith.addi %mul3A_509, %add3A_510 : i32
        %dma_start3A_512 = arith.constant 1 : i32
        %dma_start3A_513 = arith.constant 3 : i32
        %dma_start3A_514 = arith.constant 1 : i32
        %dma_start3A_515 = arith.constant 0 : i32
        %dma_start3A_516 = arith.constant 0 : i32
        %dma_start3A_517 = tpu.memref_slice %arg9[%dma_start3A_512, %dma_start3A_513, %dma_start3A_515, %dma_start3A_516] : memref<2x4x128x32xf32, #tpu.memory_space<vmem>> -> memref<1x1x128x32xf32, #tpu.memory_space<vmem>>
        %dma_start3A_518 = tpu.memref_squeeze %dma_start3A_517 : memref<1x1x128x32xf32, #tpu.memory_space<vmem>> -> memref<128x32xf32, #tpu.memory_space<vmem>>
        %dma_start3A_519 = arith.constant 0 : i32
        %dma_start3A_520 = tpu.memref_slice %arg7[%add3A_511, %dma_start3A_519] : memref<40x128xi32, #tpu.memory_space<vmem>> -> memref<1x128xi32, #tpu.memory_space<vmem>>
        %dma_start3A_521 = tpu.memref_squeeze %dma_start3A_520 : memref<1x128xi32, #tpu.memory_space<vmem>> -> memref<128xi32, #tpu.memory_space<vmem>>
        %dma_start3A_522 = arith.constant 0 : i32
        %dma_start3A_523 = arith.constant 0 : i32
        %dma_start3A_524 = tpu.memref_slice %arg2[%dma_start3A_522, %dma_start3A_523] : memref<10000x32xf32, #tpu.memory_space<hbm>> -> memref<10000x32xf32, #tpu.memory_space<hbm>>
        %dma_start3A_525 = tpu.memref_slice %arg11[%dma_start3A_514] : memref<2x!tpu.dma_semaphore, #tpu.memory_space<semaphore_mem>> -> memref<1x!tpu.dma_semaphore, #tpu.memory_space<semaphore_mem>>
        %dma_start3A_526 = tpu.memref_squeeze %dma_start3A_525 : memref<1x!tpu.dma_semaphore, #tpu.memory_space<semaphore_mem>> -> memref<!tpu.dma_semaphore, #tpu.memory_space<semaphore_mem>>
        tpu.enqueue_indirect_dma source(%dma_start3A_524 : memref<10000x32xf32, #tpu.memory_space<hbm>>) target(%dma_start3A_518 : memref<128x32xf32, #tpu.memory_space<vmem>>) offsets(%dma_start3A_521 : memref<128xi32, #tpu.memory_space<vmem>>) semaphore(%dma_start3A_526 : memref<!tpu.dma_semaphore, #tpu.memory_space<semaphore_mem>>)
      } else {
      }
      %mul3A_219 = arith.constant 4 : i32
      %mul3A_220 = arith.muli %add3A_144, %mul3A_219 : i32
      %add3A_221 = arith.constant 0 : i32
      %add3A_222 = arith.addi %mul3A_220, %add3A_221 : i32
      %dma_start3A_223 = arith.constant 0 : i32
      %dma_start3A_224 = arith.constant 0 : i32
      %dma_start3A_225 = arith.constant 0 : i32
      %dma_start3A_226 = arith.constant 0 : i32
      %dma_start3A_227 = arith.constant 0 : i32
      %dma_start3A_228 = tpu.memref_slice %arg9[%dma_start3A_223, %dma_start3A_224, %dma_start3A_226, %dma_start3A_227] : memref<2x4x128x32xf32, #tpu.memory_space<vmem>> -> memref<1x1x128x32xf32, #tpu.memory_space<vmem>>
      %dma_start3A_229 = tpu.memref_squeeze %dma_start3A_228 : memref<1x1x128x32xf32, #tpu.memory_space<vmem>> -> memref<128x32xf32, #tpu.memory_space<vmem>>
      %dma_start3A_230 = arith.constant 0 : i32
      %dma_start3A_231 = tpu.memref_slice %arg8[%add3A_222, %dma_start3A_230] : memref<40x128xi32, #tpu.memory_space<vmem>> -> memref<1x128xi32, #tpu.memory_space<vmem>>
      %dma_start3A_232 = tpu.memref_squeeze %dma_start3A_231 : memref<1x128xi32, #tpu.memory_space<vmem>> -> memref<128xi32, #tpu.memory_space<vmem>>
      %dma_start3A_233 = arith.constant 0 : i32
      %dma_start3A_234 = arith.constant 0 : i32
      %dma_start3A_235 = tpu.memref_slice %arg10[%dma_start3A_233, %dma_start3A_234] : memref<10240x32xf32, #tpu.memory_space<vmem_shared>> -> memref<10240x32xf32, #tpu.memory_space<vmem_shared>>
      %dma_start3A_236 = tpu.memref_slice %arg12[%dma_start3A_225] : memref<2x!tpu.dma_semaphore, #tpu.memory_space<semaphore_mem>> -> memref<1x!tpu.dma_semaphore, #tpu.memory_space<semaphore_mem>>
      %dma_start3A_237 = tpu.memref_squeeze %dma_start3A_236 : memref<1x!tpu.dma_semaphore, #tpu.memory_space<semaphore_mem>> -> memref<!tpu.dma_semaphore, #tpu.memory_space<semaphore_mem>>
      tpu.enqueue_indirect_dma source(%dma_start3A_229 : memref<128x32xf32, #tpu.memory_space<vmem>>) target(%dma_start3A_235 : memref<10240x32xf32, #tpu.memory_space<vmem_shared>>) offsets(%dma_start3A_232 : memref<128xi32, #tpu.memory_space<vmem>>) semaphore(%dma_start3A_237 : memref<!tpu.dma_semaphore, #tpu.memory_space<semaphore_mem>>) {add = true}
      %mul3A_238 = arith.constant 4 : i32
      %mul3A_239 = arith.muli %add3A_144, %mul3A_238 : i32
      %add3A_240 = arith.constant 1 : i32
      %add3A_241 = arith.addi %mul3A_239, %add3A_240 : i32
      %dma_start3A_242 = arith.constant 0 : i32
      %dma_start3A_243 = arith.constant 1 : i32
      %dma_start3A_244 = arith.constant 0 : i32
      %dma_start3A_245 = arith.constant 0 : i32
      %dma_start3A_246 = arith.constant 0 : i32
      %dma_start3A_247 = tpu.memref_slice %arg9[%dma_start3A_242, %dma_start3A_243, %dma_start3A_245, %dma_start3A_246] : memref<2x4x128x32xf32, #tpu.memory_space<vmem>> -> memref<1x1x128x32xf32, #tpu.memory_space<vmem>>
      %dma_start3A_248 = tpu.memref_squeeze %dma_start3A_247 : memref<1x1x128x32xf32, #tpu.memory_space<vmem>> -> memref<128x32xf32, #tpu.memory_space<vmem>>
      %dma_start3A_249 = arith.constant 0 : i32
      %dma_start3A_250 = tpu.memref_slice %arg8[%add3A_241, %dma_start3A_249] : memref<40x128xi32, #tpu.memory_space<vmem>> -> memref<1x128xi32, #tpu.memory_space<vmem>>
      %dma_start3A_251 = tpu.memref_squeeze %dma_start3A_250 : memref<1x128xi32, #tpu.memory_space<vmem>> -> memref<128xi32, #tpu.memory_space<vmem>>
      %dma_start3A_252 = arith.constant 0 : i32
      %dma_start3A_253 = arith.constant 0 : i32
      %dma_start3A_254 = tpu.memref_slice %arg10[%dma_start3A_252, %dma_start3A_253] : memref<10240x32xf32, #tpu.memory_space<vmem_shared>> -> memref<10240x32xf32, #tpu.memory_space<vmem_shared>>
      %dma_start3A_255 = tpu.memref_slice %arg12[%dma_start3A_244] : memref<2x!tpu.dma_semaphore, #tpu.memory_space<semaphore_mem>> -> memref<1x!tpu.dma_semaphore, #tpu.memory_space<semaphore_mem>>
      %dma_start3A_256 = tpu.memref_squeeze %dma_start3A_255 : memref<1x!tpu.dma_semaphore, #tpu.memory_space<semaphore_mem>> -> memref<!tpu.dma_semaphore, #tpu.memory_space<semaphore_mem>>
      tpu.enqueue_indirect_dma source(%dma_start3A_248 : memref<128x32xf32, #tpu.memory_space<vmem>>) target(%dma_start3A_254 : memref<10240x32xf32, #tpu.memory_space<vmem_shared>>) offsets(%dma_start3A_251 : memref<128xi32, #tpu.memory_space<vmem>>) semaphore(%dma_start3A_256 : memref<!tpu.dma_semaphore, #tpu.memory_space<semaphore_mem>>) {add = true}
      %mul3A_257 = arith.constant 4 : i32
      %mul3A_258 = arith.muli %add3A_144, %mul3A_257 : i32
      %add3A_259 = arith.constant 2 : i32
      %add3A_260 = arith.addi %mul3A_258, %add3A_259 : i32
      %dma_start3A_261 = arith.constant 0 : i32
      %dma_start3A_262 = arith.constant 2 : i32
      %dma_start3A_263 = arith.constant 0 : i32
      %dma_start3A_264 = arith.constant 0 : i32
      %dma_start3A_265 = arith.constant 0 : i32
      %dma_start3A_266 = tpu.memref_slice %arg9[%dma_start3A_261, %dma_start3A_262, %dma_start3A_264, %dma_start3A_265] : memref<2x4x128x32xf32, #tpu.memory_space<vmem>> -> memref<1x1x128x32xf32, #tpu.memory_space<vmem>>
      %dma_start3A_267 = tpu.memref_squeeze %dma_start3A_266 : memref<1x1x128x32xf32, #tpu.memory_space<vmem>> -> memref<128x32xf32, #tpu.memory_space<vmem>>
      %dma_start3A_268 = arith.constant 0 : i32
      %dma_start3A_269 = tpu.memref_slice %arg8[%add3A_260, %dma_start3A_268] : memref<40x128xi32, #tpu.memory_space<vmem>> -> memref<1x128xi32, #tpu.memory_space<vmem>>
      %dma_start3A_270 = tpu.memref_squeeze %dma_start3A_269 : memref<1x128xi32, #tpu.memory_space<vmem>> -> memref<128xi32, #tpu.memory_space<vmem>>
      %dma_start3A_271 = arith.constant 0 : i32
      %dma_start3A_272 = arith.constant 0 : i32
      %dma_start3A_273 = tpu.memref_slice %arg10[%dma_start3A_271, %dma_start3A_272] : memref<10240x32xf32, #tpu.memory_space<vmem_shared>> -> memref<10240x32xf32, #tpu.memory_space<vmem_shared>>
      %dma_start3A_274 = tpu.memref_slice %arg12[%dma_start3A_263] : memref<2x!tpu.dma_semaphore, #tpu.memory_space<semaphore_mem>> -> memref<1x!tpu.dma_semaphore, #tpu.memory_space<semaphore_mem>>
      %dma_start3A_275 = tpu.memref_squeeze %dma_start3A_274 : memref<1x!tpu.dma_semaphore, #tpu.memory_space<semaphore_mem>> -> memref<!tpu.dma_semaphore, #tpu.memory_space<semaphore_mem>>
      tpu.enqueue_indirect_dma source(%dma_start3A_267 : memref<128x32xf32, #tpu.memory_space<vmem>>) target(%dma_start3A_273 : memref<10240x32xf32, #tpu.memory_space<vmem_shared>>) offsets(%dma_start3A_270 : memref<128xi32, #tpu.memory_space<vmem>>) semaphore(%dma_start3A_275 : memref<!tpu.dma_semaphore, #tpu.memory_space<semaphore_mem>>) {add = true}
      %mul3A_276 = arith.constant 4 : i32
      %mul3A_277 = arith.muli %add3A_144, %mul3A_276 : i32
      %add3A_278 = arith.constant 3 : i32
      %add3A_279 = arith.addi %mul3A_277, %add3A_278 : i32
      %dma_start3A_280 = arith.constant 0 : i32
      %dma_start3A_281 = arith.constant 3 : i32
      %dma_start3A_282 = arith.constant 0 : i32
      %dma_start3A_283 = arith.constant 0 : i32
      %dma_start3A_284 = arith.constant 0 : i32
      %dma_start3A_285 = tpu.memref_slice %arg9[%dma_start3A_280, %dma_start3A_281, %dma_start3A_283, %dma_start3A_284] : memref<2x4x128x32xf32, #tpu.memory_space<vmem>> -> memref<1x1x128x32xf32, #tpu.memory_space<vmem>>
      %dma_start3A_286 = tpu.memref_squeeze %dma_start3A_285 : memref<1x1x128x32xf32, #tpu.memory_space<vmem>> -> memref<128x32xf32, #tpu.memory_space<vmem>>
      %dma_start3A_287 = arith.constant 0 : i32
      %dma_start3A_288 = tpu.memref_slice %arg8[%add3A_279, %dma_start3A_287] : memref<40x128xi32, #tpu.memory_space<vmem>> -> memref<1x128xi32, #tpu.memory_space<vmem>>
      %dma_start3A_289 = tpu.memref_squeeze %dma_start3A_288 : memref<1x128xi32, #tpu.memory_space<vmem>> -> memref<128xi32, #tpu.memory_space<vmem>>
      %dma_start3A_290 = arith.constant 0 : i32
      %dma_start3A_291 = arith.constant 0 : i32
      %dma_start3A_292 = tpu.memref_slice %arg10[%dma_start3A_290, %dma_start3A_291] : memref<10240x32xf32, #tpu.memory_space<vmem_shared>> -> memref<10240x32xf32, #tpu.memory_space<vmem_shared>>
      %dma_start3A_293 = tpu.memref_slice %arg12[%dma_start3A_282] : memref<2x!tpu.dma_semaphore, #tpu.memory_space<semaphore_mem>> -> memref<1x!tpu.dma_semaphore, #tpu.memory_space<semaphore_mem>>
      %dma_start3A_294 = tpu.memref_squeeze %dma_start3A_293 : memref<1x!tpu.dma_semaphore, #tpu.memory_space<semaphore_mem>> -> memref<!tpu.dma_semaphore, #tpu.memory_space<semaphore_mem>>
      tpu.enqueue_indirect_dma source(%dma_start3A_286 : memref<128x32xf32, #tpu.memory_space<vmem>>) target(%dma_start3A_292 : memref<10240x32xf32, #tpu.memory_space<vmem_shared>>) offsets(%dma_start3A_289 : memref<128xi32, #tpu.memory_space<vmem>>) semaphore(%dma_start3A_294 : memref<!tpu.dma_semaphore, #tpu.memory_space<semaphore_mem>>) {add = true}
      %add3A_295 = arith.constant 1 : i32
      %add3A_296 = arith.addi %add3A_142, %add3A_295 : i32
      %dma_wait3A_297 = arith.constant 0 : i32
      %dma_wait3A_298 = arith.constant 1 : i32
      %dma_wait3A_299 = arith.constant 0 : i32
      %dma_wait3A_300 = arith.constant 1 : i32
      %dma_wait3A_301 = arith.constant 0 : i32
      %dma_wait3A_302 = arith.constant 0 : i32
      %dma_wait3A_303 = tpu.memref_slice %arg9[%dma_wait3A_298, %dma_wait3A_299, %dma_wait3A_301, %dma_wait3A_302] : memref<2x4x128x32xf32, #tpu.memory_space<vmem>> -> memref<1x1x128x32xf32, #tpu.memory_space<vmem>>
      %dma_wait3A_304 = tpu.memref_squeeze %dma_wait3A_303 : memref<1x1x128x32xf32, #tpu.memory_space<vmem>> -> memref<128x32xf32, #tpu.memory_space<vmem>>
      %dma_wait3A_305 = arith.constant 0 : i32
      %dma_wait3A_306 = tpu.memref_slice %arg7[%dma_wait3A_297, %dma_wait3A_305] : memref<40x128xi32, #tpu.memory_space<vmem>> -> memref<1x128xi32, #tpu.memory_space<vmem>>
      %dma_wait3A_307 = tpu.memref_squeeze %dma_wait3A_306 : memref<1x128xi32, #tpu.memory_space<vmem>> -> memref<128xi32, #tpu.memory_space<vmem>>
      %dma_wait3A_308 = arith.constant 0 : i32
      %dma_wait3A_309 = arith.constant 0 : i32
      %dma_wait3A_310 = tpu.memref_slice %arg2[%dma_wait3A_308, %dma_wait3A_309] : memref<10000x32xf32, #tpu.memory_space<hbm>> -> memref<10000x32xf32, #tpu.memory_space<hbm>>
      %dma_wait3A_311 = tpu.memref_slice %arg11[%dma_wait3A_300] : memref<2x!tpu.dma_semaphore, #tpu.memory_space<semaphore_mem>> -> memref<1x!tpu.dma_semaphore, #tpu.memory_space<semaphore_mem>>
      %dma_wait3A_312 = tpu.memref_squeeze %dma_wait3A_311 : memref<1x!tpu.dma_semaphore, #tpu.memory_space<semaphore_mem>> -> memref<!tpu.dma_semaphore, #tpu.memory_space<semaphore_mem>>
      tpu.wait_indirect_dma semaphore(%dma_wait3A_312 : memref<!tpu.dma_semaphore, #tpu.memory_space<semaphore_mem>>) src(%dma_wait3A_310 : memref<10000x32xf32, #tpu.memory_space<hbm>>) dst(%dma_wait3A_304 : memref<128x32xf32, #tpu.memory_space<vmem>>)
      %dma_wait3A_313 = arith.constant 0 : i32
      %dma_wait3A_314 = arith.constant 1 : i32
      %dma_wait3A_315 = arith.constant 1 : i32
      %dma_wait3A_316 = arith.constant 1 : i32
      %dma_wait3A_317 = arith.constant 0 : i32
      %dma_wait3A_318 = arith.constant 0 : i32
      %dma_wait3A_319 = tpu.memref_slice %arg9[%dma_wait3A_314, %dma_wait3A_315, %dma_wait3A_317, %dma_wait3A_318] : memref<2x4x128x32xf32, #tpu.memory_space<vmem>> -> memref<1x1x128x32xf32, #tpu.memory_space<vmem>>
      %dma_wait3A_320 = tpu.memref_squeeze %dma_wait3A_319 : memref<1x1x128x32xf32, #tpu.memory_space<vmem>> -> memref<128x32xf32, #tpu.memory_space<vmem>>
      %dma_wait3A_321 = arith.constant 0 : i32
      %dma_wait3A_322 = tpu.memref_slice %arg7[%dma_wait3A_313, %dma_wait3A_321] : memref<40x128xi32, #tpu.memory_space<vmem>> -> memref<1x128xi32, #tpu.memory_space<vmem>>
      %dma_wait3A_323 = tpu.memref_squeeze %dma_wait3A_322 : memref<1x128xi32, #tpu.memory_space<vmem>> -> memref<128xi32, #tpu.memory_space<vmem>>
      %dma_wait3A_324 = arith.constant 0 : i32
      %dma_wait3A_325 = arith.constant 0 : i32
      %dma_wait3A_326 = tpu.memref_slice %arg2[%dma_wait3A_324, %dma_wait3A_325] : memref<10000x32xf32, #tpu.memory_space<hbm>> -> memref<10000x32xf32, #tpu.memory_space<hbm>>
      %dma_wait3A_327 = tpu.memref_slice %arg11[%dma_wait3A_316] : memref<2x!tpu.dma_semaphore, #tpu.memory_space<semaphore_mem>> -> memref<1x!tpu.dma_semaphore, #tpu.memory_space<semaphore_mem>>
      %dma_wait3A_328 = tpu.memref_squeeze %dma_wait3A_327 : memref<1x!tpu.dma_semaphore, #tpu.memory_space<semaphore_mem>> -> memref<!tpu.dma_semaphore, #tpu.memory_space<semaphore_mem>>
      tpu.wait_indirect_dma semaphore(%dma_wait3A_328 : memref<!tpu.dma_semaphore, #tpu.memory_space<semaphore_mem>>) src(%dma_wait3A_326 : memref<10000x32xf32, #tpu.memory_space<hbm>>) dst(%dma_wait3A_320 : memref<128x32xf32, #tpu.memory_space<vmem>>)
      %dma_wait3A_329 = arith.constant 0 : i32
      %dma_wait3A_330 = arith.constant 1 : i32
      %dma_wait3A_331 = arith.constant 2 : i32
      %dma_wait3A_332 = arith.constant 1 : i32
      %dma_wait3A_333 = arith.constant 0 : i32
      %dma_wait3A_334 = arith.constant 0 : i32
      %dma_wait3A_335 = tpu.memref_slice %arg9[%dma_wait3A_330, %dma_wait3A_331, %dma_wait3A_333, %dma_wait3A_334] : memref<2x4x128x32xf32, #tpu.memory_space<vmem>> -> memref<1x1x128x32xf32, #tpu.memory_space<vmem>>
      %dma_wait3A_336 = tpu.memref_squeeze %dma_wait3A_335 : memref<1x1x128x32xf32, #tpu.memory_space<vmem>> -> memref<128x32xf32, #tpu.memory_space<vmem>>
      %dma_wait3A_337 = arith.constant 0 : i32
      %dma_wait3A_338 = tpu.memref_slice %arg7[%dma_wait3A_329, %dma_wait3A_337] : memref<40x128xi32, #tpu.memory_space<vmem>> -> memref<1x128xi32, #tpu.memory_space<vmem>>
      %dma_wait3A_339 = tpu.memref_squeeze %dma_wait3A_338 : memref<1x128xi32, #tpu.memory_space<vmem>> -> memref<128xi32, #tpu.memory_space<vmem>>
      %dma_wait3A_340 = arith.constant 0 : i32
      %dma_wait3A_341 = arith.constant 0 : i32
      %dma_wait3A_342 = tpu.memref_slice %arg2[%dma_wait3A_340, %dma_wait3A_341] : memref<10000x32xf32, #tpu.memory_space<hbm>> -> memref<10000x32xf32, #tpu.memory_space<hbm>>
      %dma_wait3A_343 = tpu.memref_slice %arg11[%dma_wait3A_332] : memref<2x!tpu.dma_semaphore, #tpu.memory_space<semaphore_mem>> -> memref<1x!tpu.dma_semaphore, #tpu.memory_space<semaphore_mem>>
      %dma_wait3A_344 = tpu.memref_squeeze %dma_wait3A_343 : memref<1x!tpu.dma_semaphore, #tpu.memory_space<semaphore_mem>> -> memref<!tpu.dma_semaphore, #tpu.memory_space<semaphore_mem>>
      tpu.wait_indirect_dma semaphore(%dma_wait3A_344 : memref<!tpu.dma_semaphore, #tpu.memory_space<semaphore_mem>>) src(%dma_wait3A_342 : memref<10000x32xf32, #tpu.memory_space<hbm>>) dst(%dma_wait3A_336 : memref<128x32xf32, #tpu.memory_space<vmem>>)
      %dma_wait3A_345 = arith.constant 0 : i32
      %dma_wait3A_346 = arith.constant 1 : i32
      %dma_wait3A_347 = arith.constant 3 : i32
      %dma_wait3A_348 = arith.constant 1 : i32
      %dma_wait3A_349 = arith.constant 0 : i32
      %dma_wait3A_350 = arith.constant 0 : i32
      %dma_wait3A_351 = tpu.memref_slice %arg9[%dma_wait3A_346, %dma_wait3A_347, %dma_wait3A_349, %dma_wait3A_350] : memref<2x4x128x32xf32, #tpu.memory_space<vmem>> -> memref<1x1x128x32xf32, #tpu.memory_space<vmem>>
      %dma_wait3A_352 = tpu.memref_squeeze %dma_wait3A_351 : memref<1x1x128x32xf32, #tpu.memory_space<vmem>> -> memref<128x32xf32, #tpu.memory_space<vmem>>
      %dma_wait3A_353 = arith.constant 0 : i32
      %dma_wait3A_354 = tpu.memref_slice %arg7[%dma_wait3A_345, %dma_wait3A_353] : memref<40x128xi32, #tpu.memory_space<vmem>> -> memref<1x128xi32, #tpu.memory_space<vmem>>
      %dma_wait3A_355 = tpu.memref_squeeze %dma_wait3A_354 : memref<1x128xi32, #tpu.memory_space<vmem>> -> memref<128xi32, #tpu.memory_space<vmem>>
      %dma_wait3A_356 = arith.constant 0 : i32
      %dma_wait3A_357 = arith.constant 0 : i32
      %dma_wait3A_358 = tpu.memref_slice %arg2[%dma_wait3A_356, %dma_wait3A_357] : memref<10000x32xf32, #tpu.memory_space<hbm>> -> memref<10000x32xf32, #tpu.memory_space<hbm>>
      %dma_wait3A_359 = tpu.memref_slice %arg11[%dma_wait3A_348] : memref<2x!tpu.dma_semaphore, #tpu.memory_space<semaphore_mem>> -> memref<1x!tpu.dma_semaphore, #tpu.memory_space<semaphore_mem>>
      %dma_wait3A_360 = tpu.memref_squeeze %dma_wait3A_359 : memref<1x!tpu.dma_semaphore, #tpu.memory_space<semaphore_mem>> -> memref<!tpu.dma_semaphore, #tpu.memory_space<semaphore_mem>>
      tpu.wait_indirect_dma semaphore(%dma_wait3A_360 : memref<!tpu.dma_semaphore, #tpu.memory_space<semaphore_mem>>) src(%dma_wait3A_358 : memref<10000x32xf32, #tpu.memory_space<hbm>>) dst(%dma_wait3A_352 : memref<128x32xf32, #tpu.memory_space<vmem>>)
      %ge3A_361 = arith.constant 1 : i32
      %ge3A_362 = arith.cmpi sge, %add3A_296, %ge3A_361 : i32
      %convert_element_type3A_363 = arith.extui %ge3A_362 : i1 to i32
      %cond3A_364 = arith.constant 0 : i32
      %cond3A_365 = arith.cmpi ne, %convert_element_type3A_363, %cond3A_364 : i32
      scf.if %cond3A_365 {
        %dma_wait3A_449 = arith.constant 0 : i32
        %dma_wait3A_450 = arith.constant 0 : i32
        %dma_wait3A_451 = arith.constant 0 : i32
        %dma_wait3A_452 = arith.constant 0 : i32
        %dma_wait3A_453 = arith.constant 0 : i32
        %dma_wait3A_454 = arith.constant 0 : i32
        %dma_wait3A_455 = tpu.memref_slice %arg9[%dma_wait3A_449, %dma_wait3A_450, %dma_wait3A_453, %dma_wait3A_454] : memref<2x4x128x32xf32, #tpu.memory_space<vmem>> -> memref<1x1x128x32xf32, #tpu.memory_space<vmem>>
        %dma_wait3A_456 = tpu.memref_squeeze %dma_wait3A_455 : memref<1x1x128x32xf32, #tpu.memory_space<vmem>> -> memref<128x32xf32, #tpu.memory_space<vmem>>
        %dma_wait3A_457 = arith.constant 0 : i32
        %dma_wait3A_458 = tpu.memref_slice %arg8[%dma_wait3A_451, %dma_wait3A_457] : memref<40x128xi32, #tpu.memory_space<vmem>> -> memref<1x128xi32, #tpu.memory_space<vmem>>
        %dma_wait3A_459 = tpu.memref_squeeze %dma_wait3A_458 : memref<1x128xi32, #tpu.memory_space<vmem>> -> memref<128xi32, #tpu.memory_space<vmem>>
        %dma_wait3A_460 = arith.constant 0 : i32
        %dma_wait3A_461 = arith.constant 0 : i32
        %dma_wait3A_462 = tpu.memref_slice %arg10[%dma_wait3A_460, %dma_wait3A_461] : memref<10240x32xf32, #tpu.memory_space<vmem_shared>> -> memref<10240x32xf32, #tpu.memory_space<vmem_shared>>
        %dma_wait3A_463 = tpu.memref_slice %arg12[%dma_wait3A_452] : memref<2x!tpu.dma_semaphore, #tpu.memory_space<semaphore_mem>> -> memref<1x!tpu.dma_semaphore, #tpu.memory_space<semaphore_mem>>
        %dma_wait3A_464 = tpu.memref_squeeze %dma_wait3A_463 : memref<1x!tpu.dma_semaphore, #tpu.memory_space<semaphore_mem>> -> memref<!tpu.dma_semaphore, #tpu.memory_space<semaphore_mem>>
        tpu.wait_indirect_dma semaphore(%dma_wait3A_464 : memref<!tpu.dma_semaphore, #tpu.memory_space<semaphore_mem>>) src(%dma_wait3A_456 : memref<128x32xf32, #tpu.memory_space<vmem>>) dst(%dma_wait3A_462 : memref<10240x32xf32, #tpu.memory_space<vmem_shared>>)
        %dma_wait3A_465 = arith.constant 0 : i32
        %dma_wait3A_466 = arith.constant 1 : i32
        %dma_wait3A_467 = arith.constant 0 : i32
        %dma_wait3A_468 = arith.constant 0 : i32
        %dma_wait3A_469 = arith.constant 0 : i32
        %dma_wait3A_470 = arith.constant 0 : i32
        %dma_wait3A_471 = tpu.memref_slice %arg9[%dma_wait3A_465, %dma_wait3A_466, %dma_wait3A_469, %dma_wait3A_470] : memref<2x4x128x32xf32, #tpu.memory_space<vmem>> -> memref<1x1x128x32xf32, #tpu.memory_space<vmem>>
        %dma_wait3A_472 = tpu.memref_squeeze %dma_wait3A_471 : memref<1x1x128x32xf32, #tpu.memory_space<vmem>> -> memref<128x32xf32, #tpu.memory_space<vmem>>
        %dma_wait3A_473 = arith.constant 0 : i32
        %dma_wait3A_474 = tpu.memref_slice %arg8[%dma_wait3A_467, %dma_wait3A_473] : memref<40x128xi32, #tpu.memory_space<vmem>> -> memref<1x128xi32, #tpu.memory_space<vmem>>
        %dma_wait3A_475 = tpu.memref_squeeze %dma_wait3A_474 : memref<1x128xi32, #tpu.memory_space<vmem>> -> memref<128xi32, #tpu.memory_space<vmem>>
        %dma_wait3A_476 = arith.constant 0 : i32
        %dma_wait3A_477 = arith.constant 0 : i32
        %dma_wait3A_478 = tpu.memref_slice %arg10[%dma_wait3A_476, %dma_wait3A_477] : memref<10240x32xf32, #tpu.memory_space<vmem_shared>> -> memref<10240x32xf32, #tpu.memory_space<vmem_shared>>
        %dma_wait3A_479 = tpu.memref_slice %arg12[%dma_wait3A_468] : memref<2x!tpu.dma_semaphore, #tpu.memory_space<semaphore_mem>> -> memref<1x!tpu.dma_semaphore, #tpu.memory_space<semaphore_mem>>
        %dma_wait3A_480 = tpu.memref_squeeze %dma_wait3A_479 : memref<1x!tpu.dma_semaphore, #tpu.memory_space<semaphore_mem>> -> memref<!tpu.dma_semaphore, #tpu.memory_space<semaphore_mem>>
        tpu.wait_indirect_dma semaphore(%dma_wait3A_480 : memref<!tpu.dma_semaphore, #tpu.memory_space<semaphore_mem>>) src(%dma_wait3A_472 : memref<128x32xf32, #tpu.memory_space<vmem>>) dst(%dma_wait3A_478 : memref<10240x32xf32, #tpu.memory_space<vmem_shared>>)
        %dma_wait3A_481 = arith.constant 0 : i32
        %dma_wait3A_482 = arith.constant 2 : i32
        %dma_wait3A_483 = arith.constant 0 : i32
        %dma_wait3A_484 = arith.constant 0 : i32
        %dma_wait3A_485 = arith.constant 0 : i32
        %dma_wait3A_486 = arith.constant 0 : i32
        %dma_wait3A_487 = tpu.memref_slice %arg9[%dma_wait3A_481, %dma_wait3A_482, %dma_wait3A_485, %dma_wait3A_486] : memref<2x4x128x32xf32, #tpu.memory_space<vmem>> -> memref<1x1x128x32xf32, #tpu.memory_space<vmem>>
        %dma_wait3A_488 = tpu.memref_squeeze %dma_wait3A_487 : memref<1x1x128x32xf32, #tpu.memory_space<vmem>> -> memref<128x32xf32, #tpu.memory_space<vmem>>
        %dma_wait3A_489 = arith.constant 0 : i32
        %dma_wait3A_490 = tpu.memref_slice %arg8[%dma_wait3A_483, %dma_wait3A_489] : memref<40x128xi32, #tpu.memory_space<vmem>> -> memref<1x128xi32, #tpu.memory_space<vmem>>
        %dma_wait3A_491 = tpu.memref_squeeze %dma_wait3A_490 : memref<1x128xi32, #tpu.memory_space<vmem>> -> memref<128xi32, #tpu.memory_space<vmem>>
        %dma_wait3A_492 = arith.constant 0 : i32
        %dma_wait3A_493 = arith.constant 0 : i32
        %dma_wait3A_494 = tpu.memref_slice %arg10[%dma_wait3A_492, %dma_wait3A_493] : memref<10240x32xf32, #tpu.memory_space<vmem_shared>> -> memref<10240x32xf32, #tpu.memory_space<vmem_shared>>
        %dma_wait3A_495 = tpu.memref_slice %arg12[%dma_wait3A_484] : memref<2x!tpu.dma_semaphore, #tpu.memory_space<semaphore_mem>> -> memref<1x!tpu.dma_semaphore, #tpu.memory_space<semaphore_mem>>
        %dma_wait3A_496 = tpu.memref_squeeze %dma_wait3A_495 : memref<1x!tpu.dma_semaphore, #tpu.memory_space<semaphore_mem>> -> memref<!tpu.dma_semaphore, #tpu.memory_space<semaphore_mem>>
        tpu.wait_indirect_dma semaphore(%dma_wait3A_496 : memref<!tpu.dma_semaphore, #tpu.memory_space<semaphore_mem>>) src(%dma_wait3A_488 : memref<128x32xf32, #tpu.memory_space<vmem>>) dst(%dma_wait3A_494 : memref<10240x32xf32, #tpu.memory_space<vmem_shared>>)
        %dma_wait3A_497 = arith.constant 0 : i32
        %dma_wait3A_498 = arith.constant 3 : i32
        %dma_wait3A_499 = arith.constant 0 : i32
        %dma_wait3A_500 = arith.constant 0 : i32
        %dma_wait3A_501 = arith.constant 0 : i32
        %dma_wait3A_502 = arith.constant 0 : i32
        %dma_wait3A_503 = tpu.memref_slice %arg9[%dma_wait3A_497, %dma_wait3A_498, %dma_wait3A_501, %dma_wait3A_502] : memref<2x4x128x32xf32, #tpu.memory_space<vmem>> -> memref<1x1x128x32xf32, #tpu.memory_space<vmem>>
        %dma_wait3A_504 = tpu.memref_squeeze %dma_wait3A_503 : memref<1x1x128x32xf32, #tpu.memory_space<vmem>> -> memref<128x32xf32, #tpu.memory_space<vmem>>
        %dma_wait3A_505 = arith.constant 0 : i32
        %dma_wait3A_506 = tpu.memref_slice %arg8[%dma_wait3A_499, %dma_wait3A_505] : memref<40x128xi32, #tpu.memory_space<vmem>> -> memref<1x128xi32, #tpu.memory_space<vmem>>
        %dma_wait3A_507 = tpu.memref_squeeze %dma_wait3A_506 : memref<1x128xi32, #tpu.memory_space<vmem>> -> memref<128xi32, #tpu.memory_space<vmem>>
        %dma_wait3A_508 = arith.constant 0 : i32
        %dma_wait3A_509 = arith.constant 0 : i32
        %dma_wait3A_510 = tpu.memref_slice %arg10[%dma_wait3A_508, %dma_wait3A_509] : memref<10240x32xf32, #tpu.memory_space<vmem_shared>> -> memref<10240x32xf32, #tpu.memory_space<vmem_shared>>
        %dma_wait3A_511 = tpu.memref_slice %arg12[%dma_wait3A_500] : memref<2x!tpu.dma_semaphore, #tpu.memory_space<semaphore_mem>> -> memref<1x!tpu.dma_semaphore, #tpu.memory_space<semaphore_mem>>
        %dma_wait3A_512 = tpu.memref_squeeze %dma_wait3A_511 : memref<1x!tpu.dma_semaphore, #tpu.memory_space<semaphore_mem>> -> memref<!tpu.dma_semaphore, #tpu.memory_space<semaphore_mem>>
        tpu.wait_indirect_dma semaphore(%dma_wait3A_512 : memref<!tpu.dma_semaphore, #tpu.memory_space<semaphore_mem>>) src(%dma_wait3A_504 : memref<128x32xf32, #tpu.memory_space<vmem>>) dst(%dma_wait3A_510 : memref<10240x32xf32, #tpu.memory_space<vmem_shared>>)
      } else {
      }
      %add3A_366 = arith.constant 1 : i32
      %add3A_367 = arith.addi %add3A_296, %add3A_366 : i32
      %lt3A_368 = arith.constant 10 : i32
      %lt3A_369 = arith.cmpi slt, %add3A_367, %lt3A_368 : i32
      %convert_element_type3A_370 = arith.extui %lt3A_369 : i1 to i32
      %cond3A_371 = arith.constant 0 : i32
      %cond3A_372 = arith.cmpi ne, %convert_element_type3A_370, %cond3A_371 : i32
      scf.if %cond3A_372 {
        %add3A_449 = arith.constant 1 : i32
        %add3A_450 = arith.addi %add3A_296, %add3A_449 : i32
        %mul3A_451 = arith.constant 4 : i32
        %mul3A_452 = arith.muli %add3A_450, %mul3A_451 : i32
        %add3A_453 = arith.constant 0 : i32
        %add3A_454 = arith.addi %mul3A_452, %add3A_453 : i32
        %dma_start3A_455 = arith.constant 0 : i32
        %dma_start3A_456 = arith.constant 0 : i32
        %dma_start3A_457 = arith.constant 0 : i32
        %dma_start3A_458 = arith.constant 0 : i32
        %dma_start3A_459 = arith.constant 0 : i32
        %dma_start3A_460 = tpu.memref_slice %arg9[%dma_start3A_455, %dma_start3A_456, %dma_start3A_458, %dma_start3A_459] : memref<2x4x128x32xf32, #tpu.memory_space<vmem>> -> memref<1x1x128x32xf32, #tpu.memory_space<vmem>>
        %dma_start3A_461 = tpu.memref_squeeze %dma_start3A_460 : memref<1x1x128x32xf32, #tpu.memory_space<vmem>> -> memref<128x32xf32, #tpu.memory_space<vmem>>
        %dma_start3A_462 = arith.constant 0 : i32
        %dma_start3A_463 = tpu.memref_slice %arg7[%add3A_454, %dma_start3A_462] : memref<40x128xi32, #tpu.memory_space<vmem>> -> memref<1x128xi32, #tpu.memory_space<vmem>>
        %dma_start3A_464 = tpu.memref_squeeze %dma_start3A_463 : memref<1x128xi32, #tpu.memory_space<vmem>> -> memref<128xi32, #tpu.memory_space<vmem>>
        %dma_start3A_465 = arith.constant 0 : i32
        %dma_start3A_466 = arith.constant 0 : i32
        %dma_start3A_467 = tpu.memref_slice %arg2[%dma_start3A_465, %dma_start3A_466] : memref<10000x32xf32, #tpu.memory_space<hbm>> -> memref<10000x32xf32, #tpu.memory_space<hbm>>
        %dma_start3A_468 = tpu.memref_slice %arg11[%dma_start3A_457] : memref<2x!tpu.dma_semaphore, #tpu.memory_space<semaphore_mem>> -> memref<1x!tpu.dma_semaphore, #tpu.memory_space<semaphore_mem>>
        %dma_start3A_469 = tpu.memref_squeeze %dma_start3A_468 : memref<1x!tpu.dma_semaphore, #tpu.memory_space<semaphore_mem>> -> memref<!tpu.dma_semaphore, #tpu.memory_space<semaphore_mem>>
        tpu.enqueue_indirect_dma source(%dma_start3A_467 : memref<10000x32xf32, #tpu.memory_space<hbm>>) target(%dma_start3A_461 : memref<128x32xf32, #tpu.memory_space<vmem>>) offsets(%dma_start3A_464 : memref<128xi32, #tpu.memory_space<vmem>>) semaphore(%dma_start3A_469 : memref<!tpu.dma_semaphore, #tpu.memory_space<semaphore_mem>>)
        %mul3A_470 = arith.constant 4 : i32
        %mul3A_471 = arith.muli %add3A_450, %mul3A_470 : i32
        %add3A_472 = arith.constant 1 : i32
        %add3A_473 = arith.addi %mul3A_471, %add3A_472 : i32
        %dma_start3A_474 = arith.constant 0 : i32
        %dma_start3A_475 = arith.constant 1 : i32
        %dma_start3A_476 = arith.constant 0 : i32
        %dma_start3A_477 = arith.constant 0 : i32
        %dma_start3A_478 = arith.constant 0 : i32
        %dma_start3A_479 = tpu.memref_slice %arg9[%dma_start3A_474, %dma_start3A_475, %dma_start3A_477, %dma_start3A_478] : memref<2x4x128x32xf32, #tpu.memory_space<vmem>> -> memref<1x1x128x32xf32, #tpu.memory_space<vmem>>
        %dma_start3A_480 = tpu.memref_squeeze %dma_start3A_479 : memref<1x1x128x32xf32, #tpu.memory_space<vmem>> -> memref<128x32xf32, #tpu.memory_space<vmem>>
        %dma_start3A_481 = arith.constant 0 : i32
        %dma_start3A_482 = tpu.memref_slice %arg7[%add3A_473, %dma_start3A_481] : memref<40x128xi32, #tpu.memory_space<vmem>> -> memref<1x128xi32, #tpu.memory_space<vmem>>
        %dma_start3A_483 = tpu.memref_squeeze %dma_start3A_482 : memref<1x128xi32, #tpu.memory_space<vmem>> -> memref<128xi32, #tpu.memory_space<vmem>>
        %dma_start3A_484 = arith.constant 0 : i32
        %dma_start3A_485 = arith.constant 0 : i32
        %dma_start3A_486 = tpu.memref_slice %arg2[%dma_start3A_484, %dma_start3A_485] : memref<10000x32xf32, #tpu.memory_space<hbm>> -> memref<10000x32xf32, #tpu.memory_space<hbm>>
        %dma_start3A_487 = tpu.memref_slice %arg11[%dma_start3A_476] : memref<2x!tpu.dma_semaphore, #tpu.memory_space<semaphore_mem>> -> memref<1x!tpu.dma_semaphore, #tpu.memory_space<semaphore_mem>>
        %dma_start3A_488 = tpu.memref_squeeze %dma_start3A_487 : memref<1x!tpu.dma_semaphore, #tpu.memory_space<semaphore_mem>> -> memref<!tpu.dma_semaphore, #tpu.memory_space<semaphore_mem>>
        tpu.enqueue_indirect_dma source(%dma_start3A_486 : memref<10000x32xf32, #tpu.memory_space<hbm>>) target(%dma_start3A_480 : memref<128x32xf32, #tpu.memory_space<vmem>>) offsets(%dma_start3A_483 : memref<128xi32, #tpu.memory_space<vmem>>) semaphore(%dma_start3A_488 : memref<!tpu.dma_semaphore, #tpu.memory_space<semaphore_mem>>)
        %mul3A_489 = arith.constant 4 : i32
        %mul3A_490 = arith.muli %add3A_450, %mul3A_489 : i32
        %add3A_491 = arith.constant 2 : i32
        %add3A_492 = arith.addi %mul3A_490, %add3A_491 : i32
        %dma_start3A_493 = arith.constant 0 : i32
        %dma_start3A_494 = arith.constant 2 : i32
        %dma_start3A_495 = arith.constant 0 : i32
        %dma_start3A_496 = arith.constant 0 : i32
        %dma_start3A_497 = arith.constant 0 : i32
        %dma_start3A_498 = tpu.memref_slice %arg9[%dma_start3A_493, %dma_start3A_494, %dma_start3A_496, %dma_start3A_497] : memref<2x4x128x32xf32, #tpu.memory_space<vmem>> -> memref<1x1x128x32xf32, #tpu.memory_space<vmem>>
        %dma_start3A_499 = tpu.memref_squeeze %dma_start3A_498 : memref<1x1x128x32xf32, #tpu.memory_space<vmem>> -> memref<128x32xf32, #tpu.memory_space<vmem>>
        %dma_start3A_500 = arith.constant 0 : i32
        %dma_start3A_501 = tpu.memref_slice %arg7[%add3A_492, %dma_start3A_500] : memref<40x128xi32, #tpu.memory_space<vmem>> -> memref<1x128xi32, #tpu.memory_space<vmem>>
        %dma_start3A_502 = tpu.memref_squeeze %dma_start3A_501 : memref<1x128xi32, #tpu.memory_space<vmem>> -> memref<128xi32, #tpu.memory_space<vmem>>
        %dma_start3A_503 = arith.constant 0 : i32
        %dma_start3A_504 = arith.constant 0 : i32
        %dma_start3A_505 = tpu.memref_slice %arg2[%dma_start3A_503, %dma_start3A_504] : memref<10000x32xf32, #tpu.memory_space<hbm>> -> memref<10000x32xf32, #tpu.memory_space<hbm>>
        %dma_start3A_506 = tpu.memref_slice %arg11[%dma_start3A_495] : memref<2x!tpu.dma_semaphore, #tpu.memory_space<semaphore_mem>> -> memref<1x!tpu.dma_semaphore, #tpu.memory_space<semaphore_mem>>
        %dma_start3A_507 = tpu.memref_squeeze %dma_start3A_506 : memref<1x!tpu.dma_semaphore, #tpu.memory_space<semaphore_mem>> -> memref<!tpu.dma_semaphore, #tpu.memory_space<semaphore_mem>>
        tpu.enqueue_indirect_dma source(%dma_start3A_505 : memref<10000x32xf32, #tpu.memory_space<hbm>>) target(%dma_start3A_499 : memref<128x32xf32, #tpu.memory_space<vmem>>) offsets(%dma_start3A_502 : memref<128xi32, #tpu.memory_space<vmem>>) semaphore(%dma_start3A_507 : memref<!tpu.dma_semaphore, #tpu.memory_space<semaphore_mem>>)
        %mul3A_508 = arith.constant 4 : i32
        %mul3A_509 = arith.muli %add3A_450, %mul3A_508 : i32
        %add3A_510 = arith.constant 3 : i32
        %add3A_511 = arith.addi %mul3A_509, %add3A_510 : i32
        %dma_start3A_512 = arith.constant 0 : i32
        %dma_start3A_513 = arith.constant 3 : i32
        %dma_start3A_514 = arith.constant 0 : i32
        %dma_start3A_515 = arith.constant 0 : i32
        %dma_start3A_516 = arith.constant 0 : i32
        %dma_start3A_517 = tpu.memref_slice %arg9[%dma_start3A_512, %dma_start3A_513, %dma_start3A_515, %dma_start3A_516] : memref<2x4x128x32xf32, #tpu.memory_space<vmem>> -> memref<1x1x128x32xf32, #tpu.memory_space<vmem>>
        %dma_start3A_518 = tpu.memref_squeeze %dma_start3A_517 : memref<1x1x128x32xf32, #tpu.memory_space<vmem>> -> memref<128x32xf32, #tpu.memory_space<vmem>>
        %dma_start3A_519 = arith.constant 0 : i32
        %dma_start3A_520 = tpu.memref_slice %arg7[%add3A_511, %dma_start3A_519] : memref<40x128xi32, #tpu.memory_space<vmem>> -> memref<1x128xi32, #tpu.memory_space<vmem>>
        %dma_start3A_521 = tpu.memref_squeeze %dma_start3A_520 : memref<1x128xi32, #tpu.memory_space<vmem>> -> memref<128xi32, #tpu.memory_space<vmem>>
        %dma_start3A_522 = arith.constant 0 : i32
        %dma_start3A_523 = arith.constant 0 : i32
        %dma_start3A_524 = tpu.memref_slice %arg2[%dma_start3A_522, %dma_start3A_523] : memref<10000x32xf32, #tpu.memory_space<hbm>> -> memref<10000x32xf32, #tpu.memory_space<hbm>>
        %dma_start3A_525 = tpu.memref_slice %arg11[%dma_start3A_514] : memref<2x!tpu.dma_semaphore, #tpu.memory_space<semaphore_mem>> -> memref<1x!tpu.dma_semaphore, #tpu.memory_space<semaphore_mem>>
        %dma_start3A_526 = tpu.memref_squeeze %dma_start3A_525 : memref<1x!tpu.dma_semaphore, #tpu.memory_space<semaphore_mem>> -> memref<!tpu.dma_semaphore, #tpu.memory_space<semaphore_mem>>
        tpu.enqueue_indirect_dma source(%dma_start3A_524 : memref<10000x32xf32, #tpu.memory_space<hbm>>) target(%dma_start3A_518 : memref<128x32xf32, #tpu.memory_space<vmem>>) offsets(%dma_start3A_521 : memref<128xi32, #tpu.memory_space<vmem>>) semaphore(%dma_start3A_526 : memref<!tpu.dma_semaphore, #tpu.memory_space<semaphore_mem>>)
      } else {
      }
      %mul3A_373 = arith.constant 4 : i32
      %mul3A_374 = arith.muli %add3A_296, %mul3A_373 : i32
      %add3A_375 = arith.constant 0 : i32
      %add3A_376 = arith.addi %mul3A_374, %add3A_375 : i32
      %dma_start3A_377 = arith.constant 1 : i32
      %dma_start3A_378 = arith.constant 0 : i32
      %dma_start3A_379 = arith.constant 1 : i32
      %dma_start3A_380 = arith.constant 0 : i32
      %dma_start3A_381 = arith.constant 0 : i32
      %dma_start3A_382 = tpu.memref_slice %arg9[%dma_start3A_377, %dma_start3A_378, %dma_start3A_380, %dma_start3A_381] : memref<2x4x128x32xf32, #tpu.memory_space<vmem>> -> memref<1x1x128x32xf32, #tpu.memory_space<vmem>>
      %dma_start3A_383 = tpu.memref_squeeze %dma_start3A_382 : memref<1x1x128x32xf32, #tpu.memory_space<vmem>> -> memref<128x32xf32, #tpu.memory_space<vmem>>
      %dma_start3A_384 = arith.constant 0 : i32
      %dma_start3A_385 = tpu.memref_slice %arg8[%add3A_376, %dma_start3A_384] : memref<40x128xi32, #tpu.memory_space<vmem>> -> memref<1x128xi32, #tpu.memory_space<vmem>>
      %dma_start3A_386 = tpu.memref_squeeze %dma_start3A_385 : memref<1x128xi32, #tpu.memory_space<vmem>> -> memref<128xi32, #tpu.memory_space<vmem>>
      %dma_start3A_387 = arith.constant 0 : i32
      %dma_start3A_388 = arith.constant 0 : i32
      %dma_start3A_389 = tpu.memref_slice %arg10[%dma_start3A_387, %dma_start3A_388] : memref<10240x32xf32, #tpu.memory_space<vmem_shared>> -> memref<10240x32xf32, #tpu.memory_space<vmem_shared>>
      %dma_start3A_390 = tpu.memref_slice %arg12[%dma_start3A_379] : memref<2x!tpu.dma_semaphore, #tpu.memory_space<semaphore_mem>> -> memref<1x!tpu.dma_semaphore, #tpu.memory_space<semaphore_mem>>
      %dma_start3A_391 = tpu.memref_squeeze %dma_start3A_390 : memref<1x!tpu.dma_semaphore, #tpu.memory_space<semaphore_mem>> -> memref<!tpu.dma_semaphore, #tpu.memory_space<semaphore_mem>>
      tpu.enqueue_indirect_dma source(%dma_start3A_383 : memref<128x32xf32, #tpu.memory_space<vmem>>) target(%dma_start3A_389 : memref<10240x32xf32, #tpu.memory_space<vmem_shared>>) offsets(%dma_start3A_386 : memref<128xi32, #tpu.memory_space<vmem>>) semaphore(%dma_start3A_391 : memref<!tpu.dma_semaphore, #tpu.memory_space<semaphore_mem>>) {add = true}
      %mul3A_392 = arith.constant 4 : i32
      %mul3A_393 = arith.muli %add3A_296, %mul3A_392 : i32
      %add3A_394 = arith.constant 1 : i32
      %add3A_395 = arith.addi %mul3A_393, %add3A_394 : i32
      %dma_start3A_396 = arith.constant 1 : i32
      %dma_start3A_397 = arith.constant 1 : i32
      %dma_start3A_398 = arith.constant 1 : i32
      %dma_start3A_399 = arith.constant 0 : i32
      %dma_start3A_400 = arith.constant 0 : i32
      %dma_start3A_401 = tpu.memref_slice %arg9[%dma_start3A_396, %dma_start3A_397, %dma_start3A_399, %dma_start3A_400] : memref<2x4x128x32xf32, #tpu.memory_space<vmem>> -> memref<1x1x128x32xf32, #tpu.memory_space<vmem>>
      %dma_start3A_402 = tpu.memref_squeeze %dma_start3A_401 : memref<1x1x128x32xf32, #tpu.memory_space<vmem>> -> memref<128x32xf32, #tpu.memory_space<vmem>>
      %dma_start3A_403 = arith.constant 0 : i32
      %dma_start3A_404 = tpu.memref_slice %arg8[%add3A_395, %dma_start3A_403] : memref<40x128xi32, #tpu.memory_space<vmem>> -> memref<1x128xi32, #tpu.memory_space<vmem>>
      %dma_start3A_405 = tpu.memref_squeeze %dma_start3A_404 : memref<1x128xi32, #tpu.memory_space<vmem>> -> memref<128xi32, #tpu.memory_space<vmem>>
      %dma_start3A_406 = arith.constant 0 : i32
      %dma_start3A_407 = arith.constant 0 : i32
      %dma_start3A_408 = tpu.memref_slice %arg10[%dma_start3A_406, %dma_start3A_407] : memref<10240x32xf32, #tpu.memory_space<vmem_shared>> -> memref<10240x32xf32, #tpu.memory_space<vmem_shared>>
      %dma_start3A_409 = tpu.memref_slice %arg12[%dma_start3A_398] : memref<2x!tpu.dma_semaphore, #tpu.memory_space<semaphore_mem>> -> memref<1x!tpu.dma_semaphore, #tpu.memory_space<semaphore_mem>>
      %dma_start3A_410 = tpu.memref_squeeze %dma_start3A_409 : memref<1x!tpu.dma_semaphore, #tpu.memory_space<semaphore_mem>> -> memref<!tpu.dma_semaphore, #tpu.memory_space<semaphore_mem>>
      tpu.enqueue_indirect_dma source(%dma_start3A_402 : memref<128x32xf32, #tpu.memory_space<vmem>>) target(%dma_start3A_408 : memref<10240x32xf32, #tpu.memory_space<vmem_shared>>) offsets(%dma_start3A_405 : memref<128xi32, #tpu.memory_space<vmem>>) semaphore(%dma_start3A_410 : memref<!tpu.dma_semaphore, #tpu.memory_space<semaphore_mem>>) {add = true}
      %mul3A_411 = arith.constant 4 : i32
      %mul3A_412 = arith.muli %add3A_296, %mul3A_411 : i32
      %add3A_413 = arith.constant 2 : i32
      %add3A_414 = arith.addi %mul3A_412, %add3A_413 : i32
      %dma_start3A_415 = arith.constant 1 : i32
      %dma_start3A_416 = arith.constant 2 : i32
      %dma_start3A_417 = arith.constant 1 : i32
      %dma_start3A_418 = arith.constant 0 : i32
      %dma_start3A_419 = arith.constant 0 : i32
      %dma_start3A_420 = tpu.memref_slice %arg9[%dma_start3A_415, %dma_start3A_416, %dma_start3A_418, %dma_start3A_419] : memref<2x4x128x32xf32, #tpu.memory_space<vmem>> -> memref<1x1x128x32xf32, #tpu.memory_space<vmem>>
      %dma_start3A_421 = tpu.memref_squeeze %dma_start3A_420 : memref<1x1x128x32xf32, #tpu.memory_space<vmem>> -> memref<128x32xf32, #tpu.memory_space<vmem>>
      %dma_start3A_422 = arith.constant 0 : i32
      %dma_start3A_423 = tpu.memref_slice %arg8[%add3A_414, %dma_start3A_422] : memref<40x128xi32, #tpu.memory_space<vmem>> -> memref<1x128xi32, #tpu.memory_space<vmem>>
      %dma_start3A_424 = tpu.memref_squeeze %dma_start3A_423 : memref<1x128xi32, #tpu.memory_space<vmem>> -> memref<128xi32, #tpu.memory_space<vmem>>
      %dma_start3A_425 = arith.constant 0 : i32
      %dma_start3A_426 = arith.constant 0 : i32
      %dma_start3A_427 = tpu.memref_slice %arg10[%dma_start3A_425, %dma_start3A_426] : memref<10240x32xf32, #tpu.memory_space<vmem_shared>> -> memref<10240x32xf32, #tpu.memory_space<vmem_shared>>
      %dma_start3A_428 = tpu.memref_slice %arg12[%dma_start3A_417] : memref<2x!tpu.dma_semaphore, #tpu.memory_space<semaphore_mem>> -> memref<1x!tpu.dma_semaphore, #tpu.memory_space<semaphore_mem>>
      %dma_start3A_429 = tpu.memref_squeeze %dma_start3A_428 : memref<1x!tpu.dma_semaphore, #tpu.memory_space<semaphore_mem>> -> memref<!tpu.dma_semaphore, #tpu.memory_space<semaphore_mem>>
      tpu.enqueue_indirect_dma source(%dma_start3A_421 : memref<128x32xf32, #tpu.memory_space<vmem>>) target(%dma_start3A_427 : memref<10240x32xf32, #tpu.memory_space<vmem_shared>>) offsets(%dma_start3A_424 : memref<128xi32, #tpu.memory_space<vmem>>) semaphore(%dma_start3A_429 : memref<!tpu.dma_semaphore, #tpu.memory_space<semaphore_mem>>) {add = true}
      %mul3A_430 = arith.constant 4 : i32
      %mul3A_431 = arith.muli %add3A_296, %mul3A_430 : i32
      %add3A_432 = arith.constant 3 : i32
      %add3A_433 = arith.addi %mul3A_431, %add3A_432 : i32
      %dma_start3A_434 = arith.constant 1 : i32
      %dma_start3A_435 = arith.constant 3 : i32
      %dma_start3A_436 = arith.constant 1 : i32
      %dma_start3A_437 = arith.constant 0 : i32
      %dma_start3A_438 = arith.constant 0 : i32
      %dma_start3A_439 = tpu.memref_slice %arg9[%dma_start3A_434, %dma_start3A_435, %dma_start3A_437, %dma_start3A_438] : memref<2x4x128x32xf32, #tpu.memory_space<vmem>> -> memref<1x1x128x32xf32, #tpu.memory_space<vmem>>
      %dma_start3A_440 = tpu.memref_squeeze %dma_start3A_439 : memref<1x1x128x32xf32, #tpu.memory_space<vmem>> -> memref<128x32xf32, #tpu.memory_space<vmem>>
      %dma_start3A_441 = arith.constant 0 : i32
      %dma_start3A_442 = tpu.memref_slice %arg8[%add3A_433, %dma_start3A_441] : memref<40x128xi32, #tpu.memory_space<vmem>> -> memref<1x128xi32, #tpu.memory_space<vmem>>
      %dma_start3A_443 = tpu.memref_squeeze %dma_start3A_442 : memref<1x128xi32, #tpu.memory_space<vmem>> -> memref<128xi32, #tpu.memory_space<vmem>>
      %dma_start3A_444 = arith.constant 0 : i32
      %dma_start3A_445 = arith.constant 0 : i32
      %dma_start3A_446 = tpu.memref_slice %arg10[%dma_start3A_444, %dma_start3A_445] : memref<10240x32xf32, #tpu.memory_space<vmem_shared>> -> memref<10240x32xf32, #tpu.memory_space<vmem_shared>>
      %dma_start3A_447 = tpu.memref_slice %arg12[%dma_start3A_436] : memref<2x!tpu.dma_semaphore, #tpu.memory_space<semaphore_mem>> -> memref<1x!tpu.dma_semaphore, #tpu.memory_space<semaphore_mem>>
      %dma_start3A_448 = tpu.memref_squeeze %dma_start3A_447 : memref<1x!tpu.dma_semaphore, #tpu.memory_space<semaphore_mem>> -> memref<!tpu.dma_semaphore, #tpu.memory_space<semaphore_mem>>
      tpu.enqueue_indirect_dma source(%dma_start3A_440 : memref<128x32xf32, #tpu.memory_space<vmem>>) target(%dma_start3A_446 : memref<10240x32xf32, #tpu.memory_space<vmem_shared>>) offsets(%dma_start3A_443 : memref<128xi32, #tpu.memory_space<vmem>>) semaphore(%dma_start3A_448 : memref<!tpu.dma_semaphore, #tpu.memory_space<semaphore_mem>>) {add = true}
    }
    %scan3A_69 = arith.constant 5 : i32
    %dma_wait3A = arith.constant 1 : i32
    %dma_wait3A_70 = arith.constant 0 : i32
    %dma_wait3A_71 = arith.constant 0 : i32
    %dma_wait3A_72 = arith.constant 1 : i32
    %dma_wait3A_73 = arith.constant 0 : i32
    %dma_wait3A_74 = arith.constant 0 : i32
    %dma_wait3A_75 = tpu.memref_slice %arg9[%dma_wait3A, %dma_wait3A_70, %dma_wait3A_73, %dma_wait3A_74] : memref<2x4x128x32xf32, #tpu.memory_space<vmem>> -> memref<1x1x128x32xf32, #tpu.memory_space<vmem>>
    %dma_wait3A_76 = tpu.memref_squeeze %dma_wait3A_75 : memref<1x1x128x32xf32, #tpu.memory_space<vmem>> -> memref<128x32xf32, #tpu.memory_space<vmem>>
    %dma_wait3A_77 = arith.constant 0 : i32
    %dma_wait3A_78 = tpu.memref_slice %arg8[%dma_wait3A_71, %dma_wait3A_77] : memref<40x128xi32, #tpu.memory_space<vmem>> -> memref<1x128xi32, #tpu.memory_space<vmem>>
    %dma_wait3A_79 = tpu.memref_squeeze %dma_wait3A_78 : memref<1x128xi32, #tpu.memory_space<vmem>> -> memref<128xi32, #tpu.memory_space<vmem>>
    %dma_wait3A_80 = arith.constant 0 : i32
    %dma_wait3A_81 = arith.constant 0 : i32
    %dma_wait3A_82 = tpu.memref_slice %arg10[%dma_wait3A_80, %dma_wait3A_81] : memref<10240x32xf32, #tpu.memory_space<vmem_shared>> -> memref<10240x32xf32, #tpu.memory_space<vmem_shared>>
    %dma_wait3A_83 = tpu.memref_slice %arg12[%dma_wait3A_72] : memref<2x!tpu.dma_semaphore, #tpu.memory_space<semaphore_mem>> -> memref<1x!tpu.dma_semaphore, #tpu.memory_space<semaphore_mem>>
    %dma_wait3A_84 = tpu.memref_squeeze %dma_wait3A_83 : memref<1x!tpu.dma_semaphore, #tpu.memory_space<semaphore_mem>> -> memref<!tpu.dma_semaphore, #tpu.memory_space<semaphore_mem>>
    tpu.wait_indirect_dma semaphore(%dma_wait3A_84 : memref<!tpu.dma_semaphore, #tpu.memory_space<semaphore_mem>>) src(%dma_wait3A_76 : memref<128x32xf32, #tpu.memory_space<vmem>>) dst(%dma_wait3A_82 : memref<10240x32xf32, #tpu.memory_space<vmem_shared>>)
    %dma_wait3A_85 = arith.constant 1 : i32
    %dma_wait3A_86 = arith.constant 1 : i32
    %dma_wait3A_87 = arith.constant 0 : i32
    %dma_wait3A_88 = arith.constant 1 : i32
    %dma_wait3A_89 = arith.constant 0 : i32
    %dma_wait3A_90 = arith.constant 0 : i32
    %dma_wait3A_91 = tpu.memref_slice %arg9[%dma_wait3A_85, %dma_wait3A_86, %dma_wait3A_89, %dma_wait3A_90] : memref<2x4x128x32xf32, #tpu.memory_space<vmem>> -> memref<1x1x128x32xf32, #tpu.memory_space<vmem>>
    %dma_wait3A_92 = tpu.memref_squeeze %dma_wait3A_91 : memref<1x1x128x32xf32, #tpu.memory_space<vmem>> -> memref<128x32xf32, #tpu.memory_space<vmem>>
    %dma_wait3A_93 = arith.constant 0 : i32
    %dma_wait3A_94 = tpu.memref_slice %arg8[%dma_wait3A_87, %dma_wait3A_93] : memref<40x128xi32, #tpu.memory_space<vmem>> -> memref<1x128xi32, #tpu.memory_space<vmem>>
    %dma_wait3A_95 = tpu.memref_squeeze %dma_wait3A_94 : memref<1x128xi32, #tpu.memory_space<vmem>> -> memref<128xi32, #tpu.memory_space<vmem>>
    %dma_wait3A_96 = arith.constant 0 : i32
    %dma_wait3A_97 = arith.constant 0 : i32
    %dma_wait3A_98 = tpu.memref_slice %arg10[%dma_wait3A_96, %dma_wait3A_97] : memref<10240x32xf32, #tpu.memory_space<vmem_shared>> -> memref<10240x32xf32, #tpu.memory_space<vmem_shared>>
    %dma_wait3A_99 = tpu.memref_slice %arg12[%dma_wait3A_88] : memref<2x!tpu.dma_semaphore, #tpu.memory_space<semaphore_mem>> -> memref<1x!tpu.dma_semaphore, #tpu.memory_space<semaphore_mem>>
    %dma_wait3A_100 = tpu.memref_squeeze %dma_wait3A_99 : memref<1x!tpu.dma_semaphore, #tpu.memory_space<semaphore_mem>> -> memref<!tpu.dma_semaphore, #tpu.memory_space<semaphore_mem>>
    tpu.wait_indirect_dma semaphore(%dma_wait3A_100 : memref<!tpu.dma_semaphore, #tpu.memory_space<semaphore_mem>>) src(%dma_wait3A_92 : memref<128x32xf32, #tpu.memory_space<vmem>>) dst(%dma_wait3A_98 : memref<10240x32xf32, #tpu.memory_space<vmem_shared>>)
    %dma_wait3A_101 = arith.constant 1 : i32
    %dma_wait3A_102 = arith.constant 2 : i32
    %dma_wait3A_103 = arith.constant 0 : i32
    %dma_wait3A_104 = arith.constant 1 : i32
    %dma_wait3A_105 = arith.constant 0 : i32
    %dma_wait3A_106 = arith.constant 0 : i32
    %dma_wait3A_107 = tpu.memref_slice %arg9[%dma_wait3A_101, %dma_wait3A_102, %dma_wait3A_105, %dma_wait3A_106] : memref<2x4x128x32xf32, #tpu.memory_space<vmem>> -> memref<1x1x128x32xf32, #tpu.memory_space<vmem>>
    %dma_wait3A_108 = tpu.memref_squeeze %dma_wait3A_107 : memref<1x1x128x32xf32, #tpu.memory_space<vmem>> -> memref<128x32xf32, #tpu.memory_space<vmem>>
    %dma_wait3A_109 = arith.constant 0 : i32
    %dma_wait3A_110 = tpu.memref_slice %arg8[%dma_wait3A_103, %dma_wait3A_109] : memref<40x128xi32, #tpu.memory_space<vmem>> -> memref<1x128xi32, #tpu.memory_space<vmem>>
    %dma_wait3A_111 = tpu.memref_squeeze %dma_wait3A_110 : memref<1x128xi32, #tpu.memory_space<vmem>> -> memref<128xi32, #tpu.memory_space<vmem>>
    %dma_wait3A_112 = arith.constant 0 : i32
    %dma_wait3A_113 = arith.constant 0 : i32
    %dma_wait3A_114 = tpu.memref_slice %arg10[%dma_wait3A_112, %dma_wait3A_113] : memref<10240x32xf32, #tpu.memory_space<vmem_shared>> -> memref<10240x32xf32, #tpu.memory_space<vmem_shared>>
    %dma_wait3A_115 = tpu.memref_slice %arg12[%dma_wait3A_104] : memref<2x!tpu.dma_semaphore, #tpu.memory_space<semaphore_mem>> -> memref<1x!tpu.dma_semaphore, #tpu.memory_space<semaphore_mem>>
    %dma_wait3A_116 = tpu.memref_squeeze %dma_wait3A_115 : memref<1x!tpu.dma_semaphore, #tpu.memory_space<semaphore_mem>> -> memref<!tpu.dma_semaphore, #tpu.memory_space<semaphore_mem>>
    tpu.wait_indirect_dma semaphore(%dma_wait3A_116 : memref<!tpu.dma_semaphore, #tpu.memory_space<semaphore_mem>>) src(%dma_wait3A_108 : memref<128x32xf32, #tpu.memory_space<vmem>>) dst(%dma_wait3A_114 : memref<10240x32xf32, #tpu.memory_space<vmem_shared>>)
    %dma_wait3A_117 = arith.constant 1 : i32
    %dma_wait3A_118 = arith.constant 3 : i32
    %dma_wait3A_119 = arith.constant 0 : i32
    %dma_wait3A_120 = arith.constant 1 : i32
    %dma_wait3A_121 = arith.constant 0 : i32
    %dma_wait3A_122 = arith.constant 0 : i32
    %dma_wait3A_123 = tpu.memref_slice %arg9[%dma_wait3A_117, %dma_wait3A_118, %dma_wait3A_121, %dma_wait3A_122] : memref<2x4x128x32xf32, #tpu.memory_space<vmem>> -> memref<1x1x128x32xf32, #tpu.memory_space<vmem>>
    %dma_wait3A_124 = tpu.memref_squeeze %dma_wait3A_123 : memref<1x1x128x32xf32, #tpu.memory_space<vmem>> -> memref<128x32xf32, #tpu.memory_space<vmem>>
    %dma_wait3A_125 = arith.constant 0 : i32
    %dma_wait3A_126 = tpu.memref_slice %arg8[%dma_wait3A_119, %dma_wait3A_125] : memref<40x128xi32, #tpu.memory_space<vmem>> -> memref<1x128xi32, #tpu.memory_space<vmem>>
    %dma_wait3A_127 = tpu.memref_squeeze %dma_wait3A_126 : memref<1x128xi32, #tpu.memory_space<vmem>> -> memref<128xi32, #tpu.memory_space<vmem>>
    %dma_wait3A_128 = arith.constant 0 : i32
    %dma_wait3A_129 = arith.constant 0 : i32
    %dma_wait3A_130 = tpu.memref_slice %arg10[%dma_wait3A_128, %dma_wait3A_129] : memref<10240x32xf32, #tpu.memory_space<vmem_shared>> -> memref<10240x32xf32, #tpu.memory_space<vmem_shared>>
    %dma_wait3A_131 = tpu.memref_slice %arg12[%dma_wait3A_120] : memref<2x!tpu.dma_semaphore, #tpu.memory_space<semaphore_mem>> -> memref<1x!tpu.dma_semaphore, #tpu.memory_space<semaphore_mem>>
    %dma_wait3A_132 = tpu.memref_squeeze %dma_wait3A_131 : memref<1x!tpu.dma_semaphore, #tpu.memory_space<semaphore_mem>> -> memref<!tpu.dma_semaphore, #tpu.memory_space<semaphore_mem>>
    tpu.wait_indirect_dma semaphore(%dma_wait3A_132 : memref<!tpu.dma_semaphore, #tpu.memory_space<semaphore_mem>>) src(%dma_wait3A_124 : memref<128x32xf32, #tpu.memory_space<vmem>>) dst(%dma_wait3A_130 : memref<10240x32xf32, #tpu.memory_space<vmem_shared>>)
    %barrier3A_133 = arith.constant 0 : index
    tpu.barrier barrier_id(%barrier3A_133)
    %mul3A_134 = arith.constant 640 : i32
    %mul3A_135 = arith.muli %arg1, %mul3A_134 : i32
    %mul3A_136 = arith.constant 640 : i32
    %mul3A_137 = arith.muli %arg1, %mul3A_136 : i32
    "tpu.region"() ({
      %run_scoped3A = tpu.sem_alloc : memref<!tpu.dma_semaphore, #tpu.memory_space<semaphore_mem>>
      %dma_start3A_138 = arith.constant 0 : i32
      %dma_start3A_139 = tpu.memref_slice %arg6[%arg0, %mul3A_137, %dma_start3A_138] : memref<2x10240x32xf32, #tpu.memory_space<hbm>> -> memref<1x640x32xf32, #tpu.memory_space<hbm>>
      %dma_start3A_140 = tpu.memref_squeeze %dma_start3A_139 : memref<1x640x32xf32, #tpu.memory_space<hbm>> -> memref<640x32xf32, #tpu.memory_space<hbm>>
      %dma_start3A_141 = arith.constant 0 : i32
      %dma_start3A_142 = tpu.memref_slice %arg10[%mul3A_135, %dma_start3A_141] : memref<10240x32xf32, #tpu.memory_space<vmem_shared>> -> memref<640x32xf32, #tpu.memory_space<vmem_shared>>
      tpu.enqueue_dma source(%dma_start3A_142 : memref<640x32xf32, #tpu.memory_space<vmem_shared>>) target(%dma_start3A_140 : memref<640x32xf32, #tpu.memory_space<hbm>>) target_semaphore(%run_scoped3A : memref<!tpu.dma_semaphore, #tpu.memory_space<semaphore_mem>>)
      %dma_wait3A_143 = arith.constant 0 : i32
      %dma_wait3A_144 = tpu.memref_slice %arg6[%arg0, %mul3A_137, %dma_wait3A_143] : memref<2x10240x32xf32, #tpu.memory_space<hbm>> -> memref<1x640x32xf32, #tpu.memory_space<hbm>>
      %dma_wait3A_145 = tpu.memref_squeeze %dma_wait3A_144 : memref<1x640x32xf32, #tpu.memory_space<hbm>> -> memref<640x32xf32, #tpu.memory_space<hbm>>
      %dma_wait3A_146 = arith.constant 0 : i32
      %dma_wait3A_147 = tpu.memref_slice %arg10[%mul3A_135, %dma_wait3A_146] : memref<10240x32xf32, #tpu.memory_space<vmem_shared>> -> memref<640x32xf32, #tpu.memory_space<vmem_shared>>
      tpu.wait_dma2 semaphore(%run_scoped3A : memref<!tpu.dma_semaphore, #tpu.memory_space<semaphore_mem>>) src(%dma_wait3A_147 : memref<640x32xf32, #tpu.memory_space<vmem_shared>>) dst(%dma_wait3A_145 : memref<640x32xf32, #tpu.memory_space<hbm>>)
      tpu.yield
    }) : () -> ()
    return
  }
}

module attributes {stable_mosaic.version = 14 : i64} {
  func.func @body(%arg0: i32, %arg1: memref<400x256xf32, #tpu.memory_space<vmem>>, %arg2: memref<256x32xf32, #tpu.memory_space<vmem>>, %arg3: memref<400x32xf32, #tpu.memory_space<vmem>>) attributes {dimension_semantics = [#tpu.dimension_semantics<arbitrary>], iteration_bounds = array<i64: 25>, scalar_prefetch = 0 : i64, scratch_operands = 0 : i64, tpu.core_type = #tpu.core_type<tc>, window_params = [{transform_indices = @transform_0, window_bounds = array<i64: 400, 256>}, {pipeline_mode = #tpu.pipeline_mode<synchronous>, transform_indices = @transform_1, window_bounds = array<i64: 256, 32>}, {transform_indices = @transform_2, window_bounds = array<i64: 400, 32>}]} {
    %get3A = arith.constant 0 : index
    %get3A_0 = arith.constant 0 : index
    %get3A_1 = vector.load %arg1[%get3A, %get3A_0] : memref<400x256xf32, #tpu.memory_space<vmem>>, vector<400x256xf32>
    %get3A_2 = arith.constant 0 : index
    %get3A_3 = arith.constant 0 : index
    %get3A_4 = vector.load %arg2[%get3A_2, %get3A_3] : memref<256x32xf32, #tpu.memory_space<vmem>>, vector<256x32xf32>
    %dot_general3A = arith.constant dense<0.000000e+00> : vector<400x32xf32>
    %dot_general3A_5 = tpu.matmul %get3A_1, %get3A_4, %dot_general3A {dimension_numbers = #tpu.dot_dimension_numbers<[1], [0], [0], [1], [0, 0, 1, 1], [], []>, transpose_lhs_hint = false} : vector<400x256xf32>, vector<256x32xf32>, vector<400x32xf32> -> vector<400x32xf32>
    %swap3A = arith.constant 0 : index
    %swap3A_6 = arith.constant 0 : index
    %swap3A_7 = vector.load %arg3[%swap3A, %swap3A_6] : memref<400x32xf32, #tpu.memory_space<vmem>>, vector<400x32xf32>
    tpu.vector_store %arg3[%swap3A, %swap3A_6], %dot_general3A_5 {strides = array<i32>} : memref<400x32xf32, #tpu.memory_space<vmem>>, vector<400x32xf32>,
    return
  }
  func.func @transform_0(%arg0: i32) -> (i32, i32) {
    %c0_i32 = arith.constant 0 : i32
    %c0_i32_0 = arith.constant 0 : i32
    return %arg0, %c0_i32 : i32, i32
  }
  func.func @transform_1(%arg0: i32) -> (i32, i32) {
    %c0_i32 = arith.constant 0 : i32
    %c0_i32_0 = arith.constant 0 : i32
    %c0_i32_1 = arith.constant 0 : i32
    return %c0_i32, %c0_i32_0 : i32, i32
  }
  func.func @transform_2(%arg0: i32) -> (i32, i32) {
    %c0_i32 = arith.constant 0 : i32
    %c0_i32_0 = arith.constant 0 : i32
    return %arg0, %c0_i32 : i32, i32
  }
}

module attributes {stable_mosaic.version = 14 : i64} {
  func.func @body(%arg0: i32, %arg1: memref<400x32xf32, #tpu.memory_space<vmem>>, %arg2: memref<400x1xf32, #tpu.memory_space<vmem>>, %arg3: memref<400x1xf32, #tpu.memory_space<vmem>>, %arg4: memref<400x32xf32, #tpu.memory_space<vmem>>, %arg5: memref<400x1xf32, #tpu.memory_space<vmem>>) attributes {dimension_semantics = [#tpu.dimension_semantics<arbitrary>], iteration_bounds = array<i64: 25>, scalar_prefetch = 0 : i64, scratch_operands = 0 : i64, tpu.core_type = #tpu.core_type<tc>, window_params = [{transform_indices = @transform_0, window_bounds = array<i64: 400, 32>}, {transform_indices = @transform_1, window_bounds = array<i64: 400, 1>}, {transform_indices = @transform_2, window_bounds = array<i64: 400, 1>}, {transform_indices = @transform_3, window_bounds = array<i64: 400, 32>}, {transform_indices = @transform_4, window_bounds = array<i64: 400, 1>}]} {
    %get3A = arith.constant 0 : index
    %get3A_0 = arith.constant 0 : index
    %get3A_1 = vector.load %arg2[%get3A, %get3A_0] : memref<400x1xf32, #tpu.memory_space<vmem>>, vector<400x1xf32>
    %get3A_2 = arith.constant 0 : index
    %get3A_3 = arith.constant 0 : index
    %get3A_4 = vector.load %arg3[%get3A_2, %get3A_3] : memref<400x1xf32, #tpu.memory_space<vmem>>, vector<400x1xf32>
    %add3A = arith.addf %get3A_1, %get3A_4 : vector<400x1xf32>
    %add3A_5 = arith.constant 1.000000e+00 : f32
    %add3A_6 = vector.broadcast %add3A_5 : f32 to vector<400x1xf32>
    %add3A_7 = arith.addf %add3A, %add3A_6 : vector<400x1xf32>
    %rsqrt3A = math.rsqrt %add3A_7 : vector<400x1xf32>
    %get3A_8 = arith.constant 0 : index
    %get3A_9 = arith.constant 0 : index
    %get3A_10 = vector.load %arg1[%get3A_8, %get3A_9] : memref<400x32xf32, #tpu.memory_space<vmem>>, vector<400x32xf32>
    %mul3A = vector.broadcast %rsqrt3A : vector<400x1xf32> to vector<400x32xf32>
    %mul3A_11 = arith.mulf %get3A_10, %mul3A : vector<400x32xf32>
    %swap3A = arith.constant 0 : index
    %swap3A_12 = arith.constant 0 : index
    %swap3A_13 = vector.load %arg4[%swap3A, %swap3A_12] : memref<400x32xf32, #tpu.memory_space<vmem>>, vector<400x32xf32>
    tpu.vector_store %arg4[%swap3A, %swap3A_12], %mul3A_11 {strides = array<i32>} : memref<400x32xf32, #tpu.memory_space<vmem>>, vector<400x32xf32>,
    %swap3A_14 = arith.constant 0 : index
    %swap3A_15 = arith.constant 0 : index
    %swap3A_16 = vector.load %arg5[%swap3A_14, %swap3A_15] : memref<400x1xf32, #tpu.memory_space<vmem>>, vector<400x1xf32>
    tpu.vector_store %arg5[%swap3A_14, %swap3A_15], %rsqrt3A {strides = array<i32>} : memref<400x1xf32, #tpu.memory_space<vmem>>, vector<400x1xf32>,
    return
  }
  func.func @transform_0(%arg0: i32) -> (i32, i32) {
    %c0_i32 = arith.constant 0 : i32
    %c0_i32_0 = arith.constant 0 : i32
    return %arg0, %c0_i32 : i32, i32
  }
  func.func @transform_1(%arg0: i32) -> (i32, i32) {
    %c0_i32 = arith.constant 0 : i32
    %c0_i32_0 = arith.constant 0 : i32
    return %arg0, %c0_i32 : i32, i32
  }
  func.func @transform_2(%arg0: i32) -> (i32, i32) {
    %c0_i32 = arith.constant 0 : i32
    %c0_i32_0 = arith.constant 0 : i32
    return %arg0, %c0_i32 : i32, i32
  }
  func.func @transform_3(%arg0: i32) -> (i32, i32) {
    %c0_i32 = arith.constant 0 : i32
    %c0_i32_0 = arith.constant 0 : i32
    return %arg0, %c0_i32 : i32, i32
  }
  func.func @transform_4(%arg0: i32) -> (i32, i32) {
    %c0_i32 = arith.constant 0 : i32
    %c0_i32_0 = arith.constant 0 : i32
    return %arg0, %c0_i32 : i32, i32
  }
}

module attributes {stable_mosaic.version = 14 : i64} {
  func.func @body(%arg0: i32, %arg1: memref<400x32xf32, #tpu.memory_space<vmem>>, %arg2: memref<400x32xf32, #tpu.memory_space<vmem>>, %arg3: memref<400x32xf32, #tpu.memory_space<vmem>>, %arg4: memref<400x1xf32, #tpu.memory_space<vmem>>, %arg5: memref<32x32xf32, #tpu.memory_space<vmem>>, %arg6: memref<400x32xf32, #tpu.memory_space<vmem>>) attributes {dimension_semantics = [#tpu.dimension_semantics<arbitrary>], iteration_bounds = array<i64: 25>, scalar_prefetch = 0 : i64, scratch_operands = 0 : i64, tpu.core_type = #tpu.core_type<tc>, window_params = [{transform_indices = @transform_0, window_bounds = array<i64: 400, 32>}, {transform_indices = @transform_1, window_bounds = array<i64: 400, 32>}, {transform_indices = @transform_2, window_bounds = array<i64: 400, 32>}, {transform_indices = @transform_3, window_bounds = array<i64: 400, 1>}, {pipeline_mode = #tpu.pipeline_mode<synchronous>, transform_indices = @transform_4, window_bounds = array<i64: 32, 32>}, {transform_indices = @transform_5, window_bounds = array<i64: 400, 32>}]} {
    %get3A = arith.constant 0 : index
    %get3A_0 = arith.constant 0 : index
    %get3A_1 = vector.load %arg1[%get3A, %get3A_0] : memref<400x32xf32, #tpu.memory_space<vmem>>, vector<400x32xf32>
    %get3A_2 = arith.constant 0 : index
    %get3A_3 = arith.constant 0 : index
    %get3A_4 = vector.load %arg2[%get3A_2, %get3A_3] : memref<400x32xf32, #tpu.memory_space<vmem>>, vector<400x32xf32>
    %add3A = arith.addf %get3A_1, %get3A_4 : vector<400x32xf32>
    %get3A_5 = arith.constant 0 : index
    %get3A_6 = arith.constant 0 : index
    %get3A_7 = vector.load %arg3[%get3A_5, %get3A_6] : memref<400x32xf32, #tpu.memory_space<vmem>>, vector<400x32xf32>
    %add3A_8 = arith.addf %add3A, %get3A_7 : vector<400x32xf32>
    %get3A_9 = arith.constant 0 : index
    %get3A_10 = arith.constant 0 : index
    %get3A_11 = vector.load %arg4[%get3A_9, %get3A_10] : memref<400x1xf32, #tpu.memory_space<vmem>>, vector<400x1xf32>
    %mul3A = vector.broadcast %get3A_11 : vector<400x1xf32> to vector<400x32xf32>
    %mul3A_12 = arith.mulf %add3A_8, %mul3A : vector<400x32xf32>
    %max3A = arith.constant 0.000000e+00 : f32
    %max3A_13 = vector.broadcast %max3A : f32 to vector<400x32xf32>
    %max3A_14 = arith.maximumf %mul3A_12, %max3A_13 : vector<400x32xf32>
    %get3A_15 = arith.constant 0 : index
    %get3A_16 = arith.constant 0 : index
    %get3A_17 = vector.load %arg5[%get3A_15, %get3A_16] : memref<32x32xf32, #tpu.memory_space<vmem>>, vector<32x32xf32>
    %dot_general3A = arith.constant dense<0.000000e+00> : vector<400x32xf32>
    %dot_general3A_18 = tpu.matmul %max3A_14, %get3A_17, %dot_general3A {dimension_numbers = #tpu.dot_dimension_numbers<[1], [0], [0], [1], [0, 0, 1, 1], [], []>, transpose_lhs_hint = false} : vector<400x32xf32>, vector<32x32xf32>, vector<400x32xf32> -> vector<400x32xf32>
    %get3A_19 = arith.constant 0 : index
    %get3A_20 = arith.constant 0 : index
    %get3A_21 = vector.load %arg4[%get3A_19, %get3A_20] : memref<400x1xf32, #tpu.memory_space<vmem>>, vector<400x1xf32>
    %mul3A_22 = vector.broadcast %get3A_21 : vector<400x1xf32> to vector<400x32xf32>
    %mul3A_23 = arith.mulf %dot_general3A_18, %mul3A_22 : vector<400x32xf32>
    %swap3A = arith.constant 0 : index
    %swap3A_24 = arith.constant 0 : index
    %swap3A_25 = vector.load %arg6[%swap3A, %swap3A_24] : memref<400x32xf32, #tpu.memory_space<vmem>>, vector<400x32xf32>
    tpu.vector_store %arg6[%swap3A, %swap3A_24], %mul3A_23 {strides = array<i32>} : memref<400x32xf32, #tpu.memory_space<vmem>>, vector<400x32xf32>,
    return
  }
  func.func @transform_0(%arg0: i32) -> (i32, i32) {
    %c0_i32 = arith.constant 0 : i32
    %c0_i32_0 = arith.constant 0 : i32
    return %arg0, %c0_i32 : i32, i32
  }
  func.func @transform_1(%arg0: i32) -> (i32, i32) {
    %c0_i32 = arith.constant 0 : i32
    %c0_i32_0 = arith.constant 0 : i32
    return %arg0, %c0_i32 : i32, i32
  }
  func.func @transform_2(%arg0: i32) -> (i32, i32) {
    %c0_i32 = arith.constant 0 : i32
    %c0_i32_0 = arith.constant 0 : i32
    return %arg0, %c0_i32 : i32, i32
  }
  func.func @transform_3(%arg0: i32) -> (i32, i32) {
    %c0_i32 = arith.constant 0 : i32
    %c0_i32_0 = arith.constant 0 : i32
    return %arg0, %c0_i32 : i32, i32
  }
  func.func @transform_4(%arg0: i32) -> (i32, i32) {
    %c0_i32 = arith.constant 0 : i32
    %c0_i32_0 = arith.constant 0 : i32
    %c0_i32_1 = arith.constant 0 : i32
    return %c0_i32, %c0_i32_0 : i32, i32
  }
  func.func @transform_5(%arg0: i32) -> (i32, i32) {
    %c0_i32 = arith.constant 0 : i32
    %c0_i32_0 = arith.constant 0 : i32
    return %arg0, %c0_i32 : i32, i32
  }
}

module attributes {stable_mosaic.version = 14 : i64} {
  func.func @body(%arg0: i32, %arg1: memref<400x32xf32, #tpu.memory_space<vmem>>, %arg2: memref<400x32xf32, #tpu.memory_space<vmem>>, %arg3: memref<400x32xf32, #tpu.memory_space<vmem>>, %arg4: memref<400x1xf32, #tpu.memory_space<vmem>>, %arg5: memref<400x16xf32, #tpu.memory_space<vmem>>, %arg6: memref<400x16xf32, #tpu.memory_space<vmem>>) attributes {dimension_semantics = [#tpu.dimension_semantics<arbitrary>], iteration_bounds = array<i64: 25>, scalar_prefetch = 0 : i64, scratch_operands = 0 : i64, tpu.core_type = #tpu.core_type<tc>, window_params = [{transform_indices = @transform_0, window_bounds = array<i64: 400, 32>}, {transform_indices = @transform_1, window_bounds = array<i64: 400, 32>}, {transform_indices = @transform_2, window_bounds = array<i64: 400, 32>}, {transform_indices = @transform_3, window_bounds = array<i64: 400, 1>}, {transform_indices = @transform_4, window_bounds = array<i64: 400, 16>}, {transform_indices = @transform_5, window_bounds = array<i64: 400, 16>}]} {
    %get3A = arith.constant 0 : index
    %get3A_0 = arith.constant 0 : index
    %get3A_1 = vector.load %arg1[%get3A, %get3A_0] : memref<400x32xf32, #tpu.memory_space<vmem>>, vector<400x32xf32>
    %get3A_2 = arith.constant 0 : index
    %get3A_3 = arith.constant 0 : index
    %get3A_4 = vector.load %arg2[%get3A_2, %get3A_3] : memref<400x32xf32, #tpu.memory_space<vmem>>, vector<400x32xf32>
    %add3A = arith.addf %get3A_1, %get3A_4 : vector<400x32xf32>
    %get3A_5 = arith.constant 0 : index
    %get3A_6 = arith.constant 0 : index
    %get3A_7 = vector.load %arg3[%get3A_5, %get3A_6] : memref<400x32xf32, #tpu.memory_space<vmem>>, vector<400x32xf32>
    %add3A_8 = arith.addf %add3A, %get3A_7 : vector<400x32xf32>
    %get3A_9 = arith.constant 0 : index
    %get3A_10 = arith.constant 0 : index
    %get3A_11 = vector.load %arg4[%get3A_9, %get3A_10] : memref<400x1xf32, #tpu.memory_space<vmem>>, vector<400x1xf32>
    %mul3A = vector.broadcast %get3A_11 : vector<400x1xf32> to vector<400x32xf32>
    %mul3A_12 = arith.mulf %add3A_8, %mul3A : vector<400x32xf32>
    %slice3A = vector.extract_strided_slice %mul3A_12 {offsets = [0, 0], sizes = [400, 16], strides = [1, 1]} : vector<400x32xf32> to vector<400x16xf32>
    %slice3A_13 = vector.extract_strided_slice %mul3A_12 {offsets = [0, 16], sizes = [400, 16], strides = [1, 1]} : vector<400x32xf32> to vector<400x16xf32>
    %exp3A = math.exp %slice3A_13 : vector<400x16xf32>
    %get3A_14 = arith.constant 0 : index
    %get3A_15 = arith.constant 0 : index
    %get3A_16 = vector.load %arg5[%get3A_14, %get3A_15] : memref<400x16xf32, #tpu.memory_space<vmem>>, vector<400x16xf32>
    %add3A_17 = arith.addf %slice3A, %get3A_16 : vector<400x16xf32>
    %mul3A_18 = arith.mulf %exp3A, %add3A_17 : vector<400x16xf32>
    %add3A_19 = arith.addf %slice3A, %mul3A_18 : vector<400x16xf32>
    %swap3A = arith.constant 0 : index
    %swap3A_20 = arith.constant 0 : index
    %swap3A_21 = vector.load %arg6[%swap3A, %swap3A_20] : memref<400x16xf32, #tpu.memory_space<vmem>>, vector<400x16xf32>
    tpu.vector_store %arg6[%swap3A, %swap3A_20], %add3A_19 {strides = array<i32>} : memref<400x16xf32, #tpu.memory_space<vmem>>, vector<400x16xf32>,
    return
  }
  func.func @transform_0(%arg0: i32) -> (i32, i32) {
    %c0_i32 = arith.constant 0 : i32
    %c0_i32_0 = arith.constant 0 : i32
    return %arg0, %c0_i32 : i32, i32
  }
  func.func @transform_1(%arg0: i32) -> (i32, i32) {
    %c0_i32 = arith.constant 0 : i32
    %c0_i32_0 = arith.constant 0 : i32
    return %arg0, %c0_i32 : i32, i32
  }
  func.func @transform_2(%arg0: i32) -> (i32, i32) {
    %c0_i32 = arith.constant 0 : i32
    %c0_i32_0 = arith.constant 0 : i32
    return %arg0, %c0_i32 : i32, i32
  }
  func.func @transform_3(%arg0: i32) -> (i32, i32) {
    %c0_i32 = arith.constant 0 : i32
    %c0_i32_0 = arith.constant 0 : i32
    return %arg0, %c0_i32 : i32, i32
  }
  func.func @transform_4(%arg0: i32) -> (i32, i32) {
    %c0_i32 = arith.constant 0 : i32
    %c0_i32_0 = arith.constant 0 : i32
    return %arg0, %c0_i32 : i32, i32
  }
  func.func @transform_5(%arg0: i32) -> (i32, i32) {
    %c0_i32 = arith.constant 0 : i32
    %c0_i32_0 = arith.constant 0 : i32
    return %arg0, %c0_i32 : i32, i32
  }
}

module attributes {stable_mosaic.version = 14 : i64} {
  func.func @body(%arg0: i32, %arg1: memref<400x16xf32, #tpu.memory_space<vmem>>, %arg2: memref<10000x16xf32, #tpu.memory_space<vmem>>, %arg3: memref<400x10000xf32, #tpu.memory_space<vmem>>) attributes {dimension_semantics = [#tpu.dimension_semantics<arbitrary>], iteration_bounds = array<i64: 25>, scalar_prefetch = 0 : i64, scratch_operands = 0 : i64, tpu.core_type = #tpu.core_type<tc>, window_params = [{transform_indices = @transform_0, window_bounds = array<i64: 400, 16>}, {pipeline_mode = #tpu.pipeline_mode<synchronous>, transform_indices = @transform_1, window_bounds = array<i64: 10000, 16>}, {transform_indices = @transform_2, window_bounds = array<i64: 400, 10000>}]} {
    %get3A = arith.constant 0 : index
    %get3A_0 = arith.constant 0 : index
    %get3A_1 = vector.load %arg1[%get3A, %get3A_0] : memref<400x16xf32, #tpu.memory_space<vmem>>, vector<400x16xf32>
    %get3A_2 = arith.constant 0 : index
    %get3A_3 = arith.constant 0 : index
    %get3A_4 = vector.load %arg2[%get3A_2, %get3A_3] : memref<10000x16xf32, #tpu.memory_space<vmem>>, vector<10000x16xf32>
    %dot_general3A = arith.constant dense<0.000000e+00> : vector<400x10000xf32>
    %dot_general3A_5 = tpu.matmul %get3A_1, %get3A_4, %dot_general3A {dimension_numbers = #tpu.dot_dimension_numbers<[1], [1], [0], [0], [0, 0, 1, 0], [], []>, transpose_lhs_hint = false} : vector<400x16xf32>, vector<10000x16xf32>, vector<400x10000xf32> -> vector<400x10000xf32>
    %logistic3A = arith.negf %dot_general3A_5 : vector<400x10000xf32>
    %logistic3A_6 = math.exp %logistic3A : vector<400x10000xf32>
    %logistic3A_7 = arith.constant 1.000000e+00 : f32
    %logistic3A_8 = vector.broadcast %logistic3A_7 : f32 to vector<400x10000xf32>
    %logistic3A_9 = arith.addf %logistic3A_8, %logistic3A_6 : vector<400x10000xf32>
    %logistic3A_10 = arith.divf %logistic3A_8, %logistic3A_9 : vector<400x10000xf32>
    %swap3A = arith.constant 0 : index
    %swap3A_11 = arith.constant 0 : index
    %swap3A_12 = vector.load %arg3[%swap3A, %swap3A_11] : memref<400x10000xf32, #tpu.memory_space<vmem>>, vector<400x10000xf32>
    tpu.vector_store %arg3[%swap3A, %swap3A_11], %logistic3A_10 {strides = array<i32>} : memref<400x10000xf32, #tpu.memory_space<vmem>>, vector<400x10000xf32>,
    return
  }
  func.func @transform_0(%arg0: i32) -> (i32, i32) {
    %c0_i32 = arith.constant 0 : i32
    %c0_i32_0 = arith.constant 0 : i32
    return %arg0, %c0_i32 : i32, i32
  }
  func.func @transform_1(%arg0: i32) -> (i32, i32) {
    %c0_i32 = arith.constant 0 : i32
    %c0_i32_0 = arith.constant 0 : i32
    %c0_i32_1 = arith.constant 0 : i32
    return %c0_i32, %c0_i32_0 : i32, i32
  }
  func.func @transform_2(%arg0: i32) -> (i32, i32) {
    %c0_i32 = arith.constant 0 : i32
    %c0_i32_0 = arith.constant 0 : i32
    return %arg0, %c0_i32 : i32, i32
  }
}

</mosaic_0001>

<sc_bundles>
// kernel: kernel.10.cloned.1.call-start
scs
__scs_entry_jumppad:
0x0: {  	(pc) =	sbr.rel $0x88, $3  }
0x1: {  	(tag) =	ssettag $0x0;
	lr =	simm.s32 $0x1  }
0x2: {  	[smem:$0x3F9C] =	sst lr;
	_ =	strace $0xD0000000  }
0x3: {  	_ = 	snop  }
0x4: {  	_ = 	snop  }
0x5: {  	_ = 	snop  }
0x6: {  	_ = 	snop  }
0x7: {  	_ = 	snop  }
__scs_overlays_trampoline_lowered:
0x8: {  	[smem:$0x3FAB] =	sst s0  }
0x9: {  	[smem:$0x3FAC] =	sst s1  }
0xa: {  	[smem:$0x3FAD] =	sst s2  }
0xb: {  	[smem:$0x3FAE] =	sst s3  }
0xc: {  	[smem:$0x3FAF] =	sst s4  }
0xd: {  	[smem:$0x3FB0] =	sst s5  }
0xe: {  	[smem:$0x3FB1] =	sst s6  }
0xf: {  	[smem:$0x3FB2] =	sst s7  }
0x10: {  	[smem:$0x3FB3] =	sst s8  }
0x11: {  	[smem:$0x3FB4] =	sst s9;
	s0 =	simm.s32 @!p0 $0x0  }
0x12: {  	s1 =	sld [smem:$0x3F9A];
	s0 =	simm.s32 @p0 $0x1  }
0x13: {  	[smem:$0x3FB5] =	sst s0;
	s0 =	simm.s32 @!p1 $0x0  }
0x14: {  	s2 =	sld [smem:$0x3F99];
	s0 =	simm.s32 @p1 $0x1  }
0x15: {  	[smem:$0x3FB6] =	sst s0;
	s0 =	simm.s32 @!p2 $0x0  }
0x16: {  	s3 =	sld [smem:$0x3FDB];
	s0 =	simm.s32 @p2 $0x1  }
0x17: {  	s4 =	simm.s32 $0x1BF5;
	[smem:$0x3FB8] =	sst s0  }
0x18: {  	s0 =	sld [smem:$0x3F9B];
	_ =	swait.ge [sflag:s4], $0x0  }
0x19: {  	s7 =	sld [smem:$0x3F9C]  }
0x1a: {  	s8 =	sadd.s32 $0xFFFFE003, lr  }
0x1b: {  	s9 =	sadd.s32 $0xFFFFFEF7, lr;
	s5 =	simm.s32 $0xFFFFFFFF;
	p2 =	slt.u32 s8, $0xFFFFF086  }
0x1c: {  	p1 =	slt.u32 s9, $0xF7A;
	s5 =	simm.s32 @!p2 $0x0  }
0x1d: {  	s5 =	simm.s32 @p1 $0x1;
	p0 =	seq.s32 s7, s2  }
0x1e: {  	s7 =	smul.u32 @!p0 $0xF7A, s2;
	p2 =	seq.s32 @!p0 s5, $0x0  }
0x1f: {  	s9 =	smul.u32 $0xF7A, s1;
	s8 =	simm.s32 @!p0 $0x1BF5;
	p2 =	por !p2, p0  }
0x20: {  	[sflag:s8] =	ssyncset.s32 @!p0 $0xFFFFF086;
	s6 =	sadd.s32 @!p0 s3, s7;
	s7 =	simm.s32 @!p0 $0x108  }
0x21: {  	s3 =	sadd.s32 s3, s9;
	s6 =	sadd.s32 @!p0 $0x88, s6;
	s7 =	simm.s32 @p2 $0x1082  }
0x22: {  	[simem:s7], [sflag:s8] =	dma.local @!p0 [hbm:s6], $0xF7A  }
0x23: {  	s9 =	sor.u32 $0xD0000000, s2;
	s6 =	simm.s32 $0x108;
	_ =	swait.ge @!p0 [sflag:s8], $0x0  }
0x24: {  	s3 =	sadd.s32 $0x88, s3;
	s6 =	simm.s32 @!p1 $0x1082;
	[sflag:s4] =	ssyncset.s32 $0xFFFFF086  }
0x25: {  	[simem:s6], [sflag:s4] =	dma.local [hbm:s3], $0xF7A  }
0x26: {  	[smem:$0x3F9C] =	sst s1;
	(tag) =	ssettag s2;
	_ =	strace s9  }
0x27: {  	s1 =	sld [smem:$0x3FAC]  }
0x28: {  	s2 =	sld [smem:$0x3FAD]  }
0x29: {  	s4 =	sld [smem:$0x3FAF]  }
0x2a: {  	p0 =	seq.s32 s5, $0x0;
	s5 =	sld [smem:$0x3FB0]  }
0x2b: {  	s6 =	sld [smem:$0x3FB1]  }
0x2c: {  	s7 =	sld [smem:$0x3FB2]  }
0x2d: {  	s3 =	simm.s32 $0x108;
	s8 =	sld [smem:$0x3FB3]  }
0x2e: {  	s3 =	simm.s32 @!p0 $0x1082;
	s9 =	sld [smem:$0x3FB4]  }
0x2f: {  	lr =	sadd.s32 s0, s3;
	s0 =	sld [smem:$0x3FAB]  }
0x30: {  	s3 =	sld [smem:$0x3FAE]  }
0x31: {  	[smem:$0x3FB7] =	sst s10  }
0x32: {  	s10 =	sld [smem:$0x3FB5];
	_ =	sdelay $0x3  }
0x33: {  	p0 =	seq.s32 s10, $0x1;
	s10 =	sld [smem:$0x3FB7];
	_ =	sdelay $0x3  }
0x34: {  	[smem:$0x3FB7] =	sst s10  }
0x35: {  	s10 =	sld [smem:$0x3FB6];
	_ =	sdelay $0x3  }
0x36: {  	p1 =	seq.s32 s10, $0x1;
	s10 =	sld [smem:$0x3FB7];
	_ =	sdelay $0x3  }
0x37: {  	[smem:$0x3FB7] =	sst s10  }
0x38: {  	s10 =	sld [smem:$0x3FB8]  }
0x39: {  	_ = 	snop;
	(pc) =	sbr.ind lr, $3  }
0x3a: {  	_ = 	snop  }
0x3b: {  	_ = 	snop  }
0x3c: {  	p2 =	seq.s32 s10, $0x1;
	s10 =	sld [smem:$0x3FB7]  }
0x3d: {  	_ =	shalt  }
0x3e: {  	_ =	shalt  }
0x3f: {  	_ =	shalt  }
0x40: {  	_ =	shalt  }
0x41: {  	_ =	shalt  }
0x42: {  	_ =	shalt  }
0x43: {  	_ =	shalt  }
0x44: {  	_ =	shalt  }
0x45: {  	_ =	shalt  }
0x46: {  	_ =	shalt  }
0x47: {  	_ =	shalt  }
0x48: {  	_ =	shalt  }
0x49: {  	_ =	shalt  }
0x4a: {  	_ =	shalt  }
0x4b: {  	_ =	shalt  }
0x4c: {  	_ =	shalt  }
0x4d: {  	_ =	shalt  }
0x4e: {  	_ =	shalt  }
0x4f: {  	_ =	shalt  }
0x50: {  	_ =	shalt  }
0x51: {  	_ =	shalt  }
0x52: {  	_ =	shalt  }
0x53: {  	_ =	shalt  }
0x54: {  	_ =	shalt  }
0x55: {  	_ =	shalt  }
0x56: {  	_ =	shalt  }
0x57: {  	_ =	shalt  }
0x58: {  	_ =	shalt  }
0x59: {  	_ =	shalt  }
0x5a: {  	_ =	shalt  }
0x5b: {  	_ =	shalt  }
0x5c: {  	_ =	shalt  }
0x5d: {  	_ =	shalt  }
0x5e: {  	_ =	shalt  }
0x5f: {  	_ =	shalt  }
0x60: {  	_ =	shalt  }
0x61: {  	_ =	shalt  }
0x62: {  	_ =	shalt  }
0x63: {  	_ =	shalt  }
0x64: {  	_ =	shalt  }
0x65: {  	_ =	shalt  }
0x66: {  	_ =	shalt  }
0x67: {  	_ =	shalt  }
0x68: {  	_ =	shalt  }
0x69: {  	_ =	shalt  }
0x6a: {  	_ =	shalt  }
0x6b: {  	_ =	shalt  }
0x6c: {  	_ =	shalt  }
0x6d: {  	_ =	shalt  }
0x6e: {  	_ =	shalt  }
0x6f: {  	_ =	shalt  }
0x70: {  	_ =	shalt  }
0x71: {  	_ =	shalt  }
0x72: {  	_ =	shalt  }
0x73: {  	_ =	shalt  }
0x74: {  	_ =	shalt  }
0x75: {  	_ =	shalt  }
0x76: {  	_ =	shalt  }
0x77: {  	_ =	shalt  }
0x78: {  	_ =	shalt  }
0x79: {  	_ =	shalt  }
0x7a: {  	_ =	shalt  }
0x7b: {  	_ =	shalt  }
0x7c: {  	_ =	shalt  }
0x7d: {  	_ =	shalt  }
0x7e: {  	_ =	shalt  }
0x7f: {  	_ =	shalt  }
0x80: {  	_ =	shalt  }
0x81: {  	_ =	shalt  }
0x82: {  	_ =	shalt  }
0x83: {  	_ =	shalt  }
0x84: {  	_ =	shalt  }
0x85: {  	_ =	shalt  }
0x86: {  	_ =	shalt  }
0x87: {  	_ =	shalt  }
.Lfunc_end0:
.L_simem_size_0:
called_computation_lowered:
.L_overlay_start_0:
0x88: {  	s2 =	sld [smem:$0x3FD9]  }
0x89: {  	s3 =	sld [smem:$0x3FFE];
	_ =	sdelay $0x1  }
0x8a: {  	s1 =	srdreg.scid  }
0x8b: {  	s0 =	sand.u32 $0x1, s1  }
0x8c: {  	s17 =	sshll.u32 s0, $0xA;
	s2 =	sadd.s32 s3, s2  }
0x8d: {  	s2 =	sadd.s32 s2, s17  }
0x8e: {  	[smem:$0x3FC3] =	sst s2  }
0x8f: {  	_ = 	snop  }
0x90: {  	s2 =	sld [smem:$0x3FD0];
	(tm) =	ssettm $0x1  }
0x91: {  	s18 =	sld [smem:$0x3FFB];
	_ =	sdelay $0x3  }
0x92: {  	_ =	strace s18  }
0x93: {  	s3 =	sld [smem:$0x3FFC];
	_ =	sdelay $0x3  }
0x94: {  	_ =	strace s3  }
0x95: {  	s3 =	sld [smem:$0x3FFD];
	_ =	sdelay $0x3  }
0x96: {  	_ =	strace s3  }
0x97: {  	_ =	strace $0x8FFFFFFF  }
0x98: {  	s19 =	sld [smem:$0x3FDB];
	_ =	sdelay $0x1  }
0x99: {  	s4 =	simm.s32 $_scs_section_size  }
0x9a: {  	s5 =	simm.s32 $_size__tile_overlayer_lowered;
	s6 =	simm.s32 $_tile_overlayer_lowered  }
0x9b: {  	s22 =	simm.s32 $0x1BFF;
	s21 =	sshll.u32 s6, $0x1;
	s3 =	sadd.s32 s4, s19  }
0x9c: {  	s7 =	simm.s32 $0x0;
	s20 =	sshll.u32 s5, $0x1;
	s5 =	sadd.s32 s21, s3  }
0x9d: {  	[timem:s7], [sflag:s22] =	dma.local [hbm:s5], s20  }
0x9e: {  	_ =	swait.ge [sflag:s22], s20  }
0x9f: {  	s4 =	ssub.s32 $0x0, s20;
	[sflag:s22] =	ssyncset.done $0x0  }
0xa0: {  	[sflag:s22] =	ssyncadd.s32 s4;
	_ =	sdelay $0x1  }
0xa1: {  	s23 =	simm.s32 $0x1B8B  }
0xa2: {  	_ =	swait.ge [sflag:s23], $0x1  }
0xa3: {  	[sflag:s23] =	ssyncset.done $0x0  }
0xa4: {  	s25 =	simm.s32 $0x1B8E;
	s24 =	sld [smem:$0x3FFE];
	[sflag:s23] =	ssyncadd.s32 $0xFFFFFFFF  }
0xa5: {  	s26 =	simm.s32 $execute0_lowered;
	[smem:$0x3FD2] =	sst s25  }
0xa6: {  	s5 =	sshll.u32 s26, $0x1;
	_ =	strace $0x80000046;
	[dreg:$0x1] =	wrdreg $0xFFFFFFFF  }
0xa7: {  	s28 =	simm.s32 $_size_execute0_lowered;
	s3 =	sadd.s32 s3, s5;
	[dreg:$0x0] =	wrdreg $0x0  }
0xa8: {  	s5 =	sshll.u32 s28, $0x1;
	[dreg:$0x2] =	wrdreg s3  }
0xa9: {  	[dreg:$0x3] =	wrdreg s5  }
0xaa: {  	[dreg:$0x4] =	wrdreg $0xC0  }
0xab: {  	_ =	task [dreg:s7], $0x5FFFF  }
0xac: {  	[dreg:$0x1] =	wrdreg $0xFFFFFFFF  }
0xad: {  	[dreg:$0x0] =	wrdreg $0x60  }
0xae: {  	[dreg:$0x2] =	wrdreg s24  }
0xaf: {  	[dreg:$0x3] =	wrdreg s2  }
0xb0: {  	[dreg:$0x4] =	wrdreg $0x14800  }
0xb1: {  	[dreg:$0x5] =	wrdreg $0x9  }
0xb2: {  	_ =	task.clear_ibuf [dreg:s7], $0x6FFFF;
	_ =	strace $0x90000046  }
0xb3: {  	s29 =	simm.s32 $0x9;
	_ =	strace $0x80000048  }
0xb4: {  	_ =	swait.ge [sflag:s29], $0x1  }
0xb5: {  	[sflag:s29] =	ssyncadd.s32 $0xFFFFFFFF  }
0xb6: {  	_ =	strace $0x90000048  }
0xb7: {  	_ =	sfence  }
0xb8: {  	s30 =	sld [smem:$0x0];
	_ =	sdelay $0x2  }
0xb9: {  	s31 =	sshll.u32 s1, $0xD;
	s1 =	sshrl.u32 s1, $0x2  }
0xba: {  	s3 =	sand.u32 $0x4000, s31;
	s1 =	sadd.s32 s1, s30  }
0xbb: {  	s0 =	sor.u32 s3, s0;
	s1 =	sshll.u32 s1, $0x11  }
0xbc: {  	s0 =	sor.u32 s1, s0  }
0xbd: {  	s0 =	sadd.s32 $0x8F2B, s0  }
0xbe: {  	[sflag:s0] =	ssyncadd.remote.s32 $0x1  }
0xbf: {  	_ =	sfence.sel $0xFFFF  }
0xc0: {  	[dreg:$0x0] =	wrdreg $0xFFFFFFFF;
	(pc) =	sbr.abs _section_cstart, $3  }
0xc1: {  	[dreg:$0x1] =	wrdreg $0xFFFFFFFF  }
0xc2: {  	_ =	task.clear_ibuf [dreg:s7], $0x2FFFF;
	_ =	strace $0x9FFFFFFF  }
0xc3: {  	(tm) =	ssettm $0x7FFFFFFF  }
tec
execute0_lowered:
.L_overlay_start_1:
0x0: {  	(tag) =	ssettag $0x1  }
0x1: {  	s3 =	rddreg [dreg:$0x0]  }
0x2: {  	s4 =	rddreg [dreg:$0x1]  }
0x3: {  	s1 =	rddreg [dreg:$0x2];
	s2 =	simm.s32 $0x0  }
0x4: {  	[smem:$0x7FF] =	sst s2;
	s7 =	sadd.s32 $0x6800, s3  }
0x5: {  	s8 =	simm.s32 $0x280;
	_ =	strace $0x80000047;
	[dreg:$0x4] =	wrdreg s7  }
0x6: {  	s9 =	simm.s32 $0x300;
	[dreg:$0xc] =	wrdreg s8  }
0x7: {  	s10 =	simm.s32 $0x380;
	[dreg:$0xd] =	wrdreg s9  }
0x8: {  	s11 =	simm.s32 $0x400;
	[dreg:$0xe] =	wrdreg s10  }
0x9: {  	s12 =	simm.s32 $0x480;
	[dreg:$0xf] =	wrdreg s11  }
0xa: {  	s13 =	simm.s32 $0x500;
	[dreg:$0x10] =	wrdreg s12  }
0xb: {  	s14 =	simm.s32 $0x580;
	[dreg:$0x11] =	wrdreg s13  }
0xc: {  	s15 =	simm.s32 $0x600;
	[dreg:$0x12] =	wrdreg s14  }
0xd: {  	s16 =	simm.s32 $0x680;
	[dreg:$0x13] =	wrdreg s15  }
0xe: {  	s17 =	simm.s32 $0x700;
	[dreg:$0x14] =	wrdreg s16  }
0xf: {  	s0 =	srdreg.scid;
	s18 =	simm.s32 $0x780;
	[dreg:$0x15] =	wrdreg s17  }
0x10: {  	s26 =	stileid.u32;
	s19 =	simm.s32 $0x800;
	[dreg:$0x16] =	wrdreg s18  }
0x11: {  	s20 =	simm.s32 $0x880;
	s21 =	simm.s32 $0x900;
	[dreg:$0x17] =	wrdreg s19  }
0x12: {  	s22 =	simm.s32 $0x980;
	s23 =	simm.s32 $0xA00;
	[dreg:$0x18] =	wrdreg s20  }
0x13: {  	s24 =	simm.s32 $0xA80;
	s30 =	simm.s32 $0xB00;
	[dreg:$0x19] =	wrdreg s21  }
0x14: {  	s28 =	sand.u32 $0x1, s0;
	s29 =	smul.u32 $0x280, s26;
	[dreg:$0x1a] =	wrdreg s22  }
0x15: {  	s0 =	sshll.u32 s28, $0x4;
	s6 =	smul.u32 $0x2800, s28;
	[dreg:$0x1b] =	wrdreg s23  }
0x16: {  	s7 =	simm.s32 $0x200;
	[dreg:$0x1c] =	wrdreg s24;
	s0 =	sor.u32 s26, s0  }
0x17: {  	[dreg:$0x1d] =	wrdreg s30;
	s5 =	smul.u32 $0x280, s0;
	s6 =	sadd.s32 s29, s6  }
0x18: {  	[dreg:$0xb] =	wrdreg s7;
	s0 =	sshrl.u32 s6, $0x3;
	s6 =	simm.s32 $0x180  }
0x19: {  	s5 =	sadd.s32 s5, s3;
	s3 =	sadd.s32 $0x6A00, s3;
	[dreg:$0xa] =	wrdreg s6  }
0x1a: {  	s4 =	sadd.s32 s4, s0;
	[dreg:$0x5] =	wrdreg s3  }
0x1b: {  	p0 =	sne.s32 s26, $0x0;
	s31 =	sadd.s32 $0x1800, s5;
	[dreg:$0x7] =	wrdreg s4  }
0x1c: {  	s3 =	sshrl.u32 @!p0 s1, $0x3;
	[dreg:$0x6] =	wrdreg s31  }
0x1d: {  	s5 =	simm.s32 $0x100;
	[dreg:$0x8] =	wrdreg s3  }
0x1e: {  	[dreg:$0x9] =	wrdreg s5  }
0x1f: {  	s3 =	simm.s32 $0x2;
	s25 =	rddreg [dreg:$0x6]  }
0x20: {  	[tilespmem:s2], [sflag:$0x2] =	stream.linear.gather [hbm4b:s25+s2], $0x1400, $0x38;
	[tilespmem:$0x1700] =	vst v63  }
0x21: {  	_ =	swait.ge [sflag:s3], $0x1400  }
0x22: {  	[sflag:s3] =	ssyncset.done $0x0  }
0x23: {  	s4 =	simm.s32 $0x1400;
	s31 =	rddreg [dreg:$0x4];
	[sflag:s3] =	ssyncadd.s32 $0xFFFFEC00  }
0x24: {  	[tilespmem:s4], [sflag:$0x2] =	stream.linear.gather [hbm4b:s31+s2], $0x80, $0x38;
	[tilespmem:$0x1700] =	vst v63  }
0x25: {  	_ =	swait.ge [sflag:s3], $0x80  }
0x26: {  	s6 =	simm.s32 @!p0 $0x2;
	s7 =	rddreg [dreg:$0x5];
	[sflag:s3] =	ssyncset.done $0x0  }
0x27: {  	s5 =	simm.s32 @!p0 $0x1C02;
	s8 =	rddreg [dreg:$0x8];
	[sflag:s3] =	ssyncadd.s32 $0xFFFFFF80  }
0x28: {  	[spmem:s8], [sflag:s5] =	dma.local @!p0 [hbm:s7], $0x500  }
0x29: {  	_ =	swait.ge @!p0 [sflag:s6], $0x500  }
0x2a: {  	[sflag:s6] =	ssyncset.done @!p0 $0x0  }
0x2b: {  	[sflag:s6] =	ssyncadd.s32 @!p0 $0xFFFFFB00  }
0x2c: {  	s7 =	simm.s32 $0x80;
	[bflag:$0x0] =	sbarrier.arrive $0xFFFF  }
0x2d: {  	[spmem:s1] =	stream.indirect.scatter.add.f32 [tilespmem:s4], [sflag:$0x1], $0x1, s2, s7, $0xb8;
	[tilespmem:$0x1700] =	vst v63  }
0x2e: {  	_ = 	snop  }
0x2f: {  	[spmem:s1] =	stream.indirect.scatter.add.f32 [tilespmem:s4], [sflag:$0x1], $0x1, s7, s7, $0xb8;
	[tilespmem:$0x1700] =	vst v63  }
0x30: {  	s0 =	rddreg [dreg:$0x9]  }
0x31: {  	[spmem:s1] =	stream.indirect.scatter.add.f32 [tilespmem:s4], [sflag:$0x1], $0x1, s0, s7, $0xb8;
	[tilespmem:$0x1700] =	vst v63  }
0x32: {  	s9 =	rddreg [dreg:$0xa]  }
0x33: {  	[spmem:s1] =	stream.indirect.scatter.add.f32 [tilespmem:s4], [sflag:$0x1], $0x1, s9, s7, $0xb8;
	[tilespmem:$0x1700] =	vst v63  }
0x34: {  	s10 =	rddreg [dreg:$0xb]  }
0x35: {  	[spmem:s1] =	stream.indirect.scatter.add.f32 [tilespmem:s4], [sflag:$0x1], $0x1, s10, s7, $0xb8;
	[tilespmem:$0x1700] =	vst v63  }
0x36: {  	s11 =	rddreg [dreg:$0xc]  }
0x37: {  	[spmem:s1] =	stream.indirect.scatter.add.f32 [tilespmem:s4], [sflag:$0x1], $0x1, s11, s7, $0xb8;
	[tilespmem:$0x1700] =	vst v63  }
0x38: {  	s12 =	rddreg [dreg:$0xd]  }
0x39: {  	[spmem:s1] =	stream.indirect.scatter.add.f32 [tilespmem:s4], [sflag:$0x1], $0x1, s12, s7, $0xb8;
	[tilespmem:$0x1700] =	vst v63  }
0x3a: {  	s8 =	simm.s32 $0x1;
	s13 =	rddreg [dreg:$0xe]  }
0x3b: {  	[spmem:s1] =	stream.indirect.scatter.add.f32 [tilespmem:s4], [sflag:$0x1], $0x1, s13, s7, $0xb8;
	[tilespmem:$0x1700] =	vst v63  }
0x3c: {  	_ =	swait.ge [sflag:s8], $0x80  }
0x3d: {  	[sflag:s8] =	ssyncset.done $0x0  }
0x3e: {  	[sflag:s8] =	ssyncadd.s32 $0xFFFFFF80  }
0x3f: {  	_ =	swait.ge [sflag:s8], $0x80  }
0x40: {  	[sflag:s8] =	ssyncset.done $0x0  }
0x41: {  	[sflag:s8] =	ssyncadd.s32 $0xFFFFFF80  }
0x42: {  	_ =	swait.ge [sflag:s8], $0x80  }
0x43: {  	[sflag:s8] =	ssyncset.done $0x0  }
0x44: {  	[sflag:s8] =	ssyncadd.s32 $0xFFFFFF80  }
0x45: {  	_ =	swait.ge [sflag:s8], $0x80  }
0x46: {  	[sflag:s8] =	ssyncset.done $0x0  }
0x47: {  	[sflag:s8] =	ssyncadd.s32 $0xFFFFFF80  }
0x48: {  	_ =	swait.ge [sflag:s8], $0x80  }
0x49: {  	[sflag:s8] =	ssyncset.done $0x0  }
0x4a: {  	[sflag:s8] =	ssyncadd.s32 $0xFFFFFF80  }
0x4b: {  	_ =	swait.ge [sflag:s8], $0x80  }
0x4c: {  	[sflag:s8] =	ssyncset.done $0x0  }
0x4d: {  	[sflag:s8] =	ssyncadd.s32 $0xFFFFFF80  }
0x4e: {  	_ =	swait.ge [sflag:s8], $0x80  }
0x4f: {  	[sflag:s8] =	ssyncset.done $0x0  }
0x50: {  	[sflag:s8] =	ssyncadd.s32 $0xFFFFFF80  }
0x51: {  	_ =	swait.ge [sflag:s8], $0x80  }
0x52: {  	[sflag:s8] =	ssyncset.done $0x0  }
0x53: {  	s14 =	rddreg [dreg:$0xf];
	[sflag:s8] =	ssyncadd.s32 $0xFFFFFF80  }
0x54: {  	[spmem:s1] =	stream.indirect.scatter.add.f32 [tilespmem:s4], [sflag:$0x1], $0x1, s14, s7, $0xb8;
	[tilespmem:$0x1700] =	vst v63  }
0x55: {  	s10 =	rddreg [dreg:$0x10]  }
0x56: {  	[spmem:s1] =	stream.indirect.scatter.add.f32 [tilespmem:s4], [sflag:$0x1], $0x1, s10, s7, $0xb8;
	[tilespmem:$0x1700] =	vst v63  }
0x57: {  	s15 =	rddreg [dreg:$0x11]  }
0x58: {  	[spmem:s1] =	stream.indirect.scatter.add.f32 [tilespmem:s4], [sflag:$0x1], $0x1, s15, s7, $0xb8;
	[tilespmem:$0x1700] =	vst v63  }
0x59: {  	s16 =	rddreg [dreg:$0x12]  }
0x5a: {  	[spmem:s1] =	stream.indirect.scatter.add.f32 [tilespmem:s4], [sflag:$0x1], $0x1, s16, s7, $0xb8;
	[tilespmem:$0x1700] =	vst v63  }
0x5b: {  	s17 =	rddreg [dreg:$0x13]  }
0x5c: {  	[spmem:s1] =	stream.indirect.scatter.add.f32 [tilespmem:s4], [sflag:$0x1], $0x1, s17, s7, $0xb8;
	[tilespmem:$0x1700] =	vst v63  }
0x5d: {  	s18 =	rddreg [dreg:$0x14]  }
0x5e: {  	[spmem:s1] =	stream.indirect.scatter.add.f32 [tilespmem:s4], [sflag:$0x1], $0x1, s18, s7, $0xb8;
	[tilespmem:$0x1700] =	vst v63  }
0x5f: {  	s19 =	rddreg [dreg:$0x15]  }
0x60: {  	[spmem:s1] =	stream.indirect.scatter.add.f32 [tilespmem:s4], [sflag:$0x1], $0x1, s19, s7, $0xb8;
	[tilespmem:$0x1700] =	vst v63  }
0x61: {  	s20 =	rddreg [dreg:$0x16]  }
0x62: {  	[spmem:s1] =	stream.indirect.scatter.add.f32 [tilespmem:s4], [sflag:$0x1], $0x1, s20, s7, $0xb8;
	[tilespmem:$0x1700] =	vst v63  }
0x63: {  	_ =	swait.ge [sflag:s8], $0x80  }
0x64: {  	[sflag:s8] =	ssyncset.done $0x0  }
0x65: {  	[sflag:s8] =	ssyncadd.s32 $0xFFFFFF80  }
0x66: {  	_ =	swait.ge [sflag:s8], $0x80  }
0x67: {  	[sflag:s8] =	ssyncset.done $0x0  }
0x68: {  	[sflag:s8] =	ssyncadd.s32 $0xFFFFFF80  }
0x69: {  	_ =	swait.ge [sflag:s8], $0x80  }
0x6a: {  	[sflag:s8] =	ssyncset.done $0x0  }
0x6b: {  	[sflag:s8] =	ssyncadd.s32 $0xFFFFFF80  }
0x6c: {  	_ =	swait.ge [sflag:s8], $0x80  }
0x6d: {  	[sflag:s8] =	ssyncset.done $0x0  }
0x6e: {  	[sflag:s8] =	ssyncadd.s32 $0xFFFFFF80  }
0x6f: {  	_ =	swait.ge [sflag:s8], $0x80  }
0x70: {  	[sflag:s8] =	ssyncset.done $0x0  }
0x71: {  	[sflag:s8] =	ssyncadd.s32 $0xFFFFFF80  }
0x72: {  	_ =	swait.ge [sflag:s8], $0x80  }
0x73: {  	[sflag:s8] =	ssyncset.done $0x0  }
0x74: {  	[sflag:s8] =	ssyncadd.s32 $0xFFFFFF80  }
0x75: {  	_ =	swait.ge [sflag:s8], $0x80  }
0x76: {  	[sflag:s8] =	ssyncset.done $0x0  }
0x77: {  	[sflag:s8] =	ssyncadd.s32 $0xFFFFFF80  }
0x78: {  	_ =	swait.ge [sflag:s8], $0x80  }
0x79: {  	[sflag:s8] =	ssyncset.done $0x0  }
0x7a: {  	s21 =	rddreg [dreg:$0x17];
	[sflag:s8] =	ssyncadd.s32 $0xFFFFFF80  }
0x7b: {  	[spmem:s1] =	stream.indirect.scatter.add.f32 [tilespmem:s4], [sflag:$0x1], $0x1, s21, s7, $0xb8;
	[tilespmem:$0x1700] =	vst v63  }
0x7c: {  	s22 =	rddreg [dreg:$0x18]  }
0x7d: {  	[spmem:s1] =	stream.indirect.scatter.add.f32 [tilespmem:s4], [sflag:$0x1], $0x1, s22, s7, $0xb8;
	[tilespmem:$0x1700] =	vst v63  }
0x7e: {  	s23 =	rddreg [dreg:$0x19]  }
0x7f: {  	[spmem:s1] =	stream.indirect.scatter.add.f32 [tilespmem:s4], [sflag:$0x1], $0x1, s23, s7, $0xb8;
	[tilespmem:$0x1700] =	vst v63  }
0x80: {  	s24 =	rddreg [dreg:$0x1a]  }
0x81: {  	[spmem:s1] =	stream.indirect.scatter.add.f32 [tilespmem:s4], [sflag:$0x1], $0x1, s24, s7, $0xb8;
	[tilespmem:$0x1700] =	vst v63  }
0x82: {  	s25 =	rddreg [dreg:$0x1b]  }
0x83: {  	[spmem:s1] =	stream.indirect.scatter.add.f32 [tilespmem:s4], [sflag:$0x1], $0x1, s25, s7, $0xb8;
	[tilespmem:$0x1700] =	vst v63  }
0x84: {  	s30 =	rddreg [dreg:$0x1c]  }
0x85: {  	[spmem:s1] =	stream.indirect.scatter.add.f32 [tilespmem:s4], [sflag:$0x1], $0x1, s30, s7, $0xb8;
	[tilespmem:$0x1700] =	vst v63  }
0x86: {  	s31 =	rddreg [dreg:$0x1d]  }
0x87: {  	[spmem:s1] =	stream.indirect.scatter.add.f32 [tilespmem:s4], [sflag:$0x1], $0x1, s31, s7, $0xb8;
	[tilespmem:$0x1700] =	vst v63  }
0x88: {  	s9 =	simm.s32 $0xB80  }
0x89: {  	[spmem:s1] =	stream.indirect.scatter.add.f32 [tilespmem:s4], [sflag:$0x1], $0x1, s9, s7, $0xb8;
	[tilespmem:$0x1700] =	vst v63  }
0x8a: {  	_ =	swait.ge [sflag:s8], $0x80  }
0x8b: {  	[sflag:s8] =	ssyncset.done $0x0  }
0x8c: {  	[sflag:s8] =	ssyncadd.s32 $0xFFFFFF80  }
0x8d: {  	_ =	swait.ge [sflag:s8], $0x80  }
0x8e: {  	[sflag:s8] =	ssyncset.done $0x0  }
0x8f: {  	[sflag:s8] =	ssyncadd.s32 $0xFFFFFF80  }
0x90: {  	_ =	swait.ge [sflag:s8], $0x80  }
0x91: {  	[sflag:s8] =	ssyncset.done $0x0  }
0x92: {  	[sflag:s8] =	ssyncadd.s32 $0xFFFFFF80  }
0x93: {  	_ =	swait.ge [sflag:s8], $0x80  }
0x94: {  	[sflag:s8] =	ssyncset.done $0x0  }
0x95: {  	[sflag:s8] =	ssyncadd.s32 $0xFFFFFF80  }
0x96: {  	_ =	swait.ge [sflag:s8], $0x80  }
0x97: {  	[sflag:s8] =	ssyncset.done $0x0  }
0x98: {  	[sflag:s8] =	ssyncadd.s32 $0xFFFFFF80  }
0x99: {  	_ =	swait.ge [sflag:s8], $0x80  }
0x9a: {  	[sflag:s8] =	ssyncset.done $0x0  }
0x9b: {  	[sflag:s8] =	ssyncadd.s32 $0xFFFFFF80  }
0x9c: {  	_ =	swait.ge [sflag:s8], $0x80  }
0x9d: {  	[sflag:s8] =	ssyncset.done $0x0  }
0x9e: {  	[sflag:s8] =	ssyncadd.s32 $0xFFFFFF80  }
0x9f: {  	_ =	swait.ge [sflag:s8], $0x80  }
0xa0: {  	[sflag:s8] =	ssyncset.done $0x0  }
0xa1: {  	s10 =	simm.s32 $0xC00;
	[sflag:s8] =	ssyncadd.s32 $0xFFFFFF80  }
0xa2: {  	[spmem:s1] =	stream.indirect.scatter.add.f32 [tilespmem:s4], [sflag:$0x1], $0x1, s10, s7, $0xb8;
	[tilespmem:$0x1700] =	vst v63  }
0xa3: {  	s11 =	simm.s32 $0xC80  }
0xa4: {  	[spmem:s1] =	stream.indirect.scatter.add.f32 [tilespmem:s4], [sflag:$0x1], $0x1, s11, s7, $0xb8;
	[tilespmem:$0x1700] =	vst v63  }
0xa5: {  	s12 =	simm.s32 $0xD00  }
0xa6: {  	[spmem:s1] =	stream.indirect.scatter.add.f32 [tilespmem:s4], [sflag:$0x1], $0x1, s12, s7, $0xb8;
	[tilespmem:$0x1700] =	vst v63  }
0xa7: {  	s13 =	simm.s32 $0xD80  }
0xa8: {  	[spmem:s1] =	stream.indirect.scatter.add.f32 [tilespmem:s4], [sflag:$0x1], $0x1, s13, s7, $0xb8;
	[tilespmem:$0x1700] =	vst v63  }
0xa9: {  	s14 =	simm.s32 $0xE00  }
0xaa: {  	[spmem:s1] =	stream.indirect.scatter.add.f32 [tilespmem:s4], [sflag:$0x1], $0x1, s14, s7, $0xb8;
	[tilespmem:$0x1700] =	vst v63  }
0xab: {  	s15 =	simm.s32 $0xE80  }
0xac: {  	[spmem:s1] =	stream.indirect.scatter.add.f32 [tilespmem:s4], [sflag:$0x1], $0x1, s15, s7, $0xb8;
	[tilespmem:$0x1700] =	vst v63  }
0xad: {  	s16 =	simm.s32 $0xF00  }
0xae: {  	[spmem:s1] =	stream.indirect.scatter.add.f32 [tilespmem:s4], [sflag:$0x1], $0x1, s16, s7, $0xb8;
	[tilespmem:$0x1700] =	vst v63  }
0xaf: {  	s17 =	simm.s32 $0xF80  }
0xb0: {  	[spmem:s1] =	stream.indirect.scatter.add.f32 [tilespmem:s4], [sflag:$0x1], $0x1, s17, s7, $0xb8;
	[tilespmem:$0x1700] =	vst v63  }
0xb1: {  	_ =	swait.ge [sflag:s8], $0x80  }
0xb2: {  	[sflag:s8] =	ssyncset.done $0x0  }
0xb3: {  	[sflag:s8] =	ssyncadd.s32 $0xFFFFFF80  }
0xb4: {  	_ =	swait.ge [sflag:s8], $0x80  }
0xb5: {  	[sflag:s8] =	ssyncset.done $0x0  }
0xb6: {  	[sflag:s8] =	ssyncadd.s32 $0xFFFFFF80  }
0xb7: {  	_ =	swait.ge [sflag:s8], $0x80  }
0xb8: {  	[sflag:s8] =	ssyncset.done $0x0  }
0xb9: {  	[sflag:s8] =	ssyncadd.s32 $0xFFFFFF80  }
0xba: {  	_ =	swait.ge [sflag:s8], $0x80  }
0xbb: {  	[sflag:s8] =	ssyncset.done $0x0  }
0xbc: {  	[sflag:s8] =	ssyncadd.s32 $0xFFFFFF80  }
0xbd: {  	_ =	swait.ge [sflag:s8], $0x80  }
0xbe: {  	[sflag:s8] =	ssyncset.done $0x0  }
0xbf: {  	[sflag:s8] =	ssyncadd.s32 $0xFFFFFF80  }
0xc0: {  	_ =	swait.ge [sflag:s8], $0x80  }
0xc1: {  	[sflag:s8] =	ssyncset.done $0x0  }
0xc2: {  	[sflag:s8] =	ssyncadd.s32 $0xFFFFFF80  }
0xc3: {  	_ =	swait.ge [sflag:s8], $0x80  }
0xc4: {  	[sflag:s8] =	ssyncset.done $0x0  }
0xc5: {  	[sflag:s8] =	ssyncadd.s32 $0xFFFFFF80  }
0xc6: {  	_ =	swait.ge [sflag:s8], $0x80  }
0xc7: {  	[sflag:s8] =	ssyncset.done $0x0  }
0xc8: {  	s18 =	simm.s32 $0x1000;
	[sflag:s8] =	ssyncadd.s32 $0xFFFFFF80  }
0xc9: {  	[spmem:s1] =	stream.indirect.scatter.add.f32 [tilespmem:s4], [sflag:$0x1], $0x1, s18, s7, $0xb8;
	[tilespmem:$0x1700] =	vst v63  }
0xca: {  	s19 =	simm.s32 $0x1080  }
0xcb: {  	[spmem:s1] =	stream.indirect.scatter.add.f32 [tilespmem:s4], [sflag:$0x1], $0x1, s19, s7, $0xb8;
	[tilespmem:$0x1700] =	vst v63  }
0xcc: {  	s20 =	simm.s32 $0x1100  }
0xcd: {  	[spmem:s1] =	stream.indirect.scatter.add.f32 [tilespmem:s4], [sflag:$0x1], $0x1, s20, s7, $0xb8;
	[tilespmem:$0x1700] =	vst v63  }
0xce: {  	s21 =	simm.s32 $0x1180  }
0xcf: {  	[spmem:s1] =	stream.indirect.scatter.add.f32 [tilespmem:s4], [sflag:$0x1], $0x1, s21, s7, $0xb8;
	[tilespmem:$0x1700] =	vst v63  }
0xd0: {  	s22 =	simm.s32 $0x1200  }
0xd1: {  	[spmem:s1] =	stream.indirect.scatter.add.f32 [tilespmem:s4], [sflag:$0x1], $0x1, s22, s7, $0xb8;
	[tilespmem:$0x1700] =	vst v63  }
0xd2: {  	s23 =	simm.s32 $0x1280  }
0xd3: {  	[spmem:s1] =	stream.indirect.scatter.add.f32 [tilespmem:s4], [sflag:$0x1], $0x1, s23, s7, $0xb8;
	[tilespmem:$0x1700] =	vst v63  }
0xd4: {  	s24 =	simm.s32 $0x1300  }
0xd5: {  	[spmem:s1] =	stream.indirect.scatter.add.f32 [tilespmem:s4], [sflag:$0x1], $0x1, s24, s7, $0xb8;
	[tilespmem:$0x1700] =	vst v63  }
0xd6: {  	s25 =	simm.s32 $0x1380  }
0xd7: {  	[spmem:s1] =	stream.indirect.scatter.add.f32 [tilespmem:s4], [sflag:$0x1], $0x1, s25, s7, $0xb8;
	[tilespmem:$0x1700] =	vst v63  }
0xd8: {  	_ =	swait.ge [sflag:s8], $0x80  }
0xd9: {  	[sflag:s8] =	ssyncset.done $0x0  }
0xda: {  	[sflag:s8] =	ssyncadd.s32 $0xFFFFFF80  }
0xdb: {  	_ =	swait.ge [sflag:s8], $0x80  }
0xdc: {  	[sflag:s8] =	ssyncset.done $0x0  }
0xdd: {  	[sflag:s8] =	ssyncadd.s32 $0xFFFFFF80  }
0xde: {  	_ =	swait.ge [sflag:s8], $0x80  }
0xdf: {  	[sflag:s8] =	ssyncset.done $0x0  }
0xe0: {  	[sflag:s8] =	ssyncadd.s32 $0xFFFFFF80  }
0xe1: {  	_ =	swait.ge [sflag:s8], $0x80  }
0xe2: {  	[sflag:s8] =	ssyncset.done $0x0  }
0xe3: {  	[sflag:s8] =	ssyncadd.s32 $0xFFFFFF80  }
0xe4: {  	_ =	swait.ge [sflag:s8], $0x80  }
0xe5: {  	[sflag:s8] =	ssyncset.done $0x0  }
0xe6: {  	[sflag:s8] =	ssyncadd.s32 $0xFFFFFF80  }
0xe7: {  	_ =	swait.ge [sflag:s8], $0x80  }
0xe8: {  	s28 =	ssub.s32 $0x2, s28;
	[sflag:s8] =	ssyncset.done $0x0  }
0xe9: {  	s0 =	sshrl.u32 s28, $0x1;
	[sflag:s8] =	ssyncadd.s32 $0xFFFFFF80  }
0xea: {  	s29 =	sadd.s32 s29, s1;
	s0 =	ssub.s32 s28, s0;
	_ =	swait.ge [sflag:s8], $0x80  }
0xeb: {  	s0 =	smax.u32 s0, $0x1;
	s31 =	sshll.u32 s26, $0x6;
	[sflag:s8] =	ssyncset.done $0x0  }
0xec: {  	s26 =	sshrl.u32 s29, $0x3;
	s29 =	sadd.s32 $0xFFFFFFFF, s0;
	[sflag:s8] =	ssyncadd.s32 $0xFFFFFF80  }
0xed: {  	p1 =	sne.s32 s29, $0x0;
	_ =	swait.ge [sflag:s8], $0x80  }
.Ltmp0:
0xee: {  	[sflag:s8] =	ssyncset.done $0x0;
	(pc) =	sbr.rel @!p1 .LBB2_2-.Ltmp0, $4  }
0xef: {  	[sflag:s8] =	ssyncadd.s32 $0xFFFFFF80  }
0xf0: {  	[bflag:$0x0] =	sbarrier.arrive $0xFFFF  }
0xf1: {  	s28 =	sor.u32 $0x1C02, s31;
	s30 =	rddreg [dreg:$0x7]  }
0xf2: {  	[hbm:s30], [sflag:s28] =	dma.local [spmem:s26], $0x50  }
.LBB2_1:
0xf3: {  	_ =	swait.ge [sflag:s3], $0x50  }
0xf4: {  	[sflag:s3] =	ssyncset.done $0x0  }
0xf5: {  	s0 =	rddreg [dreg:$0x6];
	[sflag:s3] =	ssyncadd.s32 $0xFFFFFFB0  }
0xf6: {  	[tilespmem:s2], [sflag:$0x2] =	stream.linear.gather [hbm4b:s0+s2], $0x1400, $0x38;
	[tilespmem:$0x1700] =	vst v63  }
0xf7: {  	_ =	swait.ge [sflag:s3], $0x1400  }
0xf8: {  	[sflag:s3] =	ssyncset.done $0x0  }
0xf9: {  	s30 =	rddreg [dreg:$0x4];
	[sflag:s3] =	ssyncadd.s32 $0xFFFFEC00  }
0xfa: {  	[tilespmem:s4], [sflag:$0x2] =	stream.linear.gather [hbm4b:s30+s2], $0x80, $0x38;
	[tilespmem:$0x1700] =	vst v63  }
0xfb: {  	_ =	swait.ge [sflag:s3], $0x80  }
0xfc: {  	[sflag:s3] =	ssyncset.done $0x0;
	s0 =	rddreg [dreg:$0x5]  }
0xfd: {  	s30 =	rddreg [dreg:$0x8];
	[sflag:s3] =	ssyncadd.s32 $0xFFFFFF80  }
0xfe: {  	[spmem:s30], [sflag:s5] =	dma.local @!p0 [hbm:s0], $0x500  }
0xff: {  	_ =	swait.ge @!p0 [sflag:s6], $0x500  }
0x100: {  	[sflag:s6] =	ssyncset.done @!p0 $0x0  }
0x101: {  	[sflag:s6] =	ssyncadd.s32 @!p0 $0xFFFFFB00  }
0x102: {  	[bflag:$0x0] =	sbarrier.arrive $0xFFFF  }
0x103: {  	[spmem:s1] =	stream.indirect.scatter.add.f32 [tilespmem:s4], [sflag:$0x1], $0x1, s2, s7, $0xb8;
	[tilespmem:$0x1700] =	vst v63  }
0x104: {  	_ = 	snop  }
0x105: {  	[spmem:s1] =	stream.indirect.scatter.add.f32 [tilespmem:s4], [sflag:$0x1], $0x1, s7, s7, $0xb8;
	[tilespmem:$0x1700] =	vst v63  }
0x106: {  	s0 =	rddreg [dreg:$0x9]  }
0x107: {  	[spmem:s1] =	stream.indirect.scatter.add.f32 [tilespmem:s4], [sflag:$0x1], $0x1, s0, s7, $0xb8;
	[tilespmem:$0x1700] =	vst v63  }
0x108: {  	s31 =	rddreg [dreg:$0xa]  }
0x109: {  	[spmem:s1] =	stream.indirect.scatter.add.f32 [tilespmem:s4], [sflag:$0x1], $0x1, s31, s7, $0xb8;
	[tilespmem:$0x1700] =	vst v63  }
0x10a: {  	s0 =	rddreg [dreg:$0xb]  }
0x10b: {  	[spmem:s1] =	stream.indirect.scatter.add.f32 [tilespmem:s4], [sflag:$0x1], $0x1, s0, s7, $0xb8;
	[tilespmem:$0x1700] =	vst v63  }
0x10c: {  	s31 =	rddreg [dreg:$0xc]  }
0x10d: {  	[spmem:s1] =	stream.indirect.scatter.add.f32 [tilespmem:s4], [sflag:$0x1], $0x1, s31, s7, $0xb8;
	[tilespmem:$0x1700] =	vst v63  }
0x10e: {  	s0 =	rddreg [dreg:$0xd]  }
0x10f: {  	[spmem:s1] =	stream.indirect.scatter.add.f32 [tilespmem:s4], [sflag:$0x1], $0x1, s0, s7, $0xb8;
	[tilespmem:$0x1700] =	vst v63  }
0x110: {  	s31 =	rddreg [dreg:$0xe]  }
0x111: {  	[spmem:s1] =	stream.indirect.scatter.add.f32 [tilespmem:s4], [sflag:$0x1], $0x1, s31, s7, $0xb8;
	[tilespmem:$0x1700] =	vst v63  }
0x112: {  	_ =	swait.ge [sflag:s8], $0x80  }
0x113: {  	[sflag:s8] =	ssyncset.done $0x0  }
0x114: {  	[sflag:s8] =	ssyncadd.s32 $0xFFFFFF80  }
0x115: {  	_ =	swait.ge [sflag:s8], $0x80  }
0x116: {  	[sflag:s8] =	ssyncset.done $0x0  }
0x117: {  	[sflag:s8] =	ssyncadd.s32 $0xFFFFFF80  }
0x118: {  	_ =	swait.ge [sflag:s8], $0x80  }
0x119: {  	[sflag:s8] =	ssyncset.done $0x0  }
0x11a: {  	[sflag:s8] =	ssyncadd.s32 $0xFFFFFF80  }
0x11b: {  	_ =	swait.ge [sflag:s8], $0x80  }
0x11c: {  	[sflag:s8] =	ssyncset.done $0x0  }
0x11d: {  	[sflag:s8] =	ssyncadd.s32 $0xFFFFFF80  }
0x11e: {  	_ =	swait.ge [sflag:s8], $0x80  }
0x11f: {  	[sflag:s8] =	ssyncset.done $0x0  }
0x120: {  	[sflag:s8] =	ssyncadd.s32 $0xFFFFFF80  }
0x121: {  	_ =	swait.ge [sflag:s8], $0x80  }
0x122: {  	[sflag:s8] =	ssyncset.done $0x0  }
0x123: {  	[sflag:s8] =	ssyncadd.s32 $0xFFFFFF80  }
0x124: {  	_ =	swait.ge [sflag:s8], $0x80  }
0x125: {  	[sflag:s8] =	ssyncset.done $0x0  }
0x126: {  	[sflag:s8] =	ssyncadd.s32 $0xFFFFFF80  }
0x127: {  	_ =	swait.ge [sflag:s8], $0x80  }
0x128: {  	[sflag:s8] =	ssyncset.done $0x0  }
0x129: {  	s0 =	rddreg [dreg:$0xf];
	[sflag:s8] =	ssyncadd.s32 $0xFFFFFF80  }
0x12a: {  	[spmem:s1] =	stream.indirect.scatter.add.f32 [tilespmem:s4], [sflag:$0x1], $0x1, s0, s7, $0xb8;
	[tilespmem:$0x1700] =	vst v63  }
0x12b: {  	s31 =	rddreg [dreg:$0x10]  }
0x12c: {  	[spmem:s1] =	stream.indirect.scatter.add.f32 [tilespmem:s4], [sflag:$0x1], $0x1, s31, s7, $0xb8;
	[tilespmem:$0x1700] =	vst v63  }
0x12d: {  	s0 =	rddreg [dreg:$0x11]  }
0x12e: {  	[spmem:s1] =	stream.indirect.scatter.add.f32 [tilespmem:s4], [sflag:$0x1], $0x1, s0, s7, $0xb8;
	[tilespmem:$0x1700] =	vst v63  }
0x12f: {  	s31 =	rddreg [dreg:$0x12]  }
0x130: {  	[spmem:s1] =	stream.indirect.scatter.add.f32 [tilespmem:s4], [sflag:$0x1], $0x1, s31, s7, $0xb8;
	[tilespmem:$0x1700] =	vst v63  }
0x131: {  	s0 =	rddreg [dreg:$0x13]  }
0x132: {  	[spmem:s1] =	stream.indirect.scatter.add.f32 [tilespmem:s4], [sflag:$0x1], $0x1, s0, s7, $0xb8;
	[tilespmem:$0x1700] =	vst v63  }
0x133: {  	s31 =	rddreg [dreg:$0x14]  }
0x134: {  	[spmem:s1] =	stream.indirect.scatter.add.f32 [tilespmem:s4], [sflag:$0x1], $0x1, s31, s7, $0xb8;
	[tilespmem:$0x1700] =	vst v63  }
0x135: {  	s0 =	rddreg [dreg:$0x15]  }
0x136: {  	[spmem:s1] =	stream.indirect.scatter.add.f32 [tilespmem:s4], [sflag:$0x1], $0x1, s0, s7, $0xb8;
	[tilespmem:$0x1700] =	vst v63  }
0x137: {  	s31 =	rddreg [dreg:$0x16]  }
0x138: {  	[spmem:s1] =	stream.indirect.scatter.add.f32 [tilespmem:s4], [sflag:$0x1], $0x1, s31, s7, $0xb8;
	[tilespmem:$0x1700] =	vst v63  }
0x139: {  	_ =	swait.ge [sflag:s8], $0x80  }
0x13a: {  	[sflag:s8] =	ssyncset.done $0x0  }
0x13b: {  	[sflag:s8] =	ssyncadd.s32 $0xFFFFFF80  }
0x13c: {  	_ =	swait.ge [sflag:s8], $0x80  }
0x13d: {  	[sflag:s8] =	ssyncset.done $0x0  }
0x13e: {  	[sflag:s8] =	ssyncadd.s32 $0xFFFFFF80  }
0x13f: {  	_ =	swait.ge [sflag:s8], $0x80  }
0x140: {  	[sflag:s8] =	ssyncset.done $0x0  }
0x141: {  	[sflag:s8] =	ssyncadd.s32 $0xFFFFFF80  }
0x142: {  	_ =	swait.ge [sflag:s8], $0x80  }
0x143: {  	[sflag:s8] =	ssyncset.done $0x0  }
0x144: {  	[sflag:s8] =	ssyncadd.s32 $0xFFFFFF80  }
0x145: {  	_ =	swait.ge [sflag:s8], $0x80  }
0x146: {  	[sflag:s8] =	ssyncset.done $0x0  }
0x147: {  	[sflag:s8] =	ssyncadd.s32 $0xFFFFFF80  }
0x148: {  	_ =	swait.ge [sflag:s8], $0x80  }
0x149: {  	[sflag:s8] =	ssyncset.done $0x0  }
0x14a: {  	[sflag:s8] =	ssyncadd.s32 $0xFFFFFF80  }
0x14b: {  	_ =	swait.ge [sflag:s8], $0x80  }
0x14c: {  	[sflag:s8] =	ssyncset.done $0x0  }
0x14d: {  	[sflag:s8] =	ssyncadd.s32 $0xFFFFFF80  }
0x14e: {  	_ =	swait.ge [sflag:s8], $0x80  }
0x14f: {  	[sflag:s8] =	ssyncset.done $0x0  }
0x150: {  	s31 =	rddreg [dreg:$0x17];
	[sflag:s8] =	ssyncadd.s32 $0xFFFFFF80  }
0x151: {  	[spmem:s1] =	stream.indirect.scatter.add.f32 [tilespmem:s4], [sflag:$0x1], $0x1, s31, s7, $0xb8;
	[tilespmem:$0x1700] =	vst v63  }
0x152: {  	s30 =	rddreg [dreg:$0x18]  }
0x153: {  	[spmem:s1] =	stream.indirect.scatter.add.f32 [tilespmem:s4], [sflag:$0x1], $0x1, s30, s7, $0xb8;
	[tilespmem:$0x1700] =	vst v63  }
0x154: {  	s31 =	rddreg [dreg:$0x19]  }
0x155: {  	[spmem:s1] =	stream.indirect.scatter.add.f32 [tilespmem:s4], [sflag:$0x1], $0x1, s31, s7, $0xb8;
	[tilespmem:$0x1700] =	vst v63  }
0x156: {  	s30 =	rddreg [dreg:$0x1a]  }
0x157: {  	[spmem:s1] =	stream.indirect.scatter.add.f32 [tilespmem:s4], [sflag:$0x1], $0x1, s30, s7, $0xb8;
	[tilespmem:$0x1700] =	vst v63  }
0x158: {  	s31 =	rddreg [dreg:$0x1b]  }
0x159: {  	[spmem:s1] =	stream.indirect.scatter.add.f32 [tilespmem:s4], [sflag:$0x1], $0x1, s31, s7, $0xb8;
	[tilespmem:$0x1700] =	vst v63  }
0x15a: {  	s30 =	rddreg [dreg:$0x1c]  }
0x15b: {  	[spmem:s1] =	stream.indirect.scatter.add.f32 [tilespmem:s4], [sflag:$0x1], $0x1, s30, s7, $0xb8;
	[tilespmem:$0x1700] =	vst v63  }
0x15c: {  	s31 =	rddreg [dreg:$0x1d]  }
0x15d: {  	[spmem:s1] =	stream.indirect.scatter.add.f32 [tilespmem:s4], [sflag:$0x1], $0x1, s31, s7, $0xb8;
	[tilespmem:$0x1700] =	vst v63  }
0x15e: {  	_ = 	snop  }
0x15f: {  	[spmem:s1] =	stream.indirect.scatter.add.f32 [tilespmem:s4], [sflag:$0x1], $0x1, s9, s7, $0xb8;
	[tilespmem:$0x1700] =	vst v63  }
0x160: {  	_ =	swait.ge [sflag:s8], $0x80  }
0x161: {  	[sflag:s8] =	ssyncset.done $0x0  }
0x162: {  	[sflag:s8] =	ssyncadd.s32 $0xFFFFFF80  }
0x163: {  	_ =	swait.ge [sflag:s8], $0x80  }
0x164: {  	[sflag:s8] =	ssyncset.done $0x0  }
0x165: {  	[sflag:s8] =	ssyncadd.s32 $0xFFFFFF80  }
0x166: {  	_ =	swait.ge [sflag:s8], $0x80  }
0x167: {  	[sflag:s8] =	ssyncset.done $0x0  }
0x168: {  	[sflag:s8] =	ssyncadd.s32 $0xFFFFFF80  }
0x169: {  	_ =	swait.ge [sflag:s8], $0x80  }
0x16a: {  	[sflag:s8] =	ssyncset.done $0x0  }
0x16b: {  	[sflag:s8] =	ssyncadd.s32 $0xFFFFFF80  }
0x16c: {  	_ =	swait.ge [sflag:s8], $0x80  }
0x16d: {  	[sflag:s8] =	ssyncset.done $0x0  }
0x16e: {  	[sflag:s8] =	ssyncadd.s32 $0xFFFFFF80  }
0x16f: {  	_ =	swait.ge [sflag:s8], $0x80  }
0x170: {  	[sflag:s8] =	ssyncset.done $0x0  }
0x171: {  	[sflag:s8] =	ssyncadd.s32 $0xFFFFFF80  }
0x172: {  	_ =	swait.ge [sflag:s8], $0x80  }
0x173: {  	[sflag:s8] =	ssyncset.done $0x0  }
0x174: {  	[sflag:s8] =	ssyncadd.s32 $0xFFFFFF80  }
0x175: {  	_ =	swait.ge [sflag:s8], $0x80  }
0x176: {  	[sflag:s8] =	ssyncset.done $0x0  }
0x177: {  	[sflag:s8] =	ssyncadd.s32 $0xFFFFFF80  }
0x178: {  	[spmem:s1] =	stream.indirect.scatter.add.f32 [tilespmem:s4], [sflag:$0x1], $0x1, s10, s7, $0xb8;
	[tilespmem:$0x1700] =	vst v63  }
0x179: {  	_ = 	snop  }
0x17a: {  	[spmem:s1] =	stream.indirect.scatter.add.f32 [tilespmem:s4], [sflag:$0x1], $0x1, s11, s7, $0xb8;
	[tilespmem:$0x1700] =	vst v63  }
0x17b: {  	_ = 	snop  }
0x17c: {  	[spmem:s1] =	stream.indirect.scatter.add.f32 [tilespmem:s4], [sflag:$0x1], $0x1, s12, s7, $0xb8;
	[tilespmem:$0x1700] =	vst v63  }
0x17d: {  	_ = 	snop  }
0x17e: {  	[spmem:s1] =	stream.indirect.scatter.add.f32 [tilespmem:s4], [sflag:$0x1], $0x1, s13, s7, $0xb8;
	[tilespmem:$0x1700] =	vst v63  }
0x17f: {  	_ = 	snop  }
0x180: {  	[spmem:s1] =	stream.indirect.scatter.add.f32 [tilespmem:s4], [sflag:$0x1], $0x1, s14, s7, $0xb8;
	[tilespmem:$0x1700] =	vst v63  }
0x181: {  	_ = 	snop  }
0x182: {  	[spmem:s1] =	stream.indirect.scatter.add.f32 [tilespmem:s4], [sflag:$0x1], $0x1, s15, s7, $0xb8;
	[tilespmem:$0x1700] =	vst v63  }
0x183: {  	_ = 	snop  }
0x184: {  	[spmem:s1] =	stream.indirect.scatter.add.f32 [tilespmem:s4], [sflag:$0x1], $0x1, s16, s7, $0xb8;
	[tilespmem:$0x1700] =	vst v63  }
0x185: {  	_ = 	snop  }
0x186: {  	[spmem:s1] =	stream.indirect.scatter.add.f32 [tilespmem:s4], [sflag:$0x1], $0x1, s17, s7, $0xb8;
	[tilespmem:$0x1700] =	vst v63  }
0x187: {  	_ =	swait.ge [sflag:s8], $0x80  }
0x188: {  	[sflag:s8] =	ssyncset.done $0x0  }
0x189: {  	[sflag:s8] =	ssyncadd.s32 $0xFFFFFF80  }
0x18a: {  	_ =	swait.ge [sflag:s8], $0x80  }
0x18b: {  	[sflag:s8] =	ssyncset.done $0x0  }
0x18c: {  	[sflag:s8] =	ssyncadd.s32 $0xFFFFFF80  }
0x18d: {  	_ =	swait.ge [sflag:s8], $0x80  }
0x18e: {  	[sflag:s8] =	ssyncset.done $0x0  }
0x18f: {  	[sflag:s8] =	ssyncadd.s32 $0xFFFFFF80  }
0x190: {  	_ =	swait.ge [sflag:s8], $0x80  }
0x191: {  	[sflag:s8] =	ssyncset.done $0x0  }
0x192: {  	[sflag:s8] =	ssyncadd.s32 $0xFFFFFF80  }
0x193: {  	_ =	swait.ge [sflag:s8], $0x80  }
0x194: {  	[sflag:s8] =	ssyncset.done $0x0  }
0x195: {  	[sflag:s8] =	ssyncadd.s32 $0xFFFFFF80  }
0x196: {  	_ =	swait.ge [sflag:s8], $0x80  }
0x197: {  	[sflag:s8] =	ssyncset.done $0x0  }
0x198: {  	[sflag:s8] =	ssyncadd.s32 $0xFFFFFF80  }
0x199: {  	_ =	swait.ge [sflag:s8], $0x80  }
0x19a: {  	[sflag:s8] =	ssyncset.done $0x0  }
0x19b: {  	[sflag:s8] =	ssyncadd.s32 $0xFFFFFF80  }
0x19c: {  	_ =	swait.ge [sflag:s8], $0x80  }
0x19d: {  	[sflag:s8] =	ssyncset.done $0x0  }
0x19e: {  	[sflag:s8] =	ssyncadd.s32 $0xFFFFFF80  }
0x19f: {  	[spmem:s1] =	stream.indirect.scatter.add.f32 [tilespmem:s4], [sflag:$0x1], $0x1, s18, s7, $0xb8;
	[tilespmem:$0x1700] =	vst v63  }
0x1a0: {  	_ = 	snop  }
0x1a1: {  	[spmem:s1] =	stream.indirect.scatter.add.f32 [tilespmem:s4], [sflag:$0x1], $0x1, s19, s7, $0xb8;
	[tilespmem:$0x1700] =	vst v63  }
0x1a2: {  	_ = 	snop  }
0x1a3: {  	[spmem:s1] =	stream.indirect.scatter.add.f32 [tilespmem:s4], [sflag:$0x1], $0x1, s20, s7, $0xb8;
	[tilespmem:$0x1700] =	vst v63  }
0x1a4: {  	_ = 	snop  }
0x1a5: {  	[spmem:s1] =	stream.indirect.scatter.add.f32 [tilespmem:s4], [sflag:$0x1], $0x1, s21, s7, $0xb8;
	[tilespmem:$0x1700] =	vst v63  }
0x1a6: {  	_ = 	snop  }
0x1a7: {  	[spmem:s1] =	stream.indirect.scatter.add.f32 [tilespmem:s4], [sflag:$0x1], $0x1, s22, s7, $0xb8;
	[tilespmem:$0x1700] =	vst v63  }
0x1a8: {  	_ = 	snop  }
0x1a9: {  	[spmem:s1] =	stream.indirect.scatter.add.f32 [tilespmem:s4], [sflag:$0x1], $0x1, s23, s7, $0xb8;
	[tilespmem:$0x1700] =	vst v63  }
0x1aa: {  	_ = 	snop  }
0x1ab: {  	[spmem:s1] =	stream.indirect.scatter.add.f32 [tilespmem:s4], [sflag:$0x1], $0x1, s24, s7, $0xb8;
	[tilespmem:$0x1700] =	vst v63  }
0x1ac: {  	_ = 	snop  }
0x1ad: {  	[spmem:s1] =	stream.indirect.scatter.add.f32 [tilespmem:s4], [sflag:$0x1], $0x1, s25, s7, $0xb8;
	[tilespmem:$0x1700] =	vst v63  }
0x1ae: {  	_ =	swait.ge [sflag:s8], $0x80  }
0x1af: {  	[sflag:s8] =	ssyncset.done $0x0  }
0x1b0: {  	[sflag:s8] =	ssyncadd.s32 $0xFFFFFF80  }
0x1b1: {  	_ =	swait.ge [sflag:s8], $0x80  }
0x1b2: {  	[sflag:s8] =	ssyncset.done $0x0  }
0x1b3: {  	[sflag:s8] =	ssyncadd.s32 $0xFFFFFF80  }
0x1b4: {  	_ =	swait.ge [sflag:s8], $0x80  }
0x1b5: {  	[sflag:s8] =	ssyncset.done $0x0  }
0x1b6: {  	[sflag:s8] =	ssyncadd.s32 $0xFFFFFF80  }
0x1b7: {  	_ =	swait.ge [sflag:s8], $0x80  }
0x1b8: {  	[sflag:s8] =	ssyncset.done $0x0  }
0x1b9: {  	[sflag:s8] =	ssyncadd.s32 $0xFFFFFF80  }
0x1ba: {  	_ =	swait.ge [sflag:s8], $0x80  }
0x1bb: {  	[sflag:s8] =	ssyncset.done $0x0  }
0x1bc: {  	[sflag:s8] =	ssyncadd.s32 $0xFFFFFF80  }
0x1bd: {  	_ =	swait.ge [sflag:s8], $0x80  }
0x1be: {  	[sflag:s8] =	ssyncset.done $0x0  }
0x1bf: {  	[sflag:s8] =	ssyncadd.s32 $0xFFFFFF80  }
0x1c0: {  	_ =	swait.ge [sflag:s8], $0x80  }
0x1c1: {  	[sflag:s8] =	ssyncset.done $0x0  }
0x1c2: {  	s29 =	sadd.s32 $0xFFFFFFFF, s29;
	[sflag:s8] =	ssyncadd.s32 $0xFFFFFF80  }
0x1c3: {  	p1 =	sne.s32 s29, $0x0;
	_ =	swait.ge [sflag:s8], $0x80  }
.Ltmp1:
0x1c4: {  	[sflag:s8] =	ssyncset.done $0x0;
	(pc) =	sbr.rel @p1 .LBB2_1-.Ltmp1, $4  }
0x1c5: {  	[sflag:s8] =	ssyncadd.s32 $0xFFFFFF80  }
0x1c6: {  	[bflag:$0x0] =	sbarrier.arrive $0xFFFF  }
0x1c7: {  	s31 =	rddreg [dreg:$0x7]  }
0x1c8: {  	[hbm:s31], [sflag:s28] =	dma.local [spmem:s26], $0x50  }
.LBB2_2:
0x1c9: {  	_ =	swait.ge [sflag:s3], $0x50  }
0x1ca: {  	[sflag:s3] =	ssyncset.done $0x0  }
0x1cb: {  	[sflag:s3] =	ssyncadd.s32 $0xFFFFFFB0  }
0x1cc: {  	_ =	sfence.sel $0x180000  }
0x1cd: {  	[bflag:$0x0] =	sbarrier.arrive $0xFFFF  }
0x1ce: {  	_ =	strace $0x90000047  }
0x1cf: {  	[bflag:$0x2] =	sbarrier.arrive $0xFFFF  }
0x1d0: {  	s0 =	rddreg [dreg:$0x3]  }
0x1d1: {  	s0 =	sadd.s32 @!p0 $0x100000, s0  }
0x1d2: {  	[sflag:s0] =	ssyncadd.tile.s32 @!p0 $0x1;
	_ =	shalt  }
.Lfunc_end2:
_tile_overlayer_lowered:
.L_overlay_start_2:
0x1d3: {  	(tag) =	ssettag $0x2  }
0x1d4: {  	s0 =	rddreg [dreg:$0x0];
	s2 =	stileid.u32  }
0x1d5: {  	s1 =	rddreg [dreg:$0x1];
	p0 =	sne.s32 s2, $0x0  }
0x1d6: {  	s3 =	rddreg [dreg:$0x2];
	[bflag:$0x3] =	sbarrier.arrive $0xFFFF;
	s2 =	simm.s32 @!p0 $0x1C02  }
0x1d7: {  	[timem:s3], [sflag:s2] =	dma.local @!p0 [hbm:s0], s1  }
0x1d8: {  	s0 =	simm.s32 @!p0 $0x2  }
0x1d9: {  	_ =	swait.ge @!p0 [sflag:s0], s1  }
0x1da: {  	s1 =	ssub.s32 @!p0 $0x0, s1;
	[sflag:s0] =	ssyncset.done @!p0 $0x0  }
0x1db: {  	[sflag:s0] =	ssyncadd.s32 @!p0 s1  }
0x1dc: {  	[bflag:$0x3] =	sbarrier.arrive $0xFFFF  }
0x1dd: {  	_ =	shalt  }

// kernel: kernel.13.cloned.1.call-start
scs
__scs_entry_jumppad:
0x0: {  	(pc) =	sbr.rel $0x88, $3  }
0x1: {  	(tag) =	ssettag $0x0;
	lr =	simm.s32 $0x1  }
0x2: {  	[smem:$0x3F9C] =	sst lr;
	_ =	strace $0xD0000000  }
0x3: {  	_ = 	snop  }
0x4: {  	_ = 	snop  }
0x5: {  	_ = 	snop  }
0x6: {  	_ = 	snop  }
0x7: {  	_ = 	snop  }
__scs_overlays_trampoline_lowered:
0x8: {  	[smem:$0x3FAB] =	sst s0  }
0x9: {  	[smem:$0x3FAC] =	sst s1  }
0xa: {  	[smem:$0x3FAD] =	sst s2  }
0xb: {  	[smem:$0x3FAE] =	sst s3  }
0xc: {  	[smem:$0x3FAF] =	sst s4  }
0xd: {  	[smem:$0x3FB0] =	sst s5  }
0xe: {  	[smem:$0x3FB1] =	sst s6  }
0xf: {  	[smem:$0x3FB2] =	sst s7  }
0x10: {  	[smem:$0x3FB3] =	sst s8  }
0x11: {  	[smem:$0x3FB4] =	sst s9;
	s0 =	simm.s32 @!p0 $0x0  }
0x12: {  	s1 =	sld [smem:$0x3F9A];
	s0 =	simm.s32 @p0 $0x1  }
0x13: {  	[smem:$0x3FB5] =	sst s0;
	s0 =	simm.s32 @!p1 $0x0  }
0x14: {  	s2 =	sld [smem:$0x3F99];
	s0 =	simm.s32 @p1 $0x1  }
0x15: {  	[smem:$0x3FB6] =	sst s0;
	s0 =	simm.s32 @!p2 $0x0  }
0x16: {  	s3 =	sld [smem:$0x3FDB];
	s0 =	simm.s32 @p2 $0x1  }
0x17: {  	s4 =	simm.s32 $0x1BF5;
	[smem:$0x3FB8] =	sst s0  }
0x18: {  	s0 =	sld [smem:$0x3F9B];
	_ =	swait.ge [sflag:s4], $0x0  }
0x19: {  	s7 =	sld [smem:$0x3F9C]  }
0x1a: {  	s8 =	sadd.s32 $0xFFFFE003, lr  }
0x1b: {  	s9 =	sadd.s32 $0xFFFFFEF7, lr;
	s5 =	simm.s32 $0xFFFFFFFF;
	p2 =	slt.u32 s8, $0xFFFFF086  }
0x1c: {  	p1 =	slt.u32 s9, $0xF7A;
	s5 =	simm.s32 @!p2 $0x0  }
0x1d: {  	s5 =	simm.s32 @p1 $0x1;
	p0 =	seq.s32 s7, s2  }
0x1e: {  	s7 =	smul.u32 @!p0 $0xF7A, s2;
	p2 =	seq.s32 @!p0 s5, $0x0  }
0x1f: {  	s9 =	smul.u32 $0xF7A, s1;
	s8 =	simm.s32 @!p0 $0x1BF5;
	p2 =	por !p2, p0  }
0x20: {  	[sflag:s8] =	ssyncset.s32 @!p0 $0xFFFFF086;
	s6 =	sadd.s32 @!p0 s3, s7;
	s7 =	simm.s32 @!p0 $0x108  }
0x21: {  	s3 =	sadd.s32 s3, s9;
	s6 =	sadd.s32 @!p0 $0x88, s6;
	s7 =	simm.s32 @p2 $0x1082  }
0x22: {  	[simem:s7], [sflag:s8] =	dma.local @!p0 [hbm:s6], $0xF7A  }
0x23: {  	s9 =	sor.u32 $0xD0000000, s2;
	s6 =	simm.s32 $0x108;
	_ =	swait.ge @!p0 [sflag:s8], $0x0  }
0x24: {  	s3 =	sadd.s32 $0x88, s3;
	s6 =	simm.s32 @!p1 $0x1082;
	[sflag:s4] =	ssyncset.s32 $0xFFFFF086  }
0x25: {  	[simem:s6], [sflag:s4] =	dma.local [hbm:s3], $0xF7A  }
0x26: {  	[smem:$0x3F9C] =	sst s1;
	(tag) =	ssettag s2;
	_ =	strace s9  }
0x27: {  	s1 =	sld [smem:$0x3FAC]  }
0x28: {  	s2 =	sld [smem:$0x3FAD]  }
0x29: {  	s4 =	sld [smem:$0x3FAF]  }
0x2a: {  	p0 =	seq.s32 s5, $0x0;
	s5 =	sld [smem:$0x3FB0]  }
0x2b: {  	s6 =	sld [smem:$0x3FB1]  }
0x2c: {  	s7 =	sld [smem:$0x3FB2]  }
0x2d: {  	s3 =	simm.s32 $0x108;
	s8 =	sld [smem:$0x3FB3]  }
0x2e: {  	s3 =	simm.s32 @!p0 $0x1082;
	s9 =	sld [smem:$0x3FB4]  }
0x2f: {  	lr =	sadd.s32 s0, s3;
	s0 =	sld [smem:$0x3FAB]  }
0x30: {  	s3 =	sld [smem:$0x3FAE]  }
0x31: {  	[smem:$0x3FB7] =	sst s10  }
0x32: {  	s10 =	sld [smem:$0x3FB5];
	_ =	sdelay $0x3  }
0x33: {  	p0 =	seq.s32 s10, $0x1;
	s10 =	sld [smem:$0x3FB7];
	_ =	sdelay $0x3  }
0x34: {  	[smem:$0x3FB7] =	sst s10  }
0x35: {  	s10 =	sld [smem:$0x3FB6];
	_ =	sdelay $0x3  }
0x36: {  	p1 =	seq.s32 s10, $0x1;
	s10 =	sld [smem:$0x3FB7];
	_ =	sdelay $0x3  }
0x37: {  	[smem:$0x3FB7] =	sst s10  }
0x38: {  	s10 =	sld [smem:$0x3FB8]  }
0x39: {  	_ = 	snop;
	(pc) =	sbr.ind lr, $3  }
0x3a: {  	_ = 	snop  }
0x3b: {  	_ = 	snop  }
0x3c: {  	p2 =	seq.s32 s10, $0x1;
	s10 =	sld [smem:$0x3FB7]  }
0x3d: {  	_ =	shalt  }
0x3e: {  	_ =	shalt  }
0x3f: {  	_ =	shalt  }
0x40: {  	_ =	shalt  }
0x41: {  	_ =	shalt  }
0x42: {  	_ =	shalt  }
0x43: {  	_ =	shalt  }
0x44: {  	_ =	shalt  }
0x45: {  	_ =	shalt  }
0x46: {  	_ =	shalt  }
0x47: {  	_ =	shalt  }
0x48: {  	_ =	shalt  }
0x49: {  	_ =	shalt  }
0x4a: {  	_ =	shalt  }
0x4b: {  	_ =	shalt  }
0x4c: {  	_ =	shalt  }
0x4d: {  	_ =	shalt  }
0x4e: {  	_ =	shalt  }
0x4f: {  	_ =	shalt  }
0x50: {  	_ =	shalt  }
0x51: {  	_ =	shalt  }
0x52: {  	_ =	shalt  }
0x53: {  	_ =	shalt  }
0x54: {  	_ =	shalt  }
0x55: {  	_ =	shalt  }
0x56: {  	_ =	shalt  }
0x57: {  	_ =	shalt  }
0x58: {  	_ =	shalt  }
0x59: {  	_ =	shalt  }
0x5a: {  	_ =	shalt  }
0x5b: {  	_ =	shalt  }
0x5c: {  	_ =	shalt  }
0x5d: {  	_ =	shalt  }
0x5e: {  	_ =	shalt  }
0x5f: {  	_ =	shalt  }
0x60: {  	_ =	shalt  }
0x61: {  	_ =	shalt  }
0x62: {  	_ =	shalt  }
0x63: {  	_ =	shalt  }
0x64: {  	_ =	shalt  }
0x65: {  	_ =	shalt  }
0x66: {  	_ =	shalt  }
0x67: {  	_ =	shalt  }
0x68: {  	_ =	shalt  }
0x69: {  	_ =	shalt  }
0x6a: {  	_ =	shalt  }
0x6b: {  	_ =	shalt  }
0x6c: {  	_ =	shalt  }
0x6d: {  	_ =	shalt  }
0x6e: {  	_ =	shalt  }
0x6f: {  	_ =	shalt  }
0x70: {  	_ =	shalt  }
0x71: {  	_ =	shalt  }
0x72: {  	_ =	shalt  }
0x73: {  	_ =	shalt  }
0x74: {  	_ =	shalt  }
0x75: {  	_ =	shalt  }
0x76: {  	_ =	shalt  }
0x77: {  	_ =	shalt  }
0x78: {  	_ =	shalt  }
0x79: {  	_ =	shalt  }
0x7a: {  	_ =	shalt  }
0x7b: {  	_ =	shalt  }
0x7c: {  	_ =	shalt  }
0x7d: {  	_ =	shalt  }
0x7e: {  	_ =	shalt  }
0x7f: {  	_ =	shalt  }
0x80: {  	_ =	shalt  }
0x81: {  	_ =	shalt  }
0x82: {  	_ =	shalt  }
0x83: {  	_ =	shalt  }
0x84: {  	_ =	shalt  }
0x85: {  	_ =	shalt  }
0x86: {  	_ =	shalt  }
0x87: {  	_ =	shalt  }
.Lfunc_end0:
.L_simem_size_0:
called_computation.1_lowered:
.L_overlay_start_0:
0x88: {  	s2 =	sld [smem:$0x3FD9]  }
0x89: {  	s3 =	sld [smem:$0x3FFE];
	_ =	sdelay $0x1  }
0x8a: {  	s1 =	srdreg.scid  }
0x8b: {  	s0 =	sand.u32 $0x1, s1  }
0x8c: {  	s16 =	sshll.u32 s0, $0xA;
	s2 =	sadd.s32 s3, s2  }
0x8d: {  	s2 =	sadd.s32 s2, s16  }
0x8e: {  	[smem:$0x3FC3] =	sst s2  }
0x8f: {  	_ = 	snop  }
0x90: {  	(tm) =	ssettm $0x1  }
0x91: {  	s17 =	sld [smem:$0x3FFB];
	_ =	sdelay $0x3  }
0x92: {  	_ =	strace s17  }
0x93: {  	s2 =	sld [smem:$0x3FFC];
	_ =	sdelay $0x3  }
0x94: {  	_ =	strace s2  }
0x95: {  	s2 =	sld [smem:$0x3FFD];
	_ =	sdelay $0x3  }
0x96: {  	_ =	strace s2  }
0x97: {  	_ =	strace $0x8FFFFFFF  }
0x98: {  	s18 =	sld [smem:$0x3FDB];
	_ =	sdelay $0x1  }
0x99: {  	s19 =	simm.s32 $_scs_section_size  }
0x9a: {  	s4 =	simm.s32 $_size__tile_overlayer_lowered;
	s5 =	simm.s32 $_tile_overlayer_lowered  }
0x9b: {  	s22 =	simm.s32 $0x1BFF;
	s21 =	sshll.u32 s5, $0x1;
	s2 =	sadd.s32 s19, s18  }
0x9c: {  	s6 =	simm.s32 $0x0;
	s20 =	sshll.u32 s4, $0x1;
	s4 =	sadd.s32 s21, s2  }
0x9d: {  	[timem:s6], [sflag:s22] =	dma.local [hbm:s4], s20  }
0x9e: {  	_ =	swait.ge [sflag:s22], s20  }
0x9f: {  	s3 =	ssub.s32 $0x0, s20;
	[sflag:s22] =	ssyncset.done $0x0  }
0xa0: {  	[sflag:s22] =	ssyncadd.s32 s3;
	_ =	sdelay $0x1  }
0xa1: {  	s23 =	simm.s32 $0x1B8B  }
0xa2: {  	_ =	swait.ge [sflag:s23], $0x1  }
0xa3: {  	[sflag:s23] =	ssyncset.done $0x0  }
0xa4: {  	s25 =	simm.s32 $0x1B8E;
	s24 =	sld [smem:$0x3FFE];
	[sflag:s23] =	ssyncadd.s32 $0xFFFFFFFF  }
0xa5: {  	s26 =	simm.s32 $execute0_lowered;
	[smem:$0x3FD2] =	sst s25  }
0xa6: {  	s4 =	sshll.u32 s26, $0x1;
	_ =	strace $0x80000049;
	[dreg:$0x1] =	wrdreg $0xFFFFFFFF  }
0xa7: {  	s28 =	simm.s32 $_size_execute0_lowered;
	s2 =	sadd.s32 s2, s4;
	[dreg:$0x0] =	wrdreg $0x0  }
0xa8: {  	s4 =	sshll.u32 s28, $0x1;
	[dreg:$0x2] =	wrdreg s2  }
0xa9: {  	[dreg:$0x3] =	wrdreg s4  }
0xaa: {  	[dreg:$0x4] =	wrdreg $0xC0  }
0xab: {  	_ =	task [dreg:s6], $0x5FFFF  }
0xac: {  	[dreg:$0x1] =	wrdreg $0xFFFFFFFF  }
0xad: {  	[dreg:$0x0] =	wrdreg $0x60  }
0xae: {  	[dreg:$0x2] =	wrdreg s24  }
0xaf: {  	[dreg:$0x3] =	wrdreg $0xA8000  }
0xb0: {  	[dreg:$0x4] =	wrdreg $0x9  }
0xb1: {  	_ =	task.clear_ibuf [dreg:s6], $0x5FFFF;
	_ =	strace $0x90000049  }
0xb2: {  	s29 =	simm.s32 $0x9;
	_ =	strace $0x8000004B  }
0xb3: {  	_ =	swait.ge [sflag:s29], $0x1  }
0xb4: {  	[sflag:s29] =	ssyncadd.s32 $0xFFFFFFFF  }
0xb5: {  	_ =	strace $0x9000004B  }
0xb6: {  	_ =	sfence  }
0xb7: {  	s30 =	sld [smem:$0x0];
	_ =	sdelay $0x2  }
0xb8: {  	s31 =	sshll.u32 s1, $0xD;
	s1 =	sshrl.u32 s1, $0x2  }
0xb9: {  	s3 =	sand.u32 $0x4000, s31;
	s1 =	sadd.s32 s1, s30  }
0xba: {  	s0 =	sor.u32 s3, s0;
	s1 =	sshll.u32 s1, $0x11  }
0xbb: {  	s0 =	sor.u32 s1, s0  }
0xbc: {  	s0 =	sadd.s32 $0x8F2B, s0  }
0xbd: {  	[sflag:s0] =	ssyncadd.remote.s32 $0x1  }
0xbe: {  	_ =	sfence.sel $0xFFFF  }
0xbf: {  	[dreg:$0x0] =	wrdreg $0xFFFFFFFF;
	(pc) =	sbr.abs _section_cstart, $3  }
0xc0: {  	[dreg:$0x1] =	wrdreg $0xFFFFFFFF  }
0xc1: {  	_ =	task.clear_ibuf [dreg:s6], $0x2FFFF;
	_ =	strace $0x9FFFFFFF  }
0xc2: {  	(tm) =	ssettm $0x7FFFFFFF  }
0xc3: {  	_ =	shalt  }
tec
execute0_lowered:
.L_overlay_start_1:
0x0: {  	(tag) =	ssettag $0x1  }
0x1: {  	s0 =	rddreg [dreg:$0x0]  }
0x2: {  	s1 =	rddreg [dreg:$0x1];
	s2 =	srdreg.scid  }
0x3: {  	s10 =	stileid.u32;
	s3 =	simm.s32 $0x0;
	s11 =	simm.s32 $0x1400  }
0x4: {  	s12 =	simm.s32 $0x80;
	s13 =	simm.s32 $0x2800;
	s14 =	simm.s32 $0x3800  }
0x5: {  	s16 =	simm.s32 $0x4800;
	s18 =	simm.s32 $0x5800;
	s20 =	simm.s32 $0x1  }
0x6: {  	s22 =	simm.s32 $0x6800;
	s28 =	simm.s32 $0x8800;
	s30 =	simm.s32 $0x9800  }
0x7: {  	s17 =	simm.s32 $0x2;
	s21 =	simm.s32 $0x3;
	s23 =	simm.s32 $0x4  }
0x8: {  	s2 =	sand.u32 $0x1, s2;
	s9 =	smul.u32 $0x5000, s10;
	[smem:$0x7FF] =	sst s3  }
0x9: {  	s25 =	sadd.s32 $0x15E00, s0;
	p0 =	sne.s32 s10, $0x0;
	s4 =	sshll.u32 s2, $0x4  }
0xa: {  	s5 =	smul.u32 $0x50000, s2;
	_ =	strace $0x8000004A;
	s2 =	ssub.s32 $0x2, s2  }
0xb: {  	[dreg:$0x3] =	wrdreg s25;
	s19 =	sshrl.u32 @!p0 s1, $0x3;
	s4 =	sor.u32 s10, s4  }
0xc: {  	s26 =	sshrl.u32 s2, $0x1;
	s31 =	sadd.s32 s9, s1;
	s10 =	simm.s32 $0x5  }
0xd: {  	s6 =	smul.u32 $0x280, s4;
	s4 =	sadd.s32 $0xC000, s0;
	s5 =	sadd.s32 s9, s5  }
0xe: {  	s2 =	ssub.s32 s2, s26;
	s25 =	sshrl.u32 s31, $0x3;
	s26 =	simm.s32 $0x0  }
0xf: {  	s24 =	sshrl.u32 s5, $0x3;
	s9 =	smax.u32 s2, $0x1;
	s7 =	sadd.s32 s6, s0  }
0x10: {  	s0 =	sadd.s32 s24, s0;
	s24 =	simm.s32 $0x7800;
	s29 =	sadd.s32 $0x7000, s7  }
0x11: {  	s7 =	sadd.s32 $0x1800, s7;
	s8 =	sadd.s32 $0x1FE00, s0;
	[dreg:$0x4] =	wrdreg s29  }
.LBB2_1:
0x12: {  	s0 =	rddreg [dreg:$0x4]  }
0x13: {  	[tilespmem:s3], [sflag:$0x5] =	stream.linear.gather [hbm4b:s0+s3], $0x1400, $0x38;
	[tilespmem:$0xF800] =	vst v63  }
0x14: {  	_ =	swait.ge [sflag:s10], $0x1400  }
0x15: {  	[sflag:s10] =	ssyncset.done $0x0  }
0x16: {  	[sflag:s10] =	ssyncadd.s32 $0xFFFFEC00  }
0x17: {  	[tilespmem:s11], [sflag:$0x5] =	stream.linear.gather [hbm4b:s7+s3], $0x1400, $0x38;
	[tilespmem:$0xF800] =	vst v63  }
0x18: {  	_ =	swait.ge [sflag:s10], $0x1400  }
0x19: {  	[sflag:s10] =	ssyncset.done $0x0  }
0x1a: {  	[sflag:s10] =	ssyncadd.s32 $0xFFFFEC00  }
0x1b: {  	[tilespmem:s13], [sflag:$0x1] =	stream.indirect.gather [hbm4b:s4+s12], $0x20, s3, s12, $0xb8;
	[tilespmem:$0xF800] =	vst v63  }
0x1c: {  	_ = 	snop  }
0x1d: {  	[tilespmem:s14], [sflag:$0x1] =	stream.indirect.gather [hbm4b:s4+s12], $0x20, s12, s12, $0xb8;
	[tilespmem:$0xF800] =	vst v63  }
0x1e: {  	s6 =	simm.s32 $0x100  }
0x1f: {  	[tilespmem:s16], [sflag:$0x1] =	stream.indirect.gather [hbm4b:s4+s12], $0x20, s6, s12, $0xb8;
	[tilespmem:$0xF800] =	vst v63  }
0x20: {  	s15 =	simm.s32 $0x180;
	s0 =	simm.s32 @!p0 $0x1C05;
	s2 =	rddreg [dreg:$0x3]  }
0x21: {  	[tilespmem:s18], [sflag:$0x1] =	stream.indirect.gather [hbm4b:s4+s12], $0x20, s15, s12, $0xb8;
	[tilespmem:$0xF800] =	vst v63  }
0x22: {  	[spmem:s19], [sflag:s0] =	dma.local @!p0 [hbm:s2], $0xA000  }
0x23: {  	s0 =	simm.s32 @!p0 $0x5  }
0x24: {  	_ =	swait.ge @!p0 [sflag:s0], $0xA000  }
0x25: {  	[sflag:s0] =	ssyncset.done @!p0 $0x0  }
0x26: {  	[sflag:s0] =	ssyncadd.s32 @!p0 $0xFFFF6000  }
0x27: {  	[bflag:$0x0] =	sbarrier.arrive $0xFFFF  }
0x28: {  	_ =	swait.ge [sflag:s20], $0x1000  }
0x29: {  	[sflag:s20] =	ssyncset.done $0x0  }
0x2a: {  	[sflag:s20] =	ssyncadd.s32 $0xFFFFF000  }
0x2b: {  	_ =	swait.ge [sflag:s20], $0x1000  }
0x2c: {  	[sflag:s20] =	ssyncset.done $0x0  }
0x2d: {  	[sflag:s20] =	ssyncadd.s32 $0xFFFFF000  }
0x2e: {  	_ =	swait.ge [sflag:s20], $0x1000  }
0x2f: {  	[sflag:s20] =	ssyncset.done $0x0  }
0x30: {  	[sflag:s20] =	ssyncadd.s32 $0xFFFFF000  }
0x31: {  	_ =	swait.ge [sflag:s20], $0x1000  }
0x32: {  	[sflag:s20] =	ssyncset.done $0x0  }
0x33: {  	s31 =	simm.s32 $0x200;
	[sflag:s20] =	ssyncadd.s32 $0xFFFFF000  }
0x34: {  	[tilespmem:s22], [sflag:$0x2] =	stream.indirect.gather [hbm4b:s4+s12], $0x20, s31, s12, $0xb8;
	[tilespmem:$0xF800] =	vst v63  }
0x35: {  	s2 =	simm.s32 $0x280  }
0x36: {  	[tilespmem:s24], [sflag:$0x2] =	stream.indirect.gather [hbm4b:s4+s12], $0x20, s2, s12, $0xb8;
	[tilespmem:$0xF800] =	vst v63  }
0x37: {  	s5 =	simm.s32 $0x300  }
0x38: {  	[tilespmem:s28], [sflag:$0x2] =	stream.indirect.gather [hbm4b:s4+s12], $0x20, s5, s12, $0xb8;
	[tilespmem:$0xF800] =	vst v63  }
0x39: {  	s6 =	simm.s32 $0x380  }
0x3a: {  	[tilespmem:s30], [sflag:$0x2] =	stream.indirect.gather [hbm4b:s4+s12], $0x20, s6, s12, $0xb8;
	[tilespmem:$0xF800] =	vst v63  }
0x3b: {  	_ = 	snop  }
0x3c: {  	[spmem:s1] =	stream.indirect.scatter.add.f32 [tilespmem:s13], [sflag:$0x3], $0x20, s11, s12, $0xb8;
	[tilespmem:$0xF800] =	vst v63  }
0x3d: {  	s15 =	simm.s32 $0x1480  }
0x3e: {  	[spmem:s1] =	stream.indirect.scatter.add.f32 [tilespmem:s14], [sflag:$0x3], $0x20, s15, s12, $0xb8;
	[tilespmem:$0xF800] =	vst v63  }
0x3f: {  	s31 =	simm.s32 $0x1500  }
0x40: {  	[spmem:s1] =	stream.indirect.scatter.add.f32 [tilespmem:s16], [sflag:$0x3], $0x20, s31, s12, $0xb8;
	[tilespmem:$0xF800] =	vst v63  }
0x41: {  	s2 =	simm.s32 $0x1580  }
0x42: {  	[spmem:s1] =	stream.indirect.scatter.add.f32 [tilespmem:s18], [sflag:$0x3], $0x20, s2, s12, $0xb8;
	[tilespmem:$0xF800] =	vst v63  }
0x43: {  	_ =	swait.ge [sflag:s17], $0x1000  }
0x44: {  	[sflag:s17] =	ssyncset.done $0x0  }
0x45: {  	[sflag:s17] =	ssyncadd.s32 $0xFFFFF000  }
0x46: {  	_ =	swait.ge [sflag:s17], $0x1000  }
0x47: {  	[sflag:s17] =	ssyncset.done $0x0  }
0x48: {  	[sflag:s17] =	ssyncadd.s32 $0xFFFFF000  }
0x49: {  	_ =	swait.ge [sflag:s17], $0x1000  }
0x4a: {  	[sflag:s17] =	ssyncset.done $0x0  }
0x4b: {  	[sflag:s17] =	ssyncadd.s32 $0xFFFFF000  }
0x4c: {  	_ =	swait.ge [sflag:s17], $0x1000  }
0x4d: {  	[sflag:s17] =	ssyncset.done $0x0  }
0x4e: {  	[sflag:s17] =	ssyncadd.s32 $0xFFFFF000  }
0x4f: {  	_ =	swait.ge [sflag:s21], $0x1000  }
0x50: {  	[sflag:s21] =	ssyncset.done $0x0  }
0x51: {  	[sflag:s21] =	ssyncadd.s32 $0xFFFFF000  }
0x52: {  	_ =	swait.ge [sflag:s21], $0x1000  }
0x53: {  	[sflag:s21] =	ssyncset.done $0x0  }
0x54: {  	[sflag:s21] =	ssyncadd.s32 $0xFFFFF000  }
0x55: {  	_ =	swait.ge [sflag:s21], $0x1000  }
0x56: {  	[sflag:s21] =	ssyncset.done $0x0  }
0x57: {  	[sflag:s21] =	ssyncadd.s32 $0xFFFFF000  }
0x58: {  	_ =	swait.ge [sflag:s21], $0x1000  }
0x59: {  	[sflag:s21] =	ssyncset.done $0x0  }
0x5a: {  	s5 =	simm.s32 $0x400;
	[sflag:s21] =	ssyncadd.s32 $0xFFFFF000  }
0x5b: {  	[tilespmem:s13], [sflag:$0x1] =	stream.indirect.gather [hbm4b:s4+s12], $0x20, s5, s12, $0xb8;
	[tilespmem:$0xF800] =	vst v63  }
0x5c: {  	s6 =	simm.s32 $0x480  }
0x5d: {  	[tilespmem:s14], [sflag:$0x1] =	stream.indirect.gather [hbm4b:s4+s12], $0x20, s6, s12, $0xb8;
	[tilespmem:$0xF800] =	vst v63  }
0x5e: {  	s15 =	simm.s32 $0x500  }
0x5f: {  	[tilespmem:s16], [sflag:$0x1] =	stream.indirect.gather [hbm4b:s4+s12], $0x20, s15, s12, $0xb8;
	[tilespmem:$0xF800] =	vst v63  }
0x60: {  	s31 =	simm.s32 $0x580  }
0x61: {  	[tilespmem:s18], [sflag:$0x1] =	stream.indirect.gather [hbm4b:s4+s12], $0x20, s31, s12, $0xb8;
	[tilespmem:$0xF800] =	vst v63  }
0x62: {  	s2 =	simm.s32 $0x1600  }
0x63: {  	[spmem:s1] =	stream.indirect.scatter.add.f32 [tilespmem:s22], [sflag:$0x4], $0x20, s2, s12, $0xb8;
	[tilespmem:$0xF800] =	vst v63  }
0x64: {  	s5 =	simm.s32 $0x1680  }
0x65: {  	[spmem:s1] =	stream.indirect.scatter.add.f32 [tilespmem:s24], [sflag:$0x4], $0x20, s5, s12, $0xb8;
	[tilespmem:$0xF800] =	vst v63  }
0x66: {  	s6 =	simm.s32 $0x1700  }
0x67: {  	[spmem:s1] =	stream.indirect.scatter.add.f32 [tilespmem:s28], [sflag:$0x4], $0x20, s6, s12, $0xb8;
	[tilespmem:$0xF800] =	vst v63  }
0x68: {  	s15 =	simm.s32 $0x1780  }
0x69: {  	[spmem:s1] =	stream.indirect.scatter.add.f32 [tilespmem:s30], [sflag:$0x4], $0x20, s15, s12, $0xb8;
	[tilespmem:$0xF800] =	vst v63  }
0x6a: {  	_ =	swait.ge [sflag:s20], $0x1000  }
0x6b: {  	[sflag:s20] =	ssyncset.done $0x0  }
0x6c: {  	[sflag:s20] =	ssyncadd.s32 $0xFFFFF000  }
0x6d: {  	_ =	swait.ge [sflag:s20], $0x1000  }
0x6e: {  	[sflag:s20] =	ssyncset.done $0x0  }
0x6f: {  	[sflag:s20] =	ssyncadd.s32 $0xFFFFF000  }
0x70: {  	_ =	swait.ge [sflag:s20], $0x1000  }
0x71: {  	[sflag:s20] =	ssyncset.done $0x0  }
0x72: {  	[sflag:s20] =	ssyncadd.s32 $0xFFFFF000  }
0x73: {  	_ =	swait.ge [sflag:s20], $0x1000  }
0x74: {  	[sflag:s20] =	ssyncset.done $0x0  }
0x75: {  	[sflag:s20] =	ssyncadd.s32 $0xFFFFF000  }
0x76: {  	_ =	swait.ge [sflag:s23], $0x1000  }
0x77: {  	[sflag:s23] =	ssyncset.done $0x0  }
0x78: {  	[sflag:s23] =	ssyncadd.s32 $0xFFFFF000  }
0x79: {  	_ =	swait.ge [sflag:s23], $0x1000  }
0x7a: {  	[sflag:s23] =	ssyncset.done $0x0  }
0x7b: {  	[sflag:s23] =	ssyncadd.s32 $0xFFFFF000  }
0x7c: {  	_ =	swait.ge [sflag:s23], $0x1000  }
0x7d: {  	[sflag:s23] =	ssyncset.done $0x0  }
0x7e: {  	[sflag:s23] =	ssyncadd.s32 $0xFFFFF000  }
0x7f: {  	_ =	swait.ge [sflag:s23], $0x1000  }
0x80: {  	[sflag:s23] =	ssyncset.done $0x0  }
0x81: {  	s31 =	simm.s32 $0x600;
	[sflag:s23] =	ssyncadd.s32 $0xFFFFF000  }
0x82: {  	[tilespmem:s22], [sflag:$0x2] =	stream.indirect.gather [hbm4b:s4+s12], $0x20, s31, s12, $0xb8;
	[tilespmem:$0xF800] =	vst v63  }
0x83: {  	s2 =	simm.s32 $0x680  }
0x84: {  	[tilespmem:s24], [sflag:$0x2] =	stream.indirect.gather [hbm4b:s4+s12], $0x20, s2, s12, $0xb8;
	[tilespmem:$0xF800] =	vst v63  }
0x85: {  	s5 =	simm.s32 $0x700  }
0x86: {  	[tilespmem:s28], [sflag:$0x2] =	stream.indirect.gather [hbm4b:s4+s12], $0x20, s5, s12, $0xb8;
	[tilespmem:$0xF800] =	vst v63  }
0x87: {  	s6 =	simm.s32 $0x780  }
0x88: {  	[tilespmem:s30], [sflag:$0x2] =	stream.indirect.gather [hbm4b:s4+s12], $0x20, s6, s12, $0xb8;
	[tilespmem:$0xF800] =	vst v63  }
0x89: {  	s15 =	simm.s32 $0x1800  }
0x8a: {  	[spmem:s1] =	stream.indirect.scatter.add.f32 [tilespmem:s13], [sflag:$0x3], $0x20, s15, s12, $0xb8;
	[tilespmem:$0xF800] =	vst v63  }
0x8b: {  	s31 =	simm.s32 $0x1880  }
0x8c: {  	[spmem:s1] =	stream.indirect.scatter.add.f32 [tilespmem:s14], [sflag:$0x3], $0x20, s31, s12, $0xb8;
	[tilespmem:$0xF800] =	vst v63  }
0x8d: {  	s2 =	simm.s32 $0x1900  }
0x8e: {  	[spmem:s1] =	stream.indirect.scatter.add.f32 [tilespmem:s16], [sflag:$0x3], $0x20, s2, s12, $0xb8;
	[tilespmem:$0xF800] =	vst v63  }
0x8f: {  	s5 =	simm.s32 $0x1980  }
0x90: {  	[spmem:s1] =	stream.indirect.scatter.add.f32 [tilespmem:s18], [sflag:$0x3], $0x20, s5, s12, $0xb8;
	[tilespmem:$0xF800] =	vst v63  }
0x91: {  	_ =	swait.ge [sflag:s17], $0x1000  }
0x92: {  	[sflag:s17] =	ssyncset.done $0x0  }
0x93: {  	[sflag:s17] =	ssyncadd.s32 $0xFFFFF000  }
0x94: {  	_ =	swait.ge [sflag:s17], $0x1000  }
0x95: {  	[sflag:s17] =	ssyncset.done $0x0  }
0x96: {  	[sflag:s17] =	ssyncadd.s32 $0xFFFFF000  }
0x97: {  	_ =	swait.ge [sflag:s17], $0x1000  }
0x98: {  	[sflag:s17] =	ssyncset.done $0x0  }
0x99: {  	[sflag:s17] =	ssyncadd.s32 $0xFFFFF000  }
0x9a: {  	_ =	swait.ge [sflag:s17], $0x1000  }
0x9b: {  	[sflag:s17] =	ssyncset.done $0x0  }
0x9c: {  	[sflag:s17] =	ssyncadd.s32 $0xFFFFF000  }
0x9d: {  	_ =	swait.ge [sflag:s21], $0x1000  }
0x9e: {  	[sflag:s21] =	ssyncset.done $0x0  }
0x9f: {  	[sflag:s21] =	ssyncadd.s32 $0xFFFFF000  }
0xa0: {  	_ =	swait.ge [sflag:s21], $0x1000  }
0xa1: {  	[sflag:s21] =	ssyncset.done $0x0  }
0xa2: {  	[sflag:s21] =	ssyncadd.s32 $0xFFFFF000  }
0xa3: {  	_ =	swait.ge [sflag:s21], $0x1000  }
0xa4: {  	[sflag:s21] =	ssyncset.done $0x0  }
0xa5: {  	[sflag:s21] =	ssyncadd.s32 $0xFFFFF000  }
0xa6: {  	p1 =	por $0x0, $0x0;
	_ =	swait.ge [sflag:s21], $0x1000  }
0xa7: {  	s29 =	simm.s32 @!p1 $0x800;
	[sflag:s21] =	ssyncset.done $0x0  }
0xa8: {  	s0 =	simm.s32 @!p1 $0x2800;
	s31 =	simm.s32 @!p1 $0x80;
	[sflag:s21] =	ssyncadd.s32 $0xFFFFF000  }
0xa9: {  	[tilespmem:s0], [sflag:$0x1] =	stream.indirect.gather @!p1 [hbm4b:s4+s31], $0x20, s29, s31, $0xb8;
	[tilespmem:$0xF800] =	vst v63  }
0xaa: {  	s0 =	simm.s32 @!p1 $0x880;
	s29 =	simm.s32 @!p1 $0x3800  }
0xab: {  	[tilespmem:s29], [sflag:$0x1] =	stream.indirect.gather @!p1 [hbm4b:s4+s31], $0x20, s0, s31, $0xb8;
	[tilespmem:$0xF800] =	vst v63  }
0xac: {  	s0 =	simm.s32 @!p1 $0x900;
	s29 =	simm.s32 @!p1 $0x4800  }
0xad: {  	[tilespmem:s29], [sflag:$0x1] =	stream.indirect.gather @!p1 [hbm4b:s4+s31], $0x20, s0, s31, $0xb8;
	[tilespmem:$0xF800] =	vst v63  }
0xae: {  	s0 =	simm.s32 @!p1 $0x980;
	s29 =	simm.s32 @!p1 $0x5800  }
0xaf: {  	[tilespmem:s29], [sflag:$0x1] =	stream.indirect.gather @!p1 [hbm4b:s4+s31], $0x20, s0, s31, $0xb8;
	[tilespmem:$0xF800] =	vst v63  }
0xb0: {  	s6 =	simm.s32 $0x1A00  }
0xb1: {  	[spmem:s1] =	stream.indirect.scatter.add.f32 [tilespmem:s22], [sflag:$0x4], $0x20, s6, s12, $0xb8;
	[tilespmem:$0xF800] =	vst v63  }
0xb2: {  	s15 =	simm.s32 $0x1A80  }
0xb3: {  	[spmem:s1] =	stream.indirect.scatter.add.f32 [tilespmem:s24], [sflag:$0x4], $0x20, s15, s12, $0xb8;
	[tilespmem:$0xF800] =	vst v63  }
0xb4: {  	s31 =	simm.s32 $0x1B00;
	s29 =	simm.s32 $0x1000;
	s0 =	simm.s32 $0x1B80  }
0xb5: {  	[spmem:s1] =	stream.indirect.scatter.add.f32 [tilespmem:s28], [sflag:$0x4], $0x20, s31, s12, $0xb8;
	[tilespmem:$0xF800] =	vst v63  }
.LBB2_2:
0xb6: {  	[spmem:s1] =	stream.indirect.scatter.add.f32 [tilespmem:s30], [sflag:$0x4], $0x20, s0, s12, $0xb8;
	[tilespmem:$0xF800] =	vst v63  }
0xb7: {  	s31 =	smov.u32 s29;
	s29 =	sadd.s32 $0x1000, s29;
	_ =	swait.ge [sflag:s20], $0x1000  }
0xb8: {  	p1 =	sne.s32 s29, $0x4000;
	[sflag:s20] =	ssyncset.done $0x0  }
0xb9: {  	[sflag:s20] =	ssyncadd.s32 $0xFFFFF000  }
0xba: {  	_ =	swait.ge [sflag:s20], $0x1000  }
0xbb: {  	[sflag:s20] =	ssyncset.done $0x0  }
0xbc: {  	[sflag:s20] =	ssyncadd.s32 $0xFFFFF000  }
0xbd: {  	_ =	swait.ge [sflag:s20], $0x1000  }
0xbe: {  	[sflag:s20] =	ssyncset.done $0x0  }
0xbf: {  	[sflag:s20] =	ssyncadd.s32 $0xFFFFF000  }
0xc0: {  	_ =	swait.ge [sflag:s20], $0x1000  }
0xc1: {  	[sflag:s20] =	ssyncset.done $0x0  }
0xc2: {  	[sflag:s20] =	ssyncadd.s32 $0xFFFFF000  }
0xc3: {  	_ =	swait.ge [sflag:s23], $0x1000  }
0xc4: {  	[sflag:s23] =	ssyncset.done $0x0  }
0xc5: {  	[sflag:s23] =	ssyncadd.s32 $0xFFFFF000  }
0xc6: {  	_ =	swait.ge [sflag:s23], $0x1000  }
0xc7: {  	[sflag:s23] =	ssyncset.done $0x0  }
0xc8: {  	[sflag:s23] =	ssyncadd.s32 $0xFFFFF000  }
0xc9: {  	_ =	swait.ge [sflag:s23], $0x1000  }
0xca: {  	[sflag:s23] =	ssyncset.done $0x0  }
0xcb: {  	[sflag:s23] =	ssyncadd.s32 $0xFFFFF000  }
0xcc: {  	_ =	swait.ge [sflag:s23], $0x1000  }
0xcd: {  	s0 =	sshra.s32 s31, $0x2;
	[sflag:s23] =	ssyncset.done $0x0  }
0xce: {  	s15 =	sadd.s32 $0x600, s0;
	[sflag:s23] =	ssyncadd.s32 $0xFFFFF000  }
0xcf: {  	[tilespmem:s22], [sflag:$0x2] =	stream.indirect.gather [hbm4b:s4+s12], $0x20, s15, s12, $0xb8;
	[tilespmem:$0xF800] =	vst v63  }
0xd0: {  	s15 =	sadd.s32 $0x680, s0  }
0xd1: {  	[tilespmem:s24], [sflag:$0x2] =	stream.indirect.gather [hbm4b:s4+s12], $0x20, s15, s12, $0xb8;
	[tilespmem:$0xF800] =	vst v63  }
0xd2: {  	s15 =	sadd.s32 $0x700, s0  }
0xd3: {  	[tilespmem:s28], [sflag:$0x2] =	stream.indirect.gather [hbm4b:s4+s12], $0x20, s15, s12, $0xb8;
	[tilespmem:$0xF800] =	vst v63  }
0xd4: {  	s15 =	sadd.s32 $0x780, s0  }
0xd5: {  	[tilespmem:s30], [sflag:$0x2] =	stream.indirect.gather [hbm4b:s4+s12], $0x20, s15, s12, $0xb8;
	[tilespmem:$0xF800] =	vst v63  }
0xd6: {  	s15 =	sadd.s32 $0x1800, s0  }
0xd7: {  	[spmem:s1] =	stream.indirect.scatter.add.f32 [tilespmem:s13], [sflag:$0x3], $0x20, s15, s12, $0xb8;
	[tilespmem:$0xF800] =	vst v63  }
0xd8: {  	s15 =	sadd.s32 $0x1880, s0  }
0xd9: {  	[spmem:s1] =	stream.indirect.scatter.add.f32 [tilespmem:s14], [sflag:$0x3], $0x20, s15, s12, $0xb8;
	[tilespmem:$0xF800] =	vst v63  }
0xda: {  	s15 =	sadd.s32 $0x1900, s0  }
0xdb: {  	[spmem:s1] =	stream.indirect.scatter.add.f32 [tilespmem:s16], [sflag:$0x3], $0x20, s15, s12, $0xb8;
	[tilespmem:$0xF800] =	vst v63  }
0xdc: {  	s15 =	sadd.s32 $0x1980, s0  }
0xdd: {  	[spmem:s1] =	stream.indirect.scatter.add.f32 [tilespmem:s18], [sflag:$0x3], $0x20, s15, s12, $0xb8;
	[tilespmem:$0xF800] =	vst v63  }
0xde: {  	_ =	swait.ge [sflag:s17], $0x1000  }
0xdf: {  	[sflag:s17] =	ssyncset.done $0x0  }
0xe0: {  	[sflag:s17] =	ssyncadd.s32 $0xFFFFF000  }
0xe1: {  	_ =	swait.ge [sflag:s17], $0x1000  }
0xe2: {  	[sflag:s17] =	ssyncset.done $0x0  }
0xe3: {  	[sflag:s17] =	ssyncadd.s32 $0xFFFFF000  }
0xe4: {  	_ =	swait.ge [sflag:s17], $0x1000  }
0xe5: {  	[sflag:s17] =	ssyncset.done $0x0  }
0xe6: {  	[sflag:s17] =	ssyncadd.s32 $0xFFFFF000  }
0xe7: {  	_ =	swait.ge [sflag:s17], $0x1000  }
0xe8: {  	[sflag:s17] =	ssyncset.done $0x0  }
0xe9: {  	[sflag:s17] =	ssyncadd.s32 $0xFFFFF000  }
0xea: {  	_ =	swait.ge [sflag:s21], $0x1000  }
0xeb: {  	[sflag:s21] =	ssyncset.done $0x0  }
0xec: {  	[sflag:s21] =	ssyncadd.s32 $0xFFFFF000  }
0xed: {  	_ =	swait.ge [sflag:s21], $0x1000  }
0xee: {  	[sflag:s21] =	ssyncset.done $0x0  }
0xef: {  	[sflag:s21] =	ssyncadd.s32 $0xFFFFF000  }
0xf0: {  	_ =	swait.ge [sflag:s21], $0x1000  }
0xf1: {  	[sflag:s21] =	ssyncset.done $0x0  }
0xf2: {  	[sflag:s21] =	ssyncadd.s32 $0xFFFFF000  }
0xf3: {  	p2 =	seq.s32 s31, $0x3000;
	_ =	swait.ge [sflag:s21], $0x1000  }
0xf4: {  	s15 =	sshra.s32 @!p2 s31, $0x2;
	s31 =	simm.s32 @!p2 $0x2800;
	[sflag:s21] =	ssyncset.done $0x0  }
0xf5: {  	s5 =	simm.s32 @!p2 $0x80;
	s2 =	sadd.s32 @!p2 $0x800, s15;
	[sflag:s21] =	ssyncadd.s32 $0xFFFFF000  }
0xf6: {  	[tilespmem:s31], [sflag:$0x1] =	stream.indirect.gather @!p2 [hbm4b:s4+s5], $0x20, s2, s5, $0xb8;
	[tilespmem:$0xF800] =	vst v63  }
0xf7: {  	s6 =	sadd.s32 @!p2 $0x900, s15;
	s2 =	sadd.s32 @!p2 $0x880, s15;
	s31 =	simm.s32 @!p2 $0x3800  }
0xf8: {  	[tilespmem:s31], [sflag:$0x1] =	stream.indirect.gather @!p2 [hbm4b:s4+s5], $0x20, s2, s5, $0xb8;
	[tilespmem:$0xF800] =	vst v63  }
0xf9: {  	s15 =	sadd.s32 @!p2 $0x980, s15;
	s2 =	simm.s32 @!p2 $0x4800  }
0xfa: {  	[tilespmem:s2], [sflag:$0x1] =	stream.indirect.gather @!p2 [hbm4b:s4+s5], $0x20, s6, s5, $0xb8;
	[tilespmem:$0xF800] =	vst v63  }
0xfb: {  	s2 =	simm.s32 @!p2 $0x5800  }
0xfc: {  	[tilespmem:s2], [sflag:$0x1] =	stream.indirect.gather @!p2 [hbm4b:s4+s5], $0x20, s15, s5, $0xb8;
	[tilespmem:$0xF800] =	vst v63  }
0xfd: {  	s2 =	sadd.s32 $0x1A00, s0  }
0xfe: {  	[spmem:s1] =	stream.indirect.scatter.add.f32 [tilespmem:s22], [sflag:$0x4], $0x20, s2, s12, $0xb8;
	[tilespmem:$0xF800] =	vst v63  }
.Ltmp0:
0xff: {  	s2 =	sadd.s32 $0x1A80, s0;
	(pc) =	sbr.rel @p1 .LBB2_2-.Ltmp0, $4  }
0x100: {  	[spmem:s1] =	stream.indirect.scatter.add.f32 [tilespmem:s24], [sflag:$0x4], $0x20, s2, s12, $0xb8;
	[tilespmem:$0xF800] =	vst v63  }
0x101: {  	s2 =	sadd.s32 $0x1B00, s0  }
0x102: {  	[spmem:s1] =	stream.indirect.scatter.add.f32 [tilespmem:s28], [sflag:$0x4], $0x20, s2, s12, $0xb8;
	[tilespmem:$0xF800] =	vst v63  }
0x103: {  	s0 =	sadd.s32 $0x1B80, s0  }
0x104: {  	[spmem:s1] =	stream.indirect.scatter.add.f32 [tilespmem:s30], [sflag:$0x4], $0x20, s0, s12, $0xb8;
	[tilespmem:$0xF800] =	vst v63  }
0x105: {  	_ =	swait.ge [sflag:s23], $0x1000  }
0x106: {  	[sflag:s23] =	ssyncset.done $0x0  }
0x107: {  	[sflag:s23] =	ssyncadd.s32 $0xFFFFF000  }
0x108: {  	_ =	swait.ge [sflag:s23], $0x1000  }
0x109: {  	[sflag:s23] =	ssyncset.done $0x0  }
0x10a: {  	[sflag:s23] =	ssyncadd.s32 $0xFFFFF000  }
0x10b: {  	_ =	swait.ge [sflag:s23], $0x1000  }
0x10c: {  	[sflag:s23] =	ssyncset.done $0x0  }
0x10d: {  	[sflag:s23] =	ssyncadd.s32 $0xFFFFF000  }
0x10e: {  	_ =	swait.ge [sflag:s23], $0x1000  }
0x10f: {  	s31 =	stileid.u32;
	s26 =	sadd.s32 $0x1, s26;
	[sflag:s23] =	ssyncset.done $0x0  }
0x110: {  	s0 =	sshll.u32 s31, $0x6;
	p1 =	sne.s32 s26, s9;
	[sflag:s23] =	ssyncadd.s32 $0xFFFFF000  }
.Ltmp1:
0x111: {  	s0 =	sor.u32 $0x1C05, s0;
	[bflag:$0x0] =	sbarrier.arrive $0xFFFF;
	(pc) =	sbr.rel @p1 .LBB2_1-.Ltmp1, $4  }
0x112: {  	[hbm:s8], [sflag:s0] =	dma.local [spmem:s25], $0xA00  }
0x113: {  	_ =	swait.ge [sflag:s10], $0xA00  }
0x114: {  	[sflag:s10] =	ssyncset.done $0x0  }
0x115: {  	[sflag:s10] =	ssyncadd.s32 $0xFFFFF600  }
0x116: {  	_ =	sfence.sel $0x180000  }
0x117: {  	[bflag:$0x0] =	sbarrier.arrive $0xFFFF  }
0x118: {  	_ =	strace $0x9000004A  }
0x119: {  	[bflag:$0x2] =	sbarrier.arrive $0xFFFF  }
0x11a: {  	s0 =	rddreg [dreg:$0x2]  }
0x11b: {  	s0 =	sadd.s32 @!p0 $0x100000, s0  }
0x11c: {  	[sflag:s0] =	ssyncadd.tile.s32 @!p0 $0x1;
	_ =	shalt  }
.Lfunc_end2:
_tile_overlayer_lowered:
.L_overlay_start_2:
0x11d: {  	(tag) =	ssettag $0x2  }
0x11e: {  	s0 =	rddreg [dreg:$0x0];
	s2 =	stileid.u32  }
0x11f: {  	s1 =	rddreg [dreg:$0x1];
	p0 =	sne.s32 s2, $0x0  }
0x120: {  	s3 =	rddreg [dreg:$0x2];
	[bflag:$0x3] =	sbarrier.arrive $0xFFFF;
	s2 =	simm.s32 @!p0 $0x1C05  }
0x121: {  	[timem:s3], [sflag:s2] =	dma.local @!p0 [hbm:s0], s1  }
0x122: {  	s0 =	simm.s32 @!p0 $0x5  }
0x123: {  	_ =	swait.ge @!p0 [sflag:s0], s1  }
0x124: {  	s1 =	ssub.s32 @!p0 $0x0, s1;
	[sflag:s0] =	ssyncset.done @!p0 $0x0  }
0x125: {  	[sflag:s0] =	ssyncadd.s32 @!p0 s1  }
0x126: {  	[bflag:$0x3] =	sbarrier.arrive $0xFFFF  }
0x127: {  	_ =	shalt  }

// kernel: kernel.16.cloned.1.call-start
scs
__scs_entry_jumppad:
0x0: {  	(pc) =	sbr.rel $0x88, $3  }
0x1: {  	(tag) =	ssettag $0x0;
	lr =	simm.s32 $0x1  }
0x2: {  	[smem:$0x3F9C] =	sst lr;
	_ =	strace $0xD0000000  }
0x3: {  	_ = 	snop  }
0x4: {  	_ = 	snop  }
0x5: {  	_ = 	snop  }
0x6: {  	_ = 	snop  }
0x7: {  	_ = 	snop  }
__scs_overlays_trampoline_lowered:
0x8: {  	[smem:$0x3FAB] =	sst s0  }
0x9: {  	[smem:$0x3FAC] =	sst s1  }
0xa: {  	[smem:$0x3FAD] =	sst s2  }
0xb: {  	[smem:$0x3FAE] =	sst s3  }
0xc: {  	[smem:$0x3FAF] =	sst s4  }
0xd: {  	[smem:$0x3FB0] =	sst s5  }
0xe: {  	[smem:$0x3FB1] =	sst s6  }
0xf: {  	[smem:$0x3FB2] =	sst s7  }
0x10: {  	[smem:$0x3FB3] =	sst s8  }
0x11: {  	[smem:$0x3FB4] =	sst s9;
	s0 =	simm.s32 @!p0 $0x0  }
0x12: {  	s1 =	sld [smem:$0x3F9A];
	s0 =	simm.s32 @p0 $0x1  }
0x13: {  	[smem:$0x3FB5] =	sst s0;
	s0 =	simm.s32 @!p1 $0x0  }
0x14: {  	s2 =	sld [smem:$0x3F99];
	s0 =	simm.s32 @p1 $0x1  }
0x15: {  	[smem:$0x3FB6] =	sst s0;
	s0 =	simm.s32 @!p2 $0x0  }
0x16: {  	s3 =	sld [smem:$0x3FDB];
	s0 =	simm.s32 @p2 $0x1  }
0x17: {  	s4 =	simm.s32 $0x1BF5;
	[smem:$0x3FB8] =	sst s0  }
0x18: {  	s0 =	sld [smem:$0x3F9B];
	_ =	swait.ge [sflag:s4], $0x0  }
0x19: {  	s7 =	sld [smem:$0x3F9C]  }
0x1a: {  	s8 =	sadd.s32 $0xFFFFE003, lr  }
0x1b: {  	s9 =	sadd.s32 $0xFFFFFEF7, lr;
	s5 =	simm.s32 $0xFFFFFFFF;
	p2 =	slt.u32 s8, $0xFFFFF086  }
0x1c: {  	p1 =	slt.u32 s9, $0xF7A;
	s5 =	simm.s32 @!p2 $0x0  }
0x1d: {  	s5 =	simm.s32 @p1 $0x1;
	p0 =	seq.s32 s7, s2  }
0x1e: {  	s7 =	smul.u32 @!p0 $0xF7A, s2;
	p2 =	seq.s32 @!p0 s5, $0x0  }
0x1f: {  	s9 =	smul.u32 $0xF7A, s1;
	s8 =	simm.s32 @!p0 $0x1BF5;
	p2 =	por !p2, p0  }
0x20: {  	[sflag:s8] =	ssyncset.s32 @!p0 $0xFFFFF086;
	s6 =	sadd.s32 @!p0 s3, s7;
	s7 =	simm.s32 @!p0 $0x108  }
0x21: {  	s3 =	sadd.s32 s3, s9;
	s6 =	sadd.s32 @!p0 $0x88, s6;
	s7 =	simm.s32 @p2 $0x1082  }
0x22: {  	[simem:s7], [sflag:s8] =	dma.local @!p0 [hbm:s6], $0xF7A  }
0x23: {  	s9 =	sor.u32 $0xD0000000, s2;
	s6 =	simm.s32 $0x108;
	_ =	swait.ge @!p0 [sflag:s8], $0x0  }
0x24: {  	s3 =	sadd.s32 $0x88, s3;
	s6 =	simm.s32 @!p1 $0x1082;
	[sflag:s4] =	ssyncset.s32 $0xFFFFF086  }
0x25: {  	[simem:s6], [sflag:s4] =	dma.local [hbm:s3], $0xF7A  }
0x26: {  	[smem:$0x3F9C] =	sst s1;
	(tag) =	ssettag s2;
	_ =	strace s9  }
0x27: {  	s1 =	sld [smem:$0x3FAC]  }
0x28: {  	s2 =	sld [smem:$0x3FAD]  }
0x29: {  	s4 =	sld [smem:$0x3FAF]  }
0x2a: {  	p0 =	seq.s32 s5, $0x0;
	s5 =	sld [smem:$0x3FB0]  }
0x2b: {  	s6 =	sld [smem:$0x3FB1]  }
0x2c: {  	s7 =	sld [smem:$0x3FB2]  }
0x2d: {  	s3 =	simm.s32 $0x108;
	s8 =	sld [smem:$0x3FB3]  }
0x2e: {  	s3 =	simm.s32 @!p0 $0x1082;
	s9 =	sld [smem:$0x3FB4]  }
0x2f: {  	lr =	sadd.s32 s0, s3;
	s0 =	sld [smem:$0x3FAB]  }
0x30: {  	s3 =	sld [smem:$0x3FAE]  }
0x31: {  	[smem:$0x3FB7] =	sst s10  }
0x32: {  	s10 =	sld [smem:$0x3FB5];
	_ =	sdelay $0x3  }
0x33: {  	p0 =	seq.s32 s10, $0x1;
	s10 =	sld [smem:$0x3FB7];
	_ =	sdelay $0x3  }
0x34: {  	[smem:$0x3FB7] =	sst s10  }
0x35: {  	s10 =	sld [smem:$0x3FB6];
	_ =	sdelay $0x3  }
0x36: {  	p1 =	seq.s32 s10, $0x1;
	s10 =	sld [smem:$0x3FB7];
	_ =	sdelay $0x3  }
0x37: {  	[smem:$0x3FB7] =	sst s10  }
0x38: {  	s10 =	sld [smem:$0x3FB8]  }
0x39: {  	_ = 	snop;
	(pc) =	sbr.ind lr, $3  }
0x3a: {  	_ = 	snop  }
0x3b: {  	_ = 	snop  }
0x3c: {  	p2 =	seq.s32 s10, $0x1;
	s10 =	sld [smem:$0x3FB7]  }
0x3d: {  	_ =	shalt  }
0x3e: {  	_ =	shalt  }
0x3f: {  	_ =	shalt  }
0x40: {  	_ =	shalt  }
0x41: {  	_ =	shalt  }
0x42: {  	_ =	shalt  }
0x43: {  	_ =	shalt  }
0x44: {  	_ =	shalt  }
0x45: {  	_ =	shalt  }
0x46: {  	_ =	shalt  }
0x47: {  	_ =	shalt  }
0x48: {  	_ =	shalt  }
0x49: {  	_ =	shalt  }
0x4a: {  	_ =	shalt  }
0x4b: {  	_ =	shalt  }
0x4c: {  	_ =	shalt  }
0x4d: {  	_ =	shalt  }
0x4e: {  	_ =	shalt  }
0x4f: {  	_ =	shalt  }
0x50: {  	_ =	shalt  }
0x51: {  	_ =	shalt  }
0x52: {  	_ =	shalt  }
0x53: {  	_ =	shalt  }
0x54: {  	_ =	shalt  }
0x55: {  	_ =	shalt  }
0x56: {  	_ =	shalt  }
0x57: {  	_ =	shalt  }
0x58: {  	_ =	shalt  }
0x59: {  	_ =	shalt  }
0x5a: {  	_ =	shalt  }
0x5b: {  	_ =	shalt  }
0x5c: {  	_ =	shalt  }
0x5d: {  	_ =	shalt  }
0x5e: {  	_ =	shalt  }
0x5f: {  	_ =	shalt  }
0x60: {  	_ =	shalt  }
0x61: {  	_ =	shalt  }
0x62: {  	_ =	shalt  }
0x63: {  	_ =	shalt  }
0x64: {  	_ =	shalt  }
0x65: {  	_ =	shalt  }
0x66: {  	_ =	shalt  }
0x67: {  	_ =	shalt  }
0x68: {  	_ =	shalt  }
0x69: {  	_ =	shalt  }
0x6a: {  	_ =	shalt  }
0x6b: {  	_ =	shalt  }
0x6c: {  	_ =	shalt  }
0x6d: {  	_ =	shalt  }
0x6e: {  	_ =	shalt  }
0x6f: {  	_ =	shalt  }
0x70: {  	_ =	shalt  }
0x71: {  	_ =	shalt  }
0x72: {  	_ =	shalt  }
0x73: {  	_ =	shalt  }
0x74: {  	_ =	shalt  }
0x75: {  	_ =	shalt  }
0x76: {  	_ =	shalt  }
0x77: {  	_ =	shalt  }
0x78: {  	_ =	shalt  }
0x79: {  	_ =	shalt  }
0x7a: {  	_ =	shalt  }
0x7b: {  	_ =	shalt  }
0x7c: {  	_ =	shalt  }
0x7d: {  	_ =	shalt  }
0x7e: {  	_ =	shalt  }
0x7f: {  	_ =	shalt  }
0x80: {  	_ =	shalt  }
0x81: {  	_ =	shalt  }
0x82: {  	_ =	shalt  }
0x83: {  	_ =	shalt  }
0x84: {  	_ =	shalt  }
0x85: {  	_ =	shalt  }
0x86: {  	_ =	shalt  }
0x87: {  	_ =	shalt  }
.Lfunc_end0:
.L_simem_size_0:
called_computation.2_lowered:
.L_overlay_start_0:
0x88: {  	s2 =	sld [smem:$0x3FD9]  }
0x89: {  	s3 =	sld [smem:$0x3FFE];
	_ =	sdelay $0x1  }
0x8a: {  	s1 =	srdreg.scid  }
0x8b: {  	s0 =	sand.u32 $0x1, s1  }
0x8c: {  	s16 =	sshll.u32 s0, $0xA;
	s2 =	sadd.s32 s3, s2  }
0x8d: {  	s2 =	sadd.s32 s2, s16  }
0x8e: {  	[smem:$0x3FC3] =	sst s2  }
0x8f: {  	_ = 	snop  }
0x90: {  	(tm) =	ssettm $0x1  }
0x91: {  	s17 =	sld [smem:$0x3FFB];
	_ =	sdelay $0x3  }
0x92: {  	_ =	strace s17  }
0x93: {  	s2 =	sld [smem:$0x3FFC];
	_ =	sdelay $0x3  }
0x94: {  	_ =	strace s2  }
0x95: {  	s2 =	sld [smem:$0x3FFD];
	_ =	sdelay $0x3  }
0x96: {  	_ =	strace s2  }
0x97: {  	_ =	strace $0x8FFFFFFF  }
0x98: {  	s18 =	sld [smem:$0x3FDB];
	_ =	sdelay $0x1  }
0x99: {  	s19 =	simm.s32 $_scs_section_size  }
0x9a: {  	s4 =	simm.s32 $_size__tile_overlayer_lowered;
	s5 =	simm.s32 $_tile_overlayer_lowered  }
0x9b: {  	s22 =	simm.s32 $0x1BFF;
	s21 =	sshll.u32 s5, $0x1;
	s2 =	sadd.s32 s19, s18  }
0x9c: {  	s6 =	simm.s32 $0x0;
	s20 =	sshll.u32 s4, $0x1;
	s4 =	sadd.s32 s21, s2  }
0x9d: {  	[timem:s6], [sflag:s22] =	dma.local [hbm:s4], s20  }
0x9e: {  	_ =	swait.ge [sflag:s22], s20  }
0x9f: {  	s3 =	ssub.s32 $0x0, s20;
	[sflag:s22] =	ssyncset.done $0x0  }
0xa0: {  	[sflag:s22] =	ssyncadd.s32 s3;
	_ =	sdelay $0x1  }
0xa1: {  	s23 =	simm.s32 $0x1B8B  }
0xa2: {  	_ =	swait.ge [sflag:s23], $0x1  }
0xa3: {  	[sflag:s23] =	ssyncset.done $0x0  }
0xa4: {  	s25 =	simm.s32 $0x1B8E;
	s24 =	sld [smem:$0x3FFE];
	[sflag:s23] =	ssyncadd.s32 $0xFFFFFFFF  }
0xa5: {  	s26 =	simm.s32 $execute0_lowered;
	[smem:$0x3FD2] =	sst s25  }
0xa6: {  	s4 =	sshll.u32 s26, $0x1;
	_ =	strace $0x8000004C;
	[dreg:$0x1] =	wrdreg $0xFFFFFFFF  }
0xa7: {  	s28 =	simm.s32 $_size_execute0_lowered;
	s2 =	sadd.s32 s2, s4;
	[dreg:$0x0] =	wrdreg $0x0  }
0xa8: {  	s4 =	sshll.u32 s28, $0x1;
	[dreg:$0x2] =	wrdreg s2  }
0xa9: {  	[dreg:$0x3] =	wrdreg s4  }
0xaa: {  	[dreg:$0x4] =	wrdreg $0xC0  }
0xab: {  	_ =	task [dreg:s6], $0x5FFFF  }
0xac: {  	[dreg:$0x1] =	wrdreg $0xFFFFFFFF  }
0xad: {  	[dreg:$0x0] =	wrdreg $0x60  }
0xae: {  	[dreg:$0x2] =	wrdreg s24  }
0xaf: {  	[dreg:$0x3] =	wrdreg $0xA8000  }
0xb0: {  	[dreg:$0x4] =	wrdreg $0x9  }
0xb1: {  	_ =	task.clear_ibuf [dreg:s6], $0x5FFFF;
	_ =	strace $0x9000004C  }
0xb2: {  	s29 =	simm.s32 $0x9;
	_ =	strace $0x8000004E  }
0xb3: {  	_ =	swait.ge [sflag:s29], $0x1  }
0xb4: {  	[sflag:s29] =	ssyncadd.s32 $0xFFFFFFFF  }
0xb5: {  	_ =	strace $0x9000004E  }
0xb6: {  	_ =	sfence  }
0xb7: {  	s30 =	sld [smem:$0x0];
	_ =	sdelay $0x2  }
0xb8: {  	s31 =	sshll.u32 s1, $0xD;
	s1 =	sshrl.u32 s1, $0x2  }
0xb9: {  	s3 =	sand.u32 $0x4000, s31;
	s1 =	sadd.s32 s1, s30  }
0xba: {  	s0 =	sor.u32 s3, s0;
	s1 =	sshll.u32 s1, $0x11  }
0xbb: {  	s0 =	sor.u32 s1, s0  }
0xbc: {  	s0 =	sadd.s32 $0x8F2B, s0  }
0xbd: {  	[sflag:s0] =	ssyncadd.remote.s32 $0x1  }
0xbe: {  	_ =	sfence.sel $0xFFFF  }
0xbf: {  	[dreg:$0x0] =	wrdreg $0xFFFFFFFF;
	(pc) =	sbr.abs _section_cstart, $3  }
0xc0: {  	[dreg:$0x1] =	wrdreg $0xFFFFFFFF  }
0xc1: {  	_ =	task.clear_ibuf [dreg:s6], $0x2FFFF;
	_ =	strace $0x9FFFFFFF  }
0xc2: {  	(tm) =	ssettm $0x7FFFFFFF  }
0xc3: {  	_ =	shalt  }
tec
execute0_lowered:
.L_overlay_start_1:
0x0: {  	(tag) =	ssettag $0x1  }
0x1: {  	s0 =	rddreg [dreg:$0x0]  }
0x2: {  	s1 =	rddreg [dreg:$0x1];
	s2 =	srdreg.scid  }
0x3: {  	s10 =	stileid.u32;
	s3 =	simm.s32 $0x0;
	s11 =	simm.s32 $0x1400  }
0x4: {  	s12 =	simm.s32 $0x80;
	s13 =	simm.s32 $0x2800;
	s14 =	simm.s32 $0x3800  }
0x5: {  	s16 =	simm.s32 $0x4800;
	s18 =	simm.s32 $0x5800;
	s20 =	simm.s32 $0x1  }
0x6: {  	s22 =	simm.s32 $0x6800;
	s28 =	simm.s32 $0x8800;
	s30 =	simm.s32 $0x9800  }
0x7: {  	s17 =	simm.s32 $0x2;
	s21 =	simm.s32 $0x3;
	s23 =	simm.s32 $0x4  }
0x8: {  	s2 =	sand.u32 $0x1, s2;
	s9 =	smul.u32 $0x5000, s10;
	[smem:$0x7FF] =	sst s3  }
0x9: {  	s25 =	sadd.s32 $0x15E00, s0;
	p0 =	sne.s32 s10, $0x0;
	s4 =	sshll.u32 s2, $0x4  }
0xa: {  	s5 =	smul.u32 $0x50000, s2;
	_ =	strace $0x8000004D;
	s2 =	ssub.s32 $0x2, s2  }
0xb: {  	[dreg:$0x3] =	wrdreg s25;
	s19 =	sshrl.u32 @!p0 s1, $0x3;
	s4 =	sor.u32 s10, s4  }
0xc: {  	s26 =	sshrl.u32 s2, $0x1;
	s31 =	sadd.s32 s9, s1;
	s10 =	simm.s32 $0x5  }
0xd: {  	s6 =	smul.u32 $0x280, s4;
	s4 =	sadd.s32 $0xC000, s0;
	s5 =	sadd.s32 s9, s5  }
0xe: {  	s2 =	ssub.s32 s2, s26;
	s25 =	sshrl.u32 s31, $0x3;
	s26 =	simm.s32 $0x0  }
0xf: {  	s24 =	sshrl.u32 s5, $0x3;
	s9 =	smax.u32 s2, $0x1;
	s7 =	sadd.s32 s6, s0  }
0x10: {  	s0 =	sadd.s32 s24, s0;
	s24 =	simm.s32 $0x7800;
	s29 =	sadd.s32 $0x7000, s7  }
0x11: {  	s7 =	sadd.s32 $0x1800, s7;
	s8 =	sadd.s32 $0x1FE00, s0;
	[dreg:$0x4] =	wrdreg s29  }
.LBB2_1:
0x12: {  	s0 =	rddreg [dreg:$0x4]  }
0x13: {  	[tilespmem:s3], [sflag:$0x5] =	stream.linear.gather [hbm4b:s0+s3], $0x1400, $0x38;
	[tilespmem:$0xF800] =	vst v63  }
0x14: {  	_ =	swait.ge [sflag:s10], $0x1400  }
0x15: {  	[sflag:s10] =	ssyncset.done $0x0  }
0x16: {  	[sflag:s10] =	ssyncadd.s32 $0xFFFFEC00  }
0x17: {  	[tilespmem:s11], [sflag:$0x5] =	stream.linear.gather [hbm4b:s7+s3], $0x1400, $0x38;
	[tilespmem:$0xF800] =	vst v63  }
0x18: {  	_ =	swait.ge [sflag:s10], $0x1400  }
0x19: {  	[sflag:s10] =	ssyncset.done $0x0  }
0x1a: {  	[sflag:s10] =	ssyncadd.s32 $0xFFFFEC00  }
0x1b: {  	[tilespmem:s13], [sflag:$0x1] =	stream.indirect.gather [hbm4b:s4+s12], $0x20, s3, s12, $0xb8;
	[tilespmem:$0xF800] =	vst v63  }
0x1c: {  	_ = 	snop  }
0x1d: {  	[tilespmem:s14], [sflag:$0x1] =	stream.indirect.gather [hbm4b:s4+s12], $0x20, s12, s12, $0xb8;
	[tilespmem:$0xF800] =	vst v63  }
0x1e: {  	s6 =	simm.s32 $0x100  }
0x1f: {  	[tilespmem:s16], [sflag:$0x1] =	stream.indirect.gather [hbm4b:s4+s12], $0x20, s6, s12, $0xb8;
	[tilespmem:$0xF800] =	vst v63  }
0x20: {  	s15 =	simm.s32 $0x180;
	s0 =	simm.s32 @!p0 $0x1C05;
	s2 =	rddreg [dreg:$0x3]  }
0x21: {  	[tilespmem:s18], [sflag:$0x1] =	stream.indirect.gather [hbm4b:s4+s12], $0x20, s15, s12, $0xb8;
	[tilespmem:$0xF800] =	vst v63  }
0x22: {  	[spmem:s19], [sflag:s0] =	dma.local @!p0 [hbm:s2], $0xA000  }
0x23: {  	s0 =	simm.s32 @!p0 $0x5  }
0x24: {  	_ =	swait.ge @!p0 [sflag:s0], $0xA000  }
0x25: {  	[sflag:s0] =	ssyncset.done @!p0 $0x0  }
0x26: {  	[sflag:s0] =	ssyncadd.s32 @!p0 $0xFFFF6000  }
0x27: {  	[bflag:$0x0] =	sbarrier.arrive $0xFFFF  }
0x28: {  	_ =	swait.ge [sflag:s20], $0x1000  }
0x29: {  	[sflag:s20] =	ssyncset.done $0x0  }
0x2a: {  	[sflag:s20] =	ssyncadd.s32 $0xFFFFF000  }
0x2b: {  	_ =	swait.ge [sflag:s20], $0x1000  }
0x2c: {  	[sflag:s20] =	ssyncset.done $0x0  }
0x2d: {  	[sflag:s20] =	ssyncadd.s32 $0xFFFFF000  }
0x2e: {  	_ =	swait.ge [sflag:s20], $0x1000  }
0x2f: {  	[sflag:s20] =	ssyncset.done $0x0  }
0x30: {  	[sflag:s20] =	ssyncadd.s32 $0xFFFFF000  }
0x31: {  	_ =	swait.ge [sflag:s20], $0x1000  }
0x32: {  	[sflag:s20] =	ssyncset.done $0x0  }
0x33: {  	s31 =	simm.s32 $0x200;
	[sflag:s20] =	ssyncadd.s32 $0xFFFFF000  }
0x34: {  	[tilespmem:s22], [sflag:$0x2] =	stream.indirect.gather [hbm4b:s4+s12], $0x20, s31, s12, $0xb8;
	[tilespmem:$0xF800] =	vst v63  }
0x35: {  	s2 =	simm.s32 $0x280  }
0x36: {  	[tilespmem:s24], [sflag:$0x2] =	stream.indirect.gather [hbm4b:s4+s12], $0x20, s2, s12, $0xb8;
	[tilespmem:$0xF800] =	vst v63  }
0x37: {  	s5 =	simm.s32 $0x300  }
0x38: {  	[tilespmem:s28], [sflag:$0x2] =	stream.indirect.gather [hbm4b:s4+s12], $0x20, s5, s12, $0xb8;
	[tilespmem:$0xF800] =	vst v63  }
0x39: {  	s6 =	simm.s32 $0x380  }
0x3a: {  	[tilespmem:s30], [sflag:$0x2] =	stream.indirect.gather [hbm4b:s4+s12], $0x20, s6, s12, $0xb8;
	[tilespmem:$0xF800] =	vst v63  }
0x3b: {  	_ = 	snop  }
0x3c: {  	[spmem:s1] =	stream.indirect.scatter.add.f32 [tilespmem:s13], [sflag:$0x3], $0x20, s11, s12, $0xb8;
	[tilespmem:$0xF800] =	vst v63  }
0x3d: {  	s15 =	simm.s32 $0x1480  }
0x3e: {  	[spmem:s1] =	stream.indirect.scatter.add.f32 [tilespmem:s14], [sflag:$0x3], $0x20, s15, s12, $0xb8;
	[tilespmem:$0xF800] =	vst v63  }
0x3f: {  	s31 =	simm.s32 $0x1500  }
0x40: {  	[spmem:s1] =	stream.indirect.scatter.add.f32 [tilespmem:s16], [sflag:$0x3], $0x20, s31, s12, $0xb8;
	[tilespmem:$0xF800] =	vst v63  }
0x41: {  	s2 =	simm.s32 $0x1580  }
0x42: {  	[spmem:s1] =	stream.indirect.scatter.add.f32 [tilespmem:s18], [sflag:$0x3], $0x20, s2, s12, $0xb8;
	[tilespmem:$0xF800] =	vst v63  }
0x43: {  	_ =	swait.ge [sflag:s17], $0x1000  }
0x44: {  	[sflag:s17] =	ssyncset.done $0x0  }
0x45: {  	[sflag:s17] =	ssyncadd.s32 $0xFFFFF000  }
0x46: {  	_ =	swait.ge [sflag:s17], $0x1000  }
0x47: {  	[sflag:s17] =	ssyncset.done $0x0  }
0x48: {  	[sflag:s17] =	ssyncadd.s32 $0xFFFFF000  }
0x49: {  	_ =	swait.ge [sflag:s17], $0x1000  }
0x4a: {  	[sflag:s17] =	ssyncset.done $0x0  }
0x4b: {  	[sflag:s17] =	ssyncadd.s32 $0xFFFFF000  }
0x4c: {  	_ =	swait.ge [sflag:s17], $0x1000  }
0x4d: {  	[sflag:s17] =	ssyncset.done $0x0  }
0x4e: {  	[sflag:s17] =	ssyncadd.s32 $0xFFFFF000  }
0x4f: {  	_ =	swait.ge [sflag:s21], $0x1000  }
0x50: {  	[sflag:s21] =	ssyncset.done $0x0  }
0x51: {  	[sflag:s21] =	ssyncadd.s32 $0xFFFFF000  }
0x52: {  	_ =	swait.ge [sflag:s21], $0x1000  }
0x53: {  	[sflag:s21] =	ssyncset.done $0x0  }
0x54: {  	[sflag:s21] =	ssyncadd.s32 $0xFFFFF000  }
0x55: {  	_ =	swait.ge [sflag:s21], $0x1000  }
0x56: {  	[sflag:s21] =	ssyncset.done $0x0  }
0x57: {  	[sflag:s21] =	ssyncadd.s32 $0xFFFFF000  }
0x58: {  	_ =	swait.ge [sflag:s21], $0x1000  }
0x59: {  	[sflag:s21] =	ssyncset.done $0x0  }
0x5a: {  	s5 =	simm.s32 $0x400;
	[sflag:s21] =	ssyncadd.s32 $0xFFFFF000  }
0x5b: {  	[tilespmem:s13], [sflag:$0x1] =	stream.indirect.gather [hbm4b:s4+s12], $0x20, s5, s12, $0xb8;
	[tilespmem:$0xF800] =	vst v63  }
0x5c: {  	s6 =	simm.s32 $0x480  }
0x5d: {  	[tilespmem:s14], [sflag:$0x1] =	stream.indirect.gather [hbm4b:s4+s12], $0x20, s6, s12, $0xb8;
	[tilespmem:$0xF800] =	vst v63  }
0x5e: {  	s15 =	simm.s32 $0x500  }
0x5f: {  	[tilespmem:s16], [sflag:$0x1] =	stream.indirect.gather [hbm4b:s4+s12], $0x20, s15, s12, $0xb8;
	[tilespmem:$0xF800] =	vst v63  }
0x60: {  	s31 =	simm.s32 $0x580  }
0x61: {  	[tilespmem:s18], [sflag:$0x1] =	stream.indirect.gather [hbm4b:s4+s12], $0x20, s31, s12, $0xb8;
	[tilespmem:$0xF800] =	vst v63  }
0x62: {  	s2 =	simm.s32 $0x1600  }
0x63: {  	[spmem:s1] =	stream.indirect.scatter.add.f32 [tilespmem:s22], [sflag:$0x4], $0x20, s2, s12, $0xb8;
	[tilespmem:$0xF800] =	vst v63  }
0x64: {  	s5 =	simm.s32 $0x1680  }
0x65: {  	[spmem:s1] =	stream.indirect.scatter.add.f32 [tilespmem:s24], [sflag:$0x4], $0x20, s5, s12, $0xb8;
	[tilespmem:$0xF800] =	vst v63  }
0x66: {  	s6 =	simm.s32 $0x1700  }
0x67: {  	[spmem:s1] =	stream.indirect.scatter.add.f32 [tilespmem:s28], [sflag:$0x4], $0x20, s6, s12, $0xb8;
	[tilespmem:$0xF800] =	vst v63  }
0x68: {  	s15 =	simm.s32 $0x1780  }
0x69: {  	[spmem:s1] =	stream.indirect.scatter.add.f32 [tilespmem:s30], [sflag:$0x4], $0x20, s15, s12, $0xb8;
	[tilespmem:$0xF800] =	vst v63  }
0x6a: {  	_ =	swait.ge [sflag:s20], $0x1000  }
0x6b: {  	[sflag:s20] =	ssyncset.done $0x0  }
0x6c: {  	[sflag:s20] =	ssyncadd.s32 $0xFFFFF000  }
0x6d: {  	_ =	swait.ge [sflag:s20], $0x1000  }
0x6e: {  	[sflag:s20] =	ssyncset.done $0x0  }
0x6f: {  	[sflag:s20] =	ssyncadd.s32 $0xFFFFF000  }
0x70: {  	_ =	swait.ge [sflag:s20], $0x1000  }
0x71: {  	[sflag:s20] =	ssyncset.done $0x0  }
0x72: {  	[sflag:s20] =	ssyncadd.s32 $0xFFFFF000  }
0x73: {  	_ =	swait.ge [sflag:s20], $0x1000  }
0x74: {  	[sflag:s20] =	ssyncset.done $0x0  }
0x75: {  	[sflag:s20] =	ssyncadd.s32 $0xFFFFF000  }
0x76: {  	_ =	swait.ge [sflag:s23], $0x1000  }
0x77: {  	[sflag:s23] =	ssyncset.done $0x0  }
0x78: {  	[sflag:s23] =	ssyncadd.s32 $0xFFFFF000  }
0x79: {  	_ =	swait.ge [sflag:s23], $0x1000  }
0x7a: {  	[sflag:s23] =	ssyncset.done $0x0  }
0x7b: {  	[sflag:s23] =	ssyncadd.s32 $0xFFFFF000  }
0x7c: {  	_ =	swait.ge [sflag:s23], $0x1000  }
0x7d: {  	[sflag:s23] =	ssyncset.done $0x0  }
0x7e: {  	[sflag:s23] =	ssyncadd.s32 $0xFFFFF000  }
0x7f: {  	_ =	swait.ge [sflag:s23], $0x1000  }
0x80: {  	[sflag:s23] =	ssyncset.done $0x0  }
0x81: {  	s31 =	simm.s32 $0x600;
	[sflag:s23] =	ssyncadd.s32 $0xFFFFF000  }
0x82: {  	[tilespmem:s22], [sflag:$0x2] =	stream.indirect.gather [hbm4b:s4+s12], $0x20, s31, s12, $0xb8;
	[tilespmem:$0xF800] =	vst v63  }
0x83: {  	s2 =	simm.s32 $0x680  }
0x84: {  	[tilespmem:s24], [sflag:$0x2] =	stream.indirect.gather [hbm4b:s4+s12], $0x20, s2, s12, $0xb8;
	[tilespmem:$0xF800] =	vst v63  }
0x85: {  	s5 =	simm.s32 $0x700  }
0x86: {  	[tilespmem:s28], [sflag:$0x2] =	stream.indirect.gather [hbm4b:s4+s12], $0x20, s5, s12, $0xb8;
	[tilespmem:$0xF800] =	vst v63  }
0x87: {  	s6 =	simm.s32 $0x780  }
0x88: {  	[tilespmem:s30], [sflag:$0x2] =	stream.indirect.gather [hbm4b:s4+s12], $0x20, s6, s12, $0xb8;
	[tilespmem:$0xF800] =	vst v63  }
0x89: {  	s15 =	simm.s32 $0x1800  }
0x8a: {  	[spmem:s1] =	stream.indirect.scatter.add.f32 [tilespmem:s13], [sflag:$0x3], $0x20, s15, s12, $0xb8;
	[tilespmem:$0xF800] =	vst v63  }
0x8b: {  	s31 =	simm.s32 $0x1880  }
0x8c: {  	[spmem:s1] =	stream.indirect.scatter.add.f32 [tilespmem:s14], [sflag:$0x3], $0x20, s31, s12, $0xb8;
	[tilespmem:$0xF800] =	vst v63  }
0x8d: {  	s2 =	simm.s32 $0x1900  }
0x8e: {  	[spmem:s1] =	stream.indirect.scatter.add.f32 [tilespmem:s16], [sflag:$0x3], $0x20, s2, s12, $0xb8;
	[tilespmem:$0xF800] =	vst v63  }
0x8f: {  	s5 =	simm.s32 $0x1980  }
0x90: {  	[spmem:s1] =	stream.indirect.scatter.add.f32 [tilespmem:s18], [sflag:$0x3], $0x20, s5, s12, $0xb8;
	[tilespmem:$0xF800] =	vst v63  }
0x91: {  	_ =	swait.ge [sflag:s17], $0x1000  }
0x92: {  	[sflag:s17] =	ssyncset.done $0x0  }
0x93: {  	[sflag:s17] =	ssyncadd.s32 $0xFFFFF000  }
0x94: {  	_ =	swait.ge [sflag:s17], $0x1000  }
0x95: {  	[sflag:s17] =	ssyncset.done $0x0  }
0x96: {  	[sflag:s17] =	ssyncadd.s32 $0xFFFFF000  }
0x97: {  	_ =	swait.ge [sflag:s17], $0x1000  }
0x98: {  	[sflag:s17] =	ssyncset.done $0x0  }
0x99: {  	[sflag:s17] =	ssyncadd.s32 $0xFFFFF000  }
0x9a: {  	_ =	swait.ge [sflag:s17], $0x1000  }
0x9b: {  	[sflag:s17] =	ssyncset.done $0x0  }
0x9c: {  	[sflag:s17] =	ssyncadd.s32 $0xFFFFF000  }
0x9d: {  	_ =	swait.ge [sflag:s21], $0x1000  }
0x9e: {  	[sflag:s21] =	ssyncset.done $0x0  }
0x9f: {  	[sflag:s21] =	ssyncadd.s32 $0xFFFFF000  }
0xa0: {  	_ =	swait.ge [sflag:s21], $0x1000  }
0xa1: {  	[sflag:s21] =	ssyncset.done $0x0  }
0xa2: {  	[sflag:s21] =	ssyncadd.s32 $0xFFFFF000  }
0xa3: {  	_ =	swait.ge [sflag:s21], $0x1000  }
0xa4: {  	[sflag:s21] =	ssyncset.done $0x0  }
0xa5: {  	[sflag:s21] =	ssyncadd.s32 $0xFFFFF000  }
0xa6: {  	p1 =	por $0x0, $0x0;
	_ =	swait.ge [sflag:s21], $0x1000  }
0xa7: {  	s29 =	simm.s32 @!p1 $0x800;
	[sflag:s21] =	ssyncset.done $0x0  }
0xa8: {  	s0 =	simm.s32 @!p1 $0x2800;
	s31 =	simm.s32 @!p1 $0x80;
	[sflag:s21] =	ssyncadd.s32 $0xFFFFF000  }
0xa9: {  	[tilespmem:s0], [sflag:$0x1] =	stream.indirect.gather @!p1 [hbm4b:s4+s31], $0x20, s29, s31, $0xb8;
	[tilespmem:$0xF800] =	vst v63  }
0xaa: {  	s0 =	simm.s32 @!p1 $0x880;
	s29 =	simm.s32 @!p1 $0x3800  }
0xab: {  	[tilespmem:s29], [sflag:$0x1] =	stream.indirect.gather @!p1 [hbm4b:s4+s31], $0x20, s0, s31, $0xb8;
	[tilespmem:$0xF800] =	vst v63  }
0xac: {  	s0 =	simm.s32 @!p1 $0x900;
	s29 =	simm.s32 @!p1 $0x4800  }
0xad: {  	[tilespmem:s29], [sflag:$0x1] =	stream.indirect.gather @!p1 [hbm4b:s4+s31], $0x20, s0, s31, $0xb8;
	[tilespmem:$0xF800] =	vst v63  }
0xae: {  	s0 =	simm.s32 @!p1 $0x980;
	s29 =	simm.s32 @!p1 $0x5800  }
0xaf: {  	[tilespmem:s29], [sflag:$0x1] =	stream.indirect.gather @!p1 [hbm4b:s4+s31], $0x20, s0, s31, $0xb8;
	[tilespmem:$0xF800] =	vst v63  }
0xb0: {  	s6 =	simm.s32 $0x1A00  }
0xb1: {  	[spmem:s1] =	stream.indirect.scatter.add.f32 [tilespmem:s22], [sflag:$0x4], $0x20, s6, s12, $0xb8;
	[tilespmem:$0xF800] =	vst v63  }
0xb2: {  	s15 =	simm.s32 $0x1A80  }
0xb3: {  	[spmem:s1] =	stream.indirect.scatter.add.f32 [tilespmem:s24], [sflag:$0x4], $0x20, s15, s12, $0xb8;
	[tilespmem:$0xF800] =	vst v63  }
0xb4: {  	s31 =	simm.s32 $0x1B00;
	s29 =	simm.s32 $0x1000;
	s0 =	simm.s32 $0x1B80  }
0xb5: {  	[spmem:s1] =	stream.indirect.scatter.add.f32 [tilespmem:s28], [sflag:$0x4], $0x20, s31, s12, $0xb8;
	[tilespmem:$0xF800] =	vst v63  }
.LBB2_2:
0xb6: {  	[spmem:s1] =	stream.indirect.scatter.add.f32 [tilespmem:s30], [sflag:$0x4], $0x20, s0, s12, $0xb8;
	[tilespmem:$0xF800] =	vst v63  }
0xb7: {  	s31 =	smov.u32 s29;
	s29 =	sadd.s32 $0x1000, s29;
	_ =	swait.ge [sflag:s20], $0x1000  }
0xb8: {  	p1 =	sne.s32 s29, $0x4000;
	[sflag:s20] =	ssyncset.done $0x0  }
0xb9: {  	[sflag:s20] =	ssyncadd.s32 $0xFFFFF000  }
0xba: {  	_ =	swait.ge [sflag:s20], $0x1000  }
0xbb: {  	[sflag:s20] =	ssyncset.done $0x0  }
0xbc: {  	[sflag:s20] =	ssyncadd.s32 $0xFFFFF000  }
0xbd: {  	_ =	swait.ge [sflag:s20], $0x1000  }
0xbe: {  	[sflag:s20] =	ssyncset.done $0x0  }
0xbf: {  	[sflag:s20] =	ssyncadd.s32 $0xFFFFF000  }
0xc0: {  	_ =	swait.ge [sflag:s20], $0x1000  }
0xc1: {  	[sflag:s20] =	ssyncset.done $0x0  }
0xc2: {  	[sflag:s20] =	ssyncadd.s32 $0xFFFFF000  }
0xc3: {  	_ =	swait.ge [sflag:s23], $0x1000  }
0xc4: {  	[sflag:s23] =	ssyncset.done $0x0  }
0xc5: {  	[sflag:s23] =	ssyncadd.s32 $0xFFFFF000  }
0xc6: {  	_ =	swait.ge [sflag:s23], $0x1000  }
0xc7: {  	[sflag:s23] =	ssyncset.done $0x0  }
0xc8: {  	[sflag:s23] =	ssyncadd.s32 $0xFFFFF000  }
0xc9: {  	_ =	swait.ge [sflag:s23], $0x1000  }
0xca: {  	[sflag:s23] =	ssyncset.done $0x0  }
0xcb: {  	[sflag:s23] =	ssyncadd.s32 $0xFFFFF000  }
0xcc: {  	_ =	swait.ge [sflag:s23], $0x1000  }
0xcd: {  	s0 =	sshra.s32 s31, $0x2;
	[sflag:s23] =	ssyncset.done $0x0  }
0xce: {  	s15 =	sadd.s32 $0x600, s0;
	[sflag:s23] =	ssyncadd.s32 $0xFFFFF000  }
0xcf: {  	[tilespmem:s22], [sflag:$0x2] =	stream.indirect.gather [hbm4b:s4+s12], $0x20, s15, s12, $0xb8;
	[tilespmem:$0xF800] =	vst v63  }
0xd0: {  	s15 =	sadd.s32 $0x680, s0  }
0xd1: {  	[tilespmem:s24], [sflag:$0x2] =	stream.indirect.gather [hbm4b:s4+s12], $0x20, s15, s12, $0xb8;
	[tilespmem:$0xF800] =	vst v63  }
0xd2: {  	s15 =	sadd.s32 $0x700, s0  }
0xd3: {  	[tilespmem:s28], [sflag:$0x2] =	stream.indirect.gather [hbm4b:s4+s12], $0x20, s15, s12, $0xb8;
	[tilespmem:$0xF800] =	vst v63  }
0xd4: {  	s15 =	sadd.s32 $0x780, s0  }
0xd5: {  	[tilespmem:s30], [sflag:$0x2] =	stream.indirect.gather [hbm4b:s4+s12], $0x20, s15, s12, $0xb8;
	[tilespmem:$0xF800] =	vst v63  }
0xd6: {  	s15 =	sadd.s32 $0x1800, s0  }
0xd7: {  	[spmem:s1] =	stream.indirect.scatter.add.f32 [tilespmem:s13], [sflag:$0x3], $0x20, s15, s12, $0xb8;
	[tilespmem:$0xF800] =	vst v63  }
0xd8: {  	s15 =	sadd.s32 $0x1880, s0  }
0xd9: {  	[spmem:s1] =	stream.indirect.scatter.add.f32 [tilespmem:s14], [sflag:$0x3], $0x20, s15, s12, $0xb8;
	[tilespmem:$0xF800] =	vst v63  }
0xda: {  	s15 =	sadd.s32 $0x1900, s0  }
0xdb: {  	[spmem:s1] =	stream.indirect.scatter.add.f32 [tilespmem:s16], [sflag:$0x3], $0x20, s15, s12, $0xb8;
	[tilespmem:$0xF800] =	vst v63  }
0xdc: {  	s15 =	sadd.s32 $0x1980, s0  }
0xdd: {  	[spmem:s1] =	stream.indirect.scatter.add.f32 [tilespmem:s18], [sflag:$0x3], $0x20, s15, s12, $0xb8;
	[tilespmem:$0xF800] =	vst v63  }
0xde: {  	_ =	swait.ge [sflag:s17], $0x1000  }
0xdf: {  	[sflag:s17] =	ssyncset.done $0x0  }
0xe0: {  	[sflag:s17] =	ssyncadd.s32 $0xFFFFF000  }
0xe1: {  	_ =	swait.ge [sflag:s17], $0x1000  }
0xe2: {  	[sflag:s17] =	ssyncset.done $0x0  }
0xe3: {  	[sflag:s17] =	ssyncadd.s32 $0xFFFFF000  }
0xe4: {  	_ =	swait.ge [sflag:s17], $0x1000  }
0xe5: {  	[sflag:s17] =	ssyncset.done $0x0  }
0xe6: {  	[sflag:s17] =	ssyncadd.s32 $0xFFFFF000  }
0xe7: {  	_ =	swait.ge [sflag:s17], $0x1000  }
0xe8: {  	[sflag:s17] =	ssyncset.done $0x0  }
0xe9: {  	[sflag:s17] =	ssyncadd.s32 $0xFFFFF000  }
0xea: {  	_ =	swait.ge [sflag:s21], $0x1000  }
0xeb: {  	[sflag:s21] =	ssyncset.done $0x0  }
0xec: {  	[sflag:s21] =	ssyncadd.s32 $0xFFFFF000  }
0xed: {  	_ =	swait.ge [sflag:s21], $0x1000  }
0xee: {  	[sflag:s21] =	ssyncset.done $0x0  }
0xef: {  	[sflag:s21] =	ssyncadd.s32 $0xFFFFF000  }
0xf0: {  	_ =	swait.ge [sflag:s21], $0x1000  }
0xf1: {  	[sflag:s21] =	ssyncset.done $0x0  }
0xf2: {  	[sflag:s21] =	ssyncadd.s32 $0xFFFFF000  }
0xf3: {  	p2 =	seq.s32 s31, $0x3000;
	_ =	swait.ge [sflag:s21], $0x1000  }
0xf4: {  	s15 =	sshra.s32 @!p2 s31, $0x2;
	s31 =	simm.s32 @!p2 $0x2800;
	[sflag:s21] =	ssyncset.done $0x0  }
0xf5: {  	s5 =	simm.s32 @!p2 $0x80;
	s2 =	sadd.s32 @!p2 $0x800, s15;
	[sflag:s21] =	ssyncadd.s32 $0xFFFFF000  }
0xf6: {  	[tilespmem:s31], [sflag:$0x1] =	stream.indirect.gather @!p2 [hbm4b:s4+s5], $0x20, s2, s5, $0xb8;
	[tilespmem:$0xF800] =	vst v63  }
0xf7: {  	s6 =	sadd.s32 @!p2 $0x900, s15;
	s2 =	sadd.s32 @!p2 $0x880, s15;
	s31 =	simm.s32 @!p2 $0x3800  }
0xf8: {  	[tilespmem:s31], [sflag:$0x1] =	stream.indirect.gather @!p2 [hbm4b:s4+s5], $0x20, s2, s5, $0xb8;
	[tilespmem:$0xF800] =	vst v63  }
0xf9: {  	s15 =	sadd.s32 @!p2 $0x980, s15;
	s2 =	simm.s32 @!p2 $0x4800  }
0xfa: {  	[tilespmem:s2], [sflag:$0x1] =	stream.indirect.gather @!p2 [hbm4b:s4+s5], $0x20, s6, s5, $0xb8;
	[tilespmem:$0xF800] =	vst v63  }
0xfb: {  	s2 =	simm.s32 @!p2 $0x5800  }
0xfc: {  	[tilespmem:s2], [sflag:$0x1] =	stream.indirect.gather @!p2 [hbm4b:s4+s5], $0x20, s15, s5, $0xb8;
	[tilespmem:$0xF800] =	vst v63  }
0xfd: {  	s2 =	sadd.s32 $0x1A00, s0  }
0xfe: {  	[spmem:s1] =	stream.indirect.scatter.add.f32 [tilespmem:s22], [sflag:$0x4], $0x20, s2, s12, $0xb8;
	[tilespmem:$0xF800] =	vst v63  }
.Ltmp0:
0xff: {  	s2 =	sadd.s32 $0x1A80, s0;
	(pc) =	sbr.rel @p1 .LBB2_2-.Ltmp0, $4  }
0x100: {  	[spmem:s1] =	stream.indirect.scatter.add.f32 [tilespmem:s24], [sflag:$0x4], $0x20, s2, s12, $0xb8;
	[tilespmem:$0xF800] =	vst v63  }
0x101: {  	s2 =	sadd.s32 $0x1B00, s0  }
0x102: {  	[spmem:s1] =	stream.indirect.scatter.add.f32 [tilespmem:s28], [sflag:$0x4], $0x20, s2, s12, $0xb8;
	[tilespmem:$0xF800] =	vst v63  }
0x103: {  	s0 =	sadd.s32 $0x1B80, s0  }
0x104: {  	[spmem:s1] =	stream.indirect.scatter.add.f32 [tilespmem:s30], [sflag:$0x4], $0x20, s0, s12, $0xb8;
	[tilespmem:$0xF800] =	vst v63  }
0x105: {  	_ =	swait.ge [sflag:s23], $0x1000  }
0x106: {  	[sflag:s23] =	ssyncset.done $0x0  }
0x107: {  	[sflag:s23] =	ssyncadd.s32 $0xFFFFF000  }
0x108: {  	_ =	swait.ge [sflag:s23], $0x1000  }
0x109: {  	[sflag:s23] =	ssyncset.done $0x0  }
0x10a: {  	[sflag:s23] =	ssyncadd.s32 $0xFFFFF000  }
0x10b: {  	_ =	swait.ge [sflag:s23], $0x1000  }
0x10c: {  	[sflag:s23] =	ssyncset.done $0x0  }
0x10d: {  	[sflag:s23] =	ssyncadd.s32 $0xFFFFF000  }
0x10e: {  	_ =	swait.ge [sflag:s23], $0x1000  }
0x10f: {  	s31 =	stileid.u32;
	s26 =	sadd.s32 $0x1, s26;
	[sflag:s23] =	ssyncset.done $0x0  }
0x110: {  	s0 =	sshll.u32 s31, $0x6;
	p1 =	sne.s32 s26, s9;
	[sflag:s23] =	ssyncadd.s32 $0xFFFFF000  }
.Ltmp1:
0x111: {  	s0 =	sor.u32 $0x1C05, s0;
	[bflag:$0x0] =	sbarrier.arrive $0xFFFF;
	(pc) =	sbr.rel @p1 .LBB2_1-.Ltmp1, $4  }
0x112: {  	[hbm:s8], [sflag:s0] =	dma.local [spmem:s25], $0xA00  }
0x113: {  	_ =	swait.ge [sflag:s10], $0xA00  }
0x114: {  	[sflag:s10] =	ssyncset.done $0x0  }
0x115: {  	[sflag:s10] =	ssyncadd.s32 $0xFFFFF600  }
0x116: {  	_ =	sfence.sel $0x180000  }
0x117: {  	[bflag:$0x0] =	sbarrier.arrive $0xFFFF  }
0x118: {  	_ =	strace $0x9000004D  }
0x119: {  	[bflag:$0x2] =	sbarrier.arrive $0xFFFF  }
0x11a: {  	s0 =	rddreg [dreg:$0x2]  }
0x11b: {  	s0 =	sadd.s32 @!p0 $0x100000, s0  }
0x11c: {  	[sflag:s0] =	ssyncadd.tile.s32 @!p0 $0x1;
	_ =	shalt  }
.Lfunc_end2:
_tile_overlayer_lowered:
.L_overlay_start_2:
0x11d: {  	(tag) =	ssettag $0x2  }
0x11e: {  	s0 =	rddreg [dreg:$0x0];
	s2 =	stileid.u32  }
0x11f: {  	s1 =	rddreg [dreg:$0x1];
	p0 =	sne.s32 s2, $0x0  }
0x120: {  	s3 =	rddreg [dreg:$0x2];
	[bflag:$0x3] =	sbarrier.arrive $0xFFFF;
	s2 =	simm.s32 @!p0 $0x1C05  }
0x121: {  	[timem:s3], [sflag:s2] =	dma.local @!p0 [hbm:s0], s1  }
0x122: {  	s0 =	simm.s32 @!p0 $0x5  }
0x123: {  	_ =	swait.ge @!p0 [sflag:s0], s1  }
0x124: {  	s1 =	ssub.s32 @!p0 $0x0, s1;
	[sflag:s0] =	ssyncset.done @!p0 $0x0  }
0x125: {  	[sflag:s0] =	ssyncadd.s32 @!p0 s1  }
0x126: {  	[bflag:$0x3] =	sbarrier.arrive $0xFFFF  }
0x127: {  	_ =	shalt  }

</sc_bundles>
